<compile_context>
chip_gen: v7x
topology: tpu7x:2x2x1
jax: 0.10.2.dev20260603
libtpu: 0.0.44.dev20260713+nightly
codegen_flags: <defaults>
</compile_context>

<pallas_src>
import functools

import jax
import jax.numpy as jnp
from jax import lax
from jax.experimental import pallas as pl
from jax.experimental.pallas import tpu as pltpu
from jax.experimental.pallas import tpu_sc as plsc

H = 64
NL = 6
NN = 10000
NE = 320000


def _dot(a, b):
    return jnp.dot(a, b, precision=jax.lax.Precision.HIGHEST)

_NODE_BLK = 1000
_EDGE_BLK = 3200



def _node_enc_body(x_ref, w1_ref, b1_ref, w2_ref, b2_ref, a_ref, b_ref,
                   h_ref, p_ref, q_ref):
    t = jnp.maximum(_dot(x_ref[...], w1_ref[...]) + b1_ref[...], 0.0)
    h = _dot(t, w2_ref[...]) + b2_ref[...]
    h_ref[...] = h
    p_ref[...] = _dot(h, a_ref[...])
    q_ref[...] = _dot(h, b_ref[...])


def _node_encode(x, w1, b1, w2, b2, a0, b0):
    grid = NN // _NODE_BLK
    kdim = x.shape[1]
    blk = lambda r, c: pl.BlockSpec((r, c), lambda i: (i, 0))
    wspec = lambda r, c: pl.BlockSpec((r, c), lambda i: (0, 0))
    out = jax.ShapeDtypeStruct((NN, H), jnp.float32)
    return pl.pallas_call(
        _node_enc_body,
        grid=(grid,),
        in_specs=[blk(_NODE_BLK, kdim), wspec(kdim, H), wspec(1, H),
                  wspec(H, H), wspec(1, H), wspec(H, H), wspec(H, H)],
        out_specs=[blk(_NODE_BLK, H)] * 3,
        out_shape=[out, out, out],
    )(x, w1, b1, w2, b2, a0, b0)


def _edge_enc_body(ea_ref, w1_ref, b1_ref, t_ref):
    t_ref[...] = jnp.maximum(_dot(ea_ref[...], w1_ref[...]) + b1_ref[...], 0.0)


def _edge_encode(ea, w1, b1):
    grid = NE // _EDGE_BLK
    kdim = ea.shape[1]
    blk = lambda r, c: pl.BlockSpec((r, c), lambda i: (i, 0))
    wspec = lambda r, c: pl.BlockSpec((r, c), lambda i: (0, 0))
    return pl.pallas_call(
        _edge_enc_body,
        grid=(grid,),
        in_specs=[blk(_EDGE_BLK, kdim), wspec(kdim, H), wspec(1, H)],
        out_specs=blk(_EDGE_BLK, H),
        out_shape=jax.ShapeDtypeStruct((NE, H), jnp.float32),
    )(ea, w1, b1)


def _eproj_body(e_ref, c_ref, be_ref, o_ref):
    o_ref[...] = _dot(e_ref[...], c_ref[...]) + be_ref[...]


def _edge_project(e, c_l, be_l):
    grid = NE // _EDGE_BLK
    blk = lambda r, c: pl.BlockSpec((r, c), lambda i: (i, 0))
    wspec = lambda r, c: pl.BlockSpec((r, c), lambda i: (0, 0))
    return pl.pallas_call(
        _eproj_body,
        grid=(grid,),
        in_specs=[blk(_EDGE_BLK, H), wspec(H, H), wspec(1, H)],
        out_specs=blk(_EDGE_BLK, H),
        out_shape=jax.ShapeDtypeStruct((NE, H), jnp.float32),
    )(e, c_l, be_l)


def _wprep_body(w2_ref, ccat_ref, b2_ref, becat_ref, wc_ref, bc_ref):
    wc_ref[...] = _dot(w2_ref[...], ccat_ref[...])
    bc_ref[...] = _dot(b2_ref[...], ccat_ref[...]) + becat_ref[...]


def _weight_prep(w2, ccat, b2, becat):
    return pl.pallas_call(
        _wprep_body,
        out_shape=[jax.ShapeDtypeStruct((H, NL * H), jnp.float32),
                   jax.ShapeDtypeStruct((1, NL * H), jnp.float32)],
    )(w2, ccat, b2, becat)


def _node_upd_body(h_ref, g0_ref, g1_ref, wh_ref, wa_ref, bn_ref, a_ref,
                   b_ref, hn_ref, p_ref, q_ref):
    h = h_ref[...]
    agg = g0_ref[...] + g1_ref[...]
    u = jnp.maximum(_dot(h, wh_ref[...]) + _dot(agg, wa_ref[...]) + bn_ref[...], 0.0)
    hn = h + u
    hn_ref[...] = hn
    p_ref[...] = _dot(hn, a_ref[...])
    q_ref[...] = _dot(hn, b_ref[...])


def _node_update(h, g0, g1, wh, wa, bn, a_next, b_next):
    grid = NN // _NODE_BLK
    blk = lambda r, c: pl.BlockSpec((r, c), lambda i: (i, 0))
    wspec = lambda r, c: pl.BlockSpec((r, c), lambda i: (0, 0))
    out = jax.ShapeDtypeStruct((NN, H), jnp.float32)
    return pl.pallas_call(
        _node_upd_body,
        grid=(grid,),
        in_specs=[blk(_NODE_BLK, H)] * 3 + [wspec(H, H), wspec(H, H),
                                            wspec(1, H), wspec(H, H),
                                            wspec(H, H)],
        out_specs=[blk(_NODE_BLK, H)] * 3,
        out_shape=[out, out, out],
    )(h, g0, g1, wh, wa, bn, a_next, b_next)


def _minmax_body(c_ref, o_ref):
    c = c_ref[...]
    o_ref[0:1, :] = jnp.min(c, axis=0, keepdims=True)
    o_ref[1:2, :] = jnp.max(c, axis=0, keepdims=True)


def _coords_minmax(coords8):
    return pl.pallas_call(
        _minmax_body,
        out_shape=jax.ShapeDtypeStruct((2, 8), jnp.float32),
    )(coords8)


def _dec_body(c_ref, mm_ref, h_ref, bcd_ref, bcr_ref, w1c_ref, w1h_ref,
              b1_ref, w2_ref, b2_ref, w3_ref, b3_ref, w4_ref, b4_ref, o_ref):
    cmin = mm_ref[0:1, :]
    crange = jnp.maximum(mm_ref[1:2, :] - cmin, 1e-8)
    cn = (c_ref[...] - cmin) / crange
    t = jnp.maximum(_dot(cn, w1c_ref[...]) + _dot(h_ref[...], w1h_ref[...])
                    + b1_ref[...], 0.0)
    t = jnp.maximum(_dot(t, w2_ref[...]) + b2_ref[...], 0.0)
    t = jnp.maximum(_dot(t, w3_ref[...]) + b3_ref[...], 0.0)
    pred = _dot(t, w4_ref[...]) + b4_ref[...]
    col = lax.broadcasted_iota(jnp.int32, pred.shape, 1)
    factor = jnp.where(col < 2, 1.0 - bcd_ref[...], 1.0 - bcr_ref[...])
    o_ref[...] = pred * factor


def _decode(coords8, mm, h, bcd, bcr, w1c, w1h, b1, w2, b2, w3, b3, w4, b4):
    grid = NN // _NODE_BLK
    blk = lambda r, c: pl.BlockSpec((r, c), lambda i: (i, 0))
    wspec = lambda r, c: pl.BlockSpec((r, c), lambda i: (0, 0))
    return pl.pallas_call(
        _dec_body,
        grid=(grid,),
        in_specs=[blk(_NODE_BLK, 8), wspec(2, 8), blk(_NODE_BLK, H),
                  blk(_NODE_BLK, 1), blk(_NODE_BLK, 1), wspec(8, H),
                  wspec(H, H), wspec(1, H), wspec(H, H), wspec(1, H),
                  wspec(H, H), wspec(1, H), wspec(H, 8), wspec(1, 8)],
        out_specs=blk(_NODE_BLK, 8),
        out_shape=jax.ShapeDtypeStruct((NN, 8), jnp.float32),
    )(coords8, mm, h, bcd, bcr, w1c, w1h, b1, w2, b2, w3, b3, w4, b4)



_NC = 2
_NS = 16
_NT = _NC * _NS
_K = 128
_NCHUNK = NE // _K
_CPT = -(-_NCHUNK // _NT)
_NNP = 10240
_RPT = _NNP // _NS
_ZR = 128


def _mp_body(p_hbm, q_hbm, e_hbm, ei_hbm, out_hbm,
             idx_s, idx_d, pbuf, qbuf, ebuf, zbuf, agg_sh, sem_p, sem_q):
    cid = lax.axis_index("c")
    sid = lax.axis_index("s")
    wid = sid * _NC + cid

    zvec = jnp.zeros((16,), jnp.float32)

    def zrow(r, carry):
        for g in range(H // 16):
            zbuf[r, pl.ds(g * 16, 16)] = zvec
        return carry

    lax.fori_loop(0, _ZR, zrow, 0)
    for j in range(_RPT // _ZR):
        pltpu.sync_copy(zbuf, agg_sh.at[pl.ds(sid * _RPT + j * _ZR, _ZR)])
    plsc.subcore_barrier()

    def chunk(j, carry):
        c = wid + _NT * j

        @pl.when(c < _NCHUNK)
        def _():
            base = c * _K
            pltpu.sync_copy(ei_hbm.at[0, pl.ds(base, _K)], idx_s)
            pltpu.sync_copy(ei_hbm.at[1, pl.ds(base, _K)], idx_d)
            cp_p = pltpu.make_async_copy(p_hbm.at[idx_s], pbuf, sem_p)
            cp_p.start()
            cp_q = pltpu.make_async_copy(q_hbm.at[idx_d], qbuf, sem_q)
            cp_q.start()
            pltpu.sync_copy(e_hbm.at[pl.ds(base, _K)], ebuf)
            cp_p.wait()
            cp_q.wait()

            def row(r, rc):
                for g in range(H // 16):
                    s = pl.ds(g * 16, 16)
                    ebuf[r, s] = jnp.maximum(
                        pbuf[r, s] + qbuf[r, s] + ebuf[r, s], 0.0)
                return rc

            lax.fori_loop(0, _K, row, 0)
            pltpu.sync_copy(ebuf, agg_sh.at[idx_d], add=True)

        return carry

    lax.fori_loop(0, _CPT, chunk, 0)
    plsc.subcore_barrier()
    pltpu.sync_copy(agg_sh.at[pl.ds(sid * _RPT, _RPT)],
                    out_hbm.at[cid, pl.ds(sid * _RPT, _RPT)])


@functools.cache
def _build_mp_call():
    return pl.kernel(
        _mp_body,
        out_type=jax.ShapeDtypeStruct((_NC, _NNP, H), jnp.float32),
        mesh=plsc.VectorSubcoreMesh(core_axis_name="c", subcore_axis_name="s"),
        compiler_params=pltpu.CompilerParams(use_tc_tiling_on_sc=False),
        scratch_types=[
            pltpu.VMEM((_K,), jnp.int32),
            pltpu.VMEM((_K,), jnp.int32),
            pltpu.VMEM((_K, H), jnp.float32),
            pltpu.VMEM((_K, H), jnp.float32),
            pltpu.VMEM((_K, H), jnp.float32),
            pltpu.VMEM((_ZR, H), jnp.float32),
            pltpu.VMEM_SHARED((_NNP, H), jnp.float32),
            pltpu.SemaphoreType.DMA,
            pltpu.SemaphoreType.DMA,
        ],
    )




def kernel(x, edge_attr, edge_index, coords, bc_disp, bc_rot, params):
    p = params

    we = p['mp_We']
    a_all = we[:, 0:H, :]
    b_all = we[:, H:2 * H, :]
    c_all = we[:, 2 * H:3 * H, :]
    wn = p['mp_Wn']
    wh_all = wn[:, 0:H, :]
    wa_all = wn[:, H:2 * H, :]
    be_all = p['mp_be']
    bn_all = p['mp_bn']

    r1 = lambda v: v.reshape(1, -1)

    h, pproj, qproj = _node_encode(x, p['ne_W1'], r1(p['ne_b1']), p['ne_W2'],
                                   r1(p['ne_b2']), a_all[0], b_all[0])
    t = _edge_encode(edge_attr, p['ee_W1'], r1(p['ee_b1']))
    ccat = jnp.concatenate([c_all[l] for l in range(NL)], axis=1)
    becat = be_all.reshape(1, NL * H)
    wc, bc = _weight_prep(p['ee_W2'], ccat, r1(p['ee_b2']), becat)
    e_layers = [_edge_project(t, wc[:, l * H:(l + 1) * H],
                              bc[:, l * H:(l + 1) * H]) for l in range(NL)]

    mp_call = _build_mp_call()
    for l in range(NL):
        agg2 = mp_call(pproj, qproj, e_layers[l], edge_index)
        nxt = (l + 1) % NL
        h, pproj, qproj = _node_update(h, agg2[0, :NN], agg2[1, :NN], wh_all[l],
                                       wa_all[l], r1(bn_all[l]), a_all[nxt],
                                       b_all[nxt])

    coords8 = jnp.pad(coords, ((0, 0), (0, 8 - coords.shape[1])))
    mm = _coords_minmax(coords8)
    w1c = jnp.pad(p['dec_W1'][0:3, :], ((0, 5), (0, 0)))
    w1h = p['dec_W1'][3:, :]
    w4 = jnp.pad(p['dec_W4'], ((0, 0), (0, 8 - p['dec_W4'].shape[1])))
    b4 = jnp.pad(r1(p['dec_b4']), ((0, 0), (0, 8 - p['dec_b4'].shape[0])))
    pred8 = _decode(coords8, mm, h, bc_disp, bc_rot, w1c, w1h,
                    r1(p['dec_b1']), p['dec_W2'], r1(p['dec_b2']),
                    p['dec_W3'], r1(p['dec_b3']), w4, b4)
    return pred8[:, 0:3]

# --- scband reference (transcript-rebuilt; emitter-appended) ---
"""Pipeline reference for scband-pignn-hybrid-29669634081216 (READ-ONLY COPY).

The authoritative reference and input builder live on the scoring server;
editing this copy changes nothing except your own understanding.
"""

import jax, jax.numpy as jnp
import numpy as np

H = 64
N_LAYERS = 6
N_NODES = 10000
N_EDGES = 320000

def _mlp(x, Ws, bs):
    n = len(Ws)
    for i in range(n):
        x = x @ Ws[i] + bs[i]
        if i < n - 1:
            x = jax.nn.relu(x)
    return x

def _lin_init(k, fan_in, fan_out, std=None):
    s = std if std is not None else 1.0 / np.sqrt(fan_in)
    return jax.random.normal(k, (fan_in, fan_out), dtype=jnp.float32) * s

def setup_inputs(seed: int = 0):
    key = jax.random.key(seed)
    ks = jax.random.split(key, 64)
    x = jax.random.normal(ks[0], (N_NODES, 9), dtype=jnp.float32)
    edge_attr = jax.random.normal(ks[1], (N_EDGES, 10), dtype=jnp.float32)
    edge_index = jax.random.randint(ks[2], (2, N_EDGES), 0, N_NODES, dtype=jnp.int32)
    coords = jax.random.uniform(ks[3], (N_NODES, 3), dtype=jnp.float32)
    bc_disp = jax.random.uniform(ks[4], (N_NODES, 1), dtype=jnp.float32)
    bc_rot = jax.random.uniform(ks[5], (N_NODES, 1), dtype=jnp.float32)
    p = {}
    p['ne_W1'] = _lin_init(ks[6], 9, H); p['ne_b1'] = jnp.zeros((H,), jnp.float32)
    p['ne_W2'] = _lin_init(ks[7], H, H); p['ne_b2'] = jnp.zeros((H,), jnp.float32)
    p['ee_W1'] = _lin_init(ks[8], 10, H); p['ee_b1'] = jnp.zeros((H,), jnp.float32)
    p['ee_W2'] = _lin_init(ks[9], H, H); p['ee_b2'] = jnp.zeros((H,), jnp.float32)
    p['mp_We'] = jnp.stack([_lin_init(ks[10 + i], 3 * H, H) for i in range(N_LAYERS)])
    p['mp_be'] = jnp.zeros((N_LAYERS, H), jnp.float32)
    p['mp_Wn'] = jnp.stack([_lin_init(ks[20 + i], 2 * H, H) for i in range(N_LAYERS)])
    p['mp_bn'] = jnp.zeros((N_LAYERS, H), jnp.float32)
    p['dec_W1'] = _lin_init(ks[30], 3 + H, H); p['dec_b1'] = jnp.zeros((H,), jnp.float32)
    p['dec_W2'] = _lin_init(ks[31], H, H); p['dec_b2'] = jnp.zeros((H,), jnp.float32)
    p['dec_W3'] = _lin_init(ks[32], H, 64); p['dec_b3'] = jnp.zeros((64,), jnp.float32)
    p['dec_W4'] = _lin_init(ks[33], 64, 3, std=1e-4); p['dec_b4'] = jnp.zeros((3,), jnp.float32)
    return {'x': x, 'edge_attr': edge_attr, 'edge_index': edge_index, 'coords': coords, 'bc_disp': bc_disp, 'bc_rot': bc_rot, 'params': p}

def _forward(x, edge_attr, coords, bc_disp, bc_rot, params, edge_index):
    p = params
    h = _mlp(x, [p['ne_W1'], p['ne_W2']], [p['ne_b1'], p['ne_b2']])
    e = _mlp(edge_attr, [p['ee_W1'], p['ee_W2']], [p['ee_b1'], p['ee_b2']])
    src = edge_index[0]
    dst = edge_index[1]
    n = h.shape[0]
    for l in range(N_LAYERS):
        m_in = jnp.concatenate([jnp.take(h, src, axis=0), jnp.take(h, dst, axis=0), e], axis=-1)
        m = jax.nn.relu(m_in @ p['mp_We'][l] + p['mp_be'][l])
        agg = jax.ops.segment_sum(m, dst, num_segments=n)
        u_in = jnp.concatenate([h, agg], axis=-1)
        h = h + jax.nn.relu(u_in @ p['mp_Wn'][l] + p['mp_bn'][l])
    c_min = jax.lax.stop_gradient(jnp.min(coords, axis=0))
    c_max = jax.lax.stop_gradient(jnp.max(coords, axis=0))
    c_range = jnp.maximum(c_max - c_min, 1e-8)
    coords_norm = (coords - c_min) / c_range
    dec_in = jnp.concatenate([coords_norm, h], axis=-1)
    pred = _mlp(dec_in, [p['dec_W1'], p['dec_W2'], p['dec_W3'], p['dec_W4']], [p['dec_b1'], p['dec_b2'], p['dec_b3'], p['dec_b4']])
    pred = jnp.concatenate([pred[:, 0:2] * (1.0 - bc_disp), pred[:, 2:3] * (1.0 - bc_rot)], axis=-1)
    return pred

def reference(x, edge_attr, edge_index, coords, bc_disp, bc_rot, params):
    return _forward(x, edge_attr, coords, bc_disp, bc_rot, params, edge_index)

if __name__ == "__main__":
    import jax
    _d = setup_inputs()
    print(jax.jit(kernel)(*tuple(_d.values())))

</pallas_src>

<mosaic_0001>
#map = affine_map<(d0, d1) -> (0, 0)>
#map1 = affine_map<(d0, d1) -> (0, 0, 0)>
module attributes {stable_mosaic.version = 14 : i64} {
  func.func @_mp_body(%arg0: i32, %arg1: i32, %arg2: memref<10000x64xf32, #tpu.memory_space<hbm>>, %arg3: memref<10000x64xf32, #tpu.memory_space<hbm>>, %arg4: memref<320000x64xf32, #tpu.memory_space<hbm>>, %arg5: memref<2x320000xi32, #tpu.memory_space<hbm>>, %arg6: memref<2x10240x64xf32, #tpu.memory_space<hbm>>, %arg7: memref<128xi32, #tpu.memory_space<vmem>>, %arg8: memref<128xi32, #tpu.memory_space<vmem>>, %arg9: memref<128x64xf32, #tpu.memory_space<vmem>>, %arg10: memref<128x64xf32, #tpu.memory_space<vmem>>, %arg11: memref<128x64xf32, #tpu.memory_space<vmem>>, %arg12: memref<128x64xf32, #tpu.memory_space<vmem>>, %arg13: memref<10240x64xf32, #tpu.memory_space<vmem_shared>>, %arg14: memref<!tpu.dma_semaphore, #tpu.memory_space<semaphore_mem>>, %arg15: memref<!tpu.dma_semaphore, #tpu.memory_space<semaphore_mem>>) attributes {dimension_semantics = [#tpu.dimension_semantics<core_parallel>, #tpu.dimension_semantics<subcore_parallel>], iteration_bounds = array<i64: 2, 16>, scalar_prefetch = 0 : i64, scratch_operands = 9 : i64, tpu.core_type = #tpu.core_type<sc_vector_subcore>, window_params = [{transform_indices = #map}, {transform_indices = #map}, {transform_indices = #map}, {transform_indices = #map}, {transform_indices = #map1}]} {
    %mul3A = arith.constant 2 : i32
    %mul3A_0 = arith.muli %arg1, %mul3A : i32
    %add3A = arith.addi %mul3A_0, %arg0 : i32
    %broadcast_in_dim3A = arith.constant 0.000000e+00 : f32
    %broadcast_in_dim3A_1 = vector.broadcast %broadcast_in_dim3A : f32 to vector<16xf32>
    %scan3A = arith.constant 0 : i32
    %scan3A_2 = arith.constant 0 : i32
    %scan3A_3 = arith.constant 128 : i32
    %scan3A_4 = arith.addi %scan3A_2, %scan3A_3 : i32
    %scan3A_5 = arith.constant 1 : i32
    scf.for %scan3A_38 = %scan3A_2 to %scan3A_4 step %scan3A_5  : i32 {
      %swap3A = arith.index_cast %scan3A_38 : i32 to index
      %swap3A_39 = arith.constant 0 : index
      %swap3A_40 = tpu.vector_load %arg12[%swap3A, %swap3A_39] {strides = array<i32>} : memref<128x64xf32, #tpu.memory_space<vmem>>, vector<1x16xf32>,
      %swap3A_41 = vector.shape_cast %swap3A_40 : vector<1x16xf32> to vector<16xf32>
      %swap3A_42 = vector.shape_cast %broadcast_in_dim3A_1 : vector<16xf32> to vector<1x16xf32>
      tpu.vector_store %arg12[%swap3A, %swap3A_39], %swap3A_42 {strides = array<i32>} : memref<128x64xf32, #tpu.memory_space<vmem>>, vector<1x16xf32>,
      %swap3A_43 = arith.index_cast %scan3A_38 : i32 to index
      %swap3A_44 = arith.constant 16 : index
      %swap3A_45 = tpu.vector_load %arg12[%swap3A_43, %swap3A_44] {strides = array<i32>} : memref<128x64xf32, #tpu.memory_space<vmem>>, vector<1x16xf32>,
      %swap3A_46 = vector.shape_cast %swap3A_45 : vector<1x16xf32> to vector<16xf32>
      %swap3A_47 = vector.shape_cast %broadcast_in_dim3A_1 : vector<16xf32> to vector<1x16xf32>
      tpu.vector_store %arg12[%swap3A_43, %swap3A_44], %swap3A_47 {strides = array<i32>} : memref<128x64xf32, #tpu.memory_space<vmem>>, vector<1x16xf32>,
      %swap3A_48 = arith.index_cast %scan3A_38 : i32 to index
      %swap3A_49 = arith.constant 32 : index
      %swap3A_50 = tpu.vector_load %arg12[%swap3A_48, %swap3A_49] {strides = array<i32>} : memref<128x64xf32, #tpu.memory_space<vmem>>, vector<1x16xf32>,
      %swap3A_51 = vector.shape_cast %swap3A_50 : vector<1x16xf32> to vector<16xf32>
      %swap3A_52 = vector.shape_cast %broadcast_in_dim3A_1 : vector<16xf32> to vector<1x16xf32>
      tpu.vector_store %arg12[%swap3A_48, %swap3A_49], %swap3A_52 {strides = array<i32>} : memref<128x64xf32, #tpu.memory_space<vmem>>, vector<1x16xf32>,
      %swap3A_53 = arith.index_cast %scan3A_38 : i32 to index
      %swap3A_54 = arith.constant 48 : index
      %swap3A_55 = tpu.vector_load %arg12[%swap3A_53, %swap3A_54] {strides = array<i32>} : memref<128x64xf32, #tpu.memory_space<vmem>>, vector<1x16xf32>,
      %swap3A_56 = vector.shape_cast %swap3A_55 : vector<1x16xf32> to vector<16xf32>
      %swap3A_57 = vector.shape_cast %broadcast_in_dim3A_1 : vector<16xf32> to vector<1x16xf32>
      tpu.vector_store %arg12[%swap3A_53, %swap3A_54], %swap3A_57 {strides = array<i32>} : memref<128x64xf32, #tpu.memory_space<vmem>>, vector<1x16xf32>,
    }
    %scan3A_6 = arith.constant 128 : i32
    %mul3A_7 = arith.constant 640 : i32
    %mul3A_8 = arith.muli %arg1, %mul3A_7 : i32
    %add3A_9 = arith.constant 0 : i32
    %add3A_10 = arith.addi %mul3A_8, %add3A_9 : i32
    "tpu.region"() ({
      %run_scoped3A = tpu.sem_alloc : memref<!tpu.dma_semaphore, #tpu.memory_space<semaphore_mem>>
      %dma_start3A = arith.constant 0 : i32
      %dma_start3A_38 = tpu.memref_slice %arg13[%add3A_10, %dma_start3A] : memref<10240x64xf32, #tpu.memory_space<vmem_shared>> -> memref<128x64xf32, #tpu.memory_space<vmem_shared>>
      %dma_start3A_39 = arith.constant 0 : i32
      %dma_start3A_40 = tpu.memref_slice %arg13[%add3A_10, %dma_start3A_39] : memref<10240x64xf32, #tpu.memory_space<vmem_shared>> -> memref<128x64xf32, #tpu.memory_space<vmem_shared>>
      tpu.enqueue_dma source(%arg12 : memref<128x64xf32, #tpu.memory_space<vmem>>) target(%dma_start3A_40 : memref<128x64xf32, #tpu.memory_space<vmem_shared>>) target_semaphore(%run_scoped3A : memref<!tpu.dma_semaphore, #tpu.memory_space<semaphore_mem>>)
      %dma_wait3A = arith.constant 0 : i32
      %dma_wait3A_41 = tpu.memref_slice %arg13[%add3A_10, %dma_wait3A] : memref<10240x64xf32, #tpu.memory_space<vmem_shared>> -> memref<128x64xf32, #tpu.memory_space<vmem_shared>>
      %dma_wait3A_42 = arith.constant 0 : i32
      %dma_wait3A_43 = tpu.memref_slice %arg13[%add3A_10, %dma_wait3A_42] : memref<10240x64xf32, #tpu.memory_space<vmem_shared>> -> memref<128x64xf32, #tpu.memory_space<vmem_shared>>
      tpu.wait_dma2 semaphore(%run_scoped3A : memref<!tpu.dma_semaphore, #tpu.memory_space<semaphore_mem>>) src(%arg12 : memref<128x64xf32, #tpu.memory_space<vmem>>) dst(%dma_wait3A_43 : memref<128x64xf32, #tpu.memory_space<vmem_shared>>)
      tpu.yield
    }) : () -> ()
    %mul3A_11 = arith.constant 640 : i32
    %mul3A_12 = arith.muli %arg1, %mul3A_11 : i32
    %add3A_13 = arith.constant 128 : i32
    %add3A_14 = arith.addi %mul3A_12, %add3A_13 : i32
    "tpu.region"() ({
      %run_scoped3A = tpu.sem_alloc : memref<!tpu.dma_semaphore, #tpu.memory_space<semaphore_mem>>
      %dma_start3A = arith.constant 0 : i32
      %dma_start3A_38 = tpu.memref_slice %arg13[%add3A_14, %dma_start3A] : memref<10240x64xf32, #tpu.memory_space<vmem_shared>> -> memref<128x64xf32, #tpu.memory_space<vmem_shared>>
      %dma_start3A_39 = arith.constant 0 : i32
      %dma_start3A_40 = tpu.memref_slice %arg13[%add3A_14, %dma_start3A_39] : memref<10240x64xf32, #tpu.memory_space<vmem_shared>> -> memref<128x64xf32, #tpu.memory_space<vmem_shared>>
      tpu.enqueue_dma source(%arg12 : memref<128x64xf32, #tpu.memory_space<vmem>>) target(%dma_start3A_40 : memref<128x64xf32, #tpu.memory_space<vmem_shared>>) target_semaphore(%run_scoped3A : memref<!tpu.dma_semaphore, #tpu.memory_space<semaphore_mem>>)
      %dma_wait3A = arith.constant 0 : i32
      %dma_wait3A_41 = tpu.memref_slice %arg13[%add3A_14, %dma_wait3A] : memref<10240x64xf32, #tpu.memory_space<vmem_shared>> -> memref<128x64xf32, #tpu.memory_space<vmem_shared>>
      %dma_wait3A_42 = arith.constant 0 : i32
      %dma_wait3A_43 = tpu.memref_slice %arg13[%add3A_14, %dma_wait3A_42] : memref<10240x64xf32, #tpu.memory_space<vmem_shared>> -> memref<128x64xf32, #tpu.memory_space<vmem_shared>>
      tpu.wait_dma2 semaphore(%run_scoped3A : memref<!tpu.dma_semaphore, #tpu.memory_space<semaphore_mem>>) src(%arg12 : memref<128x64xf32, #tpu.memory_space<vmem>>) dst(%dma_wait3A_43 : memref<128x64xf32, #tpu.memory_space<vmem_shared>>)
      tpu.yield
    }) : () -> ()
    %mul3A_15 = arith.constant 640 : i32
    %mul3A_16 = arith.muli %arg1, %mul3A_15 : i32
    %add3A_17 = arith.constant 256 : i32
    %add3A_18 = arith.addi %mul3A_16, %add3A_17 : i32
    "tpu.region"() ({
      %run_scoped3A = tpu.sem_alloc : memref<!tpu.dma_semaphore, #tpu.memory_space<semaphore_mem>>
      %dma_start3A = arith.constant 0 : i32
      %dma_start3A_38 = tpu.memref_slice %arg13[%add3A_18, %dma_start3A] : memref<10240x64xf32, #tpu.memory_space<vmem_shared>> -> memref<128x64xf32, #tpu.memory_space<vmem_shared>>
      %dma_start3A_39 = arith.constant 0 : i32
      %dma_start3A_40 = tpu.memref_slice %arg13[%add3A_18, %dma_start3A_39] : memref<10240x64xf32, #tpu.memory_space<vmem_shared>> -> memref<128x64xf32, #tpu.memory_space<vmem_shared>>
      tpu.enqueue_dma source(%arg12 : memref<128x64xf32, #tpu.memory_space<vmem>>) target(%dma_start3A_40 : memref<128x64xf32, #tpu.memory_space<vmem_shared>>) target_semaphore(%run_scoped3A : memref<!tpu.dma_semaphore, #tpu.memory_space<semaphore_mem>>)
      %dma_wait3A = arith.constant 0 : i32
      %dma_wait3A_41 = tpu.memref_slice %arg13[%add3A_18, %dma_wait3A] : memref<10240x64xf32, #tpu.memory_space<vmem_shared>> -> memref<128x64xf32, #tpu.memory_space<vmem_shared>>
      %dma_wait3A_42 = arith.constant 0 : i32
      %dma_wait3A_43 = tpu.memref_slice %arg13[%add3A_18, %dma_wait3A_42] : memref<10240x64xf32, #tpu.memory_space<vmem_shared>> -> memref<128x64xf32, #tpu.memory_space<vmem_shared>>
      tpu.wait_dma2 semaphore(%run_scoped3A : memref<!tpu.dma_semaphore, #tpu.memory_space<semaphore_mem>>) src(%arg12 : memref<128x64xf32, #tpu.memory_space<vmem>>) dst(%dma_wait3A_43 : memref<128x64xf32, #tpu.memory_space<vmem_shared>>)
      tpu.yield
    }) : () -> ()
    %mul3A_19 = arith.constant 640 : i32
    %mul3A_20 = arith.muli %arg1, %mul3A_19 : i32
    %add3A_21 = arith.constant 384 : i32
    %add3A_22 = arith.addi %mul3A_20, %add3A_21 : i32
    "tpu.region"() ({
      %run_scoped3A = tpu.sem_alloc : memref<!tpu.dma_semaphore, #tpu.memory_space<semaphore_mem>>
      %dma_start3A = arith.constant 0 : i32
      %dma_start3A_38 = tpu.memref_slice %arg13[%add3A_22, %dma_start3A] : memref<10240x64xf32, #tpu.memory_space<vmem_shared>> -> memref<128x64xf32, #tpu.memory_space<vmem_shared>>
      %dma_start3A_39 = arith.constant 0 : i32
      %dma_start3A_40 = tpu.memref_slice %arg13[%add3A_22, %dma_start3A_39] : memref<10240x64xf32, #tpu.memory_space<vmem_shared>> -> memref<128x64xf32, #tpu.memory_space<vmem_shared>>
      tpu.enqueue_dma source(%arg12 : memref<128x64xf32, #tpu.memory_space<vmem>>) target(%dma_start3A_40 : memref<128x64xf32, #tpu.memory_space<vmem_shared>>) target_semaphore(%run_scoped3A : memref<!tpu.dma_semaphore, #tpu.memory_space<semaphore_mem>>)
      %dma_wait3A = arith.constant 0 : i32
      %dma_wait3A_41 = tpu.memref_slice %arg13[%add3A_22, %dma_wait3A] : memref<10240x64xf32, #tpu.memory_space<vmem_shared>> -> memref<128x64xf32, #tpu.memory_space<vmem_shared>>
      %dma_wait3A_42 = arith.constant 0 : i32
      %dma_wait3A_43 = tpu.memref_slice %arg13[%add3A_22, %dma_wait3A_42] : memref<10240x64xf32, #tpu.memory_space<vmem_shared>> -> memref<128x64xf32, #tpu.memory_space<vmem_shared>>
      tpu.wait_dma2 semaphore(%run_scoped3A : memref<!tpu.dma_semaphore, #tpu.memory_space<semaphore_mem>>) src(%arg12 : memref<128x64xf32, #tpu.memory_space<vmem>>) dst(%dma_wait3A_43 : memref<128x64xf32, #tpu.memory_space<vmem_shared>>)
      tpu.yield
    }) : () -> ()
    %mul3A_23 = arith.constant 640 : i32
    %mul3A_24 = arith.muli %arg1, %mul3A_23 : i32
    %add3A_25 = arith.constant 512 : i32
    %add3A_26 = arith.addi %mul3A_24, %add3A_25 : i32
    "tpu.region"() ({
      %run_scoped3A = tpu.sem_alloc : memref<!tpu.dma_semaphore, #tpu.memory_space<semaphore_mem>>
      %dma_start3A = arith.constant 0 : i32
      %dma_start3A_38 = tpu.memref_slice %arg13[%add3A_26, %dma_start3A] : memref<10240x64xf32, #tpu.memory_space<vmem_shared>> -> memref<128x64xf32, #tpu.memory_space<vmem_shared>>
      %dma_start3A_39 = arith.constant 0 : i32
      %dma_start3A_40 = tpu.memref_slice %arg13[%add3A_26, %dma_start3A_39] : memref<10240x64xf32, #tpu.memory_space<vmem_shared>> -> memref<128x64xf32, #tpu.memory_space<vmem_shared>>
      tpu.enqueue_dma source(%arg12 : memref<128x64xf32, #tpu.memory_space<vmem>>) target(%dma_start3A_40 : memref<128x64xf32, #tpu.memory_space<vmem_shared>>) target_semaphore(%run_scoped3A : memref<!tpu.dma_semaphore, #tpu.memory_space<semaphore_mem>>)
      %dma_wait3A = arith.constant 0 : i32
      %dma_wait3A_41 = tpu.memref_slice %arg13[%add3A_26, %dma_wait3A] : memref<10240x64xf32, #tpu.memory_space<vmem_shared>> -> memref<128x64xf32, #tpu.memory_space<vmem_shared>>
      %dma_wait3A_42 = arith.constant 0 : i32
      %dma_wait3A_43 = tpu.memref_slice %arg13[%add3A_26, %dma_wait3A_42] : memref<10240x64xf32, #tpu.memory_space<vmem_shared>> -> memref<128x64xf32, #tpu.memory_space<vmem_shared>>
      tpu.wait_dma2 semaphore(%run_scoped3A : memref<!tpu.dma_semaphore, #tpu.memory_space<semaphore_mem>>) src(%arg12 : memref<128x64xf32, #tpu.memory_space<vmem>>) dst(%dma_wait3A_43 : memref<128x64xf32, #tpu.memory_space<vmem_shared>>)
      tpu.yield
    }) : () -> ()
    %barrier3A = arith.constant 0 : index
    tpu.barrier barrier_id(%barrier3A)
    %scan3A_27 = arith.constant 0 : i32
    %scan3A_28 = arith.constant 0 : i32
    %scan3A_29 = arith.constant 79 : i32
    %scan3A_30 = arith.addi %scan3A_28, %scan3A_29 : i32
    %scan3A_31 = arith.constant 1 : i32
    scf.for %scan3A_38 = %scan3A_28 to %scan3A_30 step %scan3A_31  : i32 {
      %mul3A_39 = arith.constant 32 : i32
      %mul3A_40 = arith.muli %mul3A_39, %scan3A_38 : i32
      %add3A_41 = arith.addi %add3A, %mul3A_40 : i32
      %lt3A = arith.constant 2500 : i32
      %lt3A_42 = arith.cmpi slt, %add3A_41, %lt3A : i32
      %convert_element_type3A = arith.extui %lt3A_42 : i1 to i32
      %cond3A = arith.constant 0 : i32
      %cond3A_43 = arith.cmpi ne, %convert_element_type3A, %cond3A : i32
      scf.if %cond3A_43 {
        %mul3A_44 = arith.constant 128 : i32
        %mul3A_45 = arith.muli %add3A_41, %mul3A_44 : i32
        %run_scoped3A = arith.constant 0 : i32
        "tpu.region"() ({
          %run_scoped3A_63 = tpu.sem_alloc : memref<!tpu.dma_semaphore, #tpu.memory_space<semaphore_mem>>
          %dma_start3A_64 = tpu.memref_slice %arg5[%run_scoped3A, %mul3A_45] : memref<2x320000xi32, #tpu.memory_space<hbm>> -> memref<1x128xi32, #tpu.memory_space<hbm>>
          %dma_start3A_65 = tpu.memref_squeeze %dma_start3A_64 : memref<1x128xi32, #tpu.memory_space<hbm>> -> memref<128xi32, #tpu.memory_space<hbm>>
          %dma_start3A_66 = tpu.memref_slice %arg5[%run_scoped3A, %mul3A_45] : memref<2x320000xi32, #tpu.memory_space<hbm>> -> memref<1x128xi32, #tpu.memory_space<hbm>>
          %dma_start3A_67 = tpu.memref_squeeze %dma_start3A_66 : memref<1x128xi32, #tpu.memory_space<hbm>> -> memref<128xi32, #tpu.memory_space<hbm>>
          tpu.enqueue_dma source(%dma_start3A_67 : memref<128xi32, #tpu.memory_space<hbm>>) target(%arg7 : memref<128xi32, #tpu.memory_space<vmem>>) target_semaphore(%run_scoped3A_63 : memref<!tpu.dma_semaphore, #tpu.memory_space<semaphore_mem>>)
          %dma_wait3A_68 = tpu.memref_slice %arg5[%run_scoped3A, %mul3A_45] : memref<2x320000xi32, #tpu.memory_space<hbm>> -> memref<1x128xi32, #tpu.memory_space<hbm>>
          %dma_wait3A_69 = tpu.memref_squeeze %dma_wait3A_68 : memref<1x128xi32, #tpu.memory_space<hbm>> -> memref<128xi32, #tpu.memory_space<hbm>>
          %dma_wait3A_70 = tpu.memref_slice %arg5[%run_scoped3A, %mul3A_45] : memref<2x320000xi32, #tpu.memory_space<hbm>> -> memref<1x128xi32, #tpu.memory_space<hbm>>
          %dma_wait3A_71 = tpu.memref_squeeze %dma_wait3A_70 : memref<1x128xi32, #tpu.memory_space<hbm>> -> memref<128xi32, #tpu.memory_space<hbm>>
          tpu.wait_dma2 semaphore(%run_scoped3A_63 : memref<!tpu.dma_semaphore, #tpu.memory_space<semaphore_mem>>) src(%dma_wait3A_71 : memref<128xi32, #tpu.memory_space<hbm>>) dst(%arg7 : memref<128xi32, #tpu.memory_space<vmem>>)
          tpu.yield
        }) : () -> ()
        %run_scoped3A_46 = arith.constant 1 : i32
        "tpu.region"() ({
          %run_scoped3A_63 = tpu.sem_alloc : memref<!tpu.dma_semaphore, #tpu.memory_space<semaphore_mem>>
          %dma_start3A_64 = tpu.memref_slice %arg5[%run_scoped3A_46, %mul3A_45] : memref<2x320000xi32, #tpu.memory_space<hbm>> -> memref<1x128xi32, #tpu.memory_space<hbm>>
          %dma_start3A_65 = tpu.memref_squeeze %dma_start3A_64 : memref<1x128xi32, #tpu.memory_space<hbm>> -> memref<128xi32, #tpu.memory_space<hbm>>
          %dma_start3A_66 = tpu.memref_slice %arg5[%run_scoped3A_46, %mul3A_45] : memref<2x320000xi32, #tpu.memory_space<hbm>> -> memref<1x128xi32, #tpu.memory_space<hbm>>
          %dma_start3A_67 = tpu.memref_squeeze %dma_start3A_66 : memref<1x128xi32, #tpu.memory_space<hbm>> -> memref<128xi32, #tpu.memory_space<hbm>>
          tpu.enqueue_dma source(%dma_start3A_67 : memref<128xi32, #tpu.memory_space<hbm>>) target(%arg8 : memref<128xi32, #tpu.memory_space<vmem>>) target_semaphore(%run_scoped3A_63 : memref<!tpu.dma_semaphore, #tpu.memory_space<semaphore_mem>>)
          %dma_wait3A_68 = tpu.memref_slice %arg5[%run_scoped3A_46, %mul3A_45] : memref<2x320000xi32, #tpu.memory_space<hbm>> -> memref<1x128xi32, #tpu.memory_space<hbm>>
          %dma_wait3A_69 = tpu.memref_squeeze %dma_wait3A_68 : memref<1x128xi32, #tpu.memory_space<hbm>> -> memref<128xi32, #tpu.memory_space<hbm>>
          %dma_wait3A_70 = tpu.memref_slice %arg5[%run_scoped3A_46, %mul3A_45] : memref<2x320000xi32, #tpu.memory_space<hbm>> -> memref<1x128xi32, #tpu.memory_space<hbm>>
          %dma_wait3A_71 = tpu.memref_squeeze %dma_wait3A_70 : memref<1x128xi32, #tpu.memory_space<hbm>> -> memref<128xi32, #tpu.memory_space<hbm>>
          tpu.wait_dma2 semaphore(%run_scoped3A_63 : memref<!tpu.dma_semaphore, #tpu.memory_space<semaphore_mem>>) src(%dma_wait3A_71 : memref<128xi32, #tpu.memory_space<hbm>>) dst(%arg8 : memref<128xi32, #tpu.memory_space<vmem>>)
          tpu.yield
        }) : () -> ()
        %dma_start3A = arith.constant 0 : i32
        %dma_start3A_47 = arith.constant 0 : i32
        %dma_start3A_48 = tpu.memref_slice %arg2[%dma_start3A, %dma_start3A_47] : memref<10000x64xf32, #tpu.memory_space<hbm>> -> memref<10000x64xf32, #tpu.memory_space<hbm>>
        tpu.enqueue_indirect_dma source(%dma_start3A_48 : memref<10000x64xf32, #tpu.memory_space<hbm>>) target(%arg9 : memref<128x64xf32, #tpu.memory_space<vmem>>) offsets(%arg7 : memref<128xi32, #tpu.memory_space<vmem>>) semaphore(%arg14 : memref<!tpu.dma_semaphore, #tpu.memory_space<semaphore_mem>>)
        %dma_start3A_49 = arith.constant 0 : i32
        %dma_start3A_50 = arith.constant 0 : i32
        %dma_start3A_51 = tpu.memref_slice %arg3[%dma_start3A_49, %dma_start3A_50] : memref<10000x64xf32, #tpu.memory_space<hbm>> -> memref<10000x64xf32, #tpu.memory_space<hbm>>
        tpu.enqueue_indirect_dma source(%dma_start3A_51 : memref<10000x64xf32, #tpu.memory_space<hbm>>) target(%arg10 : memref<128x64xf32, #tpu.memory_space<vmem>>) offsets(%arg8 : memref<128xi32, #tpu.memory_space<vmem>>) semaphore(%arg15 : memref<!tpu.dma_semaphore, #tpu.memory_space<semaphore_mem>>)
        "tpu.region"() ({
          %run_scoped3A_63 = tpu.sem_alloc : memref<!tpu.dma_semaphore, #tpu.memory_space<semaphore_mem>>
          %dma_start3A_64 = arith.constant 0 : i32
          %dma_start3A_65 = tpu.memref_slice %arg4[%mul3A_45, %dma_start3A_64] : memref<320000x64xf32, #tpu.memory_space<hbm>> -> memref<128x64xf32, #tpu.memory_space<hbm>>
          %dma_start3A_66 = arith.constant 0 : i32
          %dma_start3A_67 = tpu.memref_slice %arg4[%mul3A_45, %dma_start3A_66] : memref<320000x64xf32, #tpu.memory_space<hbm>> -> memref<128x64xf32, #tpu.memory_space<hbm>>
          tpu.enqueue_dma source(%dma_start3A_67 : memref<128x64xf32, #tpu.memory_space<hbm>>) target(%arg11 : memref<128x64xf32, #tpu.memory_space<vmem>>) target_semaphore(%run_scoped3A_63 : memref<!tpu.dma_semaphore, #tpu.memory_space<semaphore_mem>>)
          %dma_wait3A_68 = arith.constant 0 : i32
          %dma_wait3A_69 = tpu.memref_slice %arg4[%mul3A_45, %dma_wait3A_68] : memref<320000x64xf32, #tpu.memory_space<hbm>> -> memref<128x64xf32, #tpu.memory_space<hbm>>
          %dma_wait3A_70 = arith.constant 0 : i32
          %dma_wait3A_71 = tpu.memref_slice %arg4[%mul3A_45, %dma_wait3A_70] : memref<320000x64xf32, #tpu.memory_space<hbm>> -> memref<128x64xf32, #tpu.memory_space<hbm>>
          tpu.wait_dma2 semaphore(%run_scoped3A_63 : memref<!tpu.dma_semaphore, #tpu.memory_space<semaphore_mem>>) src(%dma_wait3A_71 : memref<128x64xf32, #tpu.memory_space<hbm>>) dst(%arg11 : memref<128x64xf32, #tpu.memory_space<vmem>>)
          tpu.yield
        }) : () -> ()
        %dma_wait3A = arith.constant 0 : i32
        %dma_wait3A_52 = arith.constant 0 : i32
        %dma_wait3A_53 = tpu.memref_slice %arg2[%dma_wait3A, %dma_wait3A_52] : memref<10000x64xf32, #tpu.memory_space<hbm>> -> memref<10000x64xf32, #tpu.memory_space<hbm>>
        tpu.wait_indirect_dma semaphore(%arg14 : memref<!tpu.dma_semaphore, #tpu.memory_space<semaphore_mem>>) src(%dma_wait3A_53 : memref<10000x64xf32, #tpu.memory_space<hbm>>) dst(%arg9 : memref<128x64xf32, #tpu.memory_space<vmem>>)
        %dma_wait3A_54 = arith.constant 0 : i32
        %dma_wait3A_55 = arith.constant 0 : i32
        %dma_wait3A_56 = tpu.memref_slice %arg3[%dma_wait3A_54, %dma_wait3A_55] : memref<10000x64xf32, #tpu.memory_space<hbm>> -> memref<10000x64xf32, #tpu.memory_space<hbm>>
        tpu.wait_indirect_dma semaphore(%arg15 : memref<!tpu.dma_semaphore, #tpu.memory_space<semaphore_mem>>) src(%dma_wait3A_56 : memref<10000x64xf32, #tpu.memory_space<hbm>>) dst(%arg10 : memref<128x64xf32, #tpu.memory_space<vmem>>)
        %scan3A_57 = arith.constant 0 : i32
        %scan3A_58 = arith.constant 0 : i32
        %scan3A_59 = arith.constant 128 : i32
        %scan3A_60 = arith.addi %scan3A_58, %scan3A_59 : i32
        %scan3A_61 = arith.constant 1 : i32
        scf.for %scan3A_63 = %scan3A_58 to %scan3A_60 step %scan3A_61  : i32 {
          %get3A = arith.index_cast %scan3A_63 : i32 to index
          %get3A_64 = arith.constant 0 : index
          %get3A_65 = tpu.vector_load %arg9[%get3A, %get3A_64] {strides = array<i32>} : memref<128x64xf32, #tpu.memory_space<vmem>>, vector<1x16xf32>,
          %get3A_66 = vector.shape_cast %get3A_65 : vector<1x16xf32> to vector<16xf32>
          %get3A_67 = arith.index_cast %scan3A_63 : i32 to index
          %get3A_68 = arith.constant 0 : index
          %get3A_69 = tpu.vector_load %arg10[%get3A_67, %get3A_68] {strides = array<i32>} : memref<128x64xf32, #tpu.memory_space<vmem>>, vector<1x16xf32>,
          %get3A_70 = vector.shape_cast %get3A_69 : vector<1x16xf32> to vector<16xf32>
          %add3A_71 = arith.addf %get3A_66, %get3A_70 : vector<16xf32>
          %get3A_72 = arith.index_cast %scan3A_63 : i32 to index
          %get3A_73 = arith.constant 0 : index
          %get3A_74 = tpu.vector_load %arg11[%get3A_72, %get3A_73] {strides = array<i32>} : memref<128x64xf32, #tpu.memory_space<vmem>>, vector<1x16xf32>,
          %get3A_75 = vector.shape_cast %get3A_74 : vector<1x16xf32> to vector<16xf32>
          %add3A_76 = arith.addf %add3A_71, %get3A_75 : vector<16xf32>
          %max3A = arith.constant 0.000000e+00 : f32
          %max3A_77 = vector.broadcast %max3A : f32 to vector<16xf32>
          %max3A_78 = arith.maximumf %add3A_76, %max3A_77 : vector<16xf32>
          %swap3A = arith.index_cast %scan3A_63 : i32 to index
          %swap3A_79 = arith.constant 0 : index
          %swap3A_80 = tpu.vector_load %arg11[%swap3A, %swap3A_79] {strides = array<i32>} : memref<128x64xf32, #tpu.memory_space<vmem>>, vector<1x16xf32>,
          %swap3A_81 = vector.shape_cast %swap3A_80 : vector<1x16xf32> to vector<16xf32>
          %swap3A_82 = vector.shape_cast %max3A_78 : vector<16xf32> to vector<1x16xf32>
          tpu.vector_store %arg11[%swap3A, %swap3A_79], %swap3A_82 {strides = array<i32>} : memref<128x64xf32, #tpu.memory_space<vmem>>, vector<1x16xf32>,
          %get3A_83 = arith.index_cast %scan3A_63 : i32 to index
          %get3A_84 = arith.constant 16 : index
          %get3A_85 = tpu.vector_load %arg9[%get3A_83, %get3A_84] {strides = array<i32>} : memref<128x64xf32, #tpu.memory_space<vmem>>, vector<1x16xf32>,
          %get3A_86 = vector.shape_cast %get3A_85 : vector<1x16xf32> to vector<16xf32>
          %get3A_87 = arith.index_cast %scan3A_63 : i32 to index
          %get3A_88 = arith.constant 16 : index
          %get3A_89 = tpu.vector_load %arg10[%get3A_87, %get3A_88] {strides = array<i32>} : memref<128x64xf32, #tpu.memory_space<vmem>>, vector<1x16xf32>,
          %get3A_90 = vector.shape_cast %get3A_89 : vector<1x16xf32> to vector<16xf32>
          %add3A_91 = arith.addf %get3A_86, %get3A_90 : vector<16xf32>
          %get3A_92 = arith.index_cast %scan3A_63 : i32 to index
          %get3A_93 = arith.constant 16 : index
          %get3A_94 = tpu.vector_load %arg11[%get3A_92, %get3A_93] {strides = array<i32>} : memref<128x64xf32, #tpu.memory_space<vmem>>, vector<1x16xf32>,
          %get3A_95 = vector.shape_cast %get3A_94 : vector<1x16xf32> to vector<16xf32>
          %add3A_96 = arith.addf %add3A_91, %get3A_95 : vector<16xf32>
          %max3A_97 = arith.constant 0.000000e+00 : f32
          %max3A_98 = vector.broadcast %max3A_97 : f32 to vector<16xf32>
          %max3A_99 = arith.maximumf %add3A_96, %max3A_98 : vector<16xf32>
          %swap3A_100 = arith.index_cast %scan3A_63 : i32 to index
          %swap3A_101 = arith.constant 16 : index
          %swap3A_102 = tpu.vector_load %arg11[%swap3A_100, %swap3A_101] {strides = array<i32>} : memref<128x64xf32, #tpu.memory_space<vmem>>, vector<1x16xf32>,
          %swap3A_103 = vector.shape_cast %swap3A_102 : vector<1x16xf32> to vector<16xf32>
          %swap3A_104 = vector.shape_cast %max3A_99 : vector<16xf32> to vector<1x16xf32>
          tpu.vector_store %arg11[%swap3A_100, %swap3A_101], %swap3A_104 {strides = array<i32>} : memref<128x64xf32, #tpu.memory_space<vmem>>, vector<1x16xf32>,
          %get3A_105 = arith.index_cast %scan3A_63 : i32 to index
          %get3A_106 = arith.constant 32 : index
          %get3A_107 = tpu.vector_load %arg9[%get3A_105, %get3A_106] {strides = array<i32>} : memref<128x64xf32, #tpu.memory_space<vmem>>, vector<1x16xf32>,
          %get3A_108 = vector.shape_cast %get3A_107 : vector<1x16xf32> to vector<16xf32>
          %get3A_109 = arith.index_cast %scan3A_63 : i32 to index
          %get3A_110 = arith.constant 32 : index
          %get3A_111 = tpu.vector_load %arg10[%get3A_109, %get3A_110] {strides = array<i32>} : memref<128x64xf32, #tpu.memory_space<vmem>>, vector<1x16xf32>,
          %get3A_112 = vector.shape_cast %get3A_111 : vector<1x16xf32> to vector<16xf32>
          %add3A_113 = arith.addf %get3A_108, %get3A_112 : vector<16xf32>
          %get3A_114 = arith.index_cast %scan3A_63 : i32 to index
          %get3A_115 = arith.constant 32 : index
          %get3A_116 = tpu.vector_load %arg11[%get3A_114, %get3A_115] {strides = array<i32>} : memref<128x64xf32, #tpu.memory_space<vmem>>, vector<1x16xf32>,
          %get3A_117 = vector.shape_cast %get3A_116 : vector<1x16xf32> to vector<16xf32>
          %add3A_118 = arith.addf %add3A_113, %get3A_117 : vector<16xf32>
          %max3A_119 = arith.constant 0.000000e+00 : f32
          %max3A_120 = vector.broadcast %max3A_119 : f32 to vector<16xf32>
          %max3A_121 = arith.maximumf %add3A_118, %max3A_120 : vector<16xf32>
          %swap3A_122 = arith.index_cast %scan3A_63 : i32 to index
          %swap3A_123 = arith.constant 32 : index
          %swap3A_124 = tpu.vector_load %arg11[%swap3A_122, %swap3A_123] {strides = array<i32>} : memref<128x64xf32, #tpu.memory_space<vmem>>, vector<1x16xf32>,
          %swap3A_125 = vector.shape_cast %swap3A_124 : vector<1x16xf32> to vector<16xf32>
          %swap3A_126 = vector.shape_cast %max3A_121 : vector<16xf32> to vector<1x16xf32>
          tpu.vector_store %arg11[%swap3A_122, %swap3A_123], %swap3A_126 {strides = array<i32>} : memref<128x64xf32, #tpu.memory_space<vmem>>, vector<1x16xf32>,
          %get3A_127 = arith.index_cast %scan3A_63 : i32 to index
          %get3A_128 = arith.constant 48 : index
          %get3A_129 = tpu.vector_load %arg9[%get3A_127, %get3A_128] {strides = array<i32>} : memref<128x64xf32, #tpu.memory_space<vmem>>, vector<1x16xf32>,
          %get3A_130 = vector.shape_cast %get3A_129 : vector<1x16xf32> to vector<16xf32>
          %get3A_131 = arith.index_cast %scan3A_63 : i32 to index
          %get3A_132 = arith.constant 48 : index
          %get3A_133 = tpu.vector_load %arg10[%get3A_131, %get3A_132] {strides = array<i32>} : memref<128x64xf32, #tpu.memory_space<vmem>>, vector<1x16xf32>,
          %get3A_134 = vector.shape_cast %get3A_133 : vector<1x16xf32> to vector<16xf32>
          %add3A_135 = arith.addf %get3A_130, %get3A_134 : vector<16xf32>
          %get3A_136 = arith.index_cast %scan3A_63 : i32 to index
          %get3A_137 = arith.constant 48 : index
          %get3A_138 = tpu.vector_load %arg11[%get3A_136, %get3A_137] {strides = array<i32>} : memref<128x64xf32, #tpu.memory_space<vmem>>, vector<1x16xf32>,
          %get3A_139 = vector.shape_cast %get3A_138 : vector<1x16xf32> to vector<16xf32>
          %add3A_140 = arith.addf %add3A_135, %get3A_139 : vector<16xf32>
          %max3A_141 = arith.constant 0.000000e+00 : f32
          %max3A_142 = vector.broadcast %max3A_141 : f32 to vector<16xf32>
          %max3A_143 = arith.maximumf %add3A_140, %max3A_142 : vector<16xf32>
          %swap3A_144 = arith.index_cast %scan3A_63 : i32 to index
          %swap3A_145 = arith.constant 48 : index
          %swap3A_146 = tpu.vector_load %arg11[%swap3A_144, %swap3A_145] {strides = array<i32>} : memref<128x64xf32, #tpu.memory_space<vmem>>, vector<1x16xf32>,
          %swap3A_147 = vector.shape_cast %swap3A_146 : vector<1x16xf32> to vector<16xf32>
          %swap3A_148 = vector.shape_cast %max3A_143 : vector<16xf32> to vector<1x16xf32>
          tpu.vector_store %arg11[%swap3A_144, %swap3A_145], %swap3A_148 {strides = array<i32>} : memref<128x64xf32, #tpu.memory_space<vmem>>, vector<1x16xf32>,
        }
        %scan3A_62 = arith.constant 128 : i32
        "tpu.region"() ({
          %run_scoped3A_63 = tpu.sem_alloc : memref<!tpu.dma_semaphore, #tpu.memory_space<semaphore_mem>>
          %dma_start3A_64 = arith.constant 0 : i32
          %dma_start3A_65 = arith.constant 0 : i32
          %dma_start3A_66 = tpu.memref_slice %arg13[%dma_start3A_64, %dma_start3A_65] : memref<10240x64xf32, #tpu.memory_space<vmem_shared>> -> memref<10240x64xf32, #tpu.memory_space<vmem_shared>>
          tpu.enqueue_indirect_dma source(%arg11 : memref<128x64xf32, #tpu.memory_space<vmem>>) target(%dma_start3A_66 : memref<10240x64xf32, #tpu.memory_space<vmem_shared>>) offsets(%arg8 : memref<128xi32, #tpu.memory_space<vmem>>) semaphore(%run_scoped3A_63 : memref<!tpu.dma_semaphore, #tpu.memory_space<semaphore_mem>>) {add = true}
          %dma_wait3A_67 = arith.constant 0 : i32
          %dma_wait3A_68 = arith.constant 0 : i32
          %dma_wait3A_69 = tpu.memref_slice %arg13[%dma_wait3A_67, %dma_wait3A_68] : memref<10240x64xf32, #tpu.memory_space<vmem_shared>> -> memref<10240x64xf32, #tpu.memory_space<vmem_shared>>
          tpu.wait_indirect_dma semaphore(%run_scoped3A_63 : memref<!tpu.dma_semaphore, #tpu.memory_space<semaphore_mem>>) src(%arg11 : memref<128x64xf32, #tpu.memory_space<vmem>>) dst(%dma_wait3A_69 : memref<10240x64xf32, #tpu.memory_space<vmem_shared>>)
          tpu.yield
        }) : () -> ()
      } else {
      }
    }
    %scan3A_32 = arith.constant 79 : i32
    %barrier3A_33 = arith.constant 0 : index
    tpu.barrier barrier_id(%barrier3A_33)
    %mul3A_34 = arith.constant 640 : i32
    %mul3A_35 = arith.muli %arg1, %mul3A_34 : i32
    %mul3A_36 = arith.constant 640 : i32
    %mul3A_37 = arith.muli %arg1, %mul3A_36 : i32
    "tpu.region"() ({
      %run_scoped3A = tpu.sem_alloc : memref<!tpu.dma_semaphore, #tpu.memory_space<semaphore_mem>>
      %dma_start3A = arith.constant 0 : i32
      %dma_start3A_38 = tpu.memref_slice %arg6[%arg0, %mul3A_37, %dma_start3A] : memref<2x10240x64xf32, #tpu.memory_space<hbm>> -> memref<1x640x64xf32, #tpu.memory_space<hbm>>
      %dma_start3A_39 = tpu.memref_squeeze %dma_start3A_38 : memref<1x640x64xf32, #tpu.memory_space<hbm>> -> memref<640x64xf32, #tpu.memory_space<hbm>>
      %dma_start3A_40 = arith.constant 0 : i32
      %dma_start3A_41 = tpu.memref_slice %arg13[%mul3A_35, %dma_start3A_40] : memref<10240x64xf32, #tpu.memory_space<vmem_shared>> -> memref<640x64xf32, #tpu.memory_space<vmem_shared>>
      tpu.enqueue_dma source(%dma_start3A_41 : memref<640x64xf32, #tpu.memory_space<vmem_shared>>) target(%dma_start3A_39 : memref<640x64xf32, #tpu.memory_space<hbm>>) target_semaphore(%run_scoped3A : memref<!tpu.dma_semaphore, #tpu.memory_space<semaphore_mem>>)
      %dma_wait3A = arith.constant 0 : i32
      %dma_wait3A_42 = tpu.memref_slice %arg6[%arg0, %mul3A_37, %dma_wait3A] : memref<2x10240x64xf32, #tpu.memory_space<hbm>> -> memref<1x640x64xf32, #tpu.memory_space<hbm>>
      %dma_wait3A_43 = tpu.memref_squeeze %dma_wait3A_42 : memref<1x640x64xf32, #tpu.memory_space<hbm>> -> memref<640x64xf32, #tpu.memory_space<hbm>>
      %dma_wait3A_44 = arith.constant 0 : i32
      %dma_wait3A_45 = tpu.memref_slice %arg13[%mul3A_35, %dma_wait3A_44] : memref<10240x64xf32, #tpu.memory_space<vmem_shared>> -> memref<640x64xf32, #tpu.memory_space<vmem_shared>>
      tpu.wait_dma2 semaphore(%run_scoped3A : memref<!tpu.dma_semaphore, #tpu.memory_space<semaphore_mem>>) src(%dma_wait3A_45 : memref<640x64xf32, #tpu.memory_space<vmem_shared>>) dst(%dma_wait3A_43 : memref<640x64xf32, #tpu.memory_space<hbm>>)
      tpu.yield
    }) : () -> ()
    return
  }
}

#map = affine_map<(d0, d1) -> (0, 0)>
#map1 = affine_map<(d0, d1) -> (0, 0, 0)>
module attributes {stable_mosaic.version = 14 : i64} {
  func.func @_mp_body(%arg0: i32, %arg1: i32, %arg2: memref<10000x64xf32, #tpu.memory_space<hbm>>, %arg3: memref<10000x64xf32, #tpu.memory_space<hbm>>, %arg4: memref<320000x64xf32, #tpu.memory_space<hbm>>, %arg5: memref<2x320000xi32, #tpu.memory_space<hbm>>, %arg6: memref<2x10240x64xf32, #tpu.memory_space<hbm>>, %arg7: memref<128xi32, #tpu.memory_space<vmem>>, %arg8: memref<128xi32, #tpu.memory_space<vmem>>, %arg9: memref<128x64xf32, #tpu.memory_space<vmem>>, %arg10: memref<128x64xf32, #tpu.memory_space<vmem>>, %arg11: memref<128x64xf32, #tpu.memory_space<vmem>>, %arg12: memref<128x64xf32, #tpu.memory_space<vmem>>, %arg13: memref<10240x64xf32, #tpu.memory_space<vmem_shared>>, %arg14: memref<!tpu.dma_semaphore, #tpu.memory_space<semaphore_mem>>, %arg15: memref<!tpu.dma_semaphore, #tpu.memory_space<semaphore_mem>>) attributes {dimension_semantics = [#tpu.dimension_semantics<core_parallel>, #tpu.dimension_semantics<subcore_parallel>], iteration_bounds = array<i64: 2, 16>, scalar_prefetch = 0 : i64, scratch_operands = 9 : i64, tpu.core_type = #tpu.core_type<sc_vector_subcore>, window_params = [{transform_indices = #map}, {transform_indices = #map}, {transform_indices = #map}, {transform_indices = #map}, {transform_indices = #map1}]} {
    %mul3A = arith.constant 2 : i32
    %mul3A_0 = arith.muli %arg1, %mul3A : i32
    %add3A = arith.addi %mul3A_0, %arg0 : i32
    %broadcast_in_dim3A = arith.constant 0.000000e+00 : f32
    %broadcast_in_dim3A_1 = vector.broadcast %broadcast_in_dim3A : f32 to vector<16xf32>
    %scan3A = arith.constant 0 : i32
    %scan3A_2 = arith.constant 0 : i32
    %scan3A_3 = arith.constant 128 : i32
    %scan3A_4 = arith.addi %scan3A_2, %scan3A_3 : i32
    %scan3A_5 = arith.constant 1 : i32
    scf.for %scan3A_38 = %scan3A_2 to %scan3A_4 step %scan3A_5  : i32 {
      %swap3A = arith.index_cast %scan3A_38 : i32 to index
      %swap3A_39 = arith.constant 0 : index
      %swap3A_40 = tpu.vector_load %arg12[%swap3A, %swap3A_39] {strides = array<i32>} : memref<128x64xf32, #tpu.memory_space<vmem>>, vector<1x16xf32>,
      %swap3A_41 = vector.shape_cast %swap3A_40 : vector<1x16xf32> to vector<16xf32>
      %swap3A_42 = vector.shape_cast %broadcast_in_dim3A_1 : vector<16xf32> to vector<1x16xf32>
      tpu.vector_store %arg12[%swap3A, %swap3A_39], %swap3A_42 {strides = array<i32>} : memref<128x64xf32, #tpu.memory_space<vmem>>, vector<1x16xf32>,
      %swap3A_43 = arith.index_cast %scan3A_38 : i32 to index
      %swap3A_44 = arith.constant 16 : index
      %swap3A_45 = tpu.vector_load %arg12[%swap3A_43, %swap3A_44] {strides = array<i32>} : memref<128x64xf32, #tpu.memory_space<vmem>>, vector<1x16xf32>,
      %swap3A_46 = vector.shape_cast %swap3A_45 : vector<1x16xf32> to vector<16xf32>
      %swap3A_47 = vector.shape_cast %broadcast_in_dim3A_1 : vector<16xf32> to vector<1x16xf32>
      tpu.vector_store %arg12[%swap3A_43, %swap3A_44], %swap3A_47 {strides = array<i32>} : memref<128x64xf32, #tpu.memory_space<vmem>>, vector<1x16xf32>,
      %swap3A_48 = arith.index_cast %scan3A_38 : i32 to index
      %swap3A_49 = arith.constant 32 : index
      %swap3A_50 = tpu.vector_load %arg12[%swap3A_48, %swap3A_49] {strides = array<i32>} : memref<128x64xf32, #tpu.memory_space<vmem>>, vector<1x16xf32>,
      %swap3A_51 = vector.shape_cast %swap3A_50 : vector<1x16xf32> to vector<16xf32>
      %swap3A_52 = vector.shape_cast %broadcast_in_dim3A_1 : vector<16xf32> to vector<1x16xf32>
      tpu.vector_store %arg12[%swap3A_48, %swap3A_49], %swap3A_52 {strides = array<i32>} : memref<128x64xf32, #tpu.memory_space<vmem>>, vector<1x16xf32>,
      %swap3A_53 = arith.index_cast %scan3A_38 : i32 to index
      %swap3A_54 = arith.constant 48 : index
      %swap3A_55 = tpu.vector_load %arg12[%swap3A_53, %swap3A_54] {strides = array<i32>} : memref<128x64xf32, #tpu.memory_space<vmem>>, vector<1x16xf32>,
      %swap3A_56 = vector.shape_cast %swap3A_55 : vector<1x16xf32> to vector<16xf32>
      %swap3A_57 = vector.shape_cast %broadcast_in_dim3A_1 : vector<16xf32> to vector<1x16xf32>
      tpu.vector_store %arg12[%swap3A_53, %swap3A_54], %swap3A_57 {strides = array<i32>} : memref<128x64xf32, #tpu.memory_space<vmem>>, vector<1x16xf32>,
    }
    %scan3A_6 = arith.constant 128 : i32
    %mul3A_7 = arith.constant 640 : i32
    %mul3A_8 = arith.muli %arg1, %mul3A_7 : i32
    %add3A_9 = arith.constant 0 : i32
    %add3A_10 = arith.addi %mul3A_8, %add3A_9 : i32
    "tpu.region"() ({
      %run_scoped3A = tpu.sem_alloc : memref<!tpu.dma_semaphore, #tpu.memory_space<semaphore_mem>>
      %dma_start3A = arith.constant 0 : i32
      %dma_start3A_38 = tpu.memref_slice %arg13[%add3A_10, %dma_start3A] : memref<10240x64xf32, #tpu.memory_space<vmem_shared>> -> memref<128x64xf32, #tpu.memory_space<vmem_shared>>
      %dma_start3A_39 = arith.constant 0 : i32
      %dma_start3A_40 = tpu.memref_slice %arg13[%add3A_10, %dma_start3A_39] : memref<10240x64xf32, #tpu.memory_space<vmem_shared>> -> memref<128x64xf32, #tpu.memory_space<vmem_shared>>
      tpu.enqueue_dma source(%arg12 : memref<128x64xf32, #tpu.memory_space<vmem>>) target(%dma_start3A_40 : memref<128x64xf32, #tpu.memory_space<vmem_shared>>) target_semaphore(%run_scoped3A : memref<!tpu.dma_semaphore, #tpu.memory_space<semaphore_mem>>)
      %dma_wait3A = arith.constant 0 : i32
      %dma_wait3A_41 = tpu.memref_slice %arg13[%add3A_10, %dma_wait3A] : memref<10240x64xf32, #tpu.memory_space<vmem_shared>> -> memref<128x64xf32, #tpu.memory_space<vmem_shared>>
      %dma_wait3A_42 = arith.constant 0 : i32
      %dma_wait3A_43 = tpu.memref_slice %arg13[%add3A_10, %dma_wait3A_42] : memref<10240x64xf32, #tpu.memory_space<vmem_shared>> -> memref<128x64xf32, #tpu.memory_space<vmem_shared>>
      tpu.wait_dma2 semaphore(%run_scoped3A : memref<!tpu.dma_semaphore, #tpu.memory_space<semaphore_mem>>) src(%arg12 : memref<128x64xf32, #tpu.memory_space<vmem>>) dst(%dma_wait3A_43 : memref<128x64xf32, #tpu.memory_space<vmem_shared>>)
      tpu.yield
    }) : () -> ()
    %mul3A_11 = arith.constant 640 : i32
    %mul3A_12 = arith.muli %arg1, %mul3A_11 : i32
    %add3A_13 = arith.constant 128 : i32
    %add3A_14 = arith.addi %mul3A_12, %add3A_13 : i32
    "tpu.region"() ({
      %run_scoped3A = tpu.sem_alloc : memref<!tpu.dma_semaphore, #tpu.memory_space<semaphore_mem>>
      %dma_start3A = arith.constant 0 : i32
      %dma_start3A_38 = tpu.memref_slice %arg13[%add3A_14, %dma_start3A] : memref<10240x64xf32, #tpu.memory_space<vmem_shared>> -> memref<128x64xf32, #tpu.memory_space<vmem_shared>>
      %dma_start3A_39 = arith.constant 0 : i32
      %dma_start3A_40 = tpu.memref_slice %arg13[%add3A_14, %dma_start3A_39] : memref<10240x64xf32, #tpu.memory_space<vmem_shared>> -> memref<128x64xf32, #tpu.memory_space<vmem_shared>>
      tpu.enqueue_dma source(%arg12 : memref<128x64xf32, #tpu.memory_space<vmem>>) target(%dma_start3A_40 : memref<128x64xf32, #tpu.memory_space<vmem_shared>>) target_semaphore(%run_scoped3A : memref<!tpu.dma_semaphore, #tpu.memory_space<semaphore_mem>>)
      %dma_wait3A = arith.constant 0 : i32
      %dma_wait3A_41 = tpu.memref_slice %arg13[%add3A_14, %dma_wait3A] : memref<10240x64xf32, #tpu.memory_space<vmem_shared>> -> memref<128x64xf32, #tpu.memory_space<vmem_shared>>
      %dma_wait3A_42 = arith.constant 0 : i32
      %dma_wait3A_43 = tpu.memref_slice %arg13[%add3A_14, %dma_wait3A_42] : memref<10240x64xf32, #tpu.memory_space<vmem_shared>> -> memref<128x64xf32, #tpu.memory_space<vmem_shared>>
      tpu.wait_dma2 semaphore(%run_scoped3A : memref<!tpu.dma_semaphore, #tpu.memory_space<semaphore_mem>>) src(%arg12 : memref<128x64xf32, #tpu.memory_space<vmem>>) dst(%dma_wait3A_43 : memref<128x64xf32, #tpu.memory_space<vmem_shared>>)
      tpu.yield
    }) : () -> ()
    %mul3A_15 = arith.constant 640 : i32
    %mul3A_16 = arith.muli %arg1, %mul3A_15 : i32
    %add3A_17 = arith.constant 256 : i32
    %add3A_18 = arith.addi %mul3A_16, %add3A_17 : i32
    "tpu.region"() ({
      %run_scoped3A = tpu.sem_alloc : memref<!tpu.dma_semaphore, #tpu.memory_space<semaphore_mem>>
      %dma_start3A = arith.constant 0 : i32
      %dma_start3A_38 = tpu.memref_slice %arg13[%add3A_18, %dma_start3A] : memref<10240x64xf32, #tpu.memory_space<vmem_shared>> -> memref<128x64xf32, #tpu.memory_space<vmem_shared>>
      %dma_start3A_39 = arith.constant 0 : i32
      %dma_start3A_40 = tpu.memref_slice %arg13[%add3A_18, %dma_start3A_39] : memref<10240x64xf32, #tpu.memory_space<vmem_shared>> -> memref<128x64xf32, #tpu.memory_space<vmem_shared>>
      tpu.enqueue_dma source(%arg12 : memref<128x64xf32, #tpu.memory_space<vmem>>) target(%dma_start3A_40 : memref<128x64xf32, #tpu.memory_space<vmem_shared>>) target_semaphore(%run_scoped3A : memref<!tpu.dma_semaphore, #tpu.memory_space<semaphore_mem>>)
      %dma_wait3A = arith.constant 0 : i32
      %dma_wait3A_41 = tpu.memref_slice %arg13[%add3A_18, %dma_wait3A] : memref<10240x64xf32, #tpu.memory_space<vmem_shared>> -> memref<128x64xf32, #tpu.memory_space<vmem_shared>>
      %dma_wait3A_42 = arith.constant 0 : i32
      %dma_wait3A_43 = tpu.memref_slice %arg13[%add3A_18, %dma_wait3A_42] : memref<10240x64xf32, #tpu.memory_space<vmem_shared>> -> memref<128x64xf32, #tpu.memory_space<vmem_shared>>
      tpu.wait_dma2 semaphore(%run_scoped3A : memref<!tpu.dma_semaphore, #tpu.memory_space<semaphore_mem>>) src(%arg12 : memref<128x64xf32, #tpu.memory_space<vmem>>) dst(%dma_wait3A_43 : memref<128x64xf32, #tpu.memory_space<vmem_shared>>)
      tpu.yield
    }) : () -> ()
    %mul3A_19 = arith.constant 640 : i32
    %mul3A_20 = arith.muli %arg1, %mul3A_19 : i32
    %add3A_21 = arith.constant 384 : i32
    %add3A_22 = arith.addi %mul3A_20, %add3A_21 : i32
    "tpu.region"() ({
      %run_scoped3A = tpu.sem_alloc : memref<!tpu.dma_semaphore, #tpu.memory_space<semaphore_mem>>
      %dma_start3A = arith.constant 0 : i32
      %dma_start3A_38 = tpu.memref_slice %arg13[%add3A_22, %dma_start3A] : memref<10240x64xf32, #tpu.memory_space<vmem_shared>> -> memref<128x64xf32, #tpu.memory_space<vmem_shared>>
      %dma_start3A_39 = arith.constant 0 : i32
      %dma_start3A_40 = tpu.memref_slice %arg13[%add3A_22, %dma_start3A_39] : memref<10240x64xf32, #tpu.memory_space<vmem_shared>> -> memref<128x64xf32, #tpu.memory_space<vmem_shared>>
      tpu.enqueue_dma source(%arg12 : memref<128x64xf32, #tpu.memory_space<vmem>>) target(%dma_start3A_40 : memref<128x64xf32, #tpu.memory_space<vmem_shared>>) target_semaphore(%run_scoped3A : memref<!tpu.dma_semaphore, #tpu.memory_space<semaphore_mem>>)
      %dma_wait3A = arith.constant 0 : i32
      %dma_wait3A_41 = tpu.memref_slice %arg13[%add3A_22, %dma_wait3A] : memref<10240x64xf32, #tpu.memory_space<vmem_shared>> -> memref<128x64xf32, #tpu.memory_space<vmem_shared>>
      %dma_wait3A_42 = arith.constant 0 : i32
      %dma_wait3A_43 = tpu.memref_slice %arg13[%add3A_22, %dma_wait3A_42] : memref<10240x64xf32, #tpu.memory_space<vmem_shared>> -> memref<128x64xf32, #tpu.memory_space<vmem_shared>>
      tpu.wait_dma2 semaphore(%run_scoped3A : memref<!tpu.dma_semaphore, #tpu.memory_space<semaphore_mem>>) src(%arg12 : memref<128x64xf32, #tpu.memory_space<vmem>>) dst(%dma_wait3A_43 : memref<128x64xf32, #tpu.memory_space<vmem_shared>>)
      tpu.yield
    }) : () -> ()
    %mul3A_23 = arith.constant 640 : i32
    %mul3A_24 = arith.muli %arg1, %mul3A_23 : i32
    %add3A_25 = arith.constant 512 : i32
    %add3A_26 = arith.addi %mul3A_24, %add3A_25 : i32
    "tpu.region"() ({
      %run_scoped3A = tpu.sem_alloc : memref<!tpu.dma_semaphore, #tpu.memory_space<semaphore_mem>>
      %dma_start3A = arith.constant 0 : i32
      %dma_start3A_38 = tpu.memref_slice %arg13[%add3A_26, %dma_start3A] : memref<10240x64xf32, #tpu.memory_space<vmem_shared>> -> memref<128x64xf32, #tpu.memory_space<vmem_shared>>
      %dma_start3A_39 = arith.constant 0 : i32
      %dma_start3A_40 = tpu.memref_slice %arg13[%add3A_26, %dma_start3A_39] : memref<10240x64xf32, #tpu.memory_space<vmem_shared>> -> memref<128x64xf32, #tpu.memory_space<vmem_shared>>
      tpu.enqueue_dma source(%arg12 : memref<128x64xf32, #tpu.memory_space<vmem>>) target(%dma_start3A_40 : memref<128x64xf32, #tpu.memory_space<vmem_shared>>) target_semaphore(%run_scoped3A : memref<!tpu.dma_semaphore, #tpu.memory_space<semaphore_mem>>)
      %dma_wait3A = arith.constant 0 : i32
      %dma_wait3A_41 = tpu.memref_slice %arg13[%add3A_26, %dma_wait3A] : memref<10240x64xf32, #tpu.memory_space<vmem_shared>> -> memref<128x64xf32, #tpu.memory_space<vmem_shared>>
      %dma_wait3A_42 = arith.constant 0 : i32
      %dma_wait3A_43 = tpu.memref_slice %arg13[%add3A_26, %dma_wait3A_42] : memref<10240x64xf32, #tpu.memory_space<vmem_shared>> -> memref<128x64xf32, #tpu.memory_space<vmem_shared>>
      tpu.wait_dma2 semaphore(%run_scoped3A : memref<!tpu.dma_semaphore, #tpu.memory_space<semaphore_mem>>) src(%arg12 : memref<128x64xf32, #tpu.memory_space<vmem>>) dst(%dma_wait3A_43 : memref<128x64xf32, #tpu.memory_space<vmem_shared>>)
      tpu.yield
    }) : () -> ()
    %barrier3A = arith.constant 0 : index
    tpu.barrier barrier_id(%barrier3A)
    %scan3A_27 = arith.constant 0 : i32
    %scan3A_28 = arith.constant 0 : i32
    %scan3A_29 = arith.constant 79 : i32
    %scan3A_30 = arith.addi %scan3A_28, %scan3A_29 : i32
    %scan3A_31 = arith.constant 1 : i32
    scf.for %scan3A_38 = %scan3A_28 to %scan3A_30 step %scan3A_31  : i32 {
      %mul3A_39 = arith.constant 32 : i32
      %mul3A_40 = arith.muli %mul3A_39, %scan3A_38 : i32
      %add3A_41 = arith.addi %add3A, %mul3A_40 : i32
      %lt3A = arith.constant 2500 : i32
      %lt3A_42 = arith.cmpi slt, %add3A_41, %lt3A : i32
      %convert_element_type3A = arith.extui %lt3A_42 : i1 to i32
      %cond3A = arith.constant 0 : i32
      %cond3A_43 = arith.cmpi ne, %convert_element_type3A, %cond3A : i32
      scf.if %cond3A_43 {
        %mul3A_44 = arith.constant 128 : i32
        %mul3A_45 = arith.muli %add3A_41, %mul3A_44 : i32
        %run_scoped3A = arith.constant 0 : i32
        "tpu.region"() ({
          %run_scoped3A_63 = tpu.sem_alloc : memref<!tpu.dma_semaphore, #tpu.memory_space<semaphore_mem>>
          %dma_start3A_64 = tpu.memref_slice %arg5[%run_scoped3A, %mul3A_45] : memref<2x320000xi32, #tpu.memory_space<hbm>> -> memref<1x128xi32, #tpu.memory_space<hbm>>
          %dma_start3A_65 = tpu.memref_squeeze %dma_start3A_64 : memref<1x128xi32, #tpu.memory_space<hbm>> -> memref<128xi32, #tpu.memory_space<hbm>>
          %dma_start3A_66 = tpu.memref_slice %arg5[%run_scoped3A, %mul3A_45] : memref<2x320000xi32, #tpu.memory_space<hbm>> -> memref<1x128xi32, #tpu.memory_space<hbm>>
          %dma_start3A_67 = tpu.memref_squeeze %dma_start3A_66 : memref<1x128xi32, #tpu.memory_space<hbm>> -> memref<128xi32, #tpu.memory_space<hbm>>
          tpu.enqueue_dma source(%dma_start3A_67 : memref<128xi32, #tpu.memory_space<hbm>>) target(%arg7 : memref<128xi32, #tpu.memory_space<vmem>>) target_semaphore(%run_scoped3A_63 : memref<!tpu.dma_semaphore, #tpu.memory_space<semaphore_mem>>)
          %dma_wait3A_68 = tpu.memref_slice %arg5[%run_scoped3A, %mul3A_45] : memref<2x320000xi32, #tpu.memory_space<hbm>> -> memref<1x128xi32, #tpu.memory_space<hbm>>
          %dma_wait3A_69 = tpu.memref_squeeze %dma_wait3A_68 : memref<1x128xi32, #tpu.memory_space<hbm>> -> memref<128xi32, #tpu.memory_space<hbm>>
          %dma_wait3A_70 = tpu.memref_slice %arg5[%run_scoped3A, %mul3A_45] : memref<2x320000xi32, #tpu.memory_space<hbm>> -> memref<1x128xi32, #tpu.memory_space<hbm>>
          %dma_wait3A_71 = tpu.memref_squeeze %dma_wait3A_70 : memref<1x128xi32, #tpu.memory_space<hbm>> -> memref<128xi32, #tpu.memory_space<hbm>>
          tpu.wait_dma2 semaphore(%run_scoped3A_63 : memref<!tpu.dma_semaphore, #tpu.memory_space<semaphore_mem>>) src(%dma_wait3A_71 : memref<128xi32, #tpu.memory_space<hbm>>) dst(%arg7 : memref<128xi32, #tpu.memory_space<vmem>>)
          tpu.yield
        }) : () -> ()
        %run_scoped3A_46 = arith.constant 1 : i32
        "tpu.region"() ({
          %run_scoped3A_63 = tpu.sem_alloc : memref<!tpu.dma_semaphore, #tpu.memory_space<semaphore_mem>>
          %dma_start3A_64 = tpu.memref_slice %arg5[%run_scoped3A_46, %mul3A_45] : memref<2x320000xi32, #tpu.memory_space<hbm>> -> memref<1x128xi32, #tpu.memory_space<hbm>>
          %dma_start3A_65 = tpu.memref_squeeze %dma_start3A_64 : memref<1x128xi32, #tpu.memory_space<hbm>> -> memref<128xi32, #tpu.memory_space<hbm>>
          %dma_start3A_66 = tpu.memref_slice %arg5[%run_scoped3A_46, %mul3A_45] : memref<2x320000xi32, #tpu.memory_space<hbm>> -> memref<1x128xi32, #tpu.memory_space<hbm>>
          %dma_start3A_67 = tpu.memref_squeeze %dma_start3A_66 : memref<1x128xi32, #tpu.memory_space<hbm>> -> memref<128xi32, #tpu.memory_space<hbm>>
          tpu.enqueue_dma source(%dma_start3A_67 : memref<128xi32, #tpu.memory_space<hbm>>) target(%arg8 : memref<128xi32, #tpu.memory_space<vmem>>) target_semaphore(%run_scoped3A_63 : memref<!tpu.dma_semaphore, #tpu.memory_space<semaphore_mem>>)
          %dma_wait3A_68 = tpu.memref_slice %arg5[%run_scoped3A_46, %mul3A_45] : memref<2x320000xi32, #tpu.memory_space<hbm>> -> memref<1x128xi32, #tpu.memory_space<hbm>>
          %dma_wait3A_69 = tpu.memref_squeeze %dma_wait3A_68 : memref<1x128xi32, #tpu.memory_space<hbm>> -> memref<128xi32, #tpu.memory_space<hbm>>
          %dma_wait3A_70 = tpu.memref_slice %arg5[%run_scoped3A_46, %mul3A_45] : memref<2x320000xi32, #tpu.memory_space<hbm>> -> memref<1x128xi32, #tpu.memory_space<hbm>>
          %dma_wait3A_71 = tpu.memref_squeeze %dma_wait3A_70 : memref<1x128xi32, #tpu.memory_space<hbm>> -> memref<128xi32, #tpu.memory_space<hbm>>
          tpu.wait_dma2 semaphore(%run_scoped3A_63 : memref<!tpu.dma_semaphore, #tpu.memory_space<semaphore_mem>>) src(%dma_wait3A_71 : memref<128xi32, #tpu.memory_space<hbm>>) dst(%arg8 : memref<128xi32, #tpu.memory_space<vmem>>)
          tpu.yield
        }) : () -> ()
        %dma_start3A = arith.constant 0 : i32
        %dma_start3A_47 = arith.constant 0 : i32
        %dma_start3A_48 = tpu.memref_slice %arg2[%dma_start3A, %dma_start3A_47] : memref<10000x64xf32, #tpu.memory_space<hbm>> -> memref<10000x64xf32, #tpu.memory_space<hbm>>
        tpu.enqueue_indirect_dma source(%dma_start3A_48 : memref<10000x64xf32, #tpu.memory_space<hbm>>) target(%arg9 : memref<128x64xf32, #tpu.memory_space<vmem>>) offsets(%arg7 : memref<128xi32, #tpu.memory_space<vmem>>) semaphore(%arg14 : memref<!tpu.dma_semaphore, #tpu.memory_space<semaphore_mem>>)
        %dma_start3A_49 = arith.constant 0 : i32
        %dma_start3A_50 = arith.constant 0 : i32
        %dma_start3A_51 = tpu.memref_slice %arg3[%dma_start3A_49, %dma_start3A_50] : memref<10000x64xf32, #tpu.memory_space<hbm>> -> memref<10000x64xf32, #tpu.memory_space<hbm>>
        tpu.enqueue_indirect_dma source(%dma_start3A_51 : memref<10000x64xf32, #tpu.memory_space<hbm>>) target(%arg10 : memref<128x64xf32, #tpu.memory_space<vmem>>) offsets(%arg8 : memref<128xi32, #tpu.memory_space<vmem>>) semaphore(%arg15 : memref<!tpu.dma_semaphore, #tpu.memory_space<semaphore_mem>>)
        "tpu.region"() ({
          %run_scoped3A_63 = tpu.sem_alloc : memref<!tpu.dma_semaphore, #tpu.memory_space<semaphore_mem>>
          %dma_start3A_64 = arith.constant 0 : i32
          %dma_start3A_65 = tpu.memref_slice %arg4[%mul3A_45, %dma_start3A_64] : memref<320000x64xf32, #tpu.memory_space<hbm>> -> memref<128x64xf32, #tpu.memory_space<hbm>>
          %dma_start3A_66 = arith.constant 0 : i32
          %dma_start3A_67 = tpu.memref_slice %arg4[%mul3A_45, %dma_start3A_66] : memref<320000x64xf32, #tpu.memory_space<hbm>> -> memref<128x64xf32, #tpu.memory_space<hbm>>
          tpu.enqueue_dma source(%dma_start3A_67 : memref<128x64xf32, #tpu.memory_space<hbm>>) target(%arg11 : memref<128x64xf32, #tpu.memory_space<vmem>>) target_semaphore(%run_scoped3A_63 : memref<!tpu.dma_semaphore, #tpu.memory_space<semaphore_mem>>)
          %dma_wait3A_68 = arith.constant 0 : i32
          %dma_wait3A_69 = tpu.memref_slice %arg4[%mul3A_45, %dma_wait3A_68] : memref<320000x64xf32, #tpu.memory_space<hbm>> -> memref<128x64xf32, #tpu.memory_space<hbm>>
          %dma_wait3A_70 = arith.constant 0 : i32
          %dma_wait3A_71 = tpu.memref_slice %arg4[%mul3A_45, %dma_wait3A_70] : memref<320000x64xf32, #tpu.memory_space<hbm>> -> memref<128x64xf32, #tpu.memory_space<hbm>>
          tpu.wait_dma2 semaphore(%run_scoped3A_63 : memref<!tpu.dma_semaphore, #tpu.memory_space<semaphore_mem>>) src(%dma_wait3A_71 : memref<128x64xf32, #tpu.memory_space<hbm>>) dst(%arg11 : memref<128x64xf32, #tpu.memory_space<vmem>>)
          tpu.yield
        }) : () -> ()
        %dma_wait3A = arith.constant 0 : i32
        %dma_wait3A_52 = arith.constant 0 : i32
        %dma_wait3A_53 = tpu.memref_slice %arg2[%dma_wait3A, %dma_wait3A_52] : memref<10000x64xf32, #tpu.memory_space<hbm>> -> memref<10000x64xf32, #tpu.memory_space<hbm>>
        tpu.wait_indirect_dma semaphore(%arg14 : memref<!tpu.dma_semaphore, #tpu.memory_space<semaphore_mem>>) src(%dma_wait3A_53 : memref<10000x64xf32, #tpu.memory_space<hbm>>) dst(%arg9 : memref<128x64xf32, #tpu.memory_space<vmem>>)
        %dma_wait3A_54 = arith.constant 0 : i32
        %dma_wait3A_55 = arith.constant 0 : i32
        %dma_wait3A_56 = tpu.memref_slice %arg3[%dma_wait3A_54, %dma_wait3A_55] : memref<10000x64xf32, #tpu.memory_space<hbm>> -> memref<10000x64xf32, #tpu.memory_space<hbm>>
        tpu.wait_indirect_dma semaphore(%arg15 : memref<!tpu.dma_semaphore, #tpu.memory_space<semaphore_mem>>) src(%dma_wait3A_56 : memref<10000x64xf32, #tpu.memory_space<hbm>>) dst(%arg10 : memref<128x64xf32, #tpu.memory_space<vmem>>)
        %scan3A_57 = arith.constant 0 : i32
        %scan3A_58 = arith.constant 0 : i32
        %scan3A_59 = arith.constant 128 : i32
        %scan3A_60 = arith.addi %scan3A_58, %scan3A_59 : i32
        %scan3A_61 = arith.constant 1 : i32
        scf.for %scan3A_63 = %scan3A_58 to %scan3A_60 step %scan3A_61  : i32 {
          %get3A = arith.index_cast %scan3A_63 : i32 to index
          %get3A_64 = arith.constant 0 : index
          %get3A_65 = tpu.vector_load %arg9[%get3A, %get3A_64] {strides = array<i32>} : memref<128x64xf32, #tpu.memory_space<vmem>>, vector<1x16xf32>,
          %get3A_66 = vector.shape_cast %get3A_65 : vector<1x16xf32> to vector<16xf32>
          %get3A_67 = arith.index_cast %scan3A_63 : i32 to index
          %get3A_68 = arith.constant 0 : index
          %get3A_69 = tpu.vector_load %arg10[%get3A_67, %get3A_68] {strides = array<i32>} : memref<128x64xf32, #tpu.memory_space<vmem>>, vector<1x16xf32>,
          %get3A_70 = vector.shape_cast %get3A_69 : vector<1x16xf32> to vector<16xf32>
          %add3A_71 = arith.addf %get3A_66, %get3A_70 : vector<16xf32>
          %get3A_72 = arith.index_cast %scan3A_63 : i32 to index
          %get3A_73 = arith.constant 0 : index
          %get3A_74 = tpu.vector_load %arg11[%get3A_72, %get3A_73] {strides = array<i32>} : memref<128x64xf32, #tpu.memory_space<vmem>>, vector<1x16xf32>,
          %get3A_75 = vector.shape_cast %get3A_74 : vector<1x16xf32> to vector<16xf32>
          %add3A_76 = arith.addf %add3A_71, %get3A_75 : vector<16xf32>
          %max3A = arith.constant 0.000000e+00 : f32
          %max3A_77 = vector.broadcast %max3A : f32 to vector<16xf32>
          %max3A_78 = arith.maximumf %add3A_76, %max3A_77 : vector<16xf32>
          %swap3A = arith.index_cast %scan3A_63 : i32 to index
          %swap3A_79 = arith.constant 0 : index
          %swap3A_80 = tpu.vector_load %arg11[%swap3A, %swap3A_79] {strides = array<i32>} : memref<128x64xf32, #tpu.memory_space<vmem>>, vector<1x16xf32>,
          %swap3A_81 = vector.shape_cast %swap3A_80 : vector<1x16xf32> to vector<16xf32>
          %swap3A_82 = vector.shape_cast %max3A_78 : vector<16xf32> to vector<1x16xf32>
          tpu.vector_store %arg11[%swap3A, %swap3A_79], %swap3A_82 {strides = array<i32>} : memref<128x64xf32, #tpu.memory_space<vmem>>, vector<1x16xf32>,
          %get3A_83 = arith.index_cast %scan3A_63 : i32 to index
          %get3A_84 = arith.constant 16 : index
          %get3A_85 = tpu.vector_load %arg9[%get3A_83, %get3A_84] {strides = array<i32>} : memref<128x64xf32, #tpu.memory_space<vmem>>, vector<1x16xf32>,
          %get3A_86 = vector.shape_cast %get3A_85 : vector<1x16xf32> to vector<16xf32>
          %get3A_87 = arith.index_cast %scan3A_63 : i32 to index
          %get3A_88 = arith.constant 16 : index
          %get3A_89 = tpu.vector_load %arg10[%get3A_87, %get3A_88] {strides = array<i32>} : memref<128x64xf32, #tpu.memory_space<vmem>>, vector<1x16xf32>,
          %get3A_90 = vector.shape_cast %get3A_89 : vector<1x16xf32> to vector<16xf32>
          %add3A_91 = arith.addf %get3A_86, %get3A_90 : vector<16xf32>
          %get3A_92 = arith.index_cast %scan3A_63 : i32 to index
          %get3A_93 = arith.constant 16 : index
          %get3A_94 = tpu.vector_load %arg11[%get3A_92, %get3A_93] {strides = array<i32>} : memref<128x64xf32, #tpu.memory_space<vmem>>, vector<1x16xf32>,
          %get3A_95 = vector.shape_cast %get3A_94 : vector<1x16xf32> to vector<16xf32>
          %add3A_96 = arith.addf %add3A_91, %get3A_95 : vector<16xf32>
          %max3A_97 = arith.constant 0.000000e+00 : f32
          %max3A_98 = vector.broadcast %max3A_97 : f32 to vector<16xf32>
          %max3A_99 = arith.maximumf %add3A_96, %max3A_98 : vector<16xf32>
          %swap3A_100 = arith.index_cast %scan3A_63 : i32 to index
          %swap3A_101 = arith.constant 16 : index
          %swap3A_102 = tpu.vector_load %arg11[%swap3A_100, %swap3A_101] {strides = array<i32>} : memref<128x64xf32, #tpu.memory_space<vmem>>, vector<1x16xf32>,
          %swap3A_103 = vector.shape_cast %swap3A_102 : vector<1x16xf32> to vector<16xf32>
          %swap3A_104 = vector.shape_cast %max3A_99 : vector<16xf32> to vector<1x16xf32>
          tpu.vector_store %arg11[%swap3A_100, %swap3A_101], %swap3A_104 {strides = array<i32>} : memref<128x64xf32, #tpu.memory_space<vmem>>, vector<1x16xf32>,
          %get3A_105 = arith.index_cast %scan3A_63 : i32 to index
          %get3A_106 = arith.constant 32 : index
          %get3A_107 = tpu.vector_load %arg9[%get3A_105, %get3A_106] {strides = array<i32>} : memref<128x64xf32, #tpu.memory_space<vmem>>, vector<1x16xf32>,
          %get3A_108 = vector.shape_cast %get3A_107 : vector<1x16xf32> to vector<16xf32>
          %get3A_109 = arith.index_cast %scan3A_63 : i32 to index
          %get3A_110 = arith.constant 32 : index
          %get3A_111 = tpu.vector_load %arg10[%get3A_109, %get3A_110] {strides = array<i32>} : memref<128x64xf32, #tpu.memory_space<vmem>>, vector<1x16xf32>,
          %get3A_112 = vector.shape_cast %get3A_111 : vector<1x16xf32> to vector<16xf32>
          %add3A_113 = arith.addf %get3A_108, %get3A_112 : vector<16xf32>
          %get3A_114 = arith.index_cast %scan3A_63 : i32 to index
          %get3A_115 = arith.constant 32 : index
          %get3A_116 = tpu.vector_load %arg11[%get3A_114, %get3A_115] {strides = array<i32>} : memref<128x64xf32, #tpu.memory_space<vmem>>, vector<1x16xf32>,
          %get3A_117 = vector.shape_cast %get3A_116 : vector<1x16xf32> to vector<16xf32>
          %add3A_118 = arith.addf %add3A_113, %get3A_117 : vector<16xf32>
          %max3A_119 = arith.constant 0.000000e+00 : f32
          %max3A_120 = vector.broadcast %max3A_119 : f32 to vector<16xf32>
          %max3A_121 = arith.maximumf %add3A_118, %max3A_120 : vector<16xf32>
          %swap3A_122 = arith.index_cast %scan3A_63 : i32 to index
          %swap3A_123 = arith.constant 32 : index
          %swap3A_124 = tpu.vector_load %arg11[%swap3A_122, %swap3A_123] {strides = array<i32>} : memref<128x64xf32, #tpu.memory_space<vmem>>, vector<1x16xf32>,
          %swap3A_125 = vector.shape_cast %swap3A_124 : vector<1x16xf32> to vector<16xf32>
          %swap3A_126 = vector.shape_cast %max3A_121 : vector<16xf32> to vector<1x16xf32>
          tpu.vector_store %arg11[%swap3A_122, %swap3A_123], %swap3A_126 {strides = array<i32>} : memref<128x64xf32, #tpu.memory_space<vmem>>, vector<1x16xf32>,
          %get3A_127 = arith.index_cast %scan3A_63 : i32 to index
          %get3A_128 = arith.constant 48 : index
          %get3A_129 = tpu.vector_load %arg9[%get3A_127, %get3A_128] {strides = array<i32>} : memref<128x64xf32, #tpu.memory_space<vmem>>, vector<1x16xf32>,
          %get3A_130 = vector.shape_cast %get3A_129 : vector<1x16xf32> to vector<16xf32>
          %get3A_131 = arith.index_cast %scan3A_63 : i32 to index
          %get3A_132 = arith.constant 48 : index
          %get3A_133 = tpu.vector_load %arg10[%get3A_131, %get3A_132] {strides = array<i32>} : memref<128x64xf32, #tpu.memory_space<vmem>>, vector<1x16xf32>,
          %get3A_134 = vector.shape_cast %get3A_133 : vector<1x16xf32> to vector<16xf32>
          %add3A_135 = arith.addf %get3A_130, %get3A_134 : vector<16xf32>
          %get3A_136 = arith.index_cast %scan3A_63 : i32 to index
          %get3A_137 = arith.constant 48 : index
          %get3A_138 = tpu.vector_load %arg11[%get3A_136, %get3A_137] {strides = array<i32>} : memref<128x64xf32, #tpu.memory_space<vmem>>, vector<1x16xf32>,
          %get3A_139 = vector.shape_cast %get3A_138 : vector<1x16xf32> to vector<16xf32>
          %add3A_140 = arith.addf %add3A_135, %get3A_139 : vector<16xf32>
          %max3A_141 = arith.constant 0.000000e+00 : f32
          %max3A_142 = vector.broadcast %max3A_141 : f32 to vector<16xf32>
          %max3A_143 = arith.maximumf %add3A_140, %max3A_142 : vector<16xf32>
          %swap3A_144 = arith.index_cast %scan3A_63 : i32 to index
          %swap3A_145 = arith.constant 48 : index
          %swap3A_146 = tpu.vector_load %arg11[%swap3A_144, %swap3A_145] {strides = array<i32>} : memref<128x64xf32, #tpu.memory_space<vmem>>, vector<1x16xf32>,
          %swap3A_147 = vector.shape_cast %swap3A_146 : vector<1x16xf32> to vector<16xf32>
          %swap3A_148 = vector.shape_cast %max3A_143 : vector<16xf32> to vector<1x16xf32>
          tpu.vector_store %arg11[%swap3A_144, %swap3A_145], %swap3A_148 {strides = array<i32>} : memref<128x64xf32, #tpu.memory_space<vmem>>, vector<1x16xf32>,
        }
        %scan3A_62 = arith.constant 128 : i32
        "tpu.region"() ({
          %run_scoped3A_63 = tpu.sem_alloc : memref<!tpu.dma_semaphore, #tpu.memory_space<semaphore_mem>>
          %dma_start3A_64 = arith.constant 0 : i32
          %dma_start3A_65 = arith.constant 0 : i32
          %dma_start3A_66 = tpu.memref_slice %arg13[%dma_start3A_64, %dma_start3A_65] : memref<10240x64xf32, #tpu.memory_space<vmem_shared>> -> memref<10240x64xf32, #tpu.memory_space<vmem_shared>>
          tpu.enqueue_indirect_dma source(%arg11 : memref<128x64xf32, #tpu.memory_space<vmem>>) target(%dma_start3A_66 : memref<10240x64xf32, #tpu.memory_space<vmem_shared>>) offsets(%arg8 : memref<128xi32, #tpu.memory_space<vmem>>) semaphore(%run_scoped3A_63 : memref<!tpu.dma_semaphore, #tpu.memory_space<semaphore_mem>>) {add = true}
          %dma_wait3A_67 = arith.constant 0 : i32
          %dma_wait3A_68 = arith.constant 0 : i32
          %dma_wait3A_69 = tpu.memref_slice %arg13[%dma_wait3A_67, %dma_wait3A_68] : memref<10240x64xf32, #tpu.memory_space<vmem_shared>> -> memref<10240x64xf32, #tpu.memory_space<vmem_shared>>
          tpu.wait_indirect_dma semaphore(%run_scoped3A_63 : memref<!tpu.dma_semaphore, #tpu.memory_space<semaphore_mem>>) src(%arg11 : memref<128x64xf32, #tpu.memory_space<vmem>>) dst(%dma_wait3A_69 : memref<10240x64xf32, #tpu.memory_space<vmem_shared>>)
          tpu.yield
        }) : () -> ()
      } else {
      }
    }
    %scan3A_32 = arith.constant 79 : i32
    %barrier3A_33 = arith.constant 0 : index
    tpu.barrier barrier_id(%barrier3A_33)
    %mul3A_34 = arith.constant 640 : i32
    %mul3A_35 = arith.muli %arg1, %mul3A_34 : i32
    %mul3A_36 = arith.constant 640 : i32
    %mul3A_37 = arith.muli %arg1, %mul3A_36 : i32
    "tpu.region"() ({
      %run_scoped3A = tpu.sem_alloc : memref<!tpu.dma_semaphore, #tpu.memory_space<semaphore_mem>>
      %dma_start3A = arith.constant 0 : i32
      %dma_start3A_38 = tpu.memref_slice %arg6[%arg0, %mul3A_37, %dma_start3A] : memref<2x10240x64xf32, #tpu.memory_space<hbm>> -> memref<1x640x64xf32, #tpu.memory_space<hbm>>
      %dma_start3A_39 = tpu.memref_squeeze %dma_start3A_38 : memref<1x640x64xf32, #tpu.memory_space<hbm>> -> memref<640x64xf32, #tpu.memory_space<hbm>>
      %dma_start3A_40 = arith.constant 0 : i32
      %dma_start3A_41 = tpu.memref_slice %arg13[%mul3A_35, %dma_start3A_40] : memref<10240x64xf32, #tpu.memory_space<vmem_shared>> -> memref<640x64xf32, #tpu.memory_space<vmem_shared>>
      tpu.enqueue_dma source(%dma_start3A_41 : memref<640x64xf32, #tpu.memory_space<vmem_shared>>) target(%dma_start3A_39 : memref<640x64xf32, #tpu.memory_space<hbm>>) target_semaphore(%run_scoped3A : memref<!tpu.dma_semaphore, #tpu.memory_space<semaphore_mem>>)
      %dma_wait3A = arith.constant 0 : i32
      %dma_wait3A_42 = tpu.memref_slice %arg6[%arg0, %mul3A_37, %dma_wait3A] : memref<2x10240x64xf32, #tpu.memory_space<hbm>> -> memref<1x640x64xf32, #tpu.memory_space<hbm>>
      %dma_wait3A_43 = tpu.memref_squeeze %dma_wait3A_42 : memref<1x640x64xf32, #tpu.memory_space<hbm>> -> memref<640x64xf32, #tpu.memory_space<hbm>>
      %dma_wait3A_44 = arith.constant 0 : i32
      %dma_wait3A_45 = tpu.memref_slice %arg13[%mul3A_35, %dma_wait3A_44] : memref<10240x64xf32, #tpu.memory_space<vmem_shared>> -> memref<640x64xf32, #tpu.memory_space<vmem_shared>>
      tpu.wait_dma2 semaphore(%run_scoped3A : memref<!tpu.dma_semaphore, #tpu.memory_space<semaphore_mem>>) src(%dma_wait3A_45 : memref<640x64xf32, #tpu.memory_space<vmem_shared>>) dst(%dma_wait3A_43 : memref<640x64xf32, #tpu.memory_space<hbm>>)
      tpu.yield
    }) : () -> ()
    return
  }
}

#map = affine_map<(d0, d1) -> (0, 0)>
#map1 = affine_map<(d0, d1) -> (0, 0, 0)>
module attributes {stable_mosaic.version = 14 : i64} {
  func.func @_mp_body(%arg0: i32, %arg1: i32, %arg2: memref<10000x64xf32, #tpu.memory_space<hbm>>, %arg3: memref<10000x64xf32, #tpu.memory_space<hbm>>, %arg4: memref<320000x64xf32, #tpu.memory_space<hbm>>, %arg5: memref<2x320000xi32, #tpu.memory_space<hbm>>, %arg6: memref<2x10240x64xf32, #tpu.memory_space<hbm>>, %arg7: memref<128xi32, #tpu.memory_space<vmem>>, %arg8: memref<128xi32, #tpu.memory_space<vmem>>, %arg9: memref<128x64xf32, #tpu.memory_space<vmem>>, %arg10: memref<128x64xf32, #tpu.memory_space<vmem>>, %arg11: memref<128x64xf32, #tpu.memory_space<vmem>>, %arg12: memref<128x64xf32, #tpu.memory_space<vmem>>, %arg13: memref<10240x64xf32, #tpu.memory_space<vmem_shared>>, %arg14: memref<!tpu.dma_semaphore, #tpu.memory_space<semaphore_mem>>, %arg15: memref<!tpu.dma_semaphore, #tpu.memory_space<semaphore_mem>>) attributes {dimension_semantics = [#tpu.dimension_semantics<core_parallel>, #tpu.dimension_semantics<subcore_parallel>], iteration_bounds = array<i64: 2, 16>, scalar_prefetch = 0 : i64, scratch_operands = 9 : i64, tpu.core_type = #tpu.core_type<sc_vector_subcore>, window_params = [{transform_indices = #map}, {transform_indices = #map}, {transform_indices = #map}, {transform_indices = #map}, {transform_indices = #map1}]} {
    %mul3A = arith.constant 2 : i32
    %mul3A_0 = arith.muli %arg1, %mul3A : i32
    %add3A = arith.addi %mul3A_0, %arg0 : i32
    %broadcast_in_dim3A = arith.constant 0.000000e+00 : f32
    %broadcast_in_dim3A_1 = vector.broadcast %broadcast_in_dim3A : f32 to vector<16xf32>
    %scan3A = arith.constant 0 : i32
    %scan3A_2 = arith.constant 0 : i32
    %scan3A_3 = arith.constant 128 : i32
    %scan3A_4 = arith.addi %scan3A_2, %scan3A_3 : i32
    %scan3A_5 = arith.constant 1 : i32
    scf.for %scan3A_38 = %scan3A_2 to %scan3A_4 step %scan3A_5  : i32 {
      %swap3A = arith.index_cast %scan3A_38 : i32 to index
      %swap3A_39 = arith.constant 0 : index
      %swap3A_40 = tpu.vector_load %arg12[%swap3A, %swap3A_39] {strides = array<i32>} : memref<128x64xf32, #tpu.memory_space<vmem>>, vector<1x16xf32>,
      %swap3A_41 = vector.shape_cast %swap3A_40 : vector<1x16xf32> to vector<16xf32>
      %swap3A_42 = vector.shape_cast %broadcast_in_dim3A_1 : vector<16xf32> to vector<1x16xf32>
      tpu.vector_store %arg12[%swap3A, %swap3A_39], %swap3A_42 {strides = array<i32>} : memref<128x64xf32, #tpu.memory_space<vmem>>, vector<1x16xf32>,
      %swap3A_43 = arith.index_cast %scan3A_38 : i32 to index
      %swap3A_44 = arith.constant 16 : index
      %swap3A_45 = tpu.vector_load %arg12[%swap3A_43, %swap3A_44] {strides = array<i32>} : memref<128x64xf32, #tpu.memory_space<vmem>>, vector<1x16xf32>,
      %swap3A_46 = vector.shape_cast %swap3A_45 : vector<1x16xf32> to vector<16xf32>
      %swap3A_47 = vector.shape_cast %broadcast_in_dim3A_1 : vector<16xf32> to vector<1x16xf32>
      tpu.vector_store %arg12[%swap3A_43, %swap3A_44], %swap3A_47 {strides = array<i32>} : memref<128x64xf32, #tpu.memory_space<vmem>>, vector<1x16xf32>,
      %swap3A_48 = arith.index_cast %scan3A_38 : i32 to index
      %swap3A_49 = arith.constant 32 : index
      %swap3A_50 = tpu.vector_load %arg12[%swap3A_48, %swap3A_49] {strides = array<i32>} : memref<128x64xf32, #tpu.memory_space<vmem>>, vector<1x16xf32>,
      %swap3A_51 = vector.shape_cast %swap3A_50 : vector<1x16xf32> to vector<16xf32>
      %swap3A_52 = vector.shape_cast %broadcast_in_dim3A_1 : vector<16xf32> to vector<1x16xf32>
      tpu.vector_store %arg12[%swap3A_48, %swap3A_49], %swap3A_52 {strides = array<i32>} : memref<128x64xf32, #tpu.memory_space<vmem>>, vector<1x16xf32>,
      %swap3A_53 = arith.index_cast %scan3A_38 : i32 to index
      %swap3A_54 = arith.constant 48 : index
      %swap3A_55 = tpu.vector_load %arg12[%swap3A_53, %swap3A_54] {strides = array<i32>} : memref<128x64xf32, #tpu.memory_space<vmem>>, vector<1x16xf32>,
      %swap3A_56 = vector.shape_cast %swap3A_55 : vector<1x16xf32> to vector<16xf32>
      %swap3A_57 = vector.shape_cast %broadcast_in_dim3A_1 : vector<16xf32> to vector<1x16xf32>
      tpu.vector_store %arg12[%swap3A_53, %swap3A_54], %swap3A_57 {strides = array<i32>} : memref<128x64xf32, #tpu.memory_space<vmem>>, vector<1x16xf32>,
    }
    %scan3A_6 = arith.constant 128 : i32
    %mul3A_7 = arith.constant 640 : i32
    %mul3A_8 = arith.muli %arg1, %mul3A_7 : i32
    %add3A_9 = arith.constant 0 : i32
    %add3A_10 = arith.addi %mul3A_8, %add3A_9 : i32
    "tpu.region"() ({
      %run_scoped3A = tpu.sem_alloc : memref<!tpu.dma_semaphore, #tpu.memory_space<semaphore_mem>>
      %dma_start3A = arith.constant 0 : i32
      %dma_start3A_38 = tpu.memref_slice %arg13[%add3A_10, %dma_start3A] : memref<10240x64xf32, #tpu.memory_space<vmem_shared>> -> memref<128x64xf32, #tpu.memory_space<vmem_shared>>
      %dma_start3A_39 = arith.constant 0 : i32
      %dma_start3A_40 = tpu.memref_slice %arg13[%add3A_10, %dma_start3A_39] : memref<10240x64xf32, #tpu.memory_space<vmem_shared>> -> memref<128x64xf32, #tpu.memory_space<vmem_shared>>
      tpu.enqueue_dma source(%arg12 : memref<128x64xf32, #tpu.memory_space<vmem>>) target(%dma_start3A_40 : memref<128x64xf32, #tpu.memory_space<vmem_shared>>) target_semaphore(%run_scoped3A : memref<!tpu.dma_semaphore, #tpu.memory_space<semaphore_mem>>)
      %dma_wait3A = arith.constant 0 : i32
      %dma_wait3A_41 = tpu.memref_slice %arg13[%add3A_10, %dma_wait3A] : memref<10240x64xf32, #tpu.memory_space<vmem_shared>> -> memref<128x64xf32, #tpu.memory_space<vmem_shared>>
      %dma_wait3A_42 = arith.constant 0 : i32
      %dma_wait3A_43 = tpu.memref_slice %arg13[%add3A_10, %dma_wait3A_42] : memref<10240x64xf32, #tpu.memory_space<vmem_shared>> -> memref<128x64xf32, #tpu.memory_space<vmem_shared>>
      tpu.wait_dma2 semaphore(%run_scoped3A : memref<!tpu.dma_semaphore, #tpu.memory_space<semaphore_mem>>) src(%arg12 : memref<128x64xf32, #tpu.memory_space<vmem>>) dst(%dma_wait3A_43 : memref<128x64xf32, #tpu.memory_space<vmem_shared>>)
      tpu.yield
    }) : () -> ()
    %mul3A_11 = arith.constant 640 : i32
    %mul3A_12 = arith.muli %arg1, %mul3A_11 : i32
    %add3A_13 = arith.constant 128 : i32
    %add3A_14 = arith.addi %mul3A_12, %add3A_13 : i32
    "tpu.region"() ({
      %run_scoped3A = tpu.sem_alloc : memref<!tpu.dma_semaphore, #tpu.memory_space<semaphore_mem>>
      %dma_start3A = arith.constant 0 : i32
      %dma_start3A_38 = tpu.memref_slice %arg13[%add3A_14, %dma_start3A] : memref<10240x64xf32, #tpu.memory_space<vmem_shared>> -> memref<128x64xf32, #tpu.memory_space<vmem_shared>>
      %dma_start3A_39 = arith.constant 0 : i32
      %dma_start3A_40 = tpu.memref_slice %arg13[%add3A_14, %dma_start3A_39] : memref<10240x64xf32, #tpu.memory_space<vmem_shared>> -> memref<128x64xf32, #tpu.memory_space<vmem_shared>>
      tpu.enqueue_dma source(%arg12 : memref<128x64xf32, #tpu.memory_space<vmem>>) target(%dma_start3A_40 : memref<128x64xf32, #tpu.memory_space<vmem_shared>>) target_semaphore(%run_scoped3A : memref<!tpu.dma_semaphore, #tpu.memory_space<semaphore_mem>>)
      %dma_wait3A = arith.constant 0 : i32
      %dma_wait3A_41 = tpu.memref_slice %arg13[%add3A_14, %dma_wait3A] : memref<10240x64xf32, #tpu.memory_space<vmem_shared>> -> memref<128x64xf32, #tpu.memory_space<vmem_shared>>
      %dma_wait3A_42 = arith.constant 0 : i32
      %dma_wait3A_43 = tpu.memref_slice %arg13[%add3A_14, %dma_wait3A_42] : memref<10240x64xf32, #tpu.memory_space<vmem_shared>> -> memref<128x64xf32, #tpu.memory_space<vmem_shared>>
      tpu.wait_dma2 semaphore(%run_scoped3A : memref<!tpu.dma_semaphore, #tpu.memory_space<semaphore_mem>>) src(%arg12 : memref<128x64xf32, #tpu.memory_space<vmem>>) dst(%dma_wait3A_43 : memref<128x64xf32, #tpu.memory_space<vmem_shared>>)
      tpu.yield
    }) : () -> ()
    %mul3A_15 = arith.constant 640 : i32
    %mul3A_16 = arith.muli %arg1, %mul3A_15 : i32
    %add3A_17 = arith.constant 256 : i32
    %add3A_18 = arith.addi %mul3A_16, %add3A_17 : i32
    "tpu.region"() ({
      %run_scoped3A = tpu.sem_alloc : memref<!tpu.dma_semaphore, #tpu.memory_space<semaphore_mem>>
      %dma_start3A = arith.constant 0 : i32
      %dma_start3A_38 = tpu.memref_slice %arg13[%add3A_18, %dma_start3A] : memref<10240x64xf32, #tpu.memory_space<vmem_shared>> -> memref<128x64xf32, #tpu.memory_space<vmem_shared>>
      %dma_start3A_39 = arith.constant 0 : i32
      %dma_start3A_40 = tpu.memref_slice %arg13[%add3A_18, %dma_start3A_39] : memref<10240x64xf32, #tpu.memory_space<vmem_shared>> -> memref<128x64xf32, #tpu.memory_space<vmem_shared>>
      tpu.enqueue_dma source(%arg12 : memref<128x64xf32, #tpu.memory_space<vmem>>) target(%dma_start3A_40 : memref<128x64xf32, #tpu.memory_space<vmem_shared>>) target_semaphore(%run_scoped3A : memref<!tpu.dma_semaphore, #tpu.memory_space<semaphore_mem>>)
      %dma_wait3A = arith.constant 0 : i32
      %dma_wait3A_41 = tpu.memref_slice %arg13[%add3A_18, %dma_wait3A] : memref<10240x64xf32, #tpu.memory_space<vmem_shared>> -> memref<128x64xf32, #tpu.memory_space<vmem_shared>>
      %dma_wait3A_42 = arith.constant 0 : i32
      %dma_wait3A_43 = tpu.memref_slice %arg13[%add3A_18, %dma_wait3A_42] : memref<10240x64xf32, #tpu.memory_space<vmem_shared>> -> memref<128x64xf32, #tpu.memory_space<vmem_shared>>
      tpu.wait_dma2 semaphore(%run_scoped3A : memref<!tpu.dma_semaphore, #tpu.memory_space<semaphore_mem>>) src(%arg12 : memref<128x64xf32, #tpu.memory_space<vmem>>) dst(%dma_wait3A_43 : memref<128x64xf32, #tpu.memory_space<vmem_shared>>)
      tpu.yield
    }) : () -> ()
    %mul3A_19 = arith.constant 640 : i32
    %mul3A_20 = arith.muli %arg1, %mul3A_19 : i32
    %add3A_21 = arith.constant 384 : i32
    %add3A_22 = arith.addi %mul3A_20, %add3A_21 : i32
    "tpu.region"() ({
      %run_scoped3A = tpu.sem_alloc : memref<!tpu.dma_semaphore, #tpu.memory_space<semaphore_mem>>
      %dma_start3A = arith.constant 0 : i32
      %dma_start3A_38 = tpu.memref_slice %arg13[%add3A_22, %dma_start3A] : memref<10240x64xf32, #tpu.memory_space<vmem_shared>> -> memref<128x64xf32, #tpu.memory_space<vmem_shared>>
      %dma_start3A_39 = arith.constant 0 : i32
      %dma_start3A_40 = tpu.memref_slice %arg13[%add3A_22, %dma_start3A_39] : memref<10240x64xf32, #tpu.memory_space<vmem_shared>> -> memref<128x64xf32, #tpu.memory_space<vmem_shared>>
      tpu.enqueue_dma source(%arg12 : memref<128x64xf32, #tpu.memory_space<vmem>>) target(%dma_start3A_40 : memref<128x64xf32, #tpu.memory_space<vmem_shared>>) target_semaphore(%run_scoped3A : memref<!tpu.dma_semaphore, #tpu.memory_space<semaphore_mem>>)
      %dma_wait3A = arith.constant 0 : i32
      %dma_wait3A_41 = tpu.memref_slice %arg13[%add3A_22, %dma_wait3A] : memref<10240x64xf32, #tpu.memory_space<vmem_shared>> -> memref<128x64xf32, #tpu.memory_space<vmem_shared>>
      %dma_wait3A_42 = arith.constant 0 : i32
      %dma_wait3A_43 = tpu.memref_slice %arg13[%add3A_22, %dma_wait3A_42] : memref<10240x64xf32, #tpu.memory_space<vmem_shared>> -> memref<128x64xf32, #tpu.memory_space<vmem_shared>>
      tpu.wait_dma2 semaphore(%run_scoped3A : memref<!tpu.dma_semaphore, #tpu.memory_space<semaphore_mem>>) src(%arg12 : memref<128x64xf32, #tpu.memory_space<vmem>>) dst(%dma_wait3A_43 : memref<128x64xf32, #tpu.memory_space<vmem_shared>>)
      tpu.yield
    }) : () -> ()
    %mul3A_23 = arith.constant 640 : i32
    %mul3A_24 = arith.muli %arg1, %mul3A_23 : i32
    %add3A_25 = arith.constant 512 : i32
    %add3A_26 = arith.addi %mul3A_24, %add3A_25 : i32
    "tpu.region"() ({
      %run_scoped3A = tpu.sem_alloc : memref<!tpu.dma_semaphore, #tpu.memory_space<semaphore_mem>>
      %dma_start3A = arith.constant 0 : i32
      %dma_start3A_38 = tpu.memref_slice %arg13[%add3A_26, %dma_start3A] : memref<10240x64xf32, #tpu.memory_space<vmem_shared>> -> memref<128x64xf32, #tpu.memory_space<vmem_shared>>
      %dma_start3A_39 = arith.constant 0 : i32
      %dma_start3A_40 = tpu.memref_slice %arg13[%add3A_26, %dma_start3A_39] : memref<10240x64xf32, #tpu.memory_space<vmem_shared>> -> memref<128x64xf32, #tpu.memory_space<vmem_shared>>
      tpu.enqueue_dma source(%arg12 : memref<128x64xf32, #tpu.memory_space<vmem>>) target(%dma_start3A_40 : memref<128x64xf32, #tpu.memory_space<vmem_shared>>) target_semaphore(%run_scoped3A : memref<!tpu.dma_semaphore, #tpu.memory_space<semaphore_mem>>)
      %dma_wait3A = arith.constant 0 : i32
      %dma_wait3A_41 = tpu.memref_slice %arg13[%add3A_26, %dma_wait3A] : memref<10240x64xf32, #tpu.memory_space<vmem_shared>> -> memref<128x64xf32, #tpu.memory_space<vmem_shared>>
      %dma_wait3A_42 = arith.constant 0 : i32
      %dma_wait3A_43 = tpu.memref_slice %arg13[%add3A_26, %dma_wait3A_42] : memref<10240x64xf32, #tpu.memory_space<vmem_shared>> -> memref<128x64xf32, #tpu.memory_space<vmem_shared>>
      tpu.wait_dma2 semaphore(%run_scoped3A : memref<!tpu.dma_semaphore, #tpu.memory_space<semaphore_mem>>) src(%arg12 : memref<128x64xf32, #tpu.memory_space<vmem>>) dst(%dma_wait3A_43 : memref<128x64xf32, #tpu.memory_space<vmem_shared>>)
      tpu.yield
    }) : () -> ()
    %barrier3A = arith.constant 0 : index
    tpu.barrier barrier_id(%barrier3A)
    %scan3A_27 = arith.constant 0 : i32
    %scan3A_28 = arith.constant 0 : i32
    %scan3A_29 = arith.constant 79 : i32
    %scan3A_30 = arith.addi %scan3A_28, %scan3A_29 : i32
    %scan3A_31 = arith.constant 1 : i32
    scf.for %scan3A_38 = %scan3A_28 to %scan3A_30 step %scan3A_31  : i32 {
      %mul3A_39 = arith.constant 32 : i32
      %mul3A_40 = arith.muli %mul3A_39, %scan3A_38 : i32
      %add3A_41 = arith.addi %add3A, %mul3A_40 : i32
      %lt3A = arith.constant 2500 : i32
      %lt3A_42 = arith.cmpi slt, %add3A_41, %lt3A : i32
      %convert_element_type3A = arith.extui %lt3A_42 : i1 to i32
      %cond3A = arith.constant 0 : i32
      %cond3A_43 = arith.cmpi ne, %convert_element_type3A, %cond3A : i32
      scf.if %cond3A_43 {
        %mul3A_44 = arith.constant 128 : i32
        %mul3A_45 = arith.muli %add3A_41, %mul3A_44 : i32
        %run_scoped3A = arith.constant 0 : i32
        "tpu.region"() ({
          %run_scoped3A_63 = tpu.sem_alloc : memref<!tpu.dma_semaphore, #tpu.memory_space<semaphore_mem>>
          %dma_start3A_64 = tpu.memref_slice %arg5[%run_scoped3A, %mul3A_45] : memref<2x320000xi32, #tpu.memory_space<hbm>> -> memref<1x128xi32, #tpu.memory_space<hbm>>
          %dma_start3A_65 = tpu.memref_squeeze %dma_start3A_64 : memref<1x128xi32, #tpu.memory_space<hbm>> -> memref<128xi32, #tpu.memory_space<hbm>>
          %dma_start3A_66 = tpu.memref_slice %arg5[%run_scoped3A, %mul3A_45] : memref<2x320000xi32, #tpu.memory_space<hbm>> -> memref<1x128xi32, #tpu.memory_space<hbm>>
          %dma_start3A_67 = tpu.memref_squeeze %dma_start3A_66 : memref<1x128xi32, #tpu.memory_space<hbm>> -> memref<128xi32, #tpu.memory_space<hbm>>
          tpu.enqueue_dma source(%dma_start3A_67 : memref<128xi32, #tpu.memory_space<hbm>>) target(%arg7 : memref<128xi32, #tpu.memory_space<vmem>>) target_semaphore(%run_scoped3A_63 : memref<!tpu.dma_semaphore, #tpu.memory_space<semaphore_mem>>)
          %dma_wait3A_68 = tpu.memref_slice %arg5[%run_scoped3A, %mul3A_45] : memref<2x320000xi32, #tpu.memory_space<hbm>> -> memref<1x128xi32, #tpu.memory_space<hbm>>
          %dma_wait3A_69 = tpu.memref_squeeze %dma_wait3A_68 : memref<1x128xi32, #tpu.memory_space<hbm>> -> memref<128xi32, #tpu.memory_space<hbm>>
          %dma_wait3A_70 = tpu.memref_slice %arg5[%run_scoped3A, %mul3A_45] : memref<2x320000xi32, #tpu.memory_space<hbm>> -> memref<1x128xi32, #tpu.memory_space<hbm>>
          %dma_wait3A_71 = tpu.memref_squeeze %dma_wait3A_70 : memref<1x128xi32, #tpu.memory_space<hbm>> -> memref<128xi32, #tpu.memory_space<hbm>>
          tpu.wait_dma2 semaphore(%run_scoped3A_63 : memref<!tpu.dma_semaphore, #tpu.memory_space<semaphore_mem>>) src(%dma_wait3A_71 : memref<128xi32, #tpu.memory_space<hbm>>) dst(%arg7 : memref<128xi32, #tpu.memory_space<vmem>>)
          tpu.yield
        }) : () -> ()
        %run_scoped3A_46 = arith.constant 1 : i32
        "tpu.region"() ({
          %run_scoped3A_63 = tpu.sem_alloc : memref<!tpu.dma_semaphore, #tpu.memory_space<semaphore_mem>>
          %dma_start3A_64 = tpu.memref_slice %arg5[%run_scoped3A_46, %mul3A_45] : memref<2x320000xi32, #tpu.memory_space<hbm>> -> memref<1x128xi32, #tpu.memory_space<hbm>>
          %dma_start3A_65 = tpu.memref_squeeze %dma_start3A_64 : memref<1x128xi32, #tpu.memory_space<hbm>> -> memref<128xi32, #tpu.memory_space<hbm>>
          %dma_start3A_66 = tpu.memref_slice %arg5[%run_scoped3A_46, %mul3A_45] : memref<2x320000xi32, #tpu.memory_space<hbm>> -> memref<1x128xi32, #tpu.memory_space<hbm>>
          %dma_start3A_67 = tpu.memref_squeeze %dma_start3A_66 : memref<1x128xi32, #tpu.memory_space<hbm>> -> memref<128xi32, #tpu.memory_space<hbm>>
          tpu.enqueue_dma source(%dma_start3A_67 : memref<128xi32, #tpu.memory_space<hbm>>) target(%arg8 : memref<128xi32, #tpu.memory_space<vmem>>) target_semaphore(%run_scoped3A_63 : memref<!tpu.dma_semaphore, #tpu.memory_space<semaphore_mem>>)
          %dma_wait3A_68 = tpu.memref_slice %arg5[%run_scoped3A_46, %mul3A_45] : memref<2x320000xi32, #tpu.memory_space<hbm>> -> memref<1x128xi32, #tpu.memory_space<hbm>>
          %dma_wait3A_69 = tpu.memref_squeeze %dma_wait3A_68 : memref<1x128xi32, #tpu.memory_space<hbm>> -> memref<128xi32, #tpu.memory_space<hbm>>
          %dma_wait3A_70 = tpu.memref_slice %arg5[%run_scoped3A_46, %mul3A_45] : memref<2x320000xi32, #tpu.memory_space<hbm>> -> memref<1x128xi32, #tpu.memory_space<hbm>>
          %dma_wait3A_71 = tpu.memref_squeeze %dma_wait3A_70 : memref<1x128xi32, #tpu.memory_space<hbm>> -> memref<128xi32, #tpu.memory_space<hbm>>
          tpu.wait_dma2 semaphore(%run_scoped3A_63 : memref<!tpu.dma_semaphore, #tpu.memory_space<semaphore_mem>>) src(%dma_wait3A_71 : memref<128xi32, #tpu.memory_space<hbm>>) dst(%arg8 : memref<128xi32, #tpu.memory_space<vmem>>)
          tpu.yield
        }) : () -> ()
        %dma_start3A = arith.constant 0 : i32
        %dma_start3A_47 = arith.constant 0 : i32
        %dma_start3A_48 = tpu.memref_slice %arg2[%dma_start3A, %dma_start3A_47] : memref<10000x64xf32, #tpu.memory_space<hbm>> -> memref<10000x64xf32, #tpu.memory_space<hbm>>
        tpu.enqueue_indirect_dma source(%dma_start3A_48 : memref<10000x64xf32, #tpu.memory_space<hbm>>) target(%arg9 : memref<128x64xf32, #tpu.memory_space<vmem>>) offsets(%arg7 : memref<128xi32, #tpu.memory_space<vmem>>) semaphore(%arg14 : memref<!tpu.dma_semaphore, #tpu.memory_space<semaphore_mem>>)
        %dma_start3A_49 = arith.constant 0 : i32
        %dma_start3A_50 = arith.constant 0 : i32
        %dma_start3A_51 = tpu.memref_slice %arg3[%dma_start3A_49, %dma_start3A_50] : memref<10000x64xf32, #tpu.memory_space<hbm>> -> memref<10000x64xf32, #tpu.memory_space<hbm>>
        tpu.enqueue_indirect_dma source(%dma_start3A_51 : memref<10000x64xf32, #tpu.memory_space<hbm>>) target(%arg10 : memref<128x64xf32, #tpu.memory_space<vmem>>) offsets(%arg8 : memref<128xi32, #tpu.memory_space<vmem>>) semaphore(%arg15 : memref<!tpu.dma_semaphore, #tpu.memory_space<semaphore_mem>>)
        "tpu.region"() ({
          %run_scoped3A_63 = tpu.sem_alloc : memref<!tpu.dma_semaphore, #tpu.memory_space<semaphore_mem>>
          %dma_start3A_64 = arith.constant 0 : i32
          %dma_start3A_65 = tpu.memref_slice %arg4[%mul3A_45, %dma_start3A_64] : memref<320000x64xf32, #tpu.memory_space<hbm>> -> memref<128x64xf32, #tpu.memory_space<hbm>>
          %dma_start3A_66 = arith.constant 0 : i32
          %dma_start3A_67 = tpu.memref_slice %arg4[%mul3A_45, %dma_start3A_66] : memref<320000x64xf32, #tpu.memory_space<hbm>> -> memref<128x64xf32, #tpu.memory_space<hbm>>
          tpu.enqueue_dma source(%dma_start3A_67 : memref<128x64xf32, #tpu.memory_space<hbm>>) target(%arg11 : memref<128x64xf32, #tpu.memory_space<vmem>>) target_semaphore(%run_scoped3A_63 : memref<!tpu.dma_semaphore, #tpu.memory_space<semaphore_mem>>)
          %dma_wait3A_68 = arith.constant 0 : i32
          %dma_wait3A_69 = tpu.memref_slice %arg4[%mul3A_45, %dma_wait3A_68] : memref<320000x64xf32, #tpu.memory_space<hbm>> -> memref<128x64xf32, #tpu.memory_space<hbm>>
          %dma_wait3A_70 = arith.constant 0 : i32
          %dma_wait3A_71 = tpu.memref_slice %arg4[%mul3A_45, %dma_wait3A_70] : memref<320000x64xf32, #tpu.memory_space<hbm>> -> memref<128x64xf32, #tpu.memory_space<hbm>>
          tpu.wait_dma2 semaphore(%run_scoped3A_63 : memref<!tpu.dma_semaphore, #tpu.memory_space<semaphore_mem>>) src(%dma_wait3A_71 : memref<128x64xf32, #tpu.memory_space<hbm>>) dst(%arg11 : memref<128x64xf32, #tpu.memory_space<vmem>>)
          tpu.yield
        }) : () -> ()
        %dma_wait3A = arith.constant 0 : i32
        %dma_wait3A_52 = arith.constant 0 : i32
        %dma_wait3A_53 = tpu.memref_slice %arg2[%dma_wait3A, %dma_wait3A_52] : memref<10000x64xf32, #tpu.memory_space<hbm>> -> memref<10000x64xf32, #tpu.memory_space<hbm>>
        tpu.wait_indirect_dma semaphore(%arg14 : memref<!tpu.dma_semaphore, #tpu.memory_space<semaphore_mem>>) src(%dma_wait3A_53 : memref<10000x64xf32, #tpu.memory_space<hbm>>) dst(%arg9 : memref<128x64xf32, #tpu.memory_space<vmem>>)
        %dma_wait3A_54 = arith.constant 0 : i32
        %dma_wait3A_55 = arith.constant 0 : i32
        %dma_wait3A_56 = tpu.memref_slice %arg3[%dma_wait3A_54, %dma_wait3A_55] : memref<10000x64xf32, #tpu.memory_space<hbm>> -> memref<10000x64xf32, #tpu.memory_space<hbm>>
        tpu.wait_indirect_dma semaphore(%arg15 : memref<!tpu.dma_semaphore, #tpu.memory_space<semaphore_mem>>) src(%dma_wait3A_56 : memref<10000x64xf32, #tpu.memory_space<hbm>>) dst(%arg10 : memref<128x64xf32, #tpu.memory_space<vmem>>)
        %scan3A_57 = arith.constant 0 : i32
        %scan3A_58 = arith.constant 0 : i32
        %scan3A_59 = arith.constant 128 : i32
        %scan3A_60 = arith.addi %scan3A_58, %scan3A_59 : i32
        %scan3A_61 = arith.constant 1 : i32
        scf.for %scan3A_63 = %scan3A_58 to %scan3A_60 step %scan3A_61  : i32 {
          %get3A = arith.index_cast %scan3A_63 : i32 to index
          %get3A_64 = arith.constant 0 : index
          %get3A_65 = tpu.vector_load %arg9[%get3A, %get3A_64] {strides = array<i32>} : memref<128x64xf32, #tpu.memory_space<vmem>>, vector<1x16xf32>,
          %get3A_66 = vector.shape_cast %get3A_65 : vector<1x16xf32> to vector<16xf32>
          %get3A_67 = arith.index_cast %scan3A_63 : i32 to index
          %get3A_68 = arith.constant 0 : index
          %get3A_69 = tpu.vector_load %arg10[%get3A_67, %get3A_68] {strides = array<i32>} : memref<128x64xf32, #tpu.memory_space<vmem>>, vector<1x16xf32>,
          %get3A_70 = vector.shape_cast %get3A_69 : vector<1x16xf32> to vector<16xf32>
          %add3A_71 = arith.addf %get3A_66, %get3A_70 : vector<16xf32>
          %get3A_72 = arith.index_cast %scan3A_63 : i32 to index
          %get3A_73 = arith.constant 0 : index
          %get3A_74 = tpu.vector_load %arg11[%get3A_72, %get3A_73] {strides = array<i32>} : memref<128x64xf32, #tpu.memory_space<vmem>>, vector<1x16xf32>,
          %get3A_75 = vector.shape_cast %get3A_74 : vector<1x16xf32> to vector<16xf32>
          %add3A_76 = arith.addf %add3A_71, %get3A_75 : vector<16xf32>
          %max3A = arith.constant 0.000000e+00 : f32
          %max3A_77 = vector.broadcast %max3A : f32 to vector<16xf32>
          %max3A_78 = arith.maximumf %add3A_76, %max3A_77 : vector<16xf32>
          %swap3A = arith.index_cast %scan3A_63 : i32 to index
          %swap3A_79 = arith.constant 0 : index
          %swap3A_80 = tpu.vector_load %arg11[%swap3A, %swap3A_79] {strides = array<i32>} : memref<128x64xf32, #tpu.memory_space<vmem>>, vector<1x16xf32>,
          %swap3A_81 = vector.shape_cast %swap3A_80 : vector<1x16xf32> to vector<16xf32>
          %swap3A_82 = vector.shape_cast %max3A_78 : vector<16xf32> to vector<1x16xf32>
          tpu.vector_store %arg11[%swap3A, %swap3A_79], %swap3A_82 {strides = array<i32>} : memref<128x64xf32, #tpu.memory_space<vmem>>, vector<1x16xf32>,
          %get3A_83 = arith.index_cast %scan3A_63 : i32 to index
          %get3A_84 = arith.constant 16 : index
          %get3A_85 = tpu.vector_load %arg9[%get3A_83, %get3A_84] {strides = array<i32>} : memref<128x64xf32, #tpu.memory_space<vmem>>, vector<1x16xf32>,
          %get3A_86 = vector.shape_cast %get3A_85 : vector<1x16xf32> to vector<16xf32>
          %get3A_87 = arith.index_cast %scan3A_63 : i32 to index
          %get3A_88 = arith.constant 16 : index
          %get3A_89 = tpu.vector_load %arg10[%get3A_87, %get3A_88] {strides = array<i32>} : memref<128x64xf32, #tpu.memory_space<vmem>>, vector<1x16xf32>,
          %get3A_90 = vector.shape_cast %get3A_89 : vector<1x16xf32> to vector<16xf32>
          %add3A_91 = arith.addf %get3A_86, %get3A_90 : vector<16xf32>
          %get3A_92 = arith.index_cast %scan3A_63 : i32 to index
          %get3A_93 = arith.constant 16 : index
          %get3A_94 = tpu.vector_load %arg11[%get3A_92, %get3A_93] {strides = array<i32>} : memref<128x64xf32, #tpu.memory_space<vmem>>, vector<1x16xf32>,
          %get3A_95 = vector.shape_cast %get3A_94 : vector<1x16xf32> to vector<16xf32>
          %add3A_96 = arith.addf %add3A_91, %get3A_95 : vector<16xf32>
          %max3A_97 = arith.constant 0.000000e+00 : f32
          %max3A_98 = vector.broadcast %max3A_97 : f32 to vector<16xf32>
          %max3A_99 = arith.maximumf %add3A_96, %max3A_98 : vector<16xf32>
          %swap3A_100 = arith.index_cast %scan3A_63 : i32 to index
          %swap3A_101 = arith.constant 16 : index
          %swap3A_102 = tpu.vector_load %arg11[%swap3A_100, %swap3A_101] {strides = array<i32>} : memref<128x64xf32, #tpu.memory_space<vmem>>, vector<1x16xf32>,
          %swap3A_103 = vector.shape_cast %swap3A_102 : vector<1x16xf32> to vector<16xf32>
          %swap3A_104 = vector.shape_cast %max3A_99 : vector<16xf32> to vector<1x16xf32>
          tpu.vector_store %arg11[%swap3A_100, %swap3A_101], %swap3A_104 {strides = array<i32>} : memref<128x64xf32, #tpu.memory_space<vmem>>, vector<1x16xf32>,
          %get3A_105 = arith.index_cast %scan3A_63 : i32 to index
          %get3A_106 = arith.constant 32 : index
          %get3A_107 = tpu.vector_load %arg9[%get3A_105, %get3A_106] {strides = array<i32>} : memref<128x64xf32, #tpu.memory_space<vmem>>, vector<1x16xf32>,
          %get3A_108 = vector.shape_cast %get3A_107 : vector<1x16xf32> to vector<16xf32>
          %get3A_109 = arith.index_cast %scan3A_63 : i32 to index
          %get3A_110 = arith.constant 32 : index
          %get3A_111 = tpu.vector_load %arg10[%get3A_109, %get3A_110] {strides = array<i32>} : memref<128x64xf32, #tpu.memory_space<vmem>>, vector<1x16xf32>,
          %get3A_112 = vector.shape_cast %get3A_111 : vector<1x16xf32> to vector<16xf32>
          %add3A_113 = arith.addf %get3A_108, %get3A_112 : vector<16xf32>
          %get3A_114 = arith.index_cast %scan3A_63 : i32 to index
          %get3A_115 = arith.constant 32 : index
          %get3A_116 = tpu.vector_load %arg11[%get3A_114, %get3A_115] {strides = array<i32>} : memref<128x64xf32, #tpu.memory_space<vmem>>, vector<1x16xf32>,
          %get3A_117 = vector.shape_cast %get3A_116 : vector<1x16xf32> to vector<16xf32>
          %add3A_118 = arith.addf %add3A_113, %get3A_117 : vector<16xf32>
          %max3A_119 = arith.constant 0.000000e+00 : f32
          %max3A_120 = vector.broadcast %max3A_119 : f32 to vector<16xf32>
          %max3A_121 = arith.maximumf %add3A_118, %max3A_120 : vector<16xf32>
          %swap3A_122 = arith.index_cast %scan3A_63 : i32 to index
          %swap3A_123 = arith.constant 32 : index
          %swap3A_124 = tpu.vector_load %arg11[%swap3A_122, %swap3A_123] {strides = array<i32>} : memref<128x64xf32, #tpu.memory_space<vmem>>, vector<1x16xf32>,
          %swap3A_125 = vector.shape_cast %swap3A_124 : vector<1x16xf32> to vector<16xf32>
          %swap3A_126 = vector.shape_cast %max3A_121 : vector<16xf32> to vector<1x16xf32>
          tpu.vector_store %arg11[%swap3A_122, %swap3A_123], %swap3A_126 {strides = array<i32>} : memref<128x64xf32, #tpu.memory_space<vmem>>, vector<1x16xf32>,
          %get3A_127 = arith.index_cast %scan3A_63 : i32 to index
          %get3A_128 = arith.constant 48 : index
          %get3A_129 = tpu.vector_load %arg9[%get3A_127, %get3A_128] {strides = array<i32>} : memref<128x64xf32, #tpu.memory_space<vmem>>, vector<1x16xf32>,
          %get3A_130 = vector.shape_cast %get3A_129 : vector<1x16xf32> to vector<16xf32>
          %get3A_131 = arith.index_cast %scan3A_63 : i32 to index
          %get3A_132 = arith.constant 48 : index
          %get3A_133 = tpu.vector_load %arg10[%get3A_131, %get3A_132] {strides = array<i32>} : memref<128x64xf32, #tpu.memory_space<vmem>>, vector<1x16xf32>,
          %get3A_134 = vector.shape_cast %get3A_133 : vector<1x16xf32> to vector<16xf32>
          %add3A_135 = arith.addf %get3A_130, %get3A_134 : vector<16xf32>
          %get3A_136 = arith.index_cast %scan3A_63 : i32 to index
          %get3A_137 = arith.constant 48 : index
          %get3A_138 = tpu.vector_load %arg11[%get3A_136, %get3A_137] {strides = array<i32>} : memref<128x64xf32, #tpu.memory_space<vmem>>, vector<1x16xf32>,
          %get3A_139 = vector.shape_cast %get3A_138 : vector<1x16xf32> to vector<16xf32>
          %add3A_140 = arith.addf %add3A_135, %get3A_139 : vector<16xf32>
          %max3A_141 = arith.constant 0.000000e+00 : f32
          %max3A_142 = vector.broadcast %max3A_141 : f32 to vector<16xf32>
          %max3A_143 = arith.maximumf %add3A_140, %max3A_142 : vector<16xf32>
          %swap3A_144 = arith.index_cast %scan3A_63 : i32 to index
          %swap3A_145 = arith.constant 48 : index
          %swap3A_146 = tpu.vector_load %arg11[%swap3A_144, %swap3A_145] {strides = array<i32>} : memref<128x64xf32, #tpu.memory_space<vmem>>, vector<1x16xf32>,
          %swap3A_147 = vector.shape_cast %swap3A_146 : vector<1x16xf32> to vector<16xf32>
          %swap3A_148 = vector.shape_cast %max3A_143 : vector<16xf32> to vector<1x16xf32>
          tpu.vector_store %arg11[%swap3A_144, %swap3A_145], %swap3A_148 {strides = array<i32>} : memref<128x64xf32, #tpu.memory_space<vmem>>, vector<1x16xf32>,
        }
        %scan3A_62 = arith.constant 128 : i32
        "tpu.region"() ({
          %run_scoped3A_63 = tpu.sem_alloc : memref<!tpu.dma_semaphore, #tpu.memory_space<semaphore_mem>>
          %dma_start3A_64 = arith.constant 0 : i32
          %dma_start3A_65 = arith.constant 0 : i32
          %dma_start3A_66 = tpu.memref_slice %arg13[%dma_start3A_64, %dma_start3A_65] : memref<10240x64xf32, #tpu.memory_space<vmem_shared>> -> memref<10240x64xf32, #tpu.memory_space<vmem_shared>>
          tpu.enqueue_indirect_dma source(%arg11 : memref<128x64xf32, #tpu.memory_space<vmem>>) target(%dma_start3A_66 : memref<10240x64xf32, #tpu.memory_space<vmem_shared>>) offsets(%arg8 : memref<128xi32, #tpu.memory_space<vmem>>) semaphore(%run_scoped3A_63 : memref<!tpu.dma_semaphore, #tpu.memory_space<semaphore_mem>>) {add = true}
          %dma_wait3A_67 = arith.constant 0 : i32
          %dma_wait3A_68 = arith.constant 0 : i32
          %dma_wait3A_69 = tpu.memref_slice %arg13[%dma_wait3A_67, %dma_wait3A_68] : memref<10240x64xf32, #tpu.memory_space<vmem_shared>> -> memref<10240x64xf32, #tpu.memory_space<vmem_shared>>
          tpu.wait_indirect_dma semaphore(%run_scoped3A_63 : memref<!tpu.dma_semaphore, #tpu.memory_space<semaphore_mem>>) src(%arg11 : memref<128x64xf32, #tpu.memory_space<vmem>>) dst(%dma_wait3A_69 : memref<10240x64xf32, #tpu.memory_space<vmem_shared>>)
          tpu.yield
        }) : () -> ()
      } else {
      }
    }
    %scan3A_32 = arith.constant 79 : i32
    %barrier3A_33 = arith.constant 0 : index
    tpu.barrier barrier_id(%barrier3A_33)
    %mul3A_34 = arith.constant 640 : i32
    %mul3A_35 = arith.muli %arg1, %mul3A_34 : i32
    %mul3A_36 = arith.constant 640 : i32
    %mul3A_37 = arith.muli %arg1, %mul3A_36 : i32
    "tpu.region"() ({
      %run_scoped3A = tpu.sem_alloc : memref<!tpu.dma_semaphore, #tpu.memory_space<semaphore_mem>>
      %dma_start3A = arith.constant 0 : i32
      %dma_start3A_38 = tpu.memref_slice %arg6[%arg0, %mul3A_37, %dma_start3A] : memref<2x10240x64xf32, #tpu.memory_space<hbm>> -> memref<1x640x64xf32, #tpu.memory_space<hbm>>
      %dma_start3A_39 = tpu.memref_squeeze %dma_start3A_38 : memref<1x640x64xf32, #tpu.memory_space<hbm>> -> memref<640x64xf32, #tpu.memory_space<hbm>>
      %dma_start3A_40 = arith.constant 0 : i32
      %dma_start3A_41 = tpu.memref_slice %arg13[%mul3A_35, %dma_start3A_40] : memref<10240x64xf32, #tpu.memory_space<vmem_shared>> -> memref<640x64xf32, #tpu.memory_space<vmem_shared>>
      tpu.enqueue_dma source(%dma_start3A_41 : memref<640x64xf32, #tpu.memory_space<vmem_shared>>) target(%dma_start3A_39 : memref<640x64xf32, #tpu.memory_space<hbm>>) target_semaphore(%run_scoped3A : memref<!tpu.dma_semaphore, #tpu.memory_space<semaphore_mem>>)
      %dma_wait3A = arith.constant 0 : i32
      %dma_wait3A_42 = tpu.memref_slice %arg6[%arg0, %mul3A_37, %dma_wait3A] : memref<2x10240x64xf32, #tpu.memory_space<hbm>> -> memref<1x640x64xf32, #tpu.memory_space<hbm>>
      %dma_wait3A_43 = tpu.memref_squeeze %dma_wait3A_42 : memref<1x640x64xf32, #tpu.memory_space<hbm>> -> memref<640x64xf32, #tpu.memory_space<hbm>>
      %dma_wait3A_44 = arith.constant 0 : i32
      %dma_wait3A_45 = tpu.memref_slice %arg13[%mul3A_35, %dma_wait3A_44] : memref<10240x64xf32, #tpu.memory_space<vmem_shared>> -> memref<640x64xf32, #tpu.memory_space<vmem_shared>>
      tpu.wait_dma2 semaphore(%run_scoped3A : memref<!tpu.dma_semaphore, #tpu.memory_space<semaphore_mem>>) src(%dma_wait3A_45 : memref<640x64xf32, #tpu.memory_space<vmem_shared>>) dst(%dma_wait3A_43 : memref<640x64xf32, #tpu.memory_space<hbm>>)
      tpu.yield
    }) : () -> ()
    return
  }
}

#map = affine_map<(d0, d1) -> (0, 0)>
#map1 = affine_map<(d0, d1) -> (0, 0, 0)>
module attributes {stable_mosaic.version = 14 : i64} {
  func.func @_mp_body(%arg0: i32, %arg1: i32, %arg2: memref<10000x64xf32, #tpu.memory_space<hbm>>, %arg3: memref<10000x64xf32, #tpu.memory_space<hbm>>, %arg4: memref<320000x64xf32, #tpu.memory_space<hbm>>, %arg5: memref<2x320000xi32, #tpu.memory_space<hbm>>, %arg6: memref<2x10240x64xf32, #tpu.memory_space<hbm>>, %arg7: memref<128xi32, #tpu.memory_space<vmem>>, %arg8: memref<128xi32, #tpu.memory_space<vmem>>, %arg9: memref<128x64xf32, #tpu.memory_space<vmem>>, %arg10: memref<128x64xf32, #tpu.memory_space<vmem>>, %arg11: memref<128x64xf32, #tpu.memory_space<vmem>>, %arg12: memref<128x64xf32, #tpu.memory_space<vmem>>, %arg13: memref<10240x64xf32, #tpu.memory_space<vmem_shared>>, %arg14: memref<!tpu.dma_semaphore, #tpu.memory_space<semaphore_mem>>, %arg15: memref<!tpu.dma_semaphore, #tpu.memory_space<semaphore_mem>>) attributes {dimension_semantics = [#tpu.dimension_semantics<core_parallel>, #tpu.dimension_semantics<subcore_parallel>], iteration_bounds = array<i64: 2, 16>, scalar_prefetch = 0 : i64, scratch_operands = 9 : i64, tpu.core_type = #tpu.core_type<sc_vector_subcore>, window_params = [{transform_indices = #map}, {transform_indices = #map}, {transform_indices = #map}, {transform_indices = #map}, {transform_indices = #map1}]} {
    %mul3A = arith.constant 2 : i32
    %mul3A_0 = arith.muli %arg1, %mul3A : i32
    %add3A = arith.addi %mul3A_0, %arg0 : i32
    %broadcast_in_dim3A = arith.constant 0.000000e+00 : f32
    %broadcast_in_dim3A_1 = vector.broadcast %broadcast_in_dim3A : f32 to vector<16xf32>
    %scan3A = arith.constant 0 : i32
    %scan3A_2 = arith.constant 0 : i32
    %scan3A_3 = arith.constant 128 : i32
    %scan3A_4 = arith.addi %scan3A_2, %scan3A_3 : i32
    %scan3A_5 = arith.constant 1 : i32
    scf.for %scan3A_38 = %scan3A_2 to %scan3A_4 step %scan3A_5  : i32 {
      %swap3A = arith.index_cast %scan3A_38 : i32 to index
      %swap3A_39 = arith.constant 0 : index
      %swap3A_40 = tpu.vector_load %arg12[%swap3A, %swap3A_39] {strides = array<i32>} : memref<128x64xf32, #tpu.memory_space<vmem>>, vector<1x16xf32>,
      %swap3A_41 = vector.shape_cast %swap3A_40 : vector<1x16xf32> to vector<16xf32>
      %swap3A_42 = vector.shape_cast %broadcast_in_dim3A_1 : vector<16xf32> to vector<1x16xf32>
      tpu.vector_store %arg12[%swap3A, %swap3A_39], %swap3A_42 {strides = array<i32>} : memref<128x64xf32, #tpu.memory_space<vmem>>, vector<1x16xf32>,
      %swap3A_43 = arith.index_cast %scan3A_38 : i32 to index
      %swap3A_44 = arith.constant 16 : index
      %swap3A_45 = tpu.vector_load %arg12[%swap3A_43, %swap3A_44] {strides = array<i32>} : memref<128x64xf32, #tpu.memory_space<vmem>>, vector<1x16xf32>,
      %swap3A_46 = vector.shape_cast %swap3A_45 : vector<1x16xf32> to vector<16xf32>
      %swap3A_47 = vector.shape_cast %broadcast_in_dim3A_1 : vector<16xf32> to vector<1x16xf32>
      tpu.vector_store %arg12[%swap3A_43, %swap3A_44], %swap3A_47 {strides = array<i32>} : memref<128x64xf32, #tpu.memory_space<vmem>>, vector<1x16xf32>,
      %swap3A_48 = arith.index_cast %scan3A_38 : i32 to index
      %swap3A_49 = arith.constant 32 : index
      %swap3A_50 = tpu.vector_load %arg12[%swap3A_48, %swap3A_49] {strides = array<i32>} : memref<128x64xf32, #tpu.memory_space<vmem>>, vector<1x16xf32>,
      %swap3A_51 = vector.shape_cast %swap3A_50 : vector<1x16xf32> to vector<16xf32>
      %swap3A_52 = vector.shape_cast %broadcast_in_dim3A_1 : vector<16xf32> to vector<1x16xf32>
      tpu.vector_store %arg12[%swap3A_48, %swap3A_49], %swap3A_52 {strides = array<i32>} : memref<128x64xf32, #tpu.memory_space<vmem>>, vector<1x16xf32>,
      %swap3A_53 = arith.index_cast %scan3A_38 : i32 to index
      %swap3A_54 = arith.constant 48 : index
      %swap3A_55 = tpu.vector_load %arg12[%swap3A_53, %swap3A_54] {strides = array<i32>} : memref<128x64xf32, #tpu.memory_space<vmem>>, vector<1x16xf32>,
      %swap3A_56 = vector.shape_cast %swap3A_55 : vector<1x16xf32> to vector<16xf32>
      %swap3A_57 = vector.shape_cast %broadcast_in_dim3A_1 : vector<16xf32> to vector<1x16xf32>
      tpu.vector_store %arg12[%swap3A_53, %swap3A_54], %swap3A_57 {strides = array<i32>} : memref<128x64xf32, #tpu.memory_space<vmem>>, vector<1x16xf32>,
    }
    %scan3A_6 = arith.constant 128 : i32
    %mul3A_7 = arith.constant 640 : i32
    %mul3A_8 = arith.muli %arg1, %mul3A_7 : i32
    %add3A_9 = arith.constant 0 : i32
    %add3A_10 = arith.addi %mul3A_8, %add3A_9 : i32
    "tpu.region"() ({
      %run_scoped3A = tpu.sem_alloc : memref<!tpu.dma_semaphore, #tpu.memory_space<semaphore_mem>>
      %dma_start3A = arith.constant 0 : i32
      %dma_start3A_38 = tpu.memref_slice %arg13[%add3A_10, %dma_start3A] : memref<10240x64xf32, #tpu.memory_space<vmem_shared>> -> memref<128x64xf32, #tpu.memory_space<vmem_shared>>
      %dma_start3A_39 = arith.constant 0 : i32
      %dma_start3A_40 = tpu.memref_slice %arg13[%add3A_10, %dma_start3A_39] : memref<10240x64xf32, #tpu.memory_space<vmem_shared>> -> memref<128x64xf32, #tpu.memory_space<vmem_shared>>
      tpu.enqueue_dma source(%arg12 : memref<128x64xf32, #tpu.memory_space<vmem>>) target(%dma_start3A_40 : memref<128x64xf32, #tpu.memory_space<vmem_shared>>) target_semaphore(%run_scoped3A : memref<!tpu.dma_semaphore, #tpu.memory_space<semaphore_mem>>)
      %dma_wait3A = arith.constant 0 : i32
      %dma_wait3A_41 = tpu.memref_slice %arg13[%add3A_10, %dma_wait3A] : memref<10240x64xf32, #tpu.memory_space<vmem_shared>> -> memref<128x64xf32, #tpu.memory_space<vmem_shared>>
      %dma_wait3A_42 = arith.constant 0 : i32
      %dma_wait3A_43 = tpu.memref_slice %arg13[%add3A_10, %dma_wait3A_42] : memref<10240x64xf32, #tpu.memory_space<vmem_shared>> -> memref<128x64xf32, #tpu.memory_space<vmem_shared>>
      tpu.wait_dma2 semaphore(%run_scoped3A : memref<!tpu.dma_semaphore, #tpu.memory_space<semaphore_mem>>) src(%arg12 : memref<128x64xf32, #tpu.memory_space<vmem>>) dst(%dma_wait3A_43 : memref<128x64xf32, #tpu.memory_space<vmem_shared>>)
      tpu.yield
    }) : () -> ()
    %mul3A_11 = arith.constant 640 : i32
    %mul3A_12 = arith.muli %arg1, %mul3A_11 : i32
    %add3A_13 = arith.constant 128 : i32
    %add3A_14 = arith.addi %mul3A_12, %add3A_13 : i32
    "tpu.region"() ({
      %run_scoped3A = tpu.sem_alloc : memref<!tpu.dma_semaphore, #tpu.memory_space<semaphore_mem>>
      %dma_start3A = arith.constant 0 : i32
      %dma_start3A_38 = tpu.memref_slice %arg13[%add3A_14, %dma_start3A] : memref<10240x64xf32, #tpu.memory_space<vmem_shared>> -> memref<128x64xf32, #tpu.memory_space<vmem_shared>>
      %dma_start3A_39 = arith.constant 0 : i32
      %dma_start3A_40 = tpu.memref_slice %arg13[%add3A_14, %dma_start3A_39] : memref<10240x64xf32, #tpu.memory_space<vmem_shared>> -> memref<128x64xf32, #tpu.memory_space<vmem_shared>>
      tpu.enqueue_dma source(%arg12 : memref<128x64xf32, #tpu.memory_space<vmem>>) target(%dma_start3A_40 : memref<128x64xf32, #tpu.memory_space<vmem_shared>>) target_semaphore(%run_scoped3A : memref<!tpu.dma_semaphore, #tpu.memory_space<semaphore_mem>>)
      %dma_wait3A = arith.constant 0 : i32
      %dma_wait3A_41 = tpu.memref_slice %arg13[%add3A_14, %dma_wait3A] : memref<10240x64xf32, #tpu.memory_space<vmem_shared>> -> memref<128x64xf32, #tpu.memory_space<vmem_shared>>
      %dma_wait3A_42 = arith.constant 0 : i32
      %dma_wait3A_43 = tpu.memref_slice %arg13[%add3A_14, %dma_wait3A_42] : memref<10240x64xf32, #tpu.memory_space<vmem_shared>> -> memref<128x64xf32, #tpu.memory_space<vmem_shared>>
      tpu.wait_dma2 semaphore(%run_scoped3A : memref<!tpu.dma_semaphore, #tpu.memory_space<semaphore_mem>>) src(%arg12 : memref<128x64xf32, #tpu.memory_space<vmem>>) dst(%dma_wait3A_43 : memref<128x64xf32, #tpu.memory_space<vmem_shared>>)
      tpu.yield
    }) : () -> ()
    %mul3A_15 = arith.constant 640 : i32
    %mul3A_16 = arith.muli %arg1, %mul3A_15 : i32
    %add3A_17 = arith.constant 256 : i32
    %add3A_18 = arith.addi %mul3A_16, %add3A_17 : i32
    "tpu.region"() ({
      %run_scoped3A = tpu.sem_alloc : memref<!tpu.dma_semaphore, #tpu.memory_space<semaphore_mem>>
      %dma_start3A = arith.constant 0 : i32
      %dma_start3A_38 = tpu.memref_slice %arg13[%add3A_18, %dma_start3A] : memref<10240x64xf32, #tpu.memory_space<vmem_shared>> -> memref<128x64xf32, #tpu.memory_space<vmem_shared>>
      %dma_start3A_39 = arith.constant 0 : i32
      %dma_start3A_40 = tpu.memref_slice %arg13[%add3A_18, %dma_start3A_39] : memref<10240x64xf32, #tpu.memory_space<vmem_shared>> -> memref<128x64xf32, #tpu.memory_space<vmem_shared>>
      tpu.enqueue_dma source(%arg12 : memref<128x64xf32, #tpu.memory_space<vmem>>) target(%dma_start3A_40 : memref<128x64xf32, #tpu.memory_space<vmem_shared>>) target_semaphore(%run_scoped3A : memref<!tpu.dma_semaphore, #tpu.memory_space<semaphore_mem>>)
      %dma_wait3A = arith.constant 0 : i32
      %dma_wait3A_41 = tpu.memref_slice %arg13[%add3A_18, %dma_wait3A] : memref<10240x64xf32, #tpu.memory_space<vmem_shared>> -> memref<128x64xf32, #tpu.memory_space<vmem_shared>>
      %dma_wait3A_42 = arith.constant 0 : i32
      %dma_wait3A_43 = tpu.memref_slice %arg13[%add3A_18, %dma_wait3A_42] : memref<10240x64xf32, #tpu.memory_space<vmem_shared>> -> memref<128x64xf32, #tpu.memory_space<vmem_shared>>
      tpu.wait_dma2 semaphore(%run_scoped3A : memref<!tpu.dma_semaphore, #tpu.memory_space<semaphore_mem>>) src(%arg12 : memref<128x64xf32, #tpu.memory_space<vmem>>) dst(%dma_wait3A_43 : memref<128x64xf32, #tpu.memory_space<vmem_shared>>)
      tpu.yield
    }) : () -> ()
    %mul3A_19 = arith.constant 640 : i32
    %mul3A_20 = arith.muli %arg1, %mul3A_19 : i32
    %add3A_21 = arith.constant 384 : i32
    %add3A_22 = arith.addi %mul3A_20, %add3A_21 : i32
    "tpu.region"() ({
      %run_scoped3A = tpu.sem_alloc : memref<!tpu.dma_semaphore, #tpu.memory_space<semaphore_mem>>
      %dma_start3A = arith.constant 0 : i32
      %dma_start3A_38 = tpu.memref_slice %arg13[%add3A_22, %dma_start3A] : memref<10240x64xf32, #tpu.memory_space<vmem_shared>> -> memref<128x64xf32, #tpu.memory_space<vmem_shared>>
      %dma_start3A_39 = arith.constant 0 : i32
      %dma_start3A_40 = tpu.memref_slice %arg13[%add3A_22, %dma_start3A_39] : memref<10240x64xf32, #tpu.memory_space<vmem_shared>> -> memref<128x64xf32, #tpu.memory_space<vmem_shared>>
      tpu.enqueue_dma source(%arg12 : memref<128x64xf32, #tpu.memory_space<vmem>>) target(%dma_start3A_40 : memref<128x64xf32, #tpu.memory_space<vmem_shared>>) target_semaphore(%run_scoped3A : memref<!tpu.dma_semaphore, #tpu.memory_space<semaphore_mem>>)
      %dma_wait3A = arith.constant 0 : i32
      %dma_wait3A_41 = tpu.memref_slice %arg13[%add3A_22, %dma_wait3A] : memref<10240x64xf32, #tpu.memory_space<vmem_shared>> -> memref<128x64xf32, #tpu.memory_space<vmem_shared>>
      %dma_wait3A_42 = arith.constant 0 : i32
      %dma_wait3A_43 = tpu.memref_slice %arg13[%add3A_22, %dma_wait3A_42] : memref<10240x64xf32, #tpu.memory_space<vmem_shared>> -> memref<128x64xf32, #tpu.memory_space<vmem_shared>>
      tpu.wait_dma2 semaphore(%run_scoped3A : memref<!tpu.dma_semaphore, #tpu.memory_space<semaphore_mem>>) src(%arg12 : memref<128x64xf32, #tpu.memory_space<vmem>>) dst(%dma_wait3A_43 : memref<128x64xf32, #tpu.memory_space<vmem_shared>>)
      tpu.yield
    }) : () -> ()
    %mul3A_23 = arith.constant 640 : i32
    %mul3A_24 = arith.muli %arg1, %mul3A_23 : i32
    %add3A_25 = arith.constant 512 : i32
    %add3A_26 = arith.addi %mul3A_24, %add3A_25 : i32
    "tpu.region"() ({
      %run_scoped3A = tpu.sem_alloc : memref<!tpu.dma_semaphore, #tpu.memory_space<semaphore_mem>>
      %dma_start3A = arith.constant 0 : i32
      %dma_start3A_38 = tpu.memref_slice %arg13[%add3A_26, %dma_start3A] : memref<10240x64xf32, #tpu.memory_space<vmem_shared>> -> memref<128x64xf32, #tpu.memory_space<vmem_shared>>
      %dma_start3A_39 = arith.constant 0 : i32
      %dma_start3A_40 = tpu.memref_slice %arg13[%add3A_26, %dma_start3A_39] : memref<10240x64xf32, #tpu.memory_space<vmem_shared>> -> memref<128x64xf32, #tpu.memory_space<vmem_shared>>
      tpu.enqueue_dma source(%arg12 : memref<128x64xf32, #tpu.memory_space<vmem>>) target(%dma_start3A_40 : memref<128x64xf32, #tpu.memory_space<vmem_shared>>) target_semaphore(%run_scoped3A : memref<!tpu.dma_semaphore, #tpu.memory_space<semaphore_mem>>)
      %dma_wait3A = arith.constant 0 : i32
      %dma_wait3A_41 = tpu.memref_slice %arg13[%add3A_26, %dma_wait3A] : memref<10240x64xf32, #tpu.memory_space<vmem_shared>> -> memref<128x64xf32, #tpu.memory_space<vmem_shared>>
      %dma_wait3A_42 = arith.constant 0 : i32
      %dma_wait3A_43 = tpu.memref_slice %arg13[%add3A_26, %dma_wait3A_42] : memref<10240x64xf32, #tpu.memory_space<vmem_shared>> -> memref<128x64xf32, #tpu.memory_space<vmem_shared>>
      tpu.wait_dma2 semaphore(%run_scoped3A : memref<!tpu.dma_semaphore, #tpu.memory_space<semaphore_mem>>) src(%arg12 : memref<128x64xf32, #tpu.memory_space<vmem>>) dst(%dma_wait3A_43 : memref<128x64xf32, #tpu.memory_space<vmem_shared>>)
      tpu.yield
    }) : () -> ()
    %barrier3A = arith.constant 0 : index
    tpu.barrier barrier_id(%barrier3A)
    %scan3A_27 = arith.constant 0 : i32
    %scan3A_28 = arith.constant 0 : i32
    %scan3A_29 = arith.constant 79 : i32
    %scan3A_30 = arith.addi %scan3A_28, %scan3A_29 : i32
    %scan3A_31 = arith.constant 1 : i32
    scf.for %scan3A_38 = %scan3A_28 to %scan3A_30 step %scan3A_31  : i32 {
      %mul3A_39 = arith.constant 32 : i32
      %mul3A_40 = arith.muli %mul3A_39, %scan3A_38 : i32
      %add3A_41 = arith.addi %add3A, %mul3A_40 : i32
      %lt3A = arith.constant 2500 : i32
      %lt3A_42 = arith.cmpi slt, %add3A_41, %lt3A : i32
      %convert_element_type3A = arith.extui %lt3A_42 : i1 to i32
      %cond3A = arith.constant 0 : i32
      %cond3A_43 = arith.cmpi ne, %convert_element_type3A, %cond3A : i32
      scf.if %cond3A_43 {
        %mul3A_44 = arith.constant 128 : i32
        %mul3A_45 = arith.muli %add3A_41, %mul3A_44 : i32
        %run_scoped3A = arith.constant 0 : i32
        "tpu.region"() ({
          %run_scoped3A_63 = tpu.sem_alloc : memref<!tpu.dma_semaphore, #tpu.memory_space<semaphore_mem>>
          %dma_start3A_64 = tpu.memref_slice %arg5[%run_scoped3A, %mul3A_45] : memref<2x320000xi32, #tpu.memory_space<hbm>> -> memref<1x128xi32, #tpu.memory_space<hbm>>
          %dma_start3A_65 = tpu.memref_squeeze %dma_start3A_64 : memref<1x128xi32, #tpu.memory_space<hbm>> -> memref<128xi32, #tpu.memory_space<hbm>>
          %dma_start3A_66 = tpu.memref_slice %arg5[%run_scoped3A, %mul3A_45] : memref<2x320000xi32, #tpu.memory_space<hbm>> -> memref<1x128xi32, #tpu.memory_space<hbm>>
          %dma_start3A_67 = tpu.memref_squeeze %dma_start3A_66 : memref<1x128xi32, #tpu.memory_space<hbm>> -> memref<128xi32, #tpu.memory_space<hbm>>
          tpu.enqueue_dma source(%dma_start3A_67 : memref<128xi32, #tpu.memory_space<hbm>>) target(%arg7 : memref<128xi32, #tpu.memory_space<vmem>>) target_semaphore(%run_scoped3A_63 : memref<!tpu.dma_semaphore, #tpu.memory_space<semaphore_mem>>)
          %dma_wait3A_68 = tpu.memref_slice %arg5[%run_scoped3A, %mul3A_45] : memref<2x320000xi32, #tpu.memory_space<hbm>> -> memref<1x128xi32, #tpu.memory_space<hbm>>
          %dma_wait3A_69 = tpu.memref_squeeze %dma_wait3A_68 : memref<1x128xi32, #tpu.memory_space<hbm>> -> memref<128xi32, #tpu.memory_space<hbm>>
          %dma_wait3A_70 = tpu.memref_slice %arg5[%run_scoped3A, %mul3A_45] : memref<2x320000xi32, #tpu.memory_space<hbm>> -> memref<1x128xi32, #tpu.memory_space<hbm>>
          %dma_wait3A_71 = tpu.memref_squeeze %dma_wait3A_70 : memref<1x128xi32, #tpu.memory_space<hbm>> -> memref<128xi32, #tpu.memory_space<hbm>>
          tpu.wait_dma2 semaphore(%run_scoped3A_63 : memref<!tpu.dma_semaphore, #tpu.memory_space<semaphore_mem>>) src(%dma_wait3A_71 : memref<128xi32, #tpu.memory_space<hbm>>) dst(%arg7 : memref<128xi32, #tpu.memory_space<vmem>>)
          tpu.yield
        }) : () -> ()
        %run_scoped3A_46 = arith.constant 1 : i32
        "tpu.region"() ({
          %run_scoped3A_63 = tpu.sem_alloc : memref<!tpu.dma_semaphore, #tpu.memory_space<semaphore_mem>>
          %dma_start3A_64 = tpu.memref_slice %arg5[%run_scoped3A_46, %mul3A_45] : memref<2x320000xi32, #tpu.memory_space<hbm>> -> memref<1x128xi32, #tpu.memory_space<hbm>>
          %dma_start3A_65 = tpu.memref_squeeze %dma_start3A_64 : memref<1x128xi32, #tpu.memory_space<hbm>> -> memref<128xi32, #tpu.memory_space<hbm>>
          %dma_start3A_66 = tpu.memref_slice %arg5[%run_scoped3A_46, %mul3A_45] : memref<2x320000xi32, #tpu.memory_space<hbm>> -> memref<1x128xi32, #tpu.memory_space<hbm>>
          %dma_start3A_67 = tpu.memref_squeeze %dma_start3A_66 : memref<1x128xi32, #tpu.memory_space<hbm>> -> memref<128xi32, #tpu.memory_space<hbm>>
          tpu.enqueue_dma source(%dma_start3A_67 : memref<128xi32, #tpu.memory_space<hbm>>) target(%arg8 : memref<128xi32, #tpu.memory_space<vmem>>) target_semaphore(%run_scoped3A_63 : memref<!tpu.dma_semaphore, #tpu.memory_space<semaphore_mem>>)
          %dma_wait3A_68 = tpu.memref_slice %arg5[%run_scoped3A_46, %mul3A_45] : memref<2x320000xi32, #tpu.memory_space<hbm>> -> memref<1x128xi32, #tpu.memory_space<hbm>>
          %dma_wait3A_69 = tpu.memref_squeeze %dma_wait3A_68 : memref<1x128xi32, #tpu.memory_space<hbm>> -> memref<128xi32, #tpu.memory_space<hbm>>
          %dma_wait3A_70 = tpu.memref_slice %arg5[%run_scoped3A_46, %mul3A_45] : memref<2x320000xi32, #tpu.memory_space<hbm>> -> memref<1x128xi32, #tpu.memory_space<hbm>>
          %dma_wait3A_71 = tpu.memref_squeeze %dma_wait3A_70 : memref<1x128xi32, #tpu.memory_space<hbm>> -> memref<128xi32, #tpu.memory_space<hbm>>
          tpu.wait_dma2 semaphore(%run_scoped3A_63 : memref<!tpu.dma_semaphore, #tpu.memory_space<semaphore_mem>>) src(%dma_wait3A_71 : memref<128xi32, #tpu.memory_space<hbm>>) dst(%arg8 : memref<128xi32, #tpu.memory_space<vmem>>)
          tpu.yield
        }) : () -> ()
        %dma_start3A = arith.constant 0 : i32
        %dma_start3A_47 = arith.constant 0 : i32
        %dma_start3A_48 = tpu.memref_slice %arg2[%dma_start3A, %dma_start3A_47] : memref<10000x64xf32, #tpu.memory_space<hbm>> -> memref<10000x64xf32, #tpu.memory_space<hbm>>
        tpu.enqueue_indirect_dma source(%dma_start3A_48 : memref<10000x64xf32, #tpu.memory_space<hbm>>) target(%arg9 : memref<128x64xf32, #tpu.memory_space<vmem>>) offsets(%arg7 : memref<128xi32, #tpu.memory_space<vmem>>) semaphore(%arg14 : memref<!tpu.dma_semaphore, #tpu.memory_space<semaphore_mem>>)
        %dma_start3A_49 = arith.constant 0 : i32
        %dma_start3A_50 = arith.constant 0 : i32
        %dma_start3A_51 = tpu.memref_slice %arg3[%dma_start3A_49, %dma_start3A_50] : memref<10000x64xf32, #tpu.memory_space<hbm>> -> memref<10000x64xf32, #tpu.memory_space<hbm>>
        tpu.enqueue_indirect_dma source(%dma_start3A_51 : memref<10000x64xf32, #tpu.memory_space<hbm>>) target(%arg10 : memref<128x64xf32, #tpu.memory_space<vmem>>) offsets(%arg8 : memref<128xi32, #tpu.memory_space<vmem>>) semaphore(%arg15 : memref<!tpu.dma_semaphore, #tpu.memory_space<semaphore_mem>>)
        "tpu.region"() ({
          %run_scoped3A_63 = tpu.sem_alloc : memref<!tpu.dma_semaphore, #tpu.memory_space<semaphore_mem>>
          %dma_start3A_64 = arith.constant 0 : i32
          %dma_start3A_65 = tpu.memref_slice %arg4[%mul3A_45, %dma_start3A_64] : memref<320000x64xf32, #tpu.memory_space<hbm>> -> memref<128x64xf32, #tpu.memory_space<hbm>>
          %dma_start3A_66 = arith.constant 0 : i32
          %dma_start3A_67 = tpu.memref_slice %arg4[%mul3A_45, %dma_start3A_66] : memref<320000x64xf32, #tpu.memory_space<hbm>> -> memref<128x64xf32, #tpu.memory_space<hbm>>
          tpu.enqueue_dma source(%dma_start3A_67 : memref<128x64xf32, #tpu.memory_space<hbm>>) target(%arg11 : memref<128x64xf32, #tpu.memory_space<vmem>>) target_semaphore(%run_scoped3A_63 : memref<!tpu.dma_semaphore, #tpu.memory_space<semaphore_mem>>)
          %dma_wait3A_68 = arith.constant 0 : i32
          %dma_wait3A_69 = tpu.memref_slice %arg4[%mul3A_45, %dma_wait3A_68] : memref<320000x64xf32, #tpu.memory_space<hbm>> -> memref<128x64xf32, #tpu.memory_space<hbm>>
          %dma_wait3A_70 = arith.constant 0 : i32
          %dma_wait3A_71 = tpu.memref_slice %arg4[%mul3A_45, %dma_wait3A_70] : memref<320000x64xf32, #tpu.memory_space<hbm>> -> memref<128x64xf32, #tpu.memory_space<hbm>>
          tpu.wait_dma2 semaphore(%run_scoped3A_63 : memref<!tpu.dma_semaphore, #tpu.memory_space<semaphore_mem>>) src(%dma_wait3A_71 : memref<128x64xf32, #tpu.memory_space<hbm>>) dst(%arg11 : memref<128x64xf32, #tpu.memory_space<vmem>>)
          tpu.yield
        }) : () -> ()
        %dma_wait3A = arith.constant 0 : i32
        %dma_wait3A_52 = arith.constant 0 : i32
        %dma_wait3A_53 = tpu.memref_slice %arg2[%dma_wait3A, %dma_wait3A_52] : memref<10000x64xf32, #tpu.memory_space<hbm>> -> memref<10000x64xf32, #tpu.memory_space<hbm>>
        tpu.wait_indirect_dma semaphore(%arg14 : memref<!tpu.dma_semaphore, #tpu.memory_space<semaphore_mem>>) src(%dma_wait3A_53 : memref<10000x64xf32, #tpu.memory_space<hbm>>) dst(%arg9 : memref<128x64xf32, #tpu.memory_space<vmem>>)
        %dma_wait3A_54 = arith.constant 0 : i32
        %dma_wait3A_55 = arith.constant 0 : i32
        %dma_wait3A_56 = tpu.memref_slice %arg3[%dma_wait3A_54, %dma_wait3A_55] : memref<10000x64xf32, #tpu.memory_space<hbm>> -> memref<10000x64xf32, #tpu.memory_space<hbm>>
        tpu.wait_indirect_dma semaphore(%arg15 : memref<!tpu.dma_semaphore, #tpu.memory_space<semaphore_mem>>) src(%dma_wait3A_56 : memref<10000x64xf32, #tpu.memory_space<hbm>>) dst(%arg10 : memref<128x64xf32, #tpu.memory_space<vmem>>)
        %scan3A_57 = arith.constant 0 : i32
        %scan3A_58 = arith.constant 0 : i32
        %scan3A_59 = arith.constant 128 : i32
        %scan3A_60 = arith.addi %scan3A_58, %scan3A_59 : i32
        %scan3A_61 = arith.constant 1 : i32
        scf.for %scan3A_63 = %scan3A_58 to %scan3A_60 step %scan3A_61  : i32 {
          %get3A = arith.index_cast %scan3A_63 : i32 to index
          %get3A_64 = arith.constant 0 : index
          %get3A_65 = tpu.vector_load %arg9[%get3A, %get3A_64] {strides = array<i32>} : memref<128x64xf32, #tpu.memory_space<vmem>>, vector<1x16xf32>,
          %get3A_66 = vector.shape_cast %get3A_65 : vector<1x16xf32> to vector<16xf32>
          %get3A_67 = arith.index_cast %scan3A_63 : i32 to index
          %get3A_68 = arith.constant 0 : index
          %get3A_69 = tpu.vector_load %arg10[%get3A_67, %get3A_68] {strides = array<i32>} : memref<128x64xf32, #tpu.memory_space<vmem>>, vector<1x16xf32>,
          %get3A_70 = vector.shape_cast %get3A_69 : vector<1x16xf32> to vector<16xf32>
          %add3A_71 = arith.addf %get3A_66, %get3A_70 : vector<16xf32>
          %get3A_72 = arith.index_cast %scan3A_63 : i32 to index
          %get3A_73 = arith.constant 0 : index
          %get3A_74 = tpu.vector_load %arg11[%get3A_72, %get3A_73] {strides = array<i32>} : memref<128x64xf32, #tpu.memory_space<vmem>>, vector<1x16xf32>,
          %get3A_75 = vector.shape_cast %get3A_74 : vector<1x16xf32> to vector<16xf32>
          %add3A_76 = arith.addf %add3A_71, %get3A_75 : vector<16xf32>
          %max3A = arith.constant 0.000000e+00 : f32
          %max3A_77 = vector.broadcast %max3A : f32 to vector<16xf32>
          %max3A_78 = arith.maximumf %add3A_76, %max3A_77 : vector<16xf32>
          %swap3A = arith.index_cast %scan3A_63 : i32 to index
          %swap3A_79 = arith.constant 0 : index
          %swap3A_80 = tpu.vector_load %arg11[%swap3A, %swap3A_79] {strides = array<i32>} : memref<128x64xf32, #tpu.memory_space<vmem>>, vector<1x16xf32>,
          %swap3A_81 = vector.shape_cast %swap3A_80 : vector<1x16xf32> to vector<16xf32>
          %swap3A_82 = vector.shape_cast %max3A_78 : vector<16xf32> to vector<1x16xf32>
          tpu.vector_store %arg11[%swap3A, %swap3A_79], %swap3A_82 {strides = array<i32>} : memref<128x64xf32, #tpu.memory_space<vmem>>, vector<1x16xf32>,
          %get3A_83 = arith.index_cast %scan3A_63 : i32 to index
          %get3A_84 = arith.constant 16 : index
          %get3A_85 = tpu.vector_load %arg9[%get3A_83, %get3A_84] {strides = array<i32>} : memref<128x64xf32, #tpu.memory_space<vmem>>, vector<1x16xf32>,
          %get3A_86 = vector.shape_cast %get3A_85 : vector<1x16xf32> to vector<16xf32>
          %get3A_87 = arith.index_cast %scan3A_63 : i32 to index
          %get3A_88 = arith.constant 16 : index
          %get3A_89 = tpu.vector_load %arg10[%get3A_87, %get3A_88] {strides = array<i32>} : memref<128x64xf32, #tpu.memory_space<vmem>>, vector<1x16xf32>,
          %get3A_90 = vector.shape_cast %get3A_89 : vector<1x16xf32> to vector<16xf32>
          %add3A_91 = arith.addf %get3A_86, %get3A_90 : vector<16xf32>
          %get3A_92 = arith.index_cast %scan3A_63 : i32 to index
          %get3A_93 = arith.constant 16 : index
          %get3A_94 = tpu.vector_load %arg11[%get3A_92, %get3A_93] {strides = array<i32>} : memref<128x64xf32, #tpu.memory_space<vmem>>, vector<1x16xf32>,
          %get3A_95 = vector.shape_cast %get3A_94 : vector<1x16xf32> to vector<16xf32>
          %add3A_96 = arith.addf %add3A_91, %get3A_95 : vector<16xf32>
          %max3A_97 = arith.constant 0.000000e+00 : f32
          %max3A_98 = vector.broadcast %max3A_97 : f32 to vector<16xf32>
          %max3A_99 = arith.maximumf %add3A_96, %max3A_98 : vector<16xf32>
          %swap3A_100 = arith.index_cast %scan3A_63 : i32 to index
          %swap3A_101 = arith.constant 16 : index
          %swap3A_102 = tpu.vector_load %arg11[%swap3A_100, %swap3A_101] {strides = array<i32>} : memref<128x64xf32, #tpu.memory_space<vmem>>, vector<1x16xf32>,
          %swap3A_103 = vector.shape_cast %swap3A_102 : vector<1x16xf32> to vector<16xf32>
          %swap3A_104 = vector.shape_cast %max3A_99 : vector<16xf32> to vector<1x16xf32>
          tpu.vector_store %arg11[%swap3A_100, %swap3A_101], %swap3A_104 {strides = array<i32>} : memref<128x64xf32, #tpu.memory_space<vmem>>, vector<1x16xf32>,
          %get3A_105 = arith.index_cast %scan3A_63 : i32 to index
          %get3A_106 = arith.constant 32 : index
          %get3A_107 = tpu.vector_load %arg9[%get3A_105, %get3A_106] {strides = array<i32>} : memref<128x64xf32, #tpu.memory_space<vmem>>, vector<1x16xf32>,
          %get3A_108 = vector.shape_cast %get3A_107 : vector<1x16xf32> to vector<16xf32>
          %get3A_109 = arith.index_cast %scan3A_63 : i32 to index
          %get3A_110 = arith.constant 32 : index
          %get3A_111 = tpu.vector_load %arg10[%get3A_109, %get3A_110] {strides = array<i32>} : memref<128x64xf32, #tpu.memory_space<vmem>>, vector<1x16xf32>,
          %get3A_112 = vector.shape_cast %get3A_111 : vector<1x16xf32> to vector<16xf32>
          %add3A_113 = arith.addf %get3A_108, %get3A_112 : vector<16xf32>
          %get3A_114 = arith.index_cast %scan3A_63 : i32 to index
          %get3A_115 = arith.constant 32 : index
          %get3A_116 = tpu.vector_load %arg11[%get3A_114, %get3A_115] {strides = array<i32>} : memref<128x64xf32, #tpu.memory_space<vmem>>, vector<1x16xf32>,
          %get3A_117 = vector.shape_cast %get3A_116 : vector<1x16xf32> to vector<16xf32>
          %add3A_118 = arith.addf %add3A_113, %get3A_117 : vector<16xf32>
          %max3A_119 = arith.constant 0.000000e+00 : f32
          %max3A_120 = vector.broadcast %max3A_119 : f32 to vector<16xf32>
          %max3A_121 = arith.maximumf %add3A_118, %max3A_120 : vector<16xf32>
          %swap3A_122 = arith.index_cast %scan3A_63 : i32 to index
          %swap3A_123 = arith.constant 32 : index
          %swap3A_124 = tpu.vector_load %arg11[%swap3A_122, %swap3A_123] {strides = array<i32>} : memref<128x64xf32, #tpu.memory_space<vmem>>, vector<1x16xf32>,
          %swap3A_125 = vector.shape_cast %swap3A_124 : vector<1x16xf32> to vector<16xf32>
          %swap3A_126 = vector.shape_cast %max3A_121 : vector<16xf32> to vector<1x16xf32>
          tpu.vector_store %arg11[%swap3A_122, %swap3A_123], %swap3A_126 {strides = array<i32>} : memref<128x64xf32, #tpu.memory_space<vmem>>, vector<1x16xf32>,
          %get3A_127 = arith.index_cast %scan3A_63 : i32 to index
          %get3A_128 = arith.constant 48 : index
          %get3A_129 = tpu.vector_load %arg9[%get3A_127, %get3A_128] {strides = array<i32>} : memref<128x64xf32, #tpu.memory_space<vmem>>, vector<1x16xf32>,
          %get3A_130 = vector.shape_cast %get3A_129 : vector<1x16xf32> to vector<16xf32>
          %get3A_131 = arith.index_cast %scan3A_63 : i32 to index
          %get3A_132 = arith.constant 48 : index
          %get3A_133 = tpu.vector_load %arg10[%get3A_131, %get3A_132] {strides = array<i32>} : memref<128x64xf32, #tpu.memory_space<vmem>>, vector<1x16xf32>,
          %get3A_134 = vector.shape_cast %get3A_133 : vector<1x16xf32> to vector<16xf32>
          %add3A_135 = arith.addf %get3A_130, %get3A_134 : vector<16xf32>
          %get3A_136 = arith.index_cast %scan3A_63 : i32 to index
          %get3A_137 = arith.constant 48 : index
          %get3A_138 = tpu.vector_load %arg11[%get3A_136, %get3A_137] {strides = array<i32>} : memref<128x64xf32, #tpu.memory_space<vmem>>, vector<1x16xf32>,
          %get3A_139 = vector.shape_cast %get3A_138 : vector<1x16xf32> to vector<16xf32>
          %add3A_140 = arith.addf %add3A_135, %get3A_139 : vector<16xf32>
          %max3A_141 = arith.constant 0.000000e+00 : f32
          %max3A_142 = vector.broadcast %max3A_141 : f32 to vector<16xf32>
          %max3A_143 = arith.maximumf %add3A_140, %max3A_142 : vector<16xf32>
          %swap3A_144 = arith.index_cast %scan3A_63 : i32 to index
          %swap3A_145 = arith.constant 48 : index
          %swap3A_146 = tpu.vector_load %arg11[%swap3A_144, %swap3A_145] {strides = array<i32>} : memref<128x64xf32, #tpu.memory_space<vmem>>, vector<1x16xf32>,
          %swap3A_147 = vector.shape_cast %swap3A_146 : vector<1x16xf32> to vector<16xf32>
          %swap3A_148 = vector.shape_cast %max3A_143 : vector<16xf32> to vector<1x16xf32>
          tpu.vector_store %arg11[%swap3A_144, %swap3A_145], %swap3A_148 {strides = array<i32>} : memref<128x64xf32, #tpu.memory_space<vmem>>, vector<1x16xf32>,
        }
        %scan3A_62 = arith.constant 128 : i32
        "tpu.region"() ({
          %run_scoped3A_63 = tpu.sem_alloc : memref<!tpu.dma_semaphore, #tpu.memory_space<semaphore_mem>>
          %dma_start3A_64 = arith.constant 0 : i32
          %dma_start3A_65 = arith.constant 0 : i32
          %dma_start3A_66 = tpu.memref_slice %arg13[%dma_start3A_64, %dma_start3A_65] : memref<10240x64xf32, #tpu.memory_space<vmem_shared>> -> memref<10240x64xf32, #tpu.memory_space<vmem_shared>>
          tpu.enqueue_indirect_dma source(%arg11 : memref<128x64xf32, #tpu.memory_space<vmem>>) target(%dma_start3A_66 : memref<10240x64xf32, #tpu.memory_space<vmem_shared>>) offsets(%arg8 : memref<128xi32, #tpu.memory_space<vmem>>) semaphore(%run_scoped3A_63 : memref<!tpu.dma_semaphore, #tpu.memory_space<semaphore_mem>>) {add = true}
          %dma_wait3A_67 = arith.constant 0 : i32
          %dma_wait3A_68 = arith.constant 0 : i32
          %dma_wait3A_69 = tpu.memref_slice %arg13[%dma_wait3A_67, %dma_wait3A_68] : memref<10240x64xf32, #tpu.memory_space<vmem_shared>> -> memref<10240x64xf32, #tpu.memory_space<vmem_shared>>
          tpu.wait_indirect_dma semaphore(%run_scoped3A_63 : memref<!tpu.dma_semaphore, #tpu.memory_space<semaphore_mem>>) src(%arg11 : memref<128x64xf32, #tpu.memory_space<vmem>>) dst(%dma_wait3A_69 : memref<10240x64xf32, #tpu.memory_space<vmem_shared>>)
          tpu.yield
        }) : () -> ()
      } else {
      }
    }
    %scan3A_32 = arith.constant 79 : i32
    %barrier3A_33 = arith.constant 0 : index
    tpu.barrier barrier_id(%barrier3A_33)
    %mul3A_34 = arith.constant 640 : i32
    %mul3A_35 = arith.muli %arg1, %mul3A_34 : i32
    %mul3A_36 = arith.constant 640 : i32
    %mul3A_37 = arith.muli %arg1, %mul3A_36 : i32
    "tpu.region"() ({
      %run_scoped3A = tpu.sem_alloc : memref<!tpu.dma_semaphore, #tpu.memory_space<semaphore_mem>>
      %dma_start3A = arith.constant 0 : i32
      %dma_start3A_38 = tpu.memref_slice %arg6[%arg0, %mul3A_37, %dma_start3A] : memref<2x10240x64xf32, #tpu.memory_space<hbm>> -> memref<1x640x64xf32, #tpu.memory_space<hbm>>
      %dma_start3A_39 = tpu.memref_squeeze %dma_start3A_38 : memref<1x640x64xf32, #tpu.memory_space<hbm>> -> memref<640x64xf32, #tpu.memory_space<hbm>>
      %dma_start3A_40 = arith.constant 0 : i32
      %dma_start3A_41 = tpu.memref_slice %arg13[%mul3A_35, %dma_start3A_40] : memref<10240x64xf32, #tpu.memory_space<vmem_shared>> -> memref<640x64xf32, #tpu.memory_space<vmem_shared>>
      tpu.enqueue_dma source(%dma_start3A_41 : memref<640x64xf32, #tpu.memory_space<vmem_shared>>) target(%dma_start3A_39 : memref<640x64xf32, #tpu.memory_space<hbm>>) target_semaphore(%run_scoped3A : memref<!tpu.dma_semaphore, #tpu.memory_space<semaphore_mem>>)
      %dma_wait3A = arith.constant 0 : i32
      %dma_wait3A_42 = tpu.memref_slice %arg6[%arg0, %mul3A_37, %dma_wait3A] : memref<2x10240x64xf32, #tpu.memory_space<hbm>> -> memref<1x640x64xf32, #tpu.memory_space<hbm>>
      %dma_wait3A_43 = tpu.memref_squeeze %dma_wait3A_42 : memref<1x640x64xf32, #tpu.memory_space<hbm>> -> memref<640x64xf32, #tpu.memory_space<hbm>>
      %dma_wait3A_44 = arith.constant 0 : i32
      %dma_wait3A_45 = tpu.memref_slice %arg13[%mul3A_35, %dma_wait3A_44] : memref<10240x64xf32, #tpu.memory_space<vmem_shared>> -> memref<640x64xf32, #tpu.memory_space<vmem_shared>>
      tpu.wait_dma2 semaphore(%run_scoped3A : memref<!tpu.dma_semaphore, #tpu.memory_space<semaphore_mem>>) src(%dma_wait3A_45 : memref<640x64xf32, #tpu.memory_space<vmem_shared>>) dst(%dma_wait3A_43 : memref<640x64xf32, #tpu.memory_space<hbm>>)
      tpu.yield
    }) : () -> ()
    return
  }
}

#map = affine_map<(d0, d1) -> (0, 0)>
#map1 = affine_map<(d0, d1) -> (0, 0, 0)>
module attributes {stable_mosaic.version = 14 : i64} {
  func.func @_mp_body(%arg0: i32, %arg1: i32, %arg2: memref<10000x64xf32, #tpu.memory_space<hbm>>, %arg3: memref<10000x64xf32, #tpu.memory_space<hbm>>, %arg4: memref<320000x64xf32, #tpu.memory_space<hbm>>, %arg5: memref<2x320000xi32, #tpu.memory_space<hbm>>, %arg6: memref<2x10240x64xf32, #tpu.memory_space<hbm>>, %arg7: memref<128xi32, #tpu.memory_space<vmem>>, %arg8: memref<128xi32, #tpu.memory_space<vmem>>, %arg9: memref<128x64xf32, #tpu.memory_space<vmem>>, %arg10: memref<128x64xf32, #tpu.memory_space<vmem>>, %arg11: memref<128x64xf32, #tpu.memory_space<vmem>>, %arg12: memref<128x64xf32, #tpu.memory_space<vmem>>, %arg13: memref<10240x64xf32, #tpu.memory_space<vmem_shared>>, %arg14: memref<!tpu.dma_semaphore, #tpu.memory_space<semaphore_mem>>, %arg15: memref<!tpu.dma_semaphore, #tpu.memory_space<semaphore_mem>>) attributes {dimension_semantics = [#tpu.dimension_semantics<core_parallel>, #tpu.dimension_semantics<subcore_parallel>], iteration_bounds = array<i64: 2, 16>, scalar_prefetch = 0 : i64, scratch_operands = 9 : i64, tpu.core_type = #tpu.core_type<sc_vector_subcore>, window_params = [{transform_indices = #map}, {transform_indices = #map}, {transform_indices = #map}, {transform_indices = #map}, {transform_indices = #map1}]} {
    %mul3A = arith.constant 2 : i32
    %mul3A_0 = arith.muli %arg1, %mul3A : i32
    %add3A = arith.addi %mul3A_0, %arg0 : i32
    %broadcast_in_dim3A = arith.constant 0.000000e+00 : f32
    %broadcast_in_dim3A_1 = vector.broadcast %broadcast_in_dim3A : f32 to vector<16xf32>
    %scan3A = arith.constant 0 : i32
    %scan3A_2 = arith.constant 0 : i32
    %scan3A_3 = arith.constant 128 : i32
    %scan3A_4 = arith.addi %scan3A_2, %scan3A_3 : i32
    %scan3A_5 = arith.constant 1 : i32
    scf.for %scan3A_38 = %scan3A_2 to %scan3A_4 step %scan3A_5  : i32 {
      %swap3A = arith.index_cast %scan3A_38 : i32 to index
      %swap3A_39 = arith.constant 0 : index
      %swap3A_40 = tpu.vector_load %arg12[%swap3A, %swap3A_39] {strides = array<i32>} : memref<128x64xf32, #tpu.memory_space<vmem>>, vector<1x16xf32>,
      %swap3A_41 = vector.shape_cast %swap3A_40 : vector<1x16xf32> to vector<16xf32>
      %swap3A_42 = vector.shape_cast %broadcast_in_dim3A_1 : vector<16xf32> to vector<1x16xf32>
      tpu.vector_store %arg12[%swap3A, %swap3A_39], %swap3A_42 {strides = array<i32>} : memref<128x64xf32, #tpu.memory_space<vmem>>, vector<1x16xf32>,
      %swap3A_43 = arith.index_cast %scan3A_38 : i32 to index
      %swap3A_44 = arith.constant 16 : index
      %swap3A_45 = tpu.vector_load %arg12[%swap3A_43, %swap3A_44] {strides = array<i32>} : memref<128x64xf32, #tpu.memory_space<vmem>>, vector<1x16xf32>,
      %swap3A_46 = vector.shape_cast %swap3A_45 : vector<1x16xf32> to vector<16xf32>
      %swap3A_47 = vector.shape_cast %broadcast_in_dim3A_1 : vector<16xf32> to vector<1x16xf32>
      tpu.vector_store %arg12[%swap3A_43, %swap3A_44], %swap3A_47 {strides = array<i32>} : memref<128x64xf32, #tpu.memory_space<vmem>>, vector<1x16xf32>,
      %swap3A_48 = arith.index_cast %scan3A_38 : i32 to index
      %swap3A_49 = arith.constant 32 : index
      %swap3A_50 = tpu.vector_load %arg12[%swap3A_48, %swap3A_49] {strides = array<i32>} : memref<128x64xf32, #tpu.memory_space<vmem>>, vector<1x16xf32>,
      %swap3A_51 = vector.shape_cast %swap3A_50 : vector<1x16xf32> to vector<16xf32>
      %swap3A_52 = vector.shape_cast %broadcast_in_dim3A_1 : vector<16xf32> to vector<1x16xf32>
      tpu.vector_store %arg12[%swap3A_48, %swap3A_49], %swap3A_52 {strides = array<i32>} : memref<128x64xf32, #tpu.memory_space<vmem>>, vector<1x16xf32>,
      %swap3A_53 = arith.index_cast %scan3A_38 : i32 to index
      %swap3A_54 = arith.constant 48 : index
      %swap3A_55 = tpu.vector_load %arg12[%swap3A_53, %swap3A_54] {strides = array<i32>} : memref<128x64xf32, #tpu.memory_space<vmem>>, vector<1x16xf32>,
      %swap3A_56 = vector.shape_cast %swap3A_55 : vector<1x16xf32> to vector<16xf32>
      %swap3A_57 = vector.shape_cast %broadcast_in_dim3A_1 : vector<16xf32> to vector<1x16xf32>
      tpu.vector_store %arg12[%swap3A_53, %swap3A_54], %swap3A_57 {strides = array<i32>} : memref<128x64xf32, #tpu.memory_space<vmem>>, vector<1x16xf32>,
    }
    %scan3A_6 = arith.constant 128 : i32
    %mul3A_7 = arith.constant 640 : i32
    %mul3A_8 = arith.muli %arg1, %mul3A_7 : i32
    %add3A_9 = arith.constant 0 : i32
    %add3A_10 = arith.addi %mul3A_8, %add3A_9 : i32
    "tpu.region"() ({
      %run_scoped3A = tpu.sem_alloc : memref<!tpu.dma_semaphore, #tpu.memory_space<semaphore_mem>>
      %dma_start3A = arith.constant 0 : i32
      %dma_start3A_38 = tpu.memref_slice %arg13[%add3A_10, %dma_start3A] : memref<10240x64xf32, #tpu.memory_space<vmem_shared>> -> memref<128x64xf32, #tpu.memory_space<vmem_shared>>
      %dma_start3A_39 = arith.constant 0 : i32
      %dma_start3A_40 = tpu.memref_slice %arg13[%add3A_10, %dma_start3A_39] : memref<10240x64xf32, #tpu.memory_space<vmem_shared>> -> memref<128x64xf32, #tpu.memory_space<vmem_shared>>
      tpu.enqueue_dma source(%arg12 : memref<128x64xf32, #tpu.memory_space<vmem>>) target(%dma_start3A_40 : memref<128x64xf32, #tpu.memory_space<vmem_shared>>) target_semaphore(%run_scoped3A : memref<!tpu.dma_semaphore, #tpu.memory_space<semaphore_mem>>)
      %dma_wait3A = arith.constant 0 : i32
      %dma_wait3A_41 = tpu.memref_slice %arg13[%add3A_10, %dma_wait3A] : memref<10240x64xf32, #tpu.memory_space<vmem_shared>> -> memref<128x64xf32, #tpu.memory_space<vmem_shared>>
      %dma_wait3A_42 = arith.constant 0 : i32
      %dma_wait3A_43 = tpu.memref_slice %arg13[%add3A_10, %dma_wait3A_42] : memref<10240x64xf32, #tpu.memory_space<vmem_shared>> -> memref<128x64xf32, #tpu.memory_space<vmem_shared>>
      tpu.wait_dma2 semaphore(%run_scoped3A : memref<!tpu.dma_semaphore, #tpu.memory_space<semaphore_mem>>) src(%arg12 : memref<128x64xf32, #tpu.memory_space<vmem>>) dst(%dma_wait3A_43 : memref<128x64xf32, #tpu.memory_space<vmem_shared>>)
      tpu.yield
    }) : () -> ()
    %mul3A_11 = arith.constant 640 : i32
    %mul3A_12 = arith.muli %arg1, %mul3A_11 : i32
    %add3A_13 = arith.constant 128 : i32
    %add3A_14 = arith.addi %mul3A_12, %add3A_13 : i32
    "tpu.region"() ({
      %run_scoped3A = tpu.sem_alloc : memref<!tpu.dma_semaphore, #tpu.memory_space<semaphore_mem>>
      %dma_start3A = arith.constant 0 : i32
      %dma_start3A_38 = tpu.memref_slice %arg13[%add3A_14, %dma_start3A] : memref<10240x64xf32, #tpu.memory_space<vmem_shared>> -> memref<128x64xf32, #tpu.memory_space<vmem_shared>>
      %dma_start3A_39 = arith.constant 0 : i32
      %dma_start3A_40 = tpu.memref_slice %arg13[%add3A_14, %dma_start3A_39] : memref<10240x64xf32, #tpu.memory_space<vmem_shared>> -> memref<128x64xf32, #tpu.memory_space<vmem_shared>>
      tpu.enqueue_dma source(%arg12 : memref<128x64xf32, #tpu.memory_space<vmem>>) target(%dma_start3A_40 : memref<128x64xf32, #tpu.memory_space<vmem_shared>>) target_semaphore(%run_scoped3A : memref<!tpu.dma_semaphore, #tpu.memory_space<semaphore_mem>>)
      %dma_wait3A = arith.constant 0 : i32
      %dma_wait3A_41 = tpu.memref_slice %arg13[%add3A_14, %dma_wait3A] : memref<10240x64xf32, #tpu.memory_space<vmem_shared>> -> memref<128x64xf32, #tpu.memory_space<vmem_shared>>
      %dma_wait3A_42 = arith.constant 0 : i32
      %dma_wait3A_43 = tpu.memref_slice %arg13[%add3A_14, %dma_wait3A_42] : memref<10240x64xf32, #tpu.memory_space<vmem_shared>> -> memref<128x64xf32, #tpu.memory_space<vmem_shared>>
      tpu.wait_dma2 semaphore(%run_scoped3A : memref<!tpu.dma_semaphore, #tpu.memory_space<semaphore_mem>>) src(%arg12 : memref<128x64xf32, #tpu.memory_space<vmem>>) dst(%dma_wait3A_43 : memref<128x64xf32, #tpu.memory_space<vmem_shared>>)
      tpu.yield
    }) : () -> ()
    %mul3A_15 = arith.constant 640 : i32
    %mul3A_16 = arith.muli %arg1, %mul3A_15 : i32
    %add3A_17 = arith.constant 256 : i32
    %add3A_18 = arith.addi %mul3A_16, %add3A_17 : i32
    "tpu.region"() ({
      %run_scoped3A = tpu.sem_alloc : memref<!tpu.dma_semaphore, #tpu.memory_space<semaphore_mem>>
      %dma_start3A = arith.constant 0 : i32
      %dma_start3A_38 = tpu.memref_slice %arg13[%add3A_18, %dma_start3A] : memref<10240x64xf32, #tpu.memory_space<vmem_shared>> -> memref<128x64xf32, #tpu.memory_space<vmem_shared>>
      %dma_start3A_39 = arith.constant 0 : i32
      %dma_start3A_40 = tpu.memref_slice %arg13[%add3A_18, %dma_start3A_39] : memref<10240x64xf32, #tpu.memory_space<vmem_shared>> -> memref<128x64xf32, #tpu.memory_space<vmem_shared>>
      tpu.enqueue_dma source(%arg12 : memref<128x64xf32, #tpu.memory_space<vmem>>) target(%dma_start3A_40 : memref<128x64xf32, #tpu.memory_space<vmem_shared>>) target_semaphore(%run_scoped3A : memref<!tpu.dma_semaphore, #tpu.memory_space<semaphore_mem>>)
      %dma_wait3A = arith.constant 0 : i32
      %dma_wait3A_41 = tpu.memref_slice %arg13[%add3A_18, %dma_wait3A] : memref<10240x64xf32, #tpu.memory_space<vmem_shared>> -> memref<128x64xf32, #tpu.memory_space<vmem_shared>>
      %dma_wait3A_42 = arith.constant 0 : i32
      %dma_wait3A_43 = tpu.memref_slice %arg13[%add3A_18, %dma_wait3A_42] : memref<10240x64xf32, #tpu.memory_space<vmem_shared>> -> memref<128x64xf32, #tpu.memory_space<vmem_shared>>
      tpu.wait_dma2 semaphore(%run_scoped3A : memref<!tpu.dma_semaphore, #tpu.memory_space<semaphore_mem>>) src(%arg12 : memref<128x64xf32, #tpu.memory_space<vmem>>) dst(%dma_wait3A_43 : memref<128x64xf32, #tpu.memory_space<vmem_shared>>)
      tpu.yield
    }) : () -> ()
    %mul3A_19 = arith.constant 640 : i32
    %mul3A_20 = arith.muli %arg1, %mul3A_19 : i32
    %add3A_21 = arith.constant 384 : i32
    %add3A_22 = arith.addi %mul3A_20, %add3A_21 : i32
    "tpu.region"() ({
      %run_scoped3A = tpu.sem_alloc : memref<!tpu.dma_semaphore, #tpu.memory_space<semaphore_mem>>
      %dma_start3A = arith.constant 0 : i32
      %dma_start3A_38 = tpu.memref_slice %arg13[%add3A_22, %dma_start3A] : memref<10240x64xf32, #tpu.memory_space<vmem_shared>> -> memref<128x64xf32, #tpu.memory_space<vmem_shared>>
      %dma_start3A_39 = arith.constant 0 : i32
      %dma_start3A_40 = tpu.memref_slice %arg13[%add3A_22, %dma_start3A_39] : memref<10240x64xf32, #tpu.memory_space<vmem_shared>> -> memref<128x64xf32, #tpu.memory_space<vmem_shared>>
      tpu.enqueue_dma source(%arg12 : memref<128x64xf32, #tpu.memory_space<vmem>>) target(%dma_start3A_40 : memref<128x64xf32, #tpu.memory_space<vmem_shared>>) target_semaphore(%run_scoped3A : memref<!tpu.dma_semaphore, #tpu.memory_space<semaphore_mem>>)
      %dma_wait3A = arith.constant 0 : i32
      %dma_wait3A_41 = tpu.memref_slice %arg13[%add3A_22, %dma_wait3A] : memref<10240x64xf32, #tpu.memory_space<vmem_shared>> -> memref<128x64xf32, #tpu.memory_space<vmem_shared>>
      %dma_wait3A_42 = arith.constant 0 : i32
      %dma_wait3A_43 = tpu.memref_slice %arg13[%add3A_22, %dma_wait3A_42] : memref<10240x64xf32, #tpu.memory_space<vmem_shared>> -> memref<128x64xf32, #tpu.memory_space<vmem_shared>>
      tpu.wait_dma2 semaphore(%run_scoped3A : memref<!tpu.dma_semaphore, #tpu.memory_space<semaphore_mem>>) src(%arg12 : memref<128x64xf32, #tpu.memory_space<vmem>>) dst(%dma_wait3A_43 : memref<128x64xf32, #tpu.memory_space<vmem_shared>>)
      tpu.yield
    }) : () -> ()
    %mul3A_23 = arith.constant 640 : i32
    %mul3A_24 = arith.muli %arg1, %mul3A_23 : i32
    %add3A_25 = arith.constant 512 : i32
    %add3A_26 = arith.addi %mul3A_24, %add3A_25 : i32
    "tpu.region"() ({
      %run_scoped3A = tpu.sem_alloc : memref<!tpu.dma_semaphore, #tpu.memory_space<semaphore_mem>>
      %dma_start3A = arith.constant 0 : i32
      %dma_start3A_38 = tpu.memref_slice %arg13[%add3A_26, %dma_start3A] : memref<10240x64xf32, #tpu.memory_space<vmem_shared>> -> memref<128x64xf32, #tpu.memory_space<vmem_shared>>
      %dma_start3A_39 = arith.constant 0 : i32
      %dma_start3A_40 = tpu.memref_slice %arg13[%add3A_26, %dma_start3A_39] : memref<10240x64xf32, #tpu.memory_space<vmem_shared>> -> memref<128x64xf32, #tpu.memory_space<vmem_shared>>
      tpu.enqueue_dma source(%arg12 : memref<128x64xf32, #tpu.memory_space<vmem>>) target(%dma_start3A_40 : memref<128x64xf32, #tpu.memory_space<vmem_shared>>) target_semaphore(%run_scoped3A : memref<!tpu.dma_semaphore, #tpu.memory_space<semaphore_mem>>)
      %dma_wait3A = arith.constant 0 : i32
      %dma_wait3A_41 = tpu.memref_slice %arg13[%add3A_26, %dma_wait3A] : memref<10240x64xf32, #tpu.memory_space<vmem_shared>> -> memref<128x64xf32, #tpu.memory_space<vmem_shared>>
      %dma_wait3A_42 = arith.constant 0 : i32
      %dma_wait3A_43 = tpu.memref_slice %arg13[%add3A_26, %dma_wait3A_42] : memref<10240x64xf32, #tpu.memory_space<vmem_shared>> -> memref<128x64xf32, #tpu.memory_space<vmem_shared>>
      tpu.wait_dma2 semaphore(%run_scoped3A : memref<!tpu.dma_semaphore, #tpu.memory_space<semaphore_mem>>) src(%arg12 : memref<128x64xf32, #tpu.memory_space<vmem>>) dst(%dma_wait3A_43 : memref<128x64xf32, #tpu.memory_space<vmem_shared>>)
      tpu.yield
    }) : () -> ()
    %barrier3A = arith.constant 0 : index
    tpu.barrier barrier_id(%barrier3A)
    %scan3A_27 = arith.constant 0 : i32
    %scan3A_28 = arith.constant 0 : i32
    %scan3A_29 = arith.constant 79 : i32
    %scan3A_30 = arith.addi %scan3A_28, %scan3A_29 : i32
    %scan3A_31 = arith.constant 1 : i32
    scf.for %scan3A_38 = %scan3A_28 to %scan3A_30 step %scan3A_31  : i32 {
      %mul3A_39 = arith.constant 32 : i32
      %mul3A_40 = arith.muli %mul3A_39, %scan3A_38 : i32
      %add3A_41 = arith.addi %add3A, %mul3A_40 : i32
      %lt3A = arith.constant 2500 : i32
      %lt3A_42 = arith.cmpi slt, %add3A_41, %lt3A : i32
      %convert_element_type3A = arith.extui %lt3A_42 : i1 to i32
      %cond3A = arith.constant 0 : i32
      %cond3A_43 = arith.cmpi ne, %convert_element_type3A, %cond3A : i32
      scf.if %cond3A_43 {
        %mul3A_44 = arith.constant 128 : i32
        %mul3A_45 = arith.muli %add3A_41, %mul3A_44 : i32
        %run_scoped3A = arith.constant 0 : i32
        "tpu.region"() ({
          %run_scoped3A_63 = tpu.sem_alloc : memref<!tpu.dma_semaphore, #tpu.memory_space<semaphore_mem>>
          %dma_start3A_64 = tpu.memref_slice %arg5[%run_scoped3A, %mul3A_45] : memref<2x320000xi32, #tpu.memory_space<hbm>> -> memref<1x128xi32, #tpu.memory_space<hbm>>
          %dma_start3A_65 = tpu.memref_squeeze %dma_start3A_64 : memref<1x128xi32, #tpu.memory_space<hbm>> -> memref<128xi32, #tpu.memory_space<hbm>>
          %dma_start3A_66 = tpu.memref_slice %arg5[%run_scoped3A, %mul3A_45] : memref<2x320000xi32, #tpu.memory_space<hbm>> -> memref<1x128xi32, #tpu.memory_space<hbm>>
          %dma_start3A_67 = tpu.memref_squeeze %dma_start3A_66 : memref<1x128xi32, #tpu.memory_space<hbm>> -> memref<128xi32, #tpu.memory_space<hbm>>
          tpu.enqueue_dma source(%dma_start3A_67 : memref<128xi32, #tpu.memory_space<hbm>>) target(%arg7 : memref<128xi32, #tpu.memory_space<vmem>>) target_semaphore(%run_scoped3A_63 : memref<!tpu.dma_semaphore, #tpu.memory_space<semaphore_mem>>)
          %dma_wait3A_68 = tpu.memref_slice %arg5[%run_scoped3A, %mul3A_45] : memref<2x320000xi32, #tpu.memory_space<hbm>> -> memref<1x128xi32, #tpu.memory_space<hbm>>
          %dma_wait3A_69 = tpu.memref_squeeze %dma_wait3A_68 : memref<1x128xi32, #tpu.memory_space<hbm>> -> memref<128xi32, #tpu.memory_space<hbm>>
          %dma_wait3A_70 = tpu.memref_slice %arg5[%run_scoped3A, %mul3A_45] : memref<2x320000xi32, #tpu.memory_space<hbm>> -> memref<1x128xi32, #tpu.memory_space<hbm>>
          %dma_wait3A_71 = tpu.memref_squeeze %dma_wait3A_70 : memref<1x128xi32, #tpu.memory_space<hbm>> -> memref<128xi32, #tpu.memory_space<hbm>>
          tpu.wait_dma2 semaphore(%run_scoped3A_63 : memref<!tpu.dma_semaphore, #tpu.memory_space<semaphore_mem>>) src(%dma_wait3A_71 : memref<128xi32, #tpu.memory_space<hbm>>) dst(%arg7 : memref<128xi32, #tpu.memory_space<vmem>>)
          tpu.yield
        }) : () -> ()
        %run_scoped3A_46 = arith.constant 1 : i32
        "tpu.region"() ({
          %run_scoped3A_63 = tpu.sem_alloc : memref<!tpu.dma_semaphore, #tpu.memory_space<semaphore_mem>>
          %dma_start3A_64 = tpu.memref_slice %arg5[%run_scoped3A_46, %mul3A_45] : memref<2x320000xi32, #tpu.memory_space<hbm>> -> memref<1x128xi32, #tpu.memory_space<hbm>>
          %dma_start3A_65 = tpu.memref_squeeze %dma_start3A_64 : memref<1x128xi32, #tpu.memory_space<hbm>> -> memref<128xi32, #tpu.memory_space<hbm>>
          %dma_start3A_66 = tpu.memref_slice %arg5[%run_scoped3A_46, %mul3A_45] : memref<2x320000xi32, #tpu.memory_space<hbm>> -> memref<1x128xi32, #tpu.memory_space<hbm>>
          %dma_start3A_67 = tpu.memref_squeeze %dma_start3A_66 : memref<1x128xi32, #tpu.memory_space<hbm>> -> memref<128xi32, #tpu.memory_space<hbm>>
          tpu.enqueue_dma source(%dma_start3A_67 : memref<128xi32, #tpu.memory_space<hbm>>) target(%arg8 : memref<128xi32, #tpu.memory_space<vmem>>) target_semaphore(%run_scoped3A_63 : memref<!tpu.dma_semaphore, #tpu.memory_space<semaphore_mem>>)
          %dma_wait3A_68 = tpu.memref_slice %arg5[%run_scoped3A_46, %mul3A_45] : memref<2x320000xi32, #tpu.memory_space<hbm>> -> memref<1x128xi32, #tpu.memory_space<hbm>>
          %dma_wait3A_69 = tpu.memref_squeeze %dma_wait3A_68 : memref<1x128xi32, #tpu.memory_space<hbm>> -> memref<128xi32, #tpu.memory_space<hbm>>
          %dma_wait3A_70 = tpu.memref_slice %arg5[%run_scoped3A_46, %mul3A_45] : memref<2x320000xi32, #tpu.memory_space<hbm>> -> memref<1x128xi32, #tpu.memory_space<hbm>>
          %dma_wait3A_71 = tpu.memref_squeeze %dma_wait3A_70 : memref<1x128xi32, #tpu.memory_space<hbm>> -> memref<128xi32, #tpu.memory_space<hbm>>
          tpu.wait_dma2 semaphore(%run_scoped3A_63 : memref<!tpu.dma_semaphore, #tpu.memory_space<semaphore_mem>>) src(%dma_wait3A_71 : memref<128xi32, #tpu.memory_space<hbm>>) dst(%arg8 : memref<128xi32, #tpu.memory_space<vmem>>)
          tpu.yield
        }) : () -> ()
        %dma_start3A = arith.constant 0 : i32
        %dma_start3A_47 = arith.constant 0 : i32
        %dma_start3A_48 = tpu.memref_slice %arg2[%dma_start3A, %dma_start3A_47] : memref<10000x64xf32, #tpu.memory_space<hbm>> -> memref<10000x64xf32, #tpu.memory_space<hbm>>
        tpu.enqueue_indirect_dma source(%dma_start3A_48 : memref<10000x64xf32, #tpu.memory_space<hbm>>) target(%arg9 : memref<128x64xf32, #tpu.memory_space<vmem>>) offsets(%arg7 : memref<128xi32, #tpu.memory_space<vmem>>) semaphore(%arg14 : memref<!tpu.dma_semaphore, #tpu.memory_space<semaphore_mem>>)
        %dma_start3A_49 = arith.constant 0 : i32
        %dma_start3A_50 = arith.constant 0 : i32
        %dma_start3A_51 = tpu.memref_slice %arg3[%dma_start3A_49, %dma_start3A_50] : memref<10000x64xf32, #tpu.memory_space<hbm>> -> memref<10000x64xf32, #tpu.memory_space<hbm>>
        tpu.enqueue_indirect_dma source(%dma_start3A_51 : memref<10000x64xf32, #tpu.memory_space<hbm>>) target(%arg10 : memref<128x64xf32, #tpu.memory_space<vmem>>) offsets(%arg8 : memref<128xi32, #tpu.memory_space<vmem>>) semaphore(%arg15 : memref<!tpu.dma_semaphore, #tpu.memory_space<semaphore_mem>>)
        "tpu.region"() ({
          %run_scoped3A_63 = tpu.sem_alloc : memref<!tpu.dma_semaphore, #tpu.memory_space<semaphore_mem>>
          %dma_start3A_64 = arith.constant 0 : i32
          %dma_start3A_65 = tpu.memref_slice %arg4[%mul3A_45, %dma_start3A_64] : memref<320000x64xf32, #tpu.memory_space<hbm>> -> memref<128x64xf32, #tpu.memory_space<hbm>>
          %dma_start3A_66 = arith.constant 0 : i32
          %dma_start3A_67 = tpu.memref_slice %arg4[%mul3A_45, %dma_start3A_66] : memref<320000x64xf32, #tpu.memory_space<hbm>> -> memref<128x64xf32, #tpu.memory_space<hbm>>
          tpu.enqueue_dma source(%dma_start3A_67 : memref<128x64xf32, #tpu.memory_space<hbm>>) target(%arg11 : memref<128x64xf32, #tpu.memory_space<vmem>>) target_semaphore(%run_scoped3A_63 : memref<!tpu.dma_semaphore, #tpu.memory_space<semaphore_mem>>)
          %dma_wait3A_68 = arith.constant 0 : i32
          %dma_wait3A_69 = tpu.memref_slice %arg4[%mul3A_45, %dma_wait3A_68] : memref<320000x64xf32, #tpu.memory_space<hbm>> -> memref<128x64xf32, #tpu.memory_space<hbm>>
          %dma_wait3A_70 = arith.constant 0 : i32
          %dma_wait3A_71 = tpu.memref_slice %arg4[%mul3A_45, %dma_wait3A_70] : memref<320000x64xf32, #tpu.memory_space<hbm>> -> memref<128x64xf32, #tpu.memory_space<hbm>>
          tpu.wait_dma2 semaphore(%run_scoped3A_63 : memref<!tpu.dma_semaphore, #tpu.memory_space<semaphore_mem>>) src(%dma_wait3A_71 : memref<128x64xf32, #tpu.memory_space<hbm>>) dst(%arg11 : memref<128x64xf32, #tpu.memory_space<vmem>>)
          tpu.yield
        }) : () -> ()
        %dma_wait3A = arith.constant 0 : i32
        %dma_wait3A_52 = arith.constant 0 : i32
        %dma_wait3A_53 = tpu.memref_slice %arg2[%dma_wait3A, %dma_wait3A_52] : memref<10000x64xf32, #tpu.memory_space<hbm>> -> memref<10000x64xf32, #tpu.memory_space<hbm>>
        tpu.wait_indirect_dma semaphore(%arg14 : memref<!tpu.dma_semaphore, #tpu.memory_space<semaphore_mem>>) src(%dma_wait3A_53 : memref<10000x64xf32, #tpu.memory_space<hbm>>) dst(%arg9 : memref<128x64xf32, #tpu.memory_space<vmem>>)
        %dma_wait3A_54 = arith.constant 0 : i32
        %dma_wait3A_55 = arith.constant 0 : i32
        %dma_wait3A_56 = tpu.memref_slice %arg3[%dma_wait3A_54, %dma_wait3A_55] : memref<10000x64xf32, #tpu.memory_space<hbm>> -> memref<10000x64xf32, #tpu.memory_space<hbm>>
        tpu.wait_indirect_dma semaphore(%arg15 : memref<!tpu.dma_semaphore, #tpu.memory_space<semaphore_mem>>) src(%dma_wait3A_56 : memref<10000x64xf32, #tpu.memory_space<hbm>>) dst(%arg10 : memref<128x64xf32, #tpu.memory_space<vmem>>)
        %scan3A_57 = arith.constant 0 : i32
        %scan3A_58 = arith.constant 0 : i32
        %scan3A_59 = arith.constant 128 : i32
        %scan3A_60 = arith.addi %scan3A_58, %scan3A_59 : i32
        %scan3A_61 = arith.constant 1 : i32
        scf.for %scan3A_63 = %scan3A_58 to %scan3A_60 step %scan3A_61  : i32 {
          %get3A = arith.index_cast %scan3A_63 : i32 to index
          %get3A_64 = arith.constant 0 : index
          %get3A_65 = tpu.vector_load %arg9[%get3A, %get3A_64] {strides = array<i32>} : memref<128x64xf32, #tpu.memory_space<vmem>>, vector<1x16xf32>,
          %get3A_66 = vector.shape_cast %get3A_65 : vector<1x16xf32> to vector<16xf32>
          %get3A_67 = arith.index_cast %scan3A_63 : i32 to index
          %get3A_68 = arith.constant 0 : index
          %get3A_69 = tpu.vector_load %arg10[%get3A_67, %get3A_68] {strides = array<i32>} : memref<128x64xf32, #tpu.memory_space<vmem>>, vector<1x16xf32>,
          %get3A_70 = vector.shape_cast %get3A_69 : vector<1x16xf32> to vector<16xf32>
          %add3A_71 = arith.addf %get3A_66, %get3A_70 : vector<16xf32>
          %get3A_72 = arith.index_cast %scan3A_63 : i32 to index
          %get3A_73 = arith.constant 0 : index
          %get3A_74 = tpu.vector_load %arg11[%get3A_72, %get3A_73] {strides = array<i32>} : memref<128x64xf32, #tpu.memory_space<vmem>>, vector<1x16xf32>,
          %get3A_75 = vector.shape_cast %get3A_74 : vector<1x16xf32> to vector<16xf32>
          %add3A_76 = arith.addf %add3A_71, %get3A_75 : vector<16xf32>
          %max3A = arith.constant 0.000000e+00 : f32
          %max3A_77 = vector.broadcast %max3A : f32 to vector<16xf32>
          %max3A_78 = arith.maximumf %add3A_76, %max3A_77 : vector<16xf32>
          %swap3A = arith.index_cast %scan3A_63 : i32 to index
          %swap3A_79 = arith.constant 0 : index
          %swap3A_80 = tpu.vector_load %arg11[%swap3A, %swap3A_79] {strides = array<i32>} : memref<128x64xf32, #tpu.memory_space<vmem>>, vector<1x16xf32>,
          %swap3A_81 = vector.shape_cast %swap3A_80 : vector<1x16xf32> to vector<16xf32>
          %swap3A_82 = vector.shape_cast %max3A_78 : vector<16xf32> to vector<1x16xf32>
          tpu.vector_store %arg11[%swap3A, %swap3A_79], %swap3A_82 {strides = array<i32>} : memref<128x64xf32, #tpu.memory_space<vmem>>, vector<1x16xf32>,
          %get3A_83 = arith.index_cast %scan3A_63 : i32 to index
          %get3A_84 = arith.constant 16 : index
          %get3A_85 = tpu.vector_load %arg9[%get3A_83, %get3A_84] {strides = array<i32>} : memref<128x64xf32, #tpu.memory_space<vmem>>, vector<1x16xf32>,
          %get3A_86 = vector.shape_cast %get3A_85 : vector<1x16xf32> to vector<16xf32>
          %get3A_87 = arith.index_cast %scan3A_63 : i32 to index
          %get3A_88 = arith.constant 16 : index
          %get3A_89 = tpu.vector_load %arg10[%get3A_87, %get3A_88] {strides = array<i32>} : memref<128x64xf32, #tpu.memory_space<vmem>>, vector<1x16xf32>,
          %get3A_90 = vector.shape_cast %get3A_89 : vector<1x16xf32> to vector<16xf32>
          %add3A_91 = arith.addf %get3A_86, %get3A_90 : vector<16xf32>
          %get3A_92 = arith.index_cast %scan3A_63 : i32 to index
          %get3A_93 = arith.constant 16 : index
          %get3A_94 = tpu.vector_load %arg11[%get3A_92, %get3A_93] {strides = array<i32>} : memref<128x64xf32, #tpu.memory_space<vmem>>, vector<1x16xf32>,
          %get3A_95 = vector.shape_cast %get3A_94 : vector<1x16xf32> to vector<16xf32>
          %add3A_96 = arith.addf %add3A_91, %get3A_95 : vector<16xf32>
          %max3A_97 = arith.constant 0.000000e+00 : f32
          %max3A_98 = vector.broadcast %max3A_97 : f32 to vector<16xf32>
          %max3A_99 = arith.maximumf %add3A_96, %max3A_98 : vector<16xf32>
          %swap3A_100 = arith.index_cast %scan3A_63 : i32 to index
          %swap3A_101 = arith.constant 16 : index
          %swap3A_102 = tpu.vector_load %arg11[%swap3A_100, %swap3A_101] {strides = array<i32>} : memref<128x64xf32, #tpu.memory_space<vmem>>, vector<1x16xf32>,
          %swap3A_103 = vector.shape_cast %swap3A_102 : vector<1x16xf32> to vector<16xf32>
          %swap3A_104 = vector.shape_cast %max3A_99 : vector<16xf32> to vector<1x16xf32>
          tpu.vector_store %arg11[%swap3A_100, %swap3A_101], %swap3A_104 {strides = array<i32>} : memref<128x64xf32, #tpu.memory_space<vmem>>, vector<1x16xf32>,
          %get3A_105 = arith.index_cast %scan3A_63 : i32 to index
          %get3A_106 = arith.constant 32 : index
          %get3A_107 = tpu.vector_load %arg9[%get3A_105, %get3A_106] {strides = array<i32>} : memref<128x64xf32, #tpu.memory_space<vmem>>, vector<1x16xf32>,
          %get3A_108 = vector.shape_cast %get3A_107 : vector<1x16xf32> to vector<16xf32>
          %get3A_109 = arith.index_cast %scan3A_63 : i32 to index
          %get3A_110 = arith.constant 32 : index
          %get3A_111 = tpu.vector_load %arg10[%get3A_109, %get3A_110] {strides = array<i32>} : memref<128x64xf32, #tpu.memory_space<vmem>>, vector<1x16xf32>,
          %get3A_112 = vector.shape_cast %get3A_111 : vector<1x16xf32> to vector<16xf32>
          %add3A_113 = arith.addf %get3A_108, %get3A_112 : vector<16xf32>
          %get3A_114 = arith.index_cast %scan3A_63 : i32 to index
          %get3A_115 = arith.constant 32 : index
          %get3A_116 = tpu.vector_load %arg11[%get3A_114, %get3A_115] {strides = array<i32>} : memref<128x64xf32, #tpu.memory_space<vmem>>, vector<1x16xf32>,
          %get3A_117 = vector.shape_cast %get3A_116 : vector<1x16xf32> to vector<16xf32>
          %add3A_118 = arith.addf %add3A_113, %get3A_117 : vector<16xf32>
          %max3A_119 = arith.constant 0.000000e+00 : f32
          %max3A_120 = vector.broadcast %max3A_119 : f32 to vector<16xf32>
          %max3A_121 = arith.maximumf %add3A_118, %max3A_120 : vector<16xf32>
          %swap3A_122 = arith.index_cast %scan3A_63 : i32 to index
          %swap3A_123 = arith.constant 32 : index
          %swap3A_124 = tpu.vector_load %arg11[%swap3A_122, %swap3A_123] {strides = array<i32>} : memref<128x64xf32, #tpu.memory_space<vmem>>, vector<1x16xf32>,
          %swap3A_125 = vector.shape_cast %swap3A_124 : vector<1x16xf32> to vector<16xf32>
          %swap3A_126 = vector.shape_cast %max3A_121 : vector<16xf32> to vector<1x16xf32>
          tpu.vector_store %arg11[%swap3A_122, %swap3A_123], %swap3A_126 {strides = array<i32>} : memref<128x64xf32, #tpu.memory_space<vmem>>, vector<1x16xf32>,
          %get3A_127 = arith.index_cast %scan3A_63 : i32 to index
          %get3A_128 = arith.constant 48 : index
          %get3A_129 = tpu.vector_load %arg9[%get3A_127, %get3A_128] {strides = array<i32>} : memref<128x64xf32, #tpu.memory_space<vmem>>, vector<1x16xf32>,
          %get3A_130 = vector.shape_cast %get3A_129 : vector<1x16xf32> to vector<16xf32>
          %get3A_131 = arith.index_cast %scan3A_63 : i32 to index
          %get3A_132 = arith.constant 48 : index
          %get3A_133 = tpu.vector_load %arg10[%get3A_131, %get3A_132] {strides = array<i32>} : memref<128x64xf32, #tpu.memory_space<vmem>>, vector<1x16xf32>,
          %get3A_134 = vector.shape_cast %get3A_133 : vector<1x16xf32> to vector<16xf32>
          %add3A_135 = arith.addf %get3A_130, %get3A_134 : vector<16xf32>
          %get3A_136 = arith.index_cast %scan3A_63 : i32 to index
          %get3A_137 = arith.constant 48 : index
          %get3A_138 = tpu.vector_load %arg11[%get3A_136, %get3A_137] {strides = array<i32>} : memref<128x64xf32, #tpu.memory_space<vmem>>, vector<1x16xf32>,
          %get3A_139 = vector.shape_cast %get3A_138 : vector<1x16xf32> to vector<16xf32>
          %add3A_140 = arith.addf %add3A_135, %get3A_139 : vector<16xf32>
          %max3A_141 = arith.constant 0.000000e+00 : f32
          %max3A_142 = vector.broadcast %max3A_141 : f32 to vector<16xf32>
          %max3A_143 = arith.maximumf %add3A_140, %max3A_142 : vector<16xf32>
          %swap3A_144 = arith.index_cast %scan3A_63 : i32 to index
          %swap3A_145 = arith.constant 48 : index
          %swap3A_146 = tpu.vector_load %arg11[%swap3A_144, %swap3A_145] {strides = array<i32>} : memref<128x64xf32, #tpu.memory_space<vmem>>, vector<1x16xf32>,
          %swap3A_147 = vector.shape_cast %swap3A_146 : vector<1x16xf32> to vector<16xf32>
          %swap3A_148 = vector.shape_cast %max3A_143 : vector<16xf32> to vector<1x16xf32>
          tpu.vector_store %arg11[%swap3A_144, %swap3A_145], %swap3A_148 {strides = array<i32>} : memref<128x64xf32, #tpu.memory_space<vmem>>, vector<1x16xf32>,
        }
        %scan3A_62 = arith.constant 128 : i32
        "tpu.region"() ({
          %run_scoped3A_63 = tpu.sem_alloc : memref<!tpu.dma_semaphore, #tpu.memory_space<semaphore_mem>>
          %dma_start3A_64 = arith.constant 0 : i32
          %dma_start3A_65 = arith.constant 0 : i32
          %dma_start3A_66 = tpu.memref_slice %arg13[%dma_start3A_64, %dma_start3A_65] : memref<10240x64xf32, #tpu.memory_space<vmem_shared>> -> memref<10240x64xf32, #tpu.memory_space<vmem_shared>>
          tpu.enqueue_indirect_dma source(%arg11 : memref<128x64xf32, #tpu.memory_space<vmem>>) target(%dma_start3A_66 : memref<10240x64xf32, #tpu.memory_space<vmem_shared>>) offsets(%arg8 : memref<128xi32, #tpu.memory_space<vmem>>) semaphore(%run_scoped3A_63 : memref<!tpu.dma_semaphore, #tpu.memory_space<semaphore_mem>>) {add = true}
          %dma_wait3A_67 = arith.constant 0 : i32
          %dma_wait3A_68 = arith.constant 0 : i32
          %dma_wait3A_69 = tpu.memref_slice %arg13[%dma_wait3A_67, %dma_wait3A_68] : memref<10240x64xf32, #tpu.memory_space<vmem_shared>> -> memref<10240x64xf32, #tpu.memory_space<vmem_shared>>
          tpu.wait_indirect_dma semaphore(%run_scoped3A_63 : memref<!tpu.dma_semaphore, #tpu.memory_space<semaphore_mem>>) src(%arg11 : memref<128x64xf32, #tpu.memory_space<vmem>>) dst(%dma_wait3A_69 : memref<10240x64xf32, #tpu.memory_space<vmem_shared>>)
          tpu.yield
        }) : () -> ()
      } else {
      }
    }
    %scan3A_32 = arith.constant 79 : i32
    %barrier3A_33 = arith.constant 0 : index
    tpu.barrier barrier_id(%barrier3A_33)
    %mul3A_34 = arith.constant 640 : i32
    %mul3A_35 = arith.muli %arg1, %mul3A_34 : i32
    %mul3A_36 = arith.constant 640 : i32
    %mul3A_37 = arith.muli %arg1, %mul3A_36 : i32
    "tpu.region"() ({
      %run_scoped3A = tpu.sem_alloc : memref<!tpu.dma_semaphore, #tpu.memory_space<semaphore_mem>>
      %dma_start3A = arith.constant 0 : i32
      %dma_start3A_38 = tpu.memref_slice %arg6[%arg0, %mul3A_37, %dma_start3A] : memref<2x10240x64xf32, #tpu.memory_space<hbm>> -> memref<1x640x64xf32, #tpu.memory_space<hbm>>
      %dma_start3A_39 = tpu.memref_squeeze %dma_start3A_38 : memref<1x640x64xf32, #tpu.memory_space<hbm>> -> memref<640x64xf32, #tpu.memory_space<hbm>>
      %dma_start3A_40 = arith.constant 0 : i32
      %dma_start3A_41 = tpu.memref_slice %arg13[%mul3A_35, %dma_start3A_40] : memref<10240x64xf32, #tpu.memory_space<vmem_shared>> -> memref<640x64xf32, #tpu.memory_space<vmem_shared>>
      tpu.enqueue_dma source(%dma_start3A_41 : memref<640x64xf32, #tpu.memory_space<vmem_shared>>) target(%dma_start3A_39 : memref<640x64xf32, #tpu.memory_space<hbm>>) target_semaphore(%run_scoped3A : memref<!tpu.dma_semaphore, #tpu.memory_space<semaphore_mem>>)
      %dma_wait3A = arith.constant 0 : i32
      %dma_wait3A_42 = tpu.memref_slice %arg6[%arg0, %mul3A_37, %dma_wait3A] : memref<2x10240x64xf32, #tpu.memory_space<hbm>> -> memref<1x640x64xf32, #tpu.memory_space<hbm>>
      %dma_wait3A_43 = tpu.memref_squeeze %dma_wait3A_42 : memref<1x640x64xf32, #tpu.memory_space<hbm>> -> memref<640x64xf32, #tpu.memory_space<hbm>>
      %dma_wait3A_44 = arith.constant 0 : i32
      %dma_wait3A_45 = tpu.memref_slice %arg13[%mul3A_35, %dma_wait3A_44] : memref<10240x64xf32, #tpu.memory_space<vmem_shared>> -> memref<640x64xf32, #tpu.memory_space<vmem_shared>>
      tpu.wait_dma2 semaphore(%run_scoped3A : memref<!tpu.dma_semaphore, #tpu.memory_space<semaphore_mem>>) src(%dma_wait3A_45 : memref<640x64xf32, #tpu.memory_space<vmem_shared>>) dst(%dma_wait3A_43 : memref<640x64xf32, #tpu.memory_space<hbm>>)
      tpu.yield
    }) : () -> ()
    return
  }
}

#map = affine_map<(d0, d1) -> (0, 0)>
#map1 = affine_map<(d0, d1) -> (0, 0, 0)>
module attributes {stable_mosaic.version = 14 : i64} {
  func.func @_mp_body(%arg0: i32, %arg1: i32, %arg2: memref<10000x64xf32, #tpu.memory_space<hbm>>, %arg3: memref<10000x64xf32, #tpu.memory_space<hbm>>, %arg4: memref<320000x64xf32, #tpu.memory_space<hbm>>, %arg5: memref<2x320000xi32, #tpu.memory_space<hbm>>, %arg6: memref<2x10240x64xf32, #tpu.memory_space<hbm>>, %arg7: memref<128xi32, #tpu.memory_space<vmem>>, %arg8: memref<128xi32, #tpu.memory_space<vmem>>, %arg9: memref<128x64xf32, #tpu.memory_space<vmem>>, %arg10: memref<128x64xf32, #tpu.memory_space<vmem>>, %arg11: memref<128x64xf32, #tpu.memory_space<vmem>>, %arg12: memref<128x64xf32, #tpu.memory_space<vmem>>, %arg13: memref<10240x64xf32, #tpu.memory_space<vmem_shared>>, %arg14: memref<!tpu.dma_semaphore, #tpu.memory_space<semaphore_mem>>, %arg15: memref<!tpu.dma_semaphore, #tpu.memory_space<semaphore_mem>>) attributes {dimension_semantics = [#tpu.dimension_semantics<core_parallel>, #tpu.dimension_semantics<subcore_parallel>], iteration_bounds = array<i64: 2, 16>, scalar_prefetch = 0 : i64, scratch_operands = 9 : i64, tpu.core_type = #tpu.core_type<sc_vector_subcore>, window_params = [{transform_indices = #map}, {transform_indices = #map}, {transform_indices = #map}, {transform_indices = #map}, {transform_indices = #map1}]} {
    %mul3A = arith.constant 2 : i32
    %mul3A_0 = arith.muli %arg1, %mul3A : i32
    %add3A = arith.addi %mul3A_0, %arg0 : i32
    %broadcast_in_dim3A = arith.constant 0.000000e+00 : f32
    %broadcast_in_dim3A_1 = vector.broadcast %broadcast_in_dim3A : f32 to vector<16xf32>
    %scan3A = arith.constant 0 : i32
    %scan3A_2 = arith.constant 0 : i32
    %scan3A_3 = arith.constant 128 : i32
    %scan3A_4 = arith.addi %scan3A_2, %scan3A_3 : i32
    %scan3A_5 = arith.constant 1 : i32
    scf.for %scan3A_38 = %scan3A_2 to %scan3A_4 step %scan3A_5  : i32 {
      %swap3A = arith.index_cast %scan3A_38 : i32 to index
      %swap3A_39 = arith.constant 0 : index
      %swap3A_40 = tpu.vector_load %arg12[%swap3A, %swap3A_39] {strides = array<i32>} : memref<128x64xf32, #tpu.memory_space<vmem>>, vector<1x16xf32>,
      %swap3A_41 = vector.shape_cast %swap3A_40 : vector<1x16xf32> to vector<16xf32>
      %swap3A_42 = vector.shape_cast %broadcast_in_dim3A_1 : vector<16xf32> to vector<1x16xf32>
      tpu.vector_store %arg12[%swap3A, %swap3A_39], %swap3A_42 {strides = array<i32>} : memref<128x64xf32, #tpu.memory_space<vmem>>, vector<1x16xf32>,
      %swap3A_43 = arith.index_cast %scan3A_38 : i32 to index
      %swap3A_44 = arith.constant 16 : index
      %swap3A_45 = tpu.vector_load %arg12[%swap3A_43, %swap3A_44] {strides = array<i32>} : memref<128x64xf32, #tpu.memory_space<vmem>>, vector<1x16xf32>,
      %swap3A_46 = vector.shape_cast %swap3A_45 : vector<1x16xf32> to vector<16xf32>
      %swap3A_47 = vector.shape_cast %broadcast_in_dim3A_1 : vector<16xf32> to vector<1x16xf32>
      tpu.vector_store %arg12[%swap3A_43, %swap3A_44], %swap3A_47 {strides = array<i32>} : memref<128x64xf32, #tpu.memory_space<vmem>>, vector<1x16xf32>,
      %swap3A_48 = arith.index_cast %scan3A_38 : i32 to index
      %swap3A_49 = arith.constant 32 : index
      %swap3A_50 = tpu.vector_load %arg12[%swap3A_48, %swap3A_49] {strides = array<i32>} : memref<128x64xf32, #tpu.memory_space<vmem>>, vector<1x16xf32>,
      %swap3A_51 = vector.shape_cast %swap3A_50 : vector<1x16xf32> to vector<16xf32>
      %swap3A_52 = vector.shape_cast %broadcast_in_dim3A_1 : vector<16xf32> to vector<1x16xf32>
      tpu.vector_store %arg12[%swap3A_48, %swap3A_49], %swap3A_52 {strides = array<i32>} : memref<128x64xf32, #tpu.memory_space<vmem>>, vector<1x16xf32>,
      %swap3A_53 = arith.index_cast %scan3A_38 : i32 to index
      %swap3A_54 = arith.constant 48 : index
      %swap3A_55 = tpu.vector_load %arg12[%swap3A_53, %swap3A_54] {strides = array<i32>} : memref<128x64xf32, #tpu.memory_space<vmem>>, vector<1x16xf32>,
      %swap3A_56 = vector.shape_cast %swap3A_55 : vector<1x16xf32> to vector<16xf32>
      %swap3A_57 = vector.shape_cast %broadcast_in_dim3A_1 : vector<16xf32> to vector<1x16xf32>
      tpu.vector_store %arg12[%swap3A_53, %swap3A_54], %swap3A_57 {strides = array<i32>} : memref<128x64xf32, #tpu.memory_space<vmem>>, vector<1x16xf32>,
    }
    %scan3A_6 = arith.constant 128 : i32
    %mul3A_7 = arith.constant 640 : i32
    %mul3A_8 = arith.muli %arg1, %mul3A_7 : i32
    %add3A_9 = arith.constant 0 : i32
    %add3A_10 = arith.addi %mul3A_8, %add3A_9 : i32
    "tpu.region"() ({
      %run_scoped3A = tpu.sem_alloc : memref<!tpu.dma_semaphore, #tpu.memory_space<semaphore_mem>>
      %dma_start3A = arith.constant 0 : i32
      %dma_start3A_38 = tpu.memref_slice %arg13[%add3A_10, %dma_start3A] : memref<10240x64xf32, #tpu.memory_space<vmem_shared>> -> memref<128x64xf32, #tpu.memory_space<vmem_shared>>
      %dma_start3A_39 = arith.constant 0 : i32
      %dma_start3A_40 = tpu.memref_slice %arg13[%add3A_10, %dma_start3A_39] : memref<10240x64xf32, #tpu.memory_space<vmem_shared>> -> memref<128x64xf32, #tpu.memory_space<vmem_shared>>
      tpu.enqueue_dma source(%arg12 : memref<128x64xf32, #tpu.memory_space<vmem>>) target(%dma_start3A_40 : memref<128x64xf32, #tpu.memory_space<vmem_shared>>) target_semaphore(%run_scoped3A : memref<!tpu.dma_semaphore, #tpu.memory_space<semaphore_mem>>)
      %dma_wait3A = arith.constant 0 : i32
      %dma_wait3A_41 = tpu.memref_slice %arg13[%add3A_10, %dma_wait3A] : memref<10240x64xf32, #tpu.memory_space<vmem_shared>> -> memref<128x64xf32, #tpu.memory_space<vmem_shared>>
      %dma_wait3A_42 = arith.constant 0 : i32
      %dma_wait3A_43 = tpu.memref_slice %arg13[%add3A_10, %dma_wait3A_42] : memref<10240x64xf32, #tpu.memory_space<vmem_shared>> -> memref<128x64xf32, #tpu.memory_space<vmem_shared>>
      tpu.wait_dma2 semaphore(%run_scoped3A : memref<!tpu.dma_semaphore, #tpu.memory_space<semaphore_mem>>) src(%arg12 : memref<128x64xf32, #tpu.memory_space<vmem>>) dst(%dma_wait3A_43 : memref<128x64xf32, #tpu.memory_space<vmem_shared>>)
      tpu.yield
    }) : () -> ()
    %mul3A_11 = arith.constant 640 : i32
    %mul3A_12 = arith.muli %arg1, %mul3A_11 : i32
    %add3A_13 = arith.constant 128 : i32
    %add3A_14 = arith.addi %mul3A_12, %add3A_13 : i32
    "tpu.region"() ({
      %run_scoped3A = tpu.sem_alloc : memref<!tpu.dma_semaphore, #tpu.memory_space<semaphore_mem>>
      %dma_start3A = arith.constant 0 : i32
      %dma_start3A_38 = tpu.memref_slice %arg13[%add3A_14, %dma_start3A] : memref<10240x64xf32, #tpu.memory_space<vmem_shared>> -> memref<128x64xf32, #tpu.memory_space<vmem_shared>>
      %dma_start3A_39 = arith.constant 0 : i32
      %dma_start3A_40 = tpu.memref_slice %arg13[%add3A_14, %dma_start3A_39] : memref<10240x64xf32, #tpu.memory_space<vmem_shared>> -> memref<128x64xf32, #tpu.memory_space<vmem_shared>>
      tpu.enqueue_dma source(%arg12 : memref<128x64xf32, #tpu.memory_space<vmem>>) target(%dma_start3A_40 : memref<128x64xf32, #tpu.memory_space<vmem_shared>>) target_semaphore(%run_scoped3A : memref<!tpu.dma_semaphore, #tpu.memory_space<semaphore_mem>>)
      %dma_wait3A = arith.constant 0 : i32
      %dma_wait3A_41 = tpu.memref_slice %arg13[%add3A_14, %dma_wait3A] : memref<10240x64xf32, #tpu.memory_space<vmem_shared>> -> memref<128x64xf32, #tpu.memory_space<vmem_shared>>
      %dma_wait3A_42 = arith.constant 0 : i32
      %dma_wait3A_43 = tpu.memref_slice %arg13[%add3A_14, %dma_wait3A_42] : memref<10240x64xf32, #tpu.memory_space<vmem_shared>> -> memref<128x64xf32, #tpu.memory_space<vmem_shared>>
      tpu.wait_dma2 semaphore(%run_scoped3A : memref<!tpu.dma_semaphore, #tpu.memory_space<semaphore_mem>>) src(%arg12 : memref<128x64xf32, #tpu.memory_space<vmem>>) dst(%dma_wait3A_43 : memref<128x64xf32, #tpu.memory_space<vmem_shared>>)
      tpu.yield
    }) : () -> ()
    %mul3A_15 = arith.constant 640 : i32
    %mul3A_16 = arith.muli %arg1, %mul3A_15 : i32
    %add3A_17 = arith.constant 256 : i32
    %add3A_18 = arith.addi %mul3A_16, %add3A_17 : i32
    "tpu.region"() ({
      %run_scoped3A = tpu.sem_alloc : memref<!tpu.dma_semaphore, #tpu.memory_space<semaphore_mem>>
      %dma_start3A = arith.constant 0 : i32
      %dma_start3A_38 = tpu.memref_slice %arg13[%add3A_18, %dma_start3A] : memref<10240x64xf32, #tpu.memory_space<vmem_shared>> -> memref<128x64xf32, #tpu.memory_space<vmem_shared>>
      %dma_start3A_39 = arith.constant 0 : i32
      %dma_start3A_40 = tpu.memref_slice %arg13[%add3A_18, %dma_start3A_39] : memref<10240x64xf32, #tpu.memory_space<vmem_shared>> -> memref<128x64xf32, #tpu.memory_space<vmem_shared>>
      tpu.enqueue_dma source(%arg12 : memref<128x64xf32, #tpu.memory_space<vmem>>) target(%dma_start3A_40 : memref<128x64xf32, #tpu.memory_space<vmem_shared>>) target_semaphore(%run_scoped3A : memref<!tpu.dma_semaphore, #tpu.memory_space<semaphore_mem>>)
      %dma_wait3A = arith.constant 0 : i32
      %dma_wait3A_41 = tpu.memref_slice %arg13[%add3A_18, %dma_wait3A] : memref<10240x64xf32, #tpu.memory_space<vmem_shared>> -> memref<128x64xf32, #tpu.memory_space<vmem_shared>>
      %dma_wait3A_42 = arith.constant 0 : i32
      %dma_wait3A_43 = tpu.memref_slice %arg13[%add3A_18, %dma_wait3A_42] : memref<10240x64xf32, #tpu.memory_space<vmem_shared>> -> memref<128x64xf32, #tpu.memory_space<vmem_shared>>
      tpu.wait_dma2 semaphore(%run_scoped3A : memref<!tpu.dma_semaphore, #tpu.memory_space<semaphore_mem>>) src(%arg12 : memref<128x64xf32, #tpu.memory_space<vmem>>) dst(%dma_wait3A_43 : memref<128x64xf32, #tpu.memory_space<vmem_shared>>)
      tpu.yield
    }) : () -> ()
    %mul3A_19 = arith.constant 640 : i32
    %mul3A_20 = arith.muli %arg1, %mul3A_19 : i32
    %add3A_21 = arith.constant 384 : i32
    %add3A_22 = arith.addi %mul3A_20, %add3A_21 : i32
    "tpu.region"() ({
      %run_scoped3A = tpu.sem_alloc : memref<!tpu.dma_semaphore, #tpu.memory_space<semaphore_mem>>
      %dma_start3A = arith.constant 0 : i32
      %dma_start3A_38 = tpu.memref_slice %arg13[%add3A_22, %dma_start3A] : memref<10240x64xf32, #tpu.memory_space<vmem_shared>> -> memref<128x64xf32, #tpu.memory_space<vmem_shared>>
      %dma_start3A_39 = arith.constant 0 : i32
      %dma_start3A_40 = tpu.memref_slice %arg13[%add3A_22, %dma_start3A_39] : memref<10240x64xf32, #tpu.memory_space<vmem_shared>> -> memref<128x64xf32, #tpu.memory_space<vmem_shared>>
      tpu.enqueue_dma source(%arg12 : memref<128x64xf32, #tpu.memory_space<vmem>>) target(%dma_start3A_40 : memref<128x64xf32, #tpu.memory_space<vmem_shared>>) target_semaphore(%run_scoped3A : memref<!tpu.dma_semaphore, #tpu.memory_space<semaphore_mem>>)
      %dma_wait3A = arith.constant 0 : i32
      %dma_wait3A_41 = tpu.memref_slice %arg13[%add3A_22, %dma_wait3A] : memref<10240x64xf32, #tpu.memory_space<vmem_shared>> -> memref<128x64xf32, #tpu.memory_space<vmem_shared>>
      %dma_wait3A_42 = arith.constant 0 : i32
      %dma_wait3A_43 = tpu.memref_slice %arg13[%add3A_22, %dma_wait3A_42] : memref<10240x64xf32, #tpu.memory_space<vmem_shared>> -> memref<128x64xf32, #tpu.memory_space<vmem_shared>>
      tpu.wait_dma2 semaphore(%run_scoped3A : memref<!tpu.dma_semaphore, #tpu.memory_space<semaphore_mem>>) src(%arg12 : memref<128x64xf32, #tpu.memory_space<vmem>>) dst(%dma_wait3A_43 : memref<128x64xf32, #tpu.memory_space<vmem_shared>>)
      tpu.yield
    }) : () -> ()
    %mul3A_23 = arith.constant 640 : i32
    %mul3A_24 = arith.muli %arg1, %mul3A_23 : i32
    %add3A_25 = arith.constant 512 : i32
    %add3A_26 = arith.addi %mul3A_24, %add3A_25 : i32
    "tpu.region"() ({
      %run_scoped3A = tpu.sem_alloc : memref<!tpu.dma_semaphore, #tpu.memory_space<semaphore_mem>>
      %dma_start3A = arith.constant 0 : i32
      %dma_start3A_38 = tpu.memref_slice %arg13[%add3A_26, %dma_start3A] : memref<10240x64xf32, #tpu.memory_space<vmem_shared>> -> memref<128x64xf32, #tpu.memory_space<vmem_shared>>
      %dma_start3A_39 = arith.constant 0 : i32
      %dma_start3A_40 = tpu.memref_slice %arg13[%add3A_26, %dma_start3A_39] : memref<10240x64xf32, #tpu.memory_space<vmem_shared>> -> memref<128x64xf32, #tpu.memory_space<vmem_shared>>
      tpu.enqueue_dma source(%arg12 : memref<128x64xf32, #tpu.memory_space<vmem>>) target(%dma_start3A_40 : memref<128x64xf32, #tpu.memory_space<vmem_shared>>) target_semaphore(%run_scoped3A : memref<!tpu.dma_semaphore, #tpu.memory_space<semaphore_mem>>)
      %dma_wait3A = arith.constant 0 : i32
      %dma_wait3A_41 = tpu.memref_slice %arg13[%add3A_26, %dma_wait3A] : memref<10240x64xf32, #tpu.memory_space<vmem_shared>> -> memref<128x64xf32, #tpu.memory_space<vmem_shared>>
      %dma_wait3A_42 = arith.constant 0 : i32
      %dma_wait3A_43 = tpu.memref_slice %arg13[%add3A_26, %dma_wait3A_42] : memref<10240x64xf32, #tpu.memory_space<vmem_shared>> -> memref<128x64xf32, #tpu.memory_space<vmem_shared>>
      tpu.wait_dma2 semaphore(%run_scoped3A : memref<!tpu.dma_semaphore, #tpu.memory_space<semaphore_mem>>) src(%arg12 : memref<128x64xf32, #tpu.memory_space<vmem>>) dst(%dma_wait3A_43 : memref<128x64xf32, #tpu.memory_space<vmem_shared>>)
      tpu.yield
    }) : () -> ()
    %barrier3A = arith.constant 0 : index
    tpu.barrier barrier_id(%barrier3A)
    %scan3A_27 = arith.constant 0 : i32
    %scan3A_28 = arith.constant 0 : i32
    %scan3A_29 = arith.constant 79 : i32
    %scan3A_30 = arith.addi %scan3A_28, %scan3A_29 : i32
    %scan3A_31 = arith.constant 1 : i32
    scf.for %scan3A_38 = %scan3A_28 to %scan3A_30 step %scan3A_31  : i32 {
      %mul3A_39 = arith.constant 32 : i32
      %mul3A_40 = arith.muli %mul3A_39, %scan3A_38 : i32
      %add3A_41 = arith.addi %add3A, %mul3A_40 : i32
      %lt3A = arith.constant 2500 : i32
      %lt3A_42 = arith.cmpi slt, %add3A_41, %lt3A : i32
      %convert_element_type3A = arith.extui %lt3A_42 : i1 to i32
      %cond3A = arith.constant 0 : i32
      %cond3A_43 = arith.cmpi ne, %convert_element_type3A, %cond3A : i32
      scf.if %cond3A_43 {
        %mul3A_44 = arith.constant 128 : i32
        %mul3A_45 = arith.muli %add3A_41, %mul3A_44 : i32
        %run_scoped3A = arith.constant 0 : i32
        "tpu.region"() ({
          %run_scoped3A_63 = tpu.sem_alloc : memref<!tpu.dma_semaphore, #tpu.memory_space<semaphore_mem>>
          %dma_start3A_64 = tpu.memref_slice %arg5[%run_scoped3A, %mul3A_45] : memref<2x320000xi32, #tpu.memory_space<hbm>> -> memref<1x128xi32, #tpu.memory_space<hbm>>
          %dma_start3A_65 = tpu.memref_squeeze %dma_start3A_64 : memref<1x128xi32, #tpu.memory_space<hbm>> -> memref<128xi32, #tpu.memory_space<hbm>>
          %dma_start3A_66 = tpu.memref_slice %arg5[%run_scoped3A, %mul3A_45] : memref<2x320000xi32, #tpu.memory_space<hbm>> -> memref<1x128xi32, #tpu.memory_space<hbm>>
          %dma_start3A_67 = tpu.memref_squeeze %dma_start3A_66 : memref<1x128xi32, #tpu.memory_space<hbm>> -> memref<128xi32, #tpu.memory_space<hbm>>
          tpu.enqueue_dma source(%dma_start3A_67 : memref<128xi32, #tpu.memory_space<hbm>>) target(%arg7 : memref<128xi32, #tpu.memory_space<vmem>>) target_semaphore(%run_scoped3A_63 : memref<!tpu.dma_semaphore, #tpu.memory_space<semaphore_mem>>)
          %dma_wait3A_68 = tpu.memref_slice %arg5[%run_scoped3A, %mul3A_45] : memref<2x320000xi32, #tpu.memory_space<hbm>> -> memref<1x128xi32, #tpu.memory_space<hbm>>
          %dma_wait3A_69 = tpu.memref_squeeze %dma_wait3A_68 : memref<1x128xi32, #tpu.memory_space<hbm>> -> memref<128xi32, #tpu.memory_space<hbm>>
          %dma_wait3A_70 = tpu.memref_slice %arg5[%run_scoped3A, %mul3A_45] : memref<2x320000xi32, #tpu.memory_space<hbm>> -> memref<1x128xi32, #tpu.memory_space<hbm>>
          %dma_wait3A_71 = tpu.memref_squeeze %dma_wait3A_70 : memref<1x128xi32, #tpu.memory_space<hbm>> -> memref<128xi32, #tpu.memory_space<hbm>>
          tpu.wait_dma2 semaphore(%run_scoped3A_63 : memref<!tpu.dma_semaphore, #tpu.memory_space<semaphore_mem>>) src(%dma_wait3A_71 : memref<128xi32, #tpu.memory_space<hbm>>) dst(%arg7 : memref<128xi32, #tpu.memory_space<vmem>>)
          tpu.yield
        }) : () -> ()
        %run_scoped3A_46 = arith.constant 1 : i32
        "tpu.region"() ({
          %run_scoped3A_63 = tpu.sem_alloc : memref<!tpu.dma_semaphore, #tpu.memory_space<semaphore_mem>>
          %dma_start3A_64 = tpu.memref_slice %arg5[%run_scoped3A_46, %mul3A_45] : memref<2x320000xi32, #tpu.memory_space<hbm>> -> memref<1x128xi32, #tpu.memory_space<hbm>>
          %dma_start3A_65 = tpu.memref_squeeze %dma_start3A_64 : memref<1x128xi32, #tpu.memory_space<hbm>> -> memref<128xi32, #tpu.memory_space<hbm>>
          %dma_start3A_66 = tpu.memref_slice %arg5[%run_scoped3A_46, %mul3A_45] : memref<2x320000xi32, #tpu.memory_space<hbm>> -> memref<1x128xi32, #tpu.memory_space<hbm>>
          %dma_start3A_67 = tpu.memref_squeeze %dma_start3A_66 : memref<1x128xi32, #tpu.memory_space<hbm>> -> memref<128xi32, #tpu.memory_space<hbm>>
          tpu.enqueue_dma source(%dma_start3A_67 : memref<128xi32, #tpu.memory_space<hbm>>) target(%arg8 : memref<128xi32, #tpu.memory_space<vmem>>) target_semaphore(%run_scoped3A_63 : memref<!tpu.dma_semaphore, #tpu.memory_space<semaphore_mem>>)
          %dma_wait3A_68 = tpu.memref_slice %arg5[%run_scoped3A_46, %mul3A_45] : memref<2x320000xi32, #tpu.memory_space<hbm>> -> memref<1x128xi32, #tpu.memory_space<hbm>>
          %dma_wait3A_69 = tpu.memref_squeeze %dma_wait3A_68 : memref<1x128xi32, #tpu.memory_space<hbm>> -> memref<128xi32, #tpu.memory_space<hbm>>
          %dma_wait3A_70 = tpu.memref_slice %arg5[%run_scoped3A_46, %mul3A_45] : memref<2x320000xi32, #tpu.memory_space<hbm>> -> memref<1x128xi32, #tpu.memory_space<hbm>>
          %dma_wait3A_71 = tpu.memref_squeeze %dma_wait3A_70 : memref<1x128xi32, #tpu.memory_space<hbm>> -> memref<128xi32, #tpu.memory_space<hbm>>
          tpu.wait_dma2 semaphore(%run_scoped3A_63 : memref<!tpu.dma_semaphore, #tpu.memory_space<semaphore_mem>>) src(%dma_wait3A_71 : memref<128xi32, #tpu.memory_space<hbm>>) dst(%arg8 : memref<128xi32, #tpu.memory_space<vmem>>)
          tpu.yield
        }) : () -> ()
        %dma_start3A = arith.constant 0 : i32
        %dma_start3A_47 = arith.constant 0 : i32
        %dma_start3A_48 = tpu.memref_slice %arg2[%dma_start3A, %dma_start3A_47] : memref<10000x64xf32, #tpu.memory_space<hbm>> -> memref<10000x64xf32, #tpu.memory_space<hbm>>
        tpu.enqueue_indirect_dma source(%dma_start3A_48 : memref<10000x64xf32, #tpu.memory_space<hbm>>) target(%arg9 : memref<128x64xf32, #tpu.memory_space<vmem>>) offsets(%arg7 : memref<128xi32, #tpu.memory_space<vmem>>) semaphore(%arg14 : memref<!tpu.dma_semaphore, #tpu.memory_space<semaphore_mem>>)
        %dma_start3A_49 = arith.constant 0 : i32
        %dma_start3A_50 = arith.constant 0 : i32
        %dma_start3A_51 = tpu.memref_slice %arg3[%dma_start3A_49, %dma_start3A_50] : memref<10000x64xf32, #tpu.memory_space<hbm>> -> memref<10000x64xf32, #tpu.memory_space<hbm>>
        tpu.enqueue_indirect_dma source(%dma_start3A_51 : memref<10000x64xf32, #tpu.memory_space<hbm>>) target(%arg10 : memref<128x64xf32, #tpu.memory_space<vmem>>) offsets(%arg8 : memref<128xi32, #tpu.memory_space<vmem>>) semaphore(%arg15 : memref<!tpu.dma_semaphore, #tpu.memory_space<semaphore_mem>>)
        "tpu.region"() ({
          %run_scoped3A_63 = tpu.sem_alloc : memref<!tpu.dma_semaphore, #tpu.memory_space<semaphore_mem>>
          %dma_start3A_64 = arith.constant 0 : i32
          %dma_start3A_65 = tpu.memref_slice %arg4[%mul3A_45, %dma_start3A_64] : memref<320000x64xf32, #tpu.memory_space<hbm>> -> memref<128x64xf32, #tpu.memory_space<hbm>>
          %dma_start3A_66 = arith.constant 0 : i32
          %dma_start3A_67 = tpu.memref_slice %arg4[%mul3A_45, %dma_start3A_66] : memref<320000x64xf32, #tpu.memory_space<hbm>> -> memref<128x64xf32, #tpu.memory_space<hbm>>
          tpu.enqueue_dma source(%dma_start3A_67 : memref<128x64xf32, #tpu.memory_space<hbm>>) target(%arg11 : memref<128x64xf32, #tpu.memory_space<vmem>>) target_semaphore(%run_scoped3A_63 : memref<!tpu.dma_semaphore, #tpu.memory_space<semaphore_mem>>)
          %dma_wait3A_68 = arith.constant 0 : i32
          %dma_wait3A_69 = tpu.memref_slice %arg4[%mul3A_45, %dma_wait3A_68] : memref<320000x64xf32, #tpu.memory_space<hbm>> -> memref<128x64xf32, #tpu.memory_space<hbm>>
          %dma_wait3A_70 = arith.constant 0 : i32
          %dma_wait3A_71 = tpu.memref_slice %arg4[%mul3A_45, %dma_wait3A_70] : memref<320000x64xf32, #tpu.memory_space<hbm>> -> memref<128x64xf32, #tpu.memory_space<hbm>>
          tpu.wait_dma2 semaphore(%run_scoped3A_63 : memref<!tpu.dma_semaphore, #tpu.memory_space<semaphore_mem>>) src(%dma_wait3A_71 : memref<128x64xf32, #tpu.memory_space<hbm>>) dst(%arg11 : memref<128x64xf32, #tpu.memory_space<vmem>>)
          tpu.yield
        }) : () -> ()
        %dma_wait3A = arith.constant 0 : i32
        %dma_wait3A_52 = arith.constant 0 : i32
        %dma_wait3A_53 = tpu.memref_slice %arg2[%dma_wait3A, %dma_wait3A_52] : memref<10000x64xf32, #tpu.memory_space<hbm>> -> memref<10000x64xf32, #tpu.memory_space<hbm>>
        tpu.wait_indirect_dma semaphore(%arg14 : memref<!tpu.dma_semaphore, #tpu.memory_space<semaphore_mem>>) src(%dma_wait3A_53 : memref<10000x64xf32, #tpu.memory_space<hbm>>) dst(%arg9 : memref<128x64xf32, #tpu.memory_space<vmem>>)
        %dma_wait3A_54 = arith.constant 0 : i32
        %dma_wait3A_55 = arith.constant 0 : i32
        %dma_wait3A_56 = tpu.memref_slice %arg3[%dma_wait3A_54, %dma_wait3A_55] : memref<10000x64xf32, #tpu.memory_space<hbm>> -> memref<10000x64xf32, #tpu.memory_space<hbm>>
        tpu.wait_indirect_dma semaphore(%arg15 : memref<!tpu.dma_semaphore, #tpu.memory_space<semaphore_mem>>) src(%dma_wait3A_56 : memref<10000x64xf32, #tpu.memory_space<hbm>>) dst(%arg10 : memref<128x64xf32, #tpu.memory_space<vmem>>)
        %scan3A_57 = arith.constant 0 : i32
        %scan3A_58 = arith.constant 0 : i32
        %scan3A_59 = arith.constant 128 : i32
        %scan3A_60 = arith.addi %scan3A_58, %scan3A_59 : i32
        %scan3A_61 = arith.constant 1 : i32
        scf.for %scan3A_63 = %scan3A_58 to %scan3A_60 step %scan3A_61  : i32 {
          %get3A = arith.index_cast %scan3A_63 : i32 to index
          %get3A_64 = arith.constant 0 : index
          %get3A_65 = tpu.vector_load %arg9[%get3A, %get3A_64] {strides = array<i32>} : memref<128x64xf32, #tpu.memory_space<vmem>>, vector<1x16xf32>,
          %get3A_66 = vector.shape_cast %get3A_65 : vector<1x16xf32> to vector<16xf32>
          %get3A_67 = arith.index_cast %scan3A_63 : i32 to index
          %get3A_68 = arith.constant 0 : index
          %get3A_69 = tpu.vector_load %arg10[%get3A_67, %get3A_68] {strides = array<i32>} : memref<128x64xf32, #tpu.memory_space<vmem>>, vector<1x16xf32>,
          %get3A_70 = vector.shape_cast %get3A_69 : vector<1x16xf32> to vector<16xf32>
          %add3A_71 = arith.addf %get3A_66, %get3A_70 : vector<16xf32>
          %get3A_72 = arith.index_cast %scan3A_63 : i32 to index
          %get3A_73 = arith.constant 0 : index
          %get3A_74 = tpu.vector_load %arg11[%get3A_72, %get3A_73] {strides = array<i32>} : memref<128x64xf32, #tpu.memory_space<vmem>>, vector<1x16xf32>,
          %get3A_75 = vector.shape_cast %get3A_74 : vector<1x16xf32> to vector<16xf32>
          %add3A_76 = arith.addf %add3A_71, %get3A_75 : vector<16xf32>
          %max3A = arith.constant 0.000000e+00 : f32
          %max3A_77 = vector.broadcast %max3A : f32 to vector<16xf32>
          %max3A_78 = arith.maximumf %add3A_76, %max3A_77 : vector<16xf32>
          %swap3A = arith.index_cast %scan3A_63 : i32 to index
          %swap3A_79 = arith.constant 0 : index
          %swap3A_80 = tpu.vector_load %arg11[%swap3A, %swap3A_79] {strides = array<i32>} : memref<128x64xf32, #tpu.memory_space<vmem>>, vector<1x16xf32>,
          %swap3A_81 = vector.shape_cast %swap3A_80 : vector<1x16xf32> to vector<16xf32>
          %swap3A_82 = vector.shape_cast %max3A_78 : vector<16xf32> to vector<1x16xf32>
          tpu.vector_store %arg11[%swap3A, %swap3A_79], %swap3A_82 {strides = array<i32>} : memref<128x64xf32, #tpu.memory_space<vmem>>, vector<1x16xf32>,
          %get3A_83 = arith.index_cast %scan3A_63 : i32 to index
          %get3A_84 = arith.constant 16 : index
          %get3A_85 = tpu.vector_load %arg9[%get3A_83, %get3A_84] {strides = array<i32>} : memref<128x64xf32, #tpu.memory_space<vmem>>, vector<1x16xf32>,
          %get3A_86 = vector.shape_cast %get3A_85 : vector<1x16xf32> to vector<16xf32>
          %get3A_87 = arith.index_cast %scan3A_63 : i32 to index
          %get3A_88 = arith.constant 16 : index
          %get3A_89 = tpu.vector_load %arg10[%get3A_87, %get3A_88] {strides = array<i32>} : memref<128x64xf32, #tpu.memory_space<vmem>>, vector<1x16xf32>,
          %get3A_90 = vector.shape_cast %get3A_89 : vector<1x16xf32> to vector<16xf32>
          %add3A_91 = arith.addf %get3A_86, %get3A_90 : vector<16xf32>
          %get3A_92 = arith.index_cast %scan3A_63 : i32 to index
          %get3A_93 = arith.constant 16 : index
          %get3A_94 = tpu.vector_load %arg11[%get3A_92, %get3A_93] {strides = array<i32>} : memref<128x64xf32, #tpu.memory_space<vmem>>, vector<1x16xf32>,
          %get3A_95 = vector.shape_cast %get3A_94 : vector<1x16xf32> to vector<16xf32>
          %add3A_96 = arith.addf %add3A_91, %get3A_95 : vector<16xf32>
          %max3A_97 = arith.constant 0.000000e+00 : f32
          %max3A_98 = vector.broadcast %max3A_97 : f32 to vector<16xf32>
          %max3A_99 = arith.maximumf %add3A_96, %max3A_98 : vector<16xf32>
          %swap3A_100 = arith.index_cast %scan3A_63 : i32 to index
          %swap3A_101 = arith.constant 16 : index
          %swap3A_102 = tpu.vector_load %arg11[%swap3A_100, %swap3A_101] {strides = array<i32>} : memref<128x64xf32, #tpu.memory_space<vmem>>, vector<1x16xf32>,
          %swap3A_103 = vector.shape_cast %swap3A_102 : vector<1x16xf32> to vector<16xf32>
          %swap3A_104 = vector.shape_cast %max3A_99 : vector<16xf32> to vector<1x16xf32>
          tpu.vector_store %arg11[%swap3A_100, %swap3A_101], %swap3A_104 {strides = array<i32>} : memref<128x64xf32, #tpu.memory_space<vmem>>, vector<1x16xf32>,
          %get3A_105 = arith.index_cast %scan3A_63 : i32 to index
          %get3A_106 = arith.constant 32 : index
          %get3A_107 = tpu.vector_load %arg9[%get3A_105, %get3A_106] {strides = array<i32>} : memref<128x64xf32, #tpu.memory_space<vmem>>, vector<1x16xf32>,
          %get3A_108 = vector.shape_cast %get3A_107 : vector<1x16xf32> to vector<16xf32>
          %get3A_109 = arith.index_cast %scan3A_63 : i32 to index
          %get3A_110 = arith.constant 32 : index
          %get3A_111 = tpu.vector_load %arg10[%get3A_109, %get3A_110] {strides = array<i32>} : memref<128x64xf32, #tpu.memory_space<vmem>>, vector<1x16xf32>,
          %get3A_112 = vector.shape_cast %get3A_111 : vector<1x16xf32> to vector<16xf32>
          %add3A_113 = arith.addf %get3A_108, %get3A_112 : vector<16xf32>
          %get3A_114 = arith.index_cast %scan3A_63 : i32 to index
          %get3A_115 = arith.constant 32 : index
          %get3A_116 = tpu.vector_load %arg11[%get3A_114, %get3A_115] {strides = array<i32>} : memref<128x64xf32, #tpu.memory_space<vmem>>, vector<1x16xf32>,
          %get3A_117 = vector.shape_cast %get3A_116 : vector<1x16xf32> to vector<16xf32>
          %add3A_118 = arith.addf %add3A_113, %get3A_117 : vector<16xf32>
          %max3A_119 = arith.constant 0.000000e+00 : f32
          %max3A_120 = vector.broadcast %max3A_119 : f32 to vector<16xf32>
          %max3A_121 = arith.maximumf %add3A_118, %max3A_120 : vector<16xf32>
          %swap3A_122 = arith.index_cast %scan3A_63 : i32 to index
          %swap3A_123 = arith.constant 32 : index
          %swap3A_124 = tpu.vector_load %arg11[%swap3A_122, %swap3A_123] {strides = array<i32>} : memref<128x64xf32, #tpu.memory_space<vmem>>, vector<1x16xf32>,
          %swap3A_125 = vector.shape_cast %swap3A_124 : vector<1x16xf32> to vector<16xf32>
          %swap3A_126 = vector.shape_cast %max3A_121 : vector<16xf32> to vector<1x16xf32>
          tpu.vector_store %arg11[%swap3A_122, %swap3A_123], %swap3A_126 {strides = array<i32>} : memref<128x64xf32, #tpu.memory_space<vmem>>, vector<1x16xf32>,
          %get3A_127 = arith.index_cast %scan3A_63 : i32 to index
          %get3A_128 = arith.constant 48 : index
          %get3A_129 = tpu.vector_load %arg9[%get3A_127, %get3A_128] {strides = array<i32>} : memref<128x64xf32, #tpu.memory_space<vmem>>, vector<1x16xf32>,
          %get3A_130 = vector.shape_cast %get3A_129 : vector<1x16xf32> to vector<16xf32>
          %get3A_131 = arith.index_cast %scan3A_63 : i32 to index
          %get3A_132 = arith.constant 48 : index
          %get3A_133 = tpu.vector_load %arg10[%get3A_131, %get3A_132] {strides = array<i32>} : memref<128x64xf32, #tpu.memory_space<vmem>>, vector<1x16xf32>,
          %get3A_134 = vector.shape_cast %get3A_133 : vector<1x16xf32> to vector<16xf32>
          %add3A_135 = arith.addf %get3A_130, %get3A_134 : vector<16xf32>
          %get3A_136 = arith.index_cast %scan3A_63 : i32 to index
          %get3A_137 = arith.constant 48 : index
          %get3A_138 = tpu.vector_load %arg11[%get3A_136, %get3A_137] {strides = array<i32>} : memref<128x64xf32, #tpu.memory_space<vmem>>, vector<1x16xf32>,
          %get3A_139 = vector.shape_cast %get3A_138 : vector<1x16xf32> to vector<16xf32>
          %add3A_140 = arith.addf %add3A_135, %get3A_139 : vector<16xf32>
          %max3A_141 = arith.constant 0.000000e+00 : f32
          %max3A_142 = vector.broadcast %max3A_141 : f32 to vector<16xf32>
          %max3A_143 = arith.maximumf %add3A_140, %max3A_142 : vector<16xf32>
          %swap3A_144 = arith.index_cast %scan3A_63 : i32 to index
          %swap3A_145 = arith.constant 48 : index
          %swap3A_146 = tpu.vector_load %arg11[%swap3A_144, %swap3A_145] {strides = array<i32>} : memref<128x64xf32, #tpu.memory_space<vmem>>, vector<1x16xf32>,
          %swap3A_147 = vector.shape_cast %swap3A_146 : vector<1x16xf32> to vector<16xf32>
          %swap3A_148 = vector.shape_cast %max3A_143 : vector<16xf32> to vector<1x16xf32>
          tpu.vector_store %arg11[%swap3A_144, %swap3A_145], %swap3A_148 {strides = array<i32>} : memref<128x64xf32, #tpu.memory_space<vmem>>, vector<1x16xf32>,
        }
        %scan3A_62 = arith.constant 128 : i32
        "tpu.region"() ({
          %run_scoped3A_63 = tpu.sem_alloc : memref<!tpu.dma_semaphore, #tpu.memory_space<semaphore_mem>>
          %dma_start3A_64 = arith.constant 0 : i32
          %dma_start3A_65 = arith.constant 0 : i32
          %dma_start3A_66 = tpu.memref_slice %arg13[%dma_start3A_64, %dma_start3A_65] : memref<10240x64xf32, #tpu.memory_space<vmem_shared>> -> memref<10240x64xf32, #tpu.memory_space<vmem_shared>>
          tpu.enqueue_indirect_dma source(%arg11 : memref<128x64xf32, #tpu.memory_space<vmem>>) target(%dma_start3A_66 : memref<10240x64xf32, #tpu.memory_space<vmem_shared>>) offsets(%arg8 : memref<128xi32, #tpu.memory_space<vmem>>) semaphore(%run_scoped3A_63 : memref<!tpu.dma_semaphore, #tpu.memory_space<semaphore_mem>>) {add = true}
          %dma_wait3A_67 = arith.constant 0 : i32
          %dma_wait3A_68 = arith.constant 0 : i32
          %dma_wait3A_69 = tpu.memref_slice %arg13[%dma_wait3A_67, %dma_wait3A_68] : memref<10240x64xf32, #tpu.memory_space<vmem_shared>> -> memref<10240x64xf32, #tpu.memory_space<vmem_shared>>
          tpu.wait_indirect_dma semaphore(%run_scoped3A_63 : memref<!tpu.dma_semaphore, #tpu.memory_space<semaphore_mem>>) src(%arg11 : memref<128x64xf32, #tpu.memory_space<vmem>>) dst(%dma_wait3A_69 : memref<10240x64xf32, #tpu.memory_space<vmem_shared>>)
          tpu.yield
        }) : () -> ()
      } else {
      }
    }
    %scan3A_32 = arith.constant 79 : i32
    %barrier3A_33 = arith.constant 0 : index
    tpu.barrier barrier_id(%barrier3A_33)
    %mul3A_34 = arith.constant 640 : i32
    %mul3A_35 = arith.muli %arg1, %mul3A_34 : i32
    %mul3A_36 = arith.constant 640 : i32
    %mul3A_37 = arith.muli %arg1, %mul3A_36 : i32
    "tpu.region"() ({
      %run_scoped3A = tpu.sem_alloc : memref<!tpu.dma_semaphore, #tpu.memory_space<semaphore_mem>>
      %dma_start3A = arith.constant 0 : i32
      %dma_start3A_38 = tpu.memref_slice %arg6[%arg0, %mul3A_37, %dma_start3A] : memref<2x10240x64xf32, #tpu.memory_space<hbm>> -> memref<1x640x64xf32, #tpu.memory_space<hbm>>
      %dma_start3A_39 = tpu.memref_squeeze %dma_start3A_38 : memref<1x640x64xf32, #tpu.memory_space<hbm>> -> memref<640x64xf32, #tpu.memory_space<hbm>>
      %dma_start3A_40 = arith.constant 0 : i32
      %dma_start3A_41 = tpu.memref_slice %arg13[%mul3A_35, %dma_start3A_40] : memref<10240x64xf32, #tpu.memory_space<vmem_shared>> -> memref<640x64xf32, #tpu.memory_space<vmem_shared>>
      tpu.enqueue_dma source(%dma_start3A_41 : memref<640x64xf32, #tpu.memory_space<vmem_shared>>) target(%dma_start3A_39 : memref<640x64xf32, #tpu.memory_space<hbm>>) target_semaphore(%run_scoped3A : memref<!tpu.dma_semaphore, #tpu.memory_space<semaphore_mem>>)
      %dma_wait3A = arith.constant 0 : i32
      %dma_wait3A_42 = tpu.memref_slice %arg6[%arg0, %mul3A_37, %dma_wait3A] : memref<2x10240x64xf32, #tpu.memory_space<hbm>> -> memref<1x640x64xf32, #tpu.memory_space<hbm>>
      %dma_wait3A_43 = tpu.memref_squeeze %dma_wait3A_42 : memref<1x640x64xf32, #tpu.memory_space<hbm>> -> memref<640x64xf32, #tpu.memory_space<hbm>>
      %dma_wait3A_44 = arith.constant 0 : i32
      %dma_wait3A_45 = tpu.memref_slice %arg13[%mul3A_35, %dma_wait3A_44] : memref<10240x64xf32, #tpu.memory_space<vmem_shared>> -> memref<640x64xf32, #tpu.memory_space<vmem_shared>>
      tpu.wait_dma2 semaphore(%run_scoped3A : memref<!tpu.dma_semaphore, #tpu.memory_space<semaphore_mem>>) src(%dma_wait3A_45 : memref<640x64xf32, #tpu.memory_space<vmem_shared>>) dst(%dma_wait3A_43 : memref<640x64xf32, #tpu.memory_space<hbm>>)
      tpu.yield
    }) : () -> ()
    return
  }
}

module attributes {stable_mosaic.version = 14 : i64} {
  func.func @_wprep_body(%arg0: memref<64x64xf32, #tpu.memory_space<vmem>>, %arg1: memref<64x384xf32, #tpu.memory_space<vmem>>, %arg2: memref<1x64xf32, #tpu.memory_space<vmem>>, %arg3: memref<1x384xf32, #tpu.memory_space<vmem>>, %arg4: memref<64x384xf32, #tpu.memory_space<vmem>>, %arg5: memref<1x384xf32, #tpu.memory_space<vmem>>) attributes {dimension_semantics = [], scalar_prefetch = 0 : i64, scratch_operands = 0 : i64, tpu.core_type = #tpu.core_type<tc>} {
    %get3A = arith.constant 0 : index
    %get3A_0 = arith.constant 0 : index
    %get3A_1 = vector.load %arg0[%get3A, %get3A_0] : memref<64x64xf32, #tpu.memory_space<vmem>>, vector<64x64xf32>
    %get3A_2 = arith.constant 0 : index
    %get3A_3 = arith.constant 0 : index
    %get3A_4 = vector.load %arg1[%get3A_2, %get3A_3] : memref<64x384xf32, #tpu.memory_space<vmem>>, vector<64x384xf32>
    %dot_general3A = arith.constant dense<0.000000e+00> : vector<64x384xf32>
    %dot_general3A_5 = tpu.matmul %get3A_1, %get3A_4, %dot_general3A {dimension_numbers = #tpu.dot_dimension_numbers<[1], [0], [0], [1], [0, 0, 1, 1], [], []>, precision = #tpu.contract_precision<fp32>, transpose_lhs_hint = false} : vector<64x64xf32>, vector<64x384xf32>, vector<64x384xf32> -> vector<64x384xf32>
    %swap3A = arith.constant 0 : index
    %swap3A_6 = arith.constant 0 : index
    %swap3A_7 = vector.load %arg4[%swap3A, %swap3A_6] : memref<64x384xf32, #tpu.memory_space<vmem>>, vector<64x384xf32>
    tpu.vector_store %arg4[%swap3A, %swap3A_6], %dot_general3A_5 {strides = array<i32>} : memref<64x384xf32, #tpu.memory_space<vmem>>, vector<64x384xf32>,
    %get3A_8 = arith.constant 0 : index
    %get3A_9 = arith.constant 0 : index
    %get3A_10 = vector.load %arg2[%get3A_8, %get3A_9] : memref<1x64xf32, #tpu.memory_space<vmem>>, vector<1x64xf32>
    %get3A_11 = arith.constant 0 : index
    %get3A_12 = arith.constant 0 : index
    %get3A_13 = vector.load %arg1[%get3A_11, %get3A_12] : memref<64x384xf32, #tpu.memory_space<vmem>>, vector<64x384xf32>
    %dot_general3A_14 = arith.constant dense<0.000000e+00> : vector<1x384xf32>
    %dot_general3A_15 = tpu.matmul %get3A_10, %get3A_13, %dot_general3A_14 {dimension_numbers = #tpu.dot_dimension_numbers<[1], [0], [0], [1], [0, 0, 1, 1], [], []>, precision = #tpu.contract_precision<fp32>, transpose_lhs_hint = false} : vector<1x64xf32>, vector<64x384xf32>, vector<1x384xf32> -> vector<1x384xf32>
    %get3A_16 = arith.constant 0 : index
    %get3A_17 = arith.constant 0 : index
    %get3A_18 = vector.load %arg3[%get3A_16, %get3A_17] : memref<1x384xf32, #tpu.memory_space<vmem>>, vector<1x384xf32>
    %add3A = arith.addf %dot_general3A_15, %get3A_18 : vector<1x384xf32>
    %swap3A_19 = arith.constant 0 : index
    %swap3A_20 = arith.constant 0 : index
    %swap3A_21 = vector.load %arg5[%swap3A_19, %swap3A_20] : memref<1x384xf32, #tpu.memory_space<vmem>>, vector<1x384xf32>
    tpu.vector_store %arg5[%swap3A_19, %swap3A_20], %add3A {strides = array<i32>} : memref<1x384xf32, #tpu.memory_space<vmem>>, vector<1x384xf32>,
    return
  }
}

module attributes {stable_mosaic.version = 14 : i64} {
  func.func @_edge_enc_body(%arg0: i32, %arg1: memref<3200x10xf32, #tpu.memory_space<vmem>>, %arg2: memref<10x64xf32, #tpu.memory_space<vmem>>, %arg3: memref<1x64xf32, #tpu.memory_space<vmem>>, %arg4: memref<3200x64xf32, #tpu.memory_space<vmem>>) attributes {dimension_semantics = [#tpu.dimension_semantics<arbitrary>], iteration_bounds = array<i64: 100>, scalar_prefetch = 0 : i64, scratch_operands = 0 : i64, tpu.core_type = #tpu.core_type<tc>, window_params = [{transform_indices = @transform_0, window_bounds = array<i64: 3200, 10>}, {pipeline_mode = #tpu.pipeline_mode<synchronous>, transform_indices = @transform_1, window_bounds = array<i64: 10, 64>}, {pipeline_mode = #tpu.pipeline_mode<synchronous>, transform_indices = @transform_2, window_bounds = array<i64: 1, 64>}, {transform_indices = @transform_3, window_bounds = array<i64: 3200, 64>}]} {
    %get3A = arith.constant 0 : index
    %get3A_0 = arith.constant 0 : index
    %get3A_1 = vector.load %arg1[%get3A, %get3A_0] : memref<3200x10xf32, #tpu.memory_space<vmem>>, vector<3200x10xf32>
    %get3A_2 = arith.constant 0 : index
    %get3A_3 = arith.constant 0 : index
    %get3A_4 = vector.load %arg2[%get3A_2, %get3A_3] : memref<10x64xf32, #tpu.memory_space<vmem>>, vector<10x64xf32>
    %dot_general3A = arith.constant dense<0.000000e+00> : vector<3200x64xf32>
    %dot_general3A_5 = tpu.matmul %get3A_1, %get3A_4, %dot_general3A {dimension_numbers = #tpu.dot_dimension_numbers<[1], [0], [0], [1], [0, 0, 1, 1], [], []>, precision = #tpu.contract_precision<fp32>, transpose_lhs_hint = false} : vector<3200x10xf32>, vector<10x64xf32>, vector<3200x64xf32> -> vector<3200x64xf32>
    %get3A_6 = arith.constant 0 : index
    %get3A_7 = arith.constant 0 : index
    %get3A_8 = vector.load %arg3[%get3A_6, %get3A_7] : memref<1x64xf32, #tpu.memory_space<vmem>>, vector<1x64xf32>
    %add3A = vector.broadcast %get3A_8 : vector<1x64xf32> to vector<3200x64xf32>
    %add3A_9 = arith.addf %dot_general3A_5, %add3A : vector<3200x64xf32>
    %max3A = arith.constant 0.000000e+00 : f32
    %max3A_10 = vector.broadcast %max3A : f32 to vector<3200x64xf32>
    %max3A_11 = arith.maximumf %add3A_9, %max3A_10 : vector<3200x64xf32>
    %swap3A = arith.constant 0 : index
    %swap3A_12 = arith.constant 0 : index
    %swap3A_13 = vector.load %arg4[%swap3A, %swap3A_12] : memref<3200x64xf32, #tpu.memory_space<vmem>>, vector<3200x64xf32>
    tpu.vector_store %arg4[%swap3A, %swap3A_12], %max3A_11 {strides = array<i32>} : memref<3200x64xf32, #tpu.memory_space<vmem>>, vector<3200x64xf32>,
    return
  }
  func.func @transform_0(%arg0: i32) -> (i32, i32) {
    %c0_i32 = arith.constant 0 : i32
    %c0_i32_0 = arith.constant 0 : i32
    return %arg0, %c0_i32 : i32, i32
  }
  func.func @transform_1(%arg0: i32) -> (i32, i32) {
    %c0_i32 = arith.constant 0 : i32
    %c0_i32_0 = arith.constant 0 : i32
    %c0_i32_1 = arith.constant 0 : i32
    return %c0_i32, %c0_i32_0 : i32, i32
  }
  func.func @transform_2(%arg0: i32) -> (i32, i32) {
    %c0_i32 = arith.constant 0 : i32
    %c0_i32_0 = arith.constant 0 : i32
    %c0_i32_1 = arith.constant 0 : i32
    return %c0_i32, %c0_i32_0 : i32, i32
  }
  func.func @transform_3(%arg0: i32) -> (i32, i32) {
    %c0_i32 = arith.constant 0 : i32
    %c0_i32_0 = arith.constant 0 : i32
    return %arg0, %c0_i32 : i32, i32
  }
}

module attributes {stable_mosaic.version = 14 : i64} {
  func.func @_eproj_body(%arg0: i32, %arg1: memref<3200x64xf32, #tpu.memory_space<vmem>>, %arg2: memref<64x64xf32, #tpu.memory_space<vmem>>, %arg3: memref<1x64xf32, #tpu.memory_space<vmem>>, %arg4: memref<3200x64xf32, #tpu.memory_space<vmem>>) attributes {dimension_semantics = [#tpu.dimension_semantics<arbitrary>], iteration_bounds = array<i64: 100>, scalar_prefetch = 0 : i64, scratch_operands = 0 : i64, tpu.core_type = #tpu.core_type<tc>, window_params = [{transform_indices = @transform_0, window_bounds = array<i64: 3200, 64>}, {pipeline_mode = #tpu.pipeline_mode<synchronous>, transform_indices = @transform_1, window_bounds = array<i64: 64, 64>}, {pipeline_mode = #tpu.pipeline_mode<synchronous>, transform_indices = @transform_2, window_bounds = array<i64: 1, 64>}, {transform_indices = @transform_3, window_bounds = array<i64: 3200, 64>}]} {
    %get3A = arith.constant 0 : index
    %get3A_0 = arith.constant 0 : index
    %get3A_1 = vector.load %arg1[%get3A, %get3A_0] : memref<3200x64xf32, #tpu.memory_space<vmem>>, vector<3200x64xf32>
    %get3A_2 = arith.constant 0 : index
    %get3A_3 = arith.constant 0 : index
    %get3A_4 = vector.load %arg2[%get3A_2, %get3A_3] : memref<64x64xf32, #tpu.memory_space<vmem>>, vector<64x64xf32>
    %dot_general3A = arith.constant dense<0.000000e+00> : vector<3200x64xf32>
    %dot_general3A_5 = tpu.matmul %get3A_1, %get3A_4, %dot_general3A {dimension_numbers = #tpu.dot_dimension_numbers<[1], [0], [0], [1], [0, 0, 1, 1], [], []>, precision = #tpu.contract_precision<fp32>, transpose_lhs_hint = false} : vector<3200x64xf32>, vector<64x64xf32>, vector<3200x64xf32> -> vector<3200x64xf32>
    %get3A_6 = arith.constant 0 : index
    %get3A_7 = arith.constant 0 : index
    %get3A_8 = vector.load %arg3[%get3A_6, %get3A_7] : memref<1x64xf32, #tpu.memory_space<vmem>>, vector<1x64xf32>
    %add3A = vector.broadcast %get3A_8 : vector<1x64xf32> to vector<3200x64xf32>
    %add3A_9 = arith.addf %dot_general3A_5, %add3A : vector<3200x64xf32>
    %swap3A = arith.constant 0 : index
    %swap3A_10 = arith.constant 0 : index
    %swap3A_11 = vector.load %arg4[%swap3A, %swap3A_10] : memref<3200x64xf32, #tpu.memory_space<vmem>>, vector<3200x64xf32>
    tpu.vector_store %arg4[%swap3A, %swap3A_10], %add3A_9 {strides = array<i32>} : memref<3200x64xf32, #tpu.memory_space<vmem>>, vector<3200x64xf32>,
    return
  }
  func.func @transform_0(%arg0: i32) -> (i32, i32) {
    %c0_i32 = arith.constant 0 : i32
    %c0_i32_0 = arith.constant 0 : i32
    return %arg0, %c0_i32 : i32, i32
  }
  func.func @transform_1(%arg0: i32) -> (i32, i32) {
    %c0_i32 = arith.constant 0 : i32
    %c0_i32_0 = arith.constant 0 : i32
    %c0_i32_1 = arith.constant 0 : i32
    return %c0_i32, %c0_i32_0 : i32, i32
  }
  func.func @transform_2(%arg0: i32) -> (i32, i32) {
    %c0_i32 = arith.constant 0 : i32
    %c0_i32_0 = arith.constant 0 : i32
    %c0_i32_1 = arith.constant 0 : i32
    return %c0_i32, %c0_i32_0 : i32, i32
  }
  func.func @transform_3(%arg0: i32) -> (i32, i32) {
    %c0_i32 = arith.constant 0 : i32
    %c0_i32_0 = arith.constant 0 : i32
    return %arg0, %c0_i32 : i32, i32
  }
}

module attributes {stable_mosaic.version = 14 : i64} {
  func.func @_node_enc_body(%arg0: i32, %arg1: memref<1000x9xf32, #tpu.memory_space<vmem>>, %arg2: memref<9x64xf32, #tpu.memory_space<vmem>>, %arg3: memref<1x64xf32, #tpu.memory_space<vmem>>, %arg4: memref<64x64xf32, #tpu.memory_space<vmem>>, %arg5: memref<1x64xf32, #tpu.memory_space<vmem>>, %arg6: memref<64x64xf32, #tpu.memory_space<vmem>>, %arg7: memref<64x64xf32, #tpu.memory_space<vmem>>, %arg8: memref<1000x64xf32, #tpu.memory_space<vmem>>, %arg9: memref<1000x64xf32, #tpu.memory_space<vmem>>, %arg10: memref<1000x64xf32, #tpu.memory_space<vmem>>) attributes {dimension_semantics = [#tpu.dimension_semantics<arbitrary>], iteration_bounds = array<i64: 10>, scalar_prefetch = 0 : i64, scratch_operands = 0 : i64, tpu.core_type = #tpu.core_type<tc>, window_params = [{transform_indices = @transform_0, window_bounds = array<i64: 1000, 9>}, {pipeline_mode = #tpu.pipeline_mode<synchronous>, transform_indices = @transform_1, window_bounds = array<i64: 9, 64>}, {pipeline_mode = #tpu.pipeline_mode<synchronous>, transform_indices = @transform_2, window_bounds = array<i64: 1, 64>}, {pipeline_mode = #tpu.pipeline_mode<synchronous>, transform_indices = @transform_3, window_bounds = array<i64: 64, 64>}, {pipeline_mode = #tpu.pipeline_mode<synchronous>, transform_indices = @transform_4, window_bounds = array<i64: 1, 64>}, {pipeline_mode = #tpu.pipeline_mode<synchronous>, transform_indices = @transform_5, window_bounds = array<i64: 64, 64>}, {pipeline_mode = #tpu.pipeline_mode<synchronous>, transform_indices = @transform_6, window_bounds = array<i64: 64, 64>}, {transform_indices = @transform_7, window_bounds = array<i64: 1000, 64>}, {transform_indices = @transform_8, window_bounds = array<i64: 1000, 64>}, {transform_indices = @transform_9, window_bounds = array<i64: 1000, 64>}]} {
    %get3A = arith.constant 0 : index
    %get3A_0 = arith.constant 0 : index
    %get3A_1 = vector.load %arg1[%get3A, %get3A_0] : memref<1000x9xf32, #tpu.memory_space<vmem>>, vector<1000x9xf32>
    %get3A_2 = arith.constant 0 : index
    %get3A_3 = arith.constant 0 : index
    %get3A_4 = vector.load %arg2[%get3A_2, %get3A_3] : memref<9x64xf32, #tpu.memory_space<vmem>>, vector<9x64xf32>
    %dot_general3A = arith.constant dense<0.000000e+00> : vector<1000x64xf32>
    %dot_general3A_5 = tpu.matmul %get3A_1, %get3A_4, %dot_general3A {dimension_numbers = #tpu.dot_dimension_numbers<[1], [0], [0], [1], [0, 0, 1, 1], [], []>, precision = #tpu.contract_precision<fp32>, transpose_lhs_hint = false} : vector<1000x9xf32>, vector<9x64xf32>, vector<1000x64xf32> -> vector<1000x64xf32>
    %get3A_6 = arith.constant 0 : index
    %get3A_7 = arith.constant 0 : index
    %get3A_8 = vector.load %arg3[%get3A_6, %get3A_7] : memref<1x64xf32, #tpu.memory_space<vmem>>, vector<1x64xf32>
    %add3A = vector.broadcast %get3A_8 : vector<1x64xf32> to vector<1000x64xf32>
    %add3A_9 = arith.addf %dot_general3A_5, %add3A : vector<1000x64xf32>
    %max3A = arith.constant 0.000000e+00 : f32
    %max3A_10 = vector.broadcast %max3A : f32 to vector<1000x64xf32>
    %max3A_11 = arith.maximumf %add3A_9, %max3A_10 : vector<1000x64xf32>
    %get3A_12 = arith.constant 0 : index
    %get3A_13 = arith.constant 0 : index
    %get3A_14 = vector.load %arg4[%get3A_12, %get3A_13] : memref<64x64xf32, #tpu.memory_space<vmem>>, vector<64x64xf32>
    %dot_general3A_15 = arith.constant dense<0.000000e+00> : vector<1000x64xf32>
    %dot_general3A_16 = tpu.matmul %max3A_11, %get3A_14, %dot_general3A_15 {dimension_numbers = #tpu.dot_dimension_numbers<[1], [0], [0], [1], [0, 0, 1, 1], [], []>, precision = #tpu.contract_precision<fp32>, transpose_lhs_hint = false} : vector<1000x64xf32>, vector<64x64xf32>, vector<1000x64xf32> -> vector<1000x64xf32>
    %get3A_17 = arith.constant 0 : index
    %get3A_18 = arith.constant 0 : index
    %get3A_19 = vector.load %arg5[%get3A_17, %get3A_18] : memref<1x64xf32, #tpu.memory_space<vmem>>, vector<1x64xf32>
    %add3A_20 = vector.broadcast %get3A_19 : vector<1x64xf32> to vector<1000x64xf32>
    %add3A_21 = arith.addf %dot_general3A_16, %add3A_20 : vector<1000x64xf32>
    %swap3A = arith.constant 0 : index
    %swap3A_22 = arith.constant 0 : index
    %swap3A_23 = vector.load %arg8[%swap3A, %swap3A_22] : memref<1000x64xf32, #tpu.memory_space<vmem>>, vector<1000x64xf32>
    tpu.vector_store %arg8[%swap3A, %swap3A_22], %add3A_21 {strides = array<i32>} : memref<1000x64xf32, #tpu.memory_space<vmem>>, vector<1000x64xf32>,
    %get3A_24 = arith.constant 0 : index
    %get3A_25 = arith.constant 0 : index
    %get3A_26 = vector.load %arg6[%get3A_24, %get3A_25] : memref<64x64xf32, #tpu.memory_space<vmem>>, vector<64x64xf32>
    %dot_general3A_27 = arith.constant dense<0.000000e+00> : vector<1000x64xf32>
    %dot_general3A_28 = tpu.matmul %add3A_21, %get3A_26, %dot_general3A_27 {dimension_numbers = #tpu.dot_dimension_numbers<[1], [0], [0], [1], [0, 0, 1, 1], [], []>, precision = #tpu.contract_precision<fp32>, transpose_lhs_hint = false} : vector<1000x64xf32>, vector<64x64xf32>, vector<1000x64xf32> -> vector<1000x64xf32>
    %swap3A_29 = arith.constant 0 : index
    %swap3A_30 = arith.constant 0 : index
    %swap3A_31 = vector.load %arg9[%swap3A_29, %swap3A_30] : memref<1000x64xf32, #tpu.memory_space<vmem>>, vector<1000x64xf32>
    tpu.vector_store %arg9[%swap3A_29, %swap3A_30], %dot_general3A_28 {strides = array<i32>} : memref<1000x64xf32, #tpu.memory_space<vmem>>, vector<1000x64xf32>,
    %get3A_32 = arith.constant 0 : index
    %get3A_33 = arith.constant 0 : index
    %get3A_34 = vector.load %arg7[%get3A_32, %get3A_33] : memref<64x64xf32, #tpu.memory_space<vmem>>, vector<64x64xf32>
    %dot_general3A_35 = arith.constant dense<0.000000e+00> : vector<1000x64xf32>
    %dot_general3A_36 = tpu.matmul %add3A_21, %get3A_34, %dot_general3A_35 {dimension_numbers = #tpu.dot_dimension_numbers<[1], [0], [0], [1], [0, 0, 1, 1], [], []>, precision = #tpu.contract_precision<fp32>, transpose_lhs_hint = false} : vector<1000x64xf32>, vector<64x64xf32>, vector<1000x64xf32> -> vector<1000x64xf32>
    %swap3A_37 = arith.constant 0 : index
    %swap3A_38 = arith.constant 0 : index
    %swap3A_39 = vector.load %arg10[%swap3A_37, %swap3A_38] : memref<1000x64xf32, #tpu.memory_space<vmem>>, vector<1000x64xf32>
    tpu.vector_store %arg10[%swap3A_37, %swap3A_38], %dot_general3A_36 {strides = array<i32>} : memref<1000x64xf32, #tpu.memory_space<vmem>>, vector<1000x64xf32>,
    return
  }
  func.func @transform_0(%arg0: i32) -> (i32, i32) {
    %c0_i32 = arith.constant 0 : i32
    %c0_i32_0 = arith.constant 0 : i32
    return %arg0, %c0_i32 : i32, i32
  }
  func.func @transform_1(%arg0: i32) -> (i32, i32) {
    %c0_i32 = arith.constant 0 : i32
    %c0_i32_0 = arith.constant 0 : i32
    %c0_i32_1 = arith.constant 0 : i32
    return %c0_i32, %c0_i32_0 : i32, i32
  }
  func.func @transform_2(%arg0: i32) -> (i32, i32) {
    %c0_i32 = arith.constant 0 : i32
    %c0_i32_0 = arith.constant 0 : i32
    %c0_i32_1 = arith.constant 0 : i32
    return %c0_i32, %c0_i32_0 : i32, i32
  }
  func.func @transform_3(%arg0: i32) -> (i32, i32) {
    %c0_i32 = arith.constant 0 : i32
    %c0_i32_0 = arith.constant 0 : i32
    %c0_i32_1 = arith.constant 0 : i32
    return %c0_i32, %c0_i32_0 : i32, i32
  }
  func.func @transform_4(%arg0: i32) -> (i32, i32) {
    %c0_i32 = arith.constant 0 : i32
    %c0_i32_0 = arith.constant 0 : i32
    %c0_i32_1 = arith.constant 0 : i32
    return %c0_i32, %c0_i32_0 : i32, i32
  }
  func.func @transform_5(%arg0: i32) -> (i32, i32) {
    %c0_i32 = arith.constant 0 : i32
    %c0_i32_0 = arith.constant 0 : i32
    %c0_i32_1 = arith.constant 0 : i32
    return %c0_i32, %c0_i32_0 : i32, i32
  }
  func.func @transform_6(%arg0: i32) -> (i32, i32) {
    %c0_i32 = arith.constant 0 : i32
    %c0_i32_0 = arith.constant 0 : i32
    %c0_i32_1 = arith.constant 0 : i32
    return %c0_i32, %c0_i32_0 : i32, i32
  }
  func.func @transform_7(%arg0: i32) -> (i32, i32) {
    %c0_i32 = arith.constant 0 : i32
    %c0_i32_0 = arith.constant 0 : i32
    return %arg0, %c0_i32 : i32, i32
  }
  func.func @transform_8(%arg0: i32) -> (i32, i32) {
    %c0_i32 = arith.constant 0 : i32
    %c0_i32_0 = arith.constant 0 : i32
    return %arg0, %c0_i32 : i32, i32
  }
  func.func @transform_9(%arg0: i32) -> (i32, i32) {
    %c0_i32 = arith.constant 0 : i32
    %c0_i32_0 = arith.constant 0 : i32
    return %arg0, %c0_i32 : i32, i32
  }
}

module attributes {stable_mosaic.version = 14 : i64} {
  func.func @_node_upd_body(%arg0: i32, %arg1: memref<1000x64xf32, #tpu.memory_space<vmem>>, %arg2: memref<1000x64xf32, #tpu.memory_space<vmem>>, %arg3: memref<1000x64xf32, #tpu.memory_space<vmem>>, %arg4: memref<64x64xf32, #tpu.memory_space<vmem>>, %arg5: memref<64x64xf32, #tpu.memory_space<vmem>>, %arg6: memref<1x64xf32, #tpu.memory_space<vmem>>, %arg7: memref<64x64xf32, #tpu.memory_space<vmem>>, %arg8: memref<64x64xf32, #tpu.memory_space<vmem>>, %arg9: memref<1000x64xf32, #tpu.memory_space<vmem>>, %arg10: memref<1000x64xf32, #tpu.memory_space<vmem>>, %arg11: memref<1000x64xf32, #tpu.memory_space<vmem>>) attributes {dimension_semantics = [#tpu.dimension_semantics<arbitrary>], iteration_bounds = array<i64: 10>, scalar_prefetch = 0 : i64, scratch_operands = 0 : i64, tpu.core_type = #tpu.core_type<tc>, window_params = [{transform_indices = @transform_0, window_bounds = array<i64: 1000, 64>}, {transform_indices = @transform_1, window_bounds = array<i64: 1000, 64>}, {transform_indices = @transform_2, window_bounds = array<i64: 1000, 64>}, {pipeline_mode = #tpu.pipeline_mode<synchronous>, transform_indices = @transform_3, window_bounds = array<i64: 64, 64>}, {pipeline_mode = #tpu.pipeline_mode<synchronous>, transform_indices = @transform_4, window_bounds = array<i64: 64, 64>}, {pipeline_mode = #tpu.pipeline_mode<synchronous>, transform_indices = @transform_5, window_bounds = array<i64: 1, 64>}, {pipeline_mode = #tpu.pipeline_mode<synchronous>, transform_indices = @transform_6, window_bounds = array<i64: 64, 64>}, {pipeline_mode = #tpu.pipeline_mode<synchronous>, transform_indices = @transform_7, window_bounds = array<i64: 64, 64>}, {transform_indices = @transform_8, window_bounds = array<i64: 1000, 64>}, {transform_indices = @transform_9, window_bounds = array<i64: 1000, 64>}, {transform_indices = @transform_10, window_bounds = array<i64: 1000, 64>}]} {
    %get3A = arith.constant 0 : index
    %get3A_0 = arith.constant 0 : index
    %get3A_1 = vector.load %arg1[%get3A, %get3A_0] : memref<1000x64xf32, #tpu.memory_space<vmem>>, vector<1000x64xf32>
    %get3A_2 = arith.constant 0 : index
    %get3A_3 = arith.constant 0 : index
    %get3A_4 = vector.load %arg2[%get3A_2, %get3A_3] : memref<1000x64xf32, #tpu.memory_space<vmem>>, vector<1000x64xf32>
    %get3A_5 = arith.constant 0 : index
    %get3A_6 = arith.constant 0 : index
    %get3A_7 = vector.load %arg3[%get3A_5, %get3A_6] : memref<1000x64xf32, #tpu.memory_space<vmem>>, vector<1000x64xf32>
    %add3A = arith.addf %get3A_4, %get3A_7 : vector<1000x64xf32>
    %get3A_8 = arith.constant 0 : index
    %get3A_9 = arith.constant 0 : index
    %get3A_10 = vector.load %arg4[%get3A_8, %get3A_9] : memref<64x64xf32, #tpu.memory_space<vmem>>, vector<64x64xf32>
    %dot_general3A = arith.constant dense<0.000000e+00> : vector<1000x64xf32>
    %dot_general3A_11 = tpu.matmul %get3A_1, %get3A_10, %dot_general3A {dimension_numbers = #tpu.dot_dimension_numbers<[1], [0], [0], [1], [0, 0, 1, 1], [], []>, precision = #tpu.contract_precision<fp32>, transpose_lhs_hint = false} : vector<1000x64xf32>, vector<64x64xf32>, vector<1000x64xf32> -> vector<1000x64xf32>
    %get3A_12 = arith.constant 0 : index
    %get3A_13 = arith.constant 0 : index
    %get3A_14 = vector.load %arg5[%get3A_12, %get3A_13] : memref<64x64xf32, #tpu.memory_space<vmem>>, vector<64x64xf32>
    %dot_general3A_15 = arith.constant dense<0.000000e+00> : vector<1000x64xf32>
    %dot_general3A_16 = tpu.matmul %add3A, %get3A_14, %dot_general3A_15 {dimension_numbers = #tpu.dot_dimension_numbers<[1], [0], [0], [1], [0, 0, 1, 1], [], []>, precision = #tpu.contract_precision<fp32>, transpose_lhs_hint = false} : vector<1000x64xf32>, vector<64x64xf32>, vector<1000x64xf32> -> vector<1000x64xf32>
    %add3A_17 = arith.addf %dot_general3A_11, %dot_general3A_16 : vector<1000x64xf32>
    %get3A_18 = arith.constant 0 : index
    %get3A_19 = arith.constant 0 : index
    %get3A_20 = vector.load %arg6[%get3A_18, %get3A_19] : memref<1x64xf32, #tpu.memory_space<vmem>>, vector<1x64xf32>
    %add3A_21 = vector.broadcast %get3A_20 : vector<1x64xf32> to vector<1000x64xf32>
    %add3A_22 = arith.addf %add3A_17, %add3A_21 : vector<1000x64xf32>
    %max3A = arith.constant 0.000000e+00 : f32
    %max3A_23 = vector.broadcast %max3A : f32 to vector<1000x64xf32>
    %max3A_24 = arith.maximumf %add3A_22, %max3A_23 : vector<1000x64xf32>
    %add3A_25 = arith.addf %get3A_1, %max3A_24 : vector<1000x64xf32>
    %swap3A = arith.constant 0 : index
    %swap3A_26 = arith.constant 0 : index
    %swap3A_27 = vector.load %arg9[%swap3A, %swap3A_26] : memref<1000x64xf32, #tpu.memory_space<vmem>>, vector<1000x64xf32>
    tpu.vector_store %arg9[%swap3A, %swap3A_26], %add3A_25 {strides = array<i32>} : memref<1000x64xf32, #tpu.memory_space<vmem>>, vector<1000x64xf32>,
    %get3A_28 = arith.constant 0 : index
    %get3A_29 = arith.constant 0 : index
    %get3A_30 = vector.load %arg7[%get3A_28, %get3A_29] : memref<64x64xf32, #tpu.memory_space<vmem>>, vector<64x64xf32>
    %dot_general3A_31 = arith.constant dense<0.000000e+00> : vector<1000x64xf32>
    %dot_general3A_32 = tpu.matmul %add3A_25, %get3A_30, %dot_general3A_31 {dimension_numbers = #tpu.dot_dimension_numbers<[1], [0], [0], [1], [0, 0, 1, 1], [], []>, precision = #tpu.contract_precision<fp32>, transpose_lhs_hint = false} : vector<1000x64xf32>, vector<64x64xf32>, vector<1000x64xf32> -> vector<1000x64xf32>
    %swap3A_33 = arith.constant 0 : index
    %swap3A_34 = arith.constant 0 : index
    %swap3A_35 = vector.load %arg10[%swap3A_33, %swap3A_34] : memref<1000x64xf32, #tpu.memory_space<vmem>>, vector<1000x64xf32>
    tpu.vector_store %arg10[%swap3A_33, %swap3A_34], %dot_general3A_32 {strides = array<i32>} : memref<1000x64xf32, #tpu.memory_space<vmem>>, vector<1000x64xf32>,
    %get3A_36 = arith.constant 0 : index
    %get3A_37 = arith.constant 0 : index
    %get3A_38 = vector.load %arg8[%get3A_36, %get3A_37] : memref<64x64xf32, #tpu.memory_space<vmem>>, vector<64x64xf32>
    %dot_general3A_39 = arith.constant dense<0.000000e+00> : vector<1000x64xf32>
    %dot_general3A_40 = tpu.matmul %add3A_25, %get3A_38, %dot_general3A_39 {dimension_numbers = #tpu.dot_dimension_numbers<[1], [0], [0], [1], [0, 0, 1, 1], [], []>, precision = #tpu.contract_precision<fp32>, transpose_lhs_hint = false} : vector<1000x64xf32>, vector<64x64xf32>, vector<1000x64xf32> -> vector<1000x64xf32>
    %swap3A_41 = arith.constant 0 : index
    %swap3A_42 = arith.constant 0 : index
    %swap3A_43 = vector.load %arg11[%swap3A_41, %swap3A_42] : memref<1000x64xf32, #tpu.memory_space<vmem>>, vector<1000x64xf32>
    tpu.vector_store %arg11[%swap3A_41, %swap3A_42], %dot_general3A_40 {strides = array<i32>} : memref<1000x64xf32, #tpu.memory_space<vmem>>, vector<1000x64xf32>,
    return
  }
  func.func @transform_0(%arg0: i32) -> (i32, i32) {
    %c0_i32 = arith.constant 0 : i32
    %c0_i32_0 = arith.constant 0 : i32
    return %arg0, %c0_i32 : i32, i32
  }
  func.func @transform_1(%arg0: i32) -> (i32, i32) {
    %c0_i32 = arith.constant 0 : i32
    %c0_i32_0 = arith.constant 0 : i32
    return %arg0, %c0_i32 : i32, i32
  }
  func.func @transform_2(%arg0: i32) -> (i32, i32) {
    %c0_i32 = arith.constant 0 : i32
    %c0_i32_0 = arith.constant 0 : i32
    return %arg0, %c0_i32 : i32, i32
  }
  func.func @transform_3(%arg0: i32) -> (i32, i32) {
    %c0_i32 = arith.constant 0 : i32
    %c0_i32_0 = arith.constant 0 : i32
    %c0_i32_1 = arith.constant 0 : i32
    return %c0_i32, %c0_i32_0 : i32, i32
  }
  func.func @transform_4(%arg0: i32) -> (i32, i32) {
    %c0_i32 = arith.constant 0 : i32
    %c0_i32_0 = arith.constant 0 : i32
    %c0_i32_1 = arith.constant 0 : i32
    return %c0_i32, %c0_i32_0 : i32, i32
  }
  func.func @transform_5(%arg0: i32) -> (i32, i32) {
    %c0_i32 = arith.constant 0 : i32
    %c0_i32_0 = arith.constant 0 : i32
    %c0_i32_1 = arith.constant 0 : i32
    return %c0_i32, %c0_i32_0 : i32, i32
  }
  func.func @transform_6(%arg0: i32) -> (i32, i32) {
    %c0_i32 = arith.constant 0 : i32
    %c0_i32_0 = arith.constant 0 : i32
    %c0_i32_1 = arith.constant 0 : i32
    return %c0_i32, %c0_i32_0 : i32, i32
  }
  func.func @transform_7(%arg0: i32) -> (i32, i32) {
    %c0_i32 = arith.constant 0 : i32
    %c0_i32_0 = arith.constant 0 : i32
    %c0_i32_1 = arith.constant 0 : i32
    return %c0_i32, %c0_i32_0 : i32, i32
  }
  func.func @transform_8(%arg0: i32) -> (i32, i32) {
    %c0_i32 = arith.constant 0 : i32
    %c0_i32_0 = arith.constant 0 : i32
    return %arg0, %c0_i32 : i32, i32
  }
  func.func @transform_9(%arg0: i32) -> (i32, i32) {
    %c0_i32 = arith.constant 0 : i32
    %c0_i32_0 = arith.constant 0 : i32
    return %arg0, %c0_i32 : i32, i32
  }
  func.func @transform_10(%arg0: i32) -> (i32, i32) {
    %c0_i32 = arith.constant 0 : i32
    %c0_i32_0 = arith.constant 0 : i32
    return %arg0, %c0_i32 : i32, i32
  }
}

module attributes {stable_mosaic.version = 14 : i64} {
  func.func @_minmax_body(%arg0: memref<10000x8xf32, #tpu.memory_space<vmem>>, %arg1: memref<2x8xf32, #tpu.memory_space<vmem>>) attributes {dimension_semantics = [], scalar_prefetch = 0 : i64, scratch_operands = 0 : i64, tpu.core_type = #tpu.core_type<tc>} {
    %get3A = arith.constant 0 : index
    %get3A_0 = arith.constant 0 : index
    %get3A_1 = vector.load %arg0[%get3A, %get3A_0] : memref<10000x8xf32, #tpu.memory_space<vmem>>, vector<10000x8xf32>
    %reduce_min3A = arith.constant dense<0x7F800000> : vector<8xf32>
    %reduce_min3A_2 = vector.multi_reduction <minimumf>, %get3A_1, %reduce_min3A [0] : vector<10000x8xf32> to vector<8xf32>
    %broadcast_in_dim3A = vector.shape_cast %reduce_min3A_2 : vector<8xf32> to vector<1x8xf32>
    %swap3A = arith.constant 0 : index
    %swap3A_3 = arith.constant 0 : index
    %swap3A_4 = vector.load %arg1[%swap3A, %swap3A_3] : memref<2x8xf32, #tpu.memory_space<vmem>>, vector<1x8xf32>
    tpu.vector_store %arg1[%swap3A, %swap3A_3], %broadcast_in_dim3A {strides = array<i32>} : memref<2x8xf32, #tpu.memory_space<vmem>>, vector<1x8xf32>,
    %reduce_max3A = arith.constant dense<0xFF800000> : vector<8xf32>
    %reduce_max3A_5 = vector.multi_reduction <maximumf>, %get3A_1, %reduce_max3A [0] : vector<10000x8xf32> to vector<8xf32>
    %broadcast_in_dim3A_6 = vector.shape_cast %reduce_max3A_5 : vector<8xf32> to vector<1x8xf32>
    %swap3A_7 = arith.constant 1 : index
    %swap3A_8 = arith.constant 0 : index
    %swap3A_9 = vector.load %arg1[%swap3A_7, %swap3A_8] : memref<2x8xf32, #tpu.memory_space<vmem>>, vector<1x8xf32>
    tpu.vector_store %arg1[%swap3A_7, %swap3A_8], %broadcast_in_dim3A_6 {strides = array<i32>} : memref<2x8xf32, #tpu.memory_space<vmem>>, vector<1x8xf32>,
    return
  }
}

module attributes {stable_mosaic.version = 14 : i64} {
  func.func @_node_upd_body(%arg0: i32, %arg1: memref<1000x64xf32, #tpu.memory_space<vmem>>, %arg2: memref<1000x64xf32, #tpu.memory_space<vmem>>, %arg3: memref<1000x64xf32, #tpu.memory_space<vmem>>, %arg4: memref<64x64xf32, #tpu.memory_space<vmem>>, %arg5: memref<64x64xf32, #tpu.memory_space<vmem>>, %arg6: memref<1x64xf32, #tpu.memory_space<vmem>>, %arg7: memref<64x64xf32, #tpu.memory_space<vmem>>, %arg8: memref<64x64xf32, #tpu.memory_space<vmem>>, %arg9: memref<1000x64xf32, #tpu.memory_space<vmem>>, %arg10: memref<1000x64xf32, #tpu.memory_space<vmem>>, %arg11: memref<1000x64xf32, #tpu.memory_space<vmem>>) attributes {dimension_semantics = [#tpu.dimension_semantics<arbitrary>], iteration_bounds = array<i64: 10>, scalar_prefetch = 0 : i64, scratch_operands = 0 : i64, tpu.core_type = #tpu.core_type<tc>, window_params = [{transform_indices = @transform_0, window_bounds = array<i64: 1000, 64>}, {transform_indices = @transform_1, window_bounds = array<i64: 1000, 64>}, {transform_indices = @transform_2, window_bounds = array<i64: 1000, 64>}, {pipeline_mode = #tpu.pipeline_mode<synchronous>, transform_indices = @transform_3, window_bounds = array<i64: 64, 64>}, {pipeline_mode = #tpu.pipeline_mode<synchronous>, transform_indices = @transform_4, window_bounds = array<i64: 64, 64>}, {pipeline_mode = #tpu.pipeline_mode<synchronous>, transform_indices = @transform_5, window_bounds = array<i64: 1, 64>}, {pipeline_mode = #tpu.pipeline_mode<synchronous>, transform_indices = @transform_6, window_bounds = array<i64: 64, 64>}, {pipeline_mode = #tpu.pipeline_mode<synchronous>, transform_indices = @transform_7, window_bounds = array<i64: 64, 64>}, {transform_indices = @transform_8, window_bounds = array<i64: 1000, 64>}, {transform_indices = @transform_9, window_bounds = array<i64: 1000, 64>}, {transform_indices = @transform_10, window_bounds = array<i64: 1000, 64>}]} {
    %get3A = arith.constant 0 : index
    %get3A_0 = arith.constant 0 : index
    %get3A_1 = vector.load %arg1[%get3A, %get3A_0] : memref<1000x64xf32, #tpu.memory_space<vmem>>, vector<1000x64xf32>
    %get3A_2 = arith.constant 0 : index
    %get3A_3 = arith.constant 0 : index
    %get3A_4 = vector.load %arg2[%get3A_2, %get3A_3] : memref<1000x64xf32, #tpu.memory_space<vmem>>, vector<1000x64xf32>
    %get3A_5 = arith.constant 0 : index
    %get3A_6 = arith.constant 0 : index
    %get3A_7 = vector.load %arg3[%get3A_5, %get3A_6] : memref<1000x64xf32, #tpu.memory_space<vmem>>, vector<1000x64xf32>
    %add3A = arith.addf %get3A_4, %get3A_7 : vector<1000x64xf32>
    %get3A_8 = arith.constant 0 : index
    %get3A_9 = arith.constant 0 : index
    %get3A_10 = vector.load %arg4[%get3A_8, %get3A_9] : memref<64x64xf32, #tpu.memory_space<vmem>>, vector<64x64xf32>
    %dot_general3A = arith.constant dense<0.000000e+00> : vector<1000x64xf32>
    %dot_general3A_11 = tpu.matmul %get3A_1, %get3A_10, %dot_general3A {dimension_numbers = #tpu.dot_dimension_numbers<[1], [0], [0], [1], [0, 0, 1, 1], [], []>, precision = #tpu.contract_precision<fp32>, transpose_lhs_hint = false} : vector<1000x64xf32>, vector<64x64xf32>, vector<1000x64xf32> -> vector<1000x64xf32>
    %get3A_12 = arith.constant 0 : index
    %get3A_13 = arith.constant 0 : index
    %get3A_14 = vector.load %arg5[%get3A_12, %get3A_13] : memref<64x64xf32, #tpu.memory_space<vmem>>, vector<64x64xf32>
    %dot_general3A_15 = arith.constant dense<0.000000e+00> : vector<1000x64xf32>
    %dot_general3A_16 = tpu.matmul %add3A, %get3A_14, %dot_general3A_15 {dimension_numbers = #tpu.dot_dimension_numbers<[1], [0], [0], [1], [0, 0, 1, 1], [], []>, precision = #tpu.contract_precision<fp32>, transpose_lhs_hint = false} : vector<1000x64xf32>, vector<64x64xf32>, vector<1000x64xf32> -> vector<1000x64xf32>
    %add3A_17 = arith.addf %dot_general3A_11, %dot_general3A_16 : vector<1000x64xf32>
    %get3A_18 = arith.constant 0 : index
    %get3A_19 = arith.constant 0 : index
    %get3A_20 = vector.load %arg6[%get3A_18, %get3A_19] : memref<1x64xf32, #tpu.memory_space<vmem>>, vector<1x64xf32>
    %add3A_21 = vector.broadcast %get3A_20 : vector<1x64xf32> to vector<1000x64xf32>
    %add3A_22 = arith.addf %add3A_17, %add3A_21 : vector<1000x64xf32>
    %max3A = arith.constant 0.000000e+00 : f32
    %max3A_23 = vector.broadcast %max3A : f32 to vector<1000x64xf32>
    %max3A_24 = arith.maximumf %add3A_22, %max3A_23 : vector<1000x64xf32>
    %add3A_25 = arith.addf %get3A_1, %max3A_24 : vector<1000x64xf32>
    %swap3A = arith.constant 0 : index
    %swap3A_26 = arith.constant 0 : index
    %swap3A_27 = vector.load %arg9[%swap3A, %swap3A_26] : memref<1000x64xf32, #tpu.memory_space<vmem>>, vector<1000x64xf32>
    tpu.vector_store %arg9[%swap3A, %swap3A_26], %add3A_25 {strides = array<i32>} : memref<1000x64xf32, #tpu.memory_space<vmem>>, vector<1000x64xf32>,
    %get3A_28 = arith.constant 0 : index
    %get3A_29 = arith.constant 0 : index
    %get3A_30 = vector.load %arg7[%get3A_28, %get3A_29] : memref<64x64xf32, #tpu.memory_space<vmem>>, vector<64x64xf32>
    %dot_general3A_31 = arith.constant dense<0.000000e+00> : vector<1000x64xf32>
    %dot_general3A_32 = tpu.matmul %add3A_25, %get3A_30, %dot_general3A_31 {dimension_numbers = #tpu.dot_dimension_numbers<[1], [0], [0], [1], [0, 0, 1, 1], [], []>, precision = #tpu.contract_precision<fp32>, transpose_lhs_hint = false} : vector<1000x64xf32>, vector<64x64xf32>, vector<1000x64xf32> -> vector<1000x64xf32>
    %swap3A_33 = arith.constant 0 : index
    %swap3A_34 = arith.constant 0 : index
    %swap3A_35 = vector.load %arg10[%swap3A_33, %swap3A_34] : memref<1000x64xf32, #tpu.memory_space<vmem>>, vector<1000x64xf32>
    tpu.vector_store %arg10[%swap3A_33, %swap3A_34], %dot_general3A_32 {strides = array<i32>} : memref<1000x64xf32, #tpu.memory_space<vmem>>, vector<1000x64xf32>,
    %get3A_36 = arith.constant 0 : index
    %get3A_37 = arith.constant 0 : index
    %get3A_38 = vector.load %arg8[%get3A_36, %get3A_37] : memref<64x64xf32, #tpu.memory_space<vmem>>, vector<64x64xf32>
    %dot_general3A_39 = arith.constant dense<0.000000e+00> : vector<1000x64xf32>
    %dot_general3A_40 = tpu.matmul %add3A_25, %get3A_38, %dot_general3A_39 {dimension_numbers = #tpu.dot_dimension_numbers<[1], [0], [0], [1], [0, 0, 1, 1], [], []>, precision = #tpu.contract_precision<fp32>, transpose_lhs_hint = false} : vector<1000x64xf32>, vector<64x64xf32>, vector<1000x64xf32> -> vector<1000x64xf32>
    %swap3A_41 = arith.constant 0 : index
    %swap3A_42 = arith.constant 0 : index
    %swap3A_43 = vector.load %arg11[%swap3A_41, %swap3A_42] : memref<1000x64xf32, #tpu.memory_space<vmem>>, vector<1000x64xf32>
    tpu.vector_store %arg11[%swap3A_41, %swap3A_42], %dot_general3A_40 {strides = array<i32>} : memref<1000x64xf32, #tpu.memory_space<vmem>>, vector<1000x64xf32>,
    return
  }
  func.func @transform_0(%arg0: i32) -> (i32, i32) {
    %c0_i32 = arith.constant 0 : i32
    %c0_i32_0 = arith.constant 0 : i32
    return %arg0, %c0_i32 : i32, i32
  }
  func.func @transform_1(%arg0: i32) -> (i32, i32) {
    %c0_i32 = arith.constant 0 : i32
    %c0_i32_0 = arith.constant 0 : i32
    return %arg0, %c0_i32 : i32, i32
  }
  func.func @transform_2(%arg0: i32) -> (i32, i32) {
    %c0_i32 = arith.constant 0 : i32
    %c0_i32_0 = arith.constant 0 : i32
    return %arg0, %c0_i32 : i32, i32
  }
  func.func @transform_3(%arg0: i32) -> (i32, i32) {
    %c0_i32 = arith.constant 0 : i32
    %c0_i32_0 = arith.constant 0 : i32
    %c0_i32_1 = arith.constant 0 : i32
    return %c0_i32, %c0_i32_0 : i32, i32
  }
  func.func @transform_4(%arg0: i32) -> (i32, i32) {
    %c0_i32 = arith.constant 0 : i32
    %c0_i32_0 = arith.constant 0 : i32
    %c0_i32_1 = arith.constant 0 : i32
    return %c0_i32, %c0_i32_0 : i32, i32
  }
  func.func @transform_5(%arg0: i32) -> (i32, i32) {
    %c0_i32 = arith.constant 0 : i32
    %c0_i32_0 = arith.constant 0 : i32
    %c0_i32_1 = arith.constant 0 : i32
    return %c0_i32, %c0_i32_0 : i32, i32
  }
  func.func @transform_6(%arg0: i32) -> (i32, i32) {
    %c0_i32 = arith.constant 0 : i32
    %c0_i32_0 = arith.constant 0 : i32
    %c0_i32_1 = arith.constant 0 : i32
    return %c0_i32, %c0_i32_0 : i32, i32
  }
  func.func @transform_7(%arg0: i32) -> (i32, i32) {
    %c0_i32 = arith.constant 0 : i32
    %c0_i32_0 = arith.constant 0 : i32
    %c0_i32_1 = arith.constant 0 : i32
    return %c0_i32, %c0_i32_0 : i32, i32
  }
  func.func @transform_8(%arg0: i32) -> (i32, i32) {
    %c0_i32 = arith.constant 0 : i32
    %c0_i32_0 = arith.constant 0 : i32
    return %arg0, %c0_i32 : i32, i32
  }
  func.func @transform_9(%arg0: i32) -> (i32, i32) {
    %c0_i32 = arith.constant 0 : i32
    %c0_i32_0 = arith.constant 0 : i32
    return %arg0, %c0_i32 : i32, i32
  }
  func.func @transform_10(%arg0: i32) -> (i32, i32) {
    %c0_i32 = arith.constant 0 : i32
    %c0_i32_0 = arith.constant 0 : i32
    return %arg0, %c0_i32 : i32, i32
  }
}

module attributes {stable_mosaic.version = 14 : i64} {
  func.func @_dec_body(%arg0: i32, %arg1: memref<1000x8xf32, #tpu.memory_space<vmem>>, %arg2: memref<2x8xf32, #tpu.memory_space<vmem>>, %arg3: memref<1000x64xf32, #tpu.memory_space<vmem>>, %arg4: memref<1000x1xf32, #tpu.memory_space<vmem>>, %arg5: memref<1000x1xf32, #tpu.memory_space<vmem>>, %arg6: memref<8x64xf32, #tpu.memory_space<vmem>>, %arg7: memref<64x64xf32, #tpu.memory_space<vmem>>, %arg8: memref<1x64xf32, #tpu.memory_space<vmem>>, %arg9: memref<64x64xf32, #tpu.memory_space<vmem>>, %arg10: memref<1x64xf32, #tpu.memory_space<vmem>>, %arg11: memref<64x64xf32, #tpu.memory_space<vmem>>, %arg12: memref<1x64xf32, #tpu.memory_space<vmem>>, %arg13: memref<64x8xf32, #tpu.memory_space<vmem>>, %arg14: memref<1x8xf32, #tpu.memory_space<vmem>>, %arg15: memref<1000x8xf32, #tpu.memory_space<vmem>>) attributes {dimension_semantics = [#tpu.dimension_semantics<arbitrary>], iteration_bounds = array<i64: 10>, scalar_prefetch = 0 : i64, scratch_operands = 0 : i64, tpu.core_type = #tpu.core_type<tc>, window_params = [{transform_indices = @transform_0, window_bounds = array<i64: 1000, 8>}, {pipeline_mode = #tpu.pipeline_mode<synchronous>, transform_indices = @transform_1, window_bounds = array<i64: 2, 8>}, {transform_indices = @transform_2, window_bounds = array<i64: 1000, 64>}, {transform_indices = @transform_3, window_bounds = array<i64: 1000, 1>}, {transform_indices = @transform_4, window_bounds = array<i64: 1000, 1>}, {pipeline_mode = #tpu.pipeline_mode<synchronous>, transform_indices = @transform_5, window_bounds = array<i64: 8, 64>}, {pipeline_mode = #tpu.pipeline_mode<synchronous>, transform_indices = @transform_6, window_bounds = array<i64: 64, 64>}, {pipeline_mode = #tpu.pipeline_mode<synchronous>, transform_indices = @transform_7, window_bounds = array<i64: 1, 64>}, {pipeline_mode = #tpu.pipeline_mode<synchronous>, transform_indices = @transform_8, window_bounds = array<i64: 64, 64>}, {pipeline_mode = #tpu.pipeline_mode<synchronous>, transform_indices = @transform_9, window_bounds = array<i64: 1, 64>}, {pipeline_mode = #tpu.pipeline_mode<synchronous>, transform_indices = @transform_10, window_bounds = array<i64: 64, 64>}, {pipeline_mode = #tpu.pipeline_mode<synchronous>, transform_indices = @transform_11, window_bounds = array<i64: 1, 64>}, {pipeline_mode = #tpu.pipeline_mode<synchronous>, transform_indices = @transform_12, window_bounds = array<i64: 64, 8>}, {pipeline_mode = #tpu.pipeline_mode<synchronous>, transform_indices = @transform_13, window_bounds = array<i64: 1, 8>}, {transform_indices = @transform_14, window_bounds = array<i64: 1000, 8>}]} {
    %get3A = arith.constant 0 : index
    %get3A_0 = arith.constant 0 : index
    %get3A_1 = vector.load %arg2[%get3A, %get3A_0] : memref<2x8xf32, #tpu.memory_space<vmem>>, vector<1x8xf32>
    %get3A_2 = arith.constant 1 : index
    %get3A_3 = arith.constant 0 : index
    %get3A_4 = vector.load %arg2[%get3A_2, %get3A_3] : memref<2x8xf32, #tpu.memory_space<vmem>>, vector<1x8xf32>
    %sub3A = arith.subf %get3A_4, %get3A_1 : vector<1x8xf32>
    %max3A = arith.constant 9.99999993E-9 : f32
    %max3A_5 = vector.broadcast %max3A : f32 to vector<1x8xf32>
    %max3A_6 = arith.maximumf %sub3A, %max3A_5 : vector<1x8xf32>
    %get3A_7 = arith.constant 0 : index
    %get3A_8 = arith.constant 0 : index
    %get3A_9 = vector.load %arg1[%get3A_7, %get3A_8] : memref<1000x8xf32, #tpu.memory_space<vmem>>, vector<1000x8xf32>
    %sub3A_10 = vector.broadcast %get3A_1 : vector<1x8xf32> to vector<1000x8xf32>
    %sub3A_11 = arith.subf %get3A_9, %sub3A_10 : vector<1000x8xf32>
    %div3A = vector.broadcast %max3A_6 : vector<1x8xf32> to vector<1000x8xf32>
    %div3A_12 = arith.divf %sub3A_11, %div3A : vector<1000x8xf32>
    %get3A_13 = arith.constant 0 : index
    %get3A_14 = arith.constant 0 : index
    %get3A_15 = vector.load %arg6[%get3A_13, %get3A_14] : memref<8x64xf32, #tpu.memory_space<vmem>>, vector<8x64xf32>
    %dot_general3A = arith.constant dense<0.000000e+00> : vector<1000x64xf32>
    %dot_general3A_16 = tpu.matmul %div3A_12, %get3A_15, %dot_general3A {dimension_numbers = #tpu.dot_dimension_numbers<[1], [0], [0], [1], [0, 0, 1, 1], [], []>, precision = #tpu.contract_precision<fp32>, transpose_lhs_hint = false} : vector<1000x8xf32>, vector<8x64xf32>, vector<1000x64xf32> -> vector<1000x64xf32>
    %get3A_17 = arith.constant 0 : index
    %get3A_18 = arith.constant 0 : index
    %get3A_19 = vector.load %arg3[%get3A_17, %get3A_18] : memref<1000x64xf32, #tpu.memory_space<vmem>>, vector<1000x64xf32>
    %get3A_20 = arith.constant 0 : index
    %get3A_21 = arith.constant 0 : index
    %get3A_22 = vector.load %arg7[%get3A_20, %get3A_21] : memref<64x64xf32, #tpu.memory_space<vmem>>, vector<64x64xf32>
    %dot_general3A_23 = arith.constant dense<0.000000e+00> : vector<1000x64xf32>
    %dot_general3A_24 = tpu.matmul %get3A_19, %get3A_22, %dot_general3A_23 {dimension_numbers = #tpu.dot_dimension_numbers<[1], [0], [0], [1], [0, 0, 1, 1], [], []>, precision = #tpu.contract_precision<fp32>, transpose_lhs_hint = false} : vector<1000x64xf32>, vector<64x64xf32>, vector<1000x64xf32> -> vector<1000x64xf32>
    %add3A = arith.addf %dot_general3A_16, %dot_general3A_24 : vector<1000x64xf32>
    %get3A_25 = arith.constant 0 : index
    %get3A_26 = arith.constant 0 : index
    %get3A_27 = vector.load %arg8[%get3A_25, %get3A_26] : memref<1x64xf32, #tpu.memory_space<vmem>>, vector<1x64xf32>
    %add3A_28 = vector.broadcast %get3A_27 : vector<1x64xf32> to vector<1000x64xf32>
    %add3A_29 = arith.addf %add3A, %add3A_28 : vector<1000x64xf32>
    %max3A_30 = arith.constant 0.000000e+00 : f32
    %max3A_31 = vector.broadcast %max3A_30 : f32 to vector<1000x64xf32>
    %max3A_32 = arith.maximumf %add3A_29, %max3A_31 : vector<1000x64xf32>
    %get3A_33 = arith.constant 0 : index
    %get3A_34 = arith.constant 0 : index
    %get3A_35 = vector.load %arg9[%get3A_33, %get3A_34] : memref<64x64xf32, #tpu.memory_space<vmem>>, vector<64x64xf32>
    %dot_general3A_36 = arith.constant dense<0.000000e+00> : vector<1000x64xf32>
    %dot_general3A_37 = tpu.matmul %max3A_32, %get3A_35, %dot_general3A_36 {dimension_numbers = #tpu.dot_dimension_numbers<[1], [0], [0], [1], [0, 0, 1, 1], [], []>, precision = #tpu.contract_precision<fp32>, transpose_lhs_hint = false} : vector<1000x64xf32>, vector<64x64xf32>, vector<1000x64xf32> -> vector<1000x64xf32>
    %get3A_38 = arith.constant 0 : index
    %get3A_39 = arith.constant 0 : index
    %get3A_40 = vector.load %arg10[%get3A_38, %get3A_39] : memref<1x64xf32, #tpu.memory_space<vmem>>, vector<1x64xf32>
    %add3A_41 = vector.broadcast %get3A_40 : vector<1x64xf32> to vector<1000x64xf32>
    %add3A_42 = arith.addf %dot_general3A_37, %add3A_41 : vector<1000x64xf32>
    %max3A_43 = arith.constant 0.000000e+00 : f32
    %max3A_44 = vector.broadcast %max3A_43 : f32 to vector<1000x64xf32>
    %max3A_45 = arith.maximumf %add3A_42, %max3A_44 : vector<1000x64xf32>
    %get3A_46 = arith.constant 0 : index
    %get3A_47 = arith.constant 0 : index
    %get3A_48 = vector.load %arg11[%get3A_46, %get3A_47] : memref<64x64xf32, #tpu.memory_space<vmem>>, vector<64x64xf32>
    %dot_general3A_49 = arith.constant dense<0.000000e+00> : vector<1000x64xf32>
    %dot_general3A_50 = tpu.matmul %max3A_45, %get3A_48, %dot_general3A_49 {dimension_numbers = #tpu.dot_dimension_numbers<[1], [0], [0], [1], [0, 0, 1, 1], [], []>, precision = #tpu.contract_precision<fp32>, transpose_lhs_hint = false} : vector<1000x64xf32>, vector<64x64xf32>, vector<1000x64xf32> -> vector<1000x64xf32>
    %get3A_51 = arith.constant 0 : index
    %get3A_52 = arith.constant 0 : index
    %get3A_53 = vector.load %arg12[%get3A_51, %get3A_52] : memref<1x64xf32, #tpu.memory_space<vmem>>, vector<1x64xf32>
    %add3A_54 = vector.broadcast %get3A_53 : vector<1x64xf32> to vector<1000x64xf32>
    %add3A_55 = arith.addf %dot_general3A_50, %add3A_54 : vector<1000x64xf32>
    %max3A_56 = arith.constant 0.000000e+00 : f32
    %max3A_57 = vector.broadcast %max3A_56 : f32 to vector<1000x64xf32>
    %max3A_58 = arith.maximumf %add3A_55, %max3A_57 : vector<1000x64xf32>
    %get3A_59 = arith.constant 0 : index
    %get3A_60 = arith.constant 0 : index
    %get3A_61 = vector.load %arg13[%get3A_59, %get3A_60] : memref<64x8xf32, #tpu.memory_space<vmem>>, vector<64x8xf32>
    %dot_general3A_62 = arith.constant dense<0.000000e+00> : vector<1000x8xf32>
    %dot_general3A_63 = tpu.matmul %max3A_58, %get3A_61, %dot_general3A_62 {dimension_numbers = #tpu.dot_dimension_numbers<[1], [0], [0], [1], [0, 0, 1, 1], [], []>, precision = #tpu.contract_precision<fp32>, transpose_lhs_hint = false} : vector<1000x64xf32>, vector<64x8xf32>, vector<1000x8xf32> -> vector<1000x8xf32>
    %get3A_64 = arith.constant 0 : index
    %get3A_65 = arith.constant 0 : index
    %get3A_66 = vector.load %arg14[%get3A_64, %get3A_65] : memref<1x8xf32, #tpu.memory_space<vmem>>, vector<1x8xf32>
    %add3A_67 = vector.broadcast %get3A_66 : vector<1x8xf32> to vector<1000x8xf32>
    %add3A_68 = arith.addf %dot_general3A_63, %add3A_67 : vector<1000x8xf32>
    %iota3A = tpu.iota {dimensions = array<i32: 1>} : vector<1000x8xi32>
    %lt3A = arith.constant 2 : i32
    %lt3A_69 = vector.broadcast %lt3A : i32 to vector<1000x8xi32>
    %lt3A_70 = arith.cmpi slt, %iota3A, %lt3A_69 : vector<1000x8xi32>
    %get3A_71 = arith.constant 0 : index
    %get3A_72 = arith.constant 0 : index
    %get3A_73 = vector.load %arg4[%get3A_71, %get3A_72] : memref<1000x1xf32, #tpu.memory_space<vmem>>, vector<1000x1xf32>
    %sub3A_74 = arith.constant 1.000000e+00 : f32
    %sub3A_75 = vector.broadcast %sub3A_74 : f32 to vector<1000x1xf32>
    %sub3A_76 = arith.subf %sub3A_75, %get3A_73 : vector<1000x1xf32>
    %get3A_77 = arith.constant 0 : index
    %get3A_78 = arith.constant 0 : index
    %get3A_79 = vector.load %arg5[%get3A_77, %get3A_78] : memref<1000x1xf32, #tpu.memory_space<vmem>>, vector<1000x1xf32>
    %sub3A_80 = arith.constant 1.000000e+00 : f32
    %sub3A_81 = vector.broadcast %sub3A_80 : f32 to vector<1000x1xf32>
    %sub3A_82 = arith.subf %sub3A_81, %get3A_79 : vector<1000x1xf32>
    %broadcast_in_dim3A = vector.shape_cast %sub3A_76 : vector<1000x1xf32> to vector<1000x1xf32>
    %broadcast_in_dim3A_83 = vector.broadcast %broadcast_in_dim3A : vector<1000x1xf32> to vector<1000x8xf32>
    %broadcast_in_dim3A_84 = vector.shape_cast %sub3A_82 : vector<1000x1xf32> to vector<1000x1xf32>
    %broadcast_in_dim3A_85 = vector.broadcast %broadcast_in_dim3A_84 : vector<1000x1xf32> to vector<1000x8xf32>
    %select_n3A = arith.select %lt3A_70, %broadcast_in_dim3A_83, %broadcast_in_dim3A_85 : vector<1000x8xi1>, vector<1000x8xf32>
    %mul3A = arith.mulf %add3A_68, %select_n3A : vector<1000x8xf32>
    %swap3A = arith.constant 0 : index
    %swap3A_86 = arith.constant 0 : index
    %swap3A_87 = vector.load %arg15[%swap3A, %swap3A_86] : memref<1000x8xf32, #tpu.memory_space<vmem>>, vector<1000x8xf32>
    tpu.vector_store %arg15[%swap3A, %swap3A_86], %mul3A {strides = array<i32>} : memref<1000x8xf32, #tpu.memory_space<vmem>>, vector<1000x8xf32>,
    return
  }
  func.func @transform_0(%arg0: i32) -> (i32, i32) {
    %c0_i32 = arith.constant 0 : i32
    %c0_i32_0 = arith.constant 0 : i32
    return %arg0, %c0_i32 : i32, i32
  }
  func.func @transform_1(%arg0: i32) -> (i32, i32) {
    %c0_i32 = arith.constant 0 : i32
    %c0_i32_0 = arith.constant 0 : i32
    %c0_i32_1 = arith.constant 0 : i32
    return %c0_i32, %c0_i32_0 : i32, i32
  }
  func.func @transform_2(%arg0: i32) -> (i32, i32) {
    %c0_i32 = arith.constant 0 : i32
    %c0_i32_0 = arith.constant 0 : i32
    return %arg0, %c0_i32 : i32, i32
  }
  func.func @transform_3(%arg0: i32) -> (i32, i32) {
    %c0_i32 = arith.constant 0 : i32
    %c0_i32_0 = arith.constant 0 : i32
    return %arg0, %c0_i32 : i32, i32
  }
  func.func @transform_4(%arg0: i32) -> (i32, i32) {
    %c0_i32 = arith.constant 0 : i32
    %c0_i32_0 = arith.constant 0 : i32
    return %arg0, %c0_i32 : i32, i32
  }
  func.func @transform_5(%arg0: i32) -> (i32, i32) {
    %c0_i32 = arith.constant 0 : i32
    %c0_i32_0 = arith.constant 0 : i32
    %c0_i32_1 = arith.constant 0 : i32
    return %c0_i32, %c0_i32_0 : i32, i32
  }
  func.func @transform_6(%arg0: i32) -> (i32, i32) {
    %c0_i32 = arith.constant 0 : i32
    %c0_i32_0 = arith.constant 0 : i32
    %c0_i32_1 = arith.constant 0 : i32
    return %c0_i32, %c0_i32_0 : i32, i32
  }
  func.func @transform_7(%arg0: i32) -> (i32, i32) {
    %c0_i32 = arith.constant 0 : i32
    %c0_i32_0 = arith.constant 0 : i32
    %c0_i32_1 = arith.constant 0 : i32
    return %c0_i32, %c0_i32_0 : i32, i32
  }
  func.func @transform_8(%arg0: i32) -> (i32, i32) {
    %c0_i32 = arith.constant 0 : i32
    %c0_i32_0 = arith.constant 0 : i32
    %c0_i32_1 = arith.constant 0 : i32
    return %c0_i32, %c0_i32_0 : i32, i32
  }
  func.func @transform_9(%arg0: i32) -> (i32, i32) {
    %c0_i32 = arith.constant 0 : i32
    %c0_i32_0 = arith.constant 0 : i32
    %c0_i32_1 = arith.constant 0 : i32
    return %c0_i32, %c0_i32_0 : i32, i32
  }
  func.func @transform_10(%arg0: i32) -> (i32, i32) {
    %c0_i32 = arith.constant 0 : i32
    %c0_i32_0 = arith.constant 0 : i32
    %c0_i32_1 = arith.constant 0 : i32
    return %c0_i32, %c0_i32_0 : i32, i32
  }
  func.func @transform_11(%arg0: i32) -> (i32, i32) {
    %c0_i32 = arith.constant 0 : i32
    %c0_i32_0 = arith.constant 0 : i32
    %c0_i32_1 = arith.constant 0 : i32
    return %c0_i32, %c0_i32_0 : i32, i32
  }
  func.func @transform_12(%arg0: i32) -> (i32, i32) {
    %c0_i32 = arith.constant 0 : i32
    %c0_i32_0 = arith.constant 0 : i32
    %c0_i32_1 = arith.constant 0 : i32
    return %c0_i32, %c0_i32_0 : i32, i32
  }
  func.func @transform_13(%arg0: i32) -> (i32, i32) {
    %c0_i32 = arith.constant 0 : i32
    %c0_i32_0 = arith.constant 0 : i32
    %c0_i32_1 = arith.constant 0 : i32
    return %c0_i32, %c0_i32_0 : i32, i32
  }
  func.func @transform_14(%arg0: i32) -> (i32, i32) {
    %c0_i32 = arith.constant 0 : i32
    %c0_i32_0 = arith.constant 0 : i32
    return %arg0, %c0_i32 : i32, i32
  }
}

</mosaic_0001>

<sc_bundles>
// kernel: kernel.25.cloned.1.call-start
scs
__scs_entry_jumppad:
0x0: {  	(pc) =	sbr.rel $0x88, $3  }
0x1: {  	(tag) =	ssettag $0x0;
	lr =	simm.s32 $0x1  }
0x2: {  	[smem:$0x3F87] =	sst lr;
	_ =	strace $0xD0000000  }
0x3: {  	_ = 	snop  }
0x4: {  	_ = 	snop  }
0x5: {  	_ = 	snop  }
0x6: {  	_ = 	snop  }
0x7: {  	_ = 	snop  }
__scs_overlays_trampoline_lowered:
0x8: {  	[smem:$0x3F96] =	sst s0  }
0x9: {  	[smem:$0x3F97] =	sst s1  }
0xa: {  	[smem:$0x3F98] =	sst s2  }
0xb: {  	[smem:$0x3F99] =	sst s3  }
0xc: {  	[smem:$0x3F9A] =	sst s4  }
0xd: {  	[smem:$0x3F9B] =	sst s5  }
0xe: {  	[smem:$0x3F9C] =	sst s6  }
0xf: {  	[smem:$0x3F9D] =	sst s7  }
0x10: {  	[smem:$0x3F9E] =	sst s8  }
0x11: {  	[smem:$0x3F9F] =	sst s9;
	s0 =	simm.s32 @!p0 $0x0  }
0x12: {  	s1 =	sld [smem:$0x3F85];
	s0 =	simm.s32 @p0 $0x1  }
0x13: {  	[smem:$0x3FA0] =	sst s0;
	s0 =	simm.s32 @!p1 $0x0  }
0x14: {  	s2 =	sld [smem:$0x3F84];
	s0 =	simm.s32 @p1 $0x1  }
0x15: {  	[smem:$0x3FA1] =	sst s0;
	s0 =	simm.s32 @!p2 $0x0  }
0x16: {  	s3 =	sld [smem:$0x3FDB];
	s0 =	simm.s32 @p2 $0x1  }
0x17: {  	s4 =	simm.s32 $0x1BF5;
	[smem:$0x3FA3] =	sst s0  }
0x18: {  	s0 =	sld [smem:$0x3F86];
	_ =	swait.ge [sflag:s4], $0x0  }
0x19: {  	s7 =	sld [smem:$0x3F87]  }
0x1a: {  	s8 =	sadd.s32 $0xFFFFE003, lr  }
0x1b: {  	s9 =	sadd.s32 $0xFFFFFEF7, lr;
	s5 =	simm.s32 $0xFFFFFFFF;
	p2 =	slt.u32 s8, $0xFFFFF086  }
0x1c: {  	p1 =	slt.u32 s9, $0xF7A;
	s5 =	simm.s32 @!p2 $0x0  }
0x1d: {  	s5 =	simm.s32 @p1 $0x1;
	p0 =	seq.s32 s7, s2  }
0x1e: {  	s7 =	smul.u32 @!p0 $0xF7A, s2;
	p2 =	seq.s32 @!p0 s5, $0x0  }
0x1f: {  	s9 =	smul.u32 $0xF7A, s1;
	s8 =	simm.s32 @!p0 $0x1BF5;
	p2 =	por !p2, p0  }
0x20: {  	[sflag:s8] =	ssyncset.s32 @!p0 $0xFFFFF086;
	s6 =	sadd.s32 @!p0 s3, s7;
	s7 =	simm.s32 @!p0 $0x108  }
0x21: {  	s3 =	sadd.s32 s3, s9;
	s6 =	sadd.s32 @!p0 $0x88, s6;
	s7 =	simm.s32 @p2 $0x1082  }
0x22: {  	[simem:s7], [sflag:s8] =	dma.local @!p0 [hbm:s6], $0xF7A  }
0x23: {  	s9 =	sor.u32 $0xD0000000, s2;
	s6 =	simm.s32 $0x108;
	_ =	swait.ge @!p0 [sflag:s8], $0x0  }
0x24: {  	s3 =	sadd.s32 $0x88, s3;
	s6 =	simm.s32 @!p1 $0x1082;
	[sflag:s4] =	ssyncset.s32 $0xFFFFF086  }
0x25: {  	[simem:s6], [sflag:s4] =	dma.local [hbm:s3], $0xF7A  }
0x26: {  	[smem:$0x3F87] =	sst s1;
	(tag) =	ssettag s2;
	_ =	strace s9  }
0x27: {  	s1 =	sld [smem:$0x3F97]  }
0x28: {  	s2 =	sld [smem:$0x3F98]  }
0x29: {  	s4 =	sld [smem:$0x3F9A]  }
0x2a: {  	p0 =	seq.s32 s5, $0x0;
	s5 =	sld [smem:$0x3F9B]  }
0x2b: {  	s6 =	sld [smem:$0x3F9C]  }
0x2c: {  	s7 =	sld [smem:$0x3F9D]  }
0x2d: {  	s3 =	simm.s32 $0x108;
	s8 =	sld [smem:$0x3F9E]  }
0x2e: {  	s3 =	simm.s32 @!p0 $0x1082;
	s9 =	sld [smem:$0x3F9F]  }
0x2f: {  	lr =	sadd.s32 s0, s3;
	s0 =	sld [smem:$0x3F96]  }
0x30: {  	s3 =	sld [smem:$0x3F99]  }
0x31: {  	[smem:$0x3FA2] =	sst s10  }
0x32: {  	s10 =	sld [smem:$0x3FA0];
	_ =	sdelay $0x3  }
0x33: {  	p0 =	seq.s32 s10, $0x1;
	s10 =	sld [smem:$0x3FA2];
	_ =	sdelay $0x3  }
0x34: {  	[smem:$0x3FA2] =	sst s10  }
0x35: {  	s10 =	sld [smem:$0x3FA1];
	_ =	sdelay $0x3  }
0x36: {  	p1 =	seq.s32 s10, $0x1;
	s10 =	sld [smem:$0x3FA2];
	_ =	sdelay $0x3  }
0x37: {  	[smem:$0x3FA2] =	sst s10  }
0x38: {  	s10 =	sld [smem:$0x3FA3]  }
0x39: {  	_ = 	snop;
	(pc) =	sbr.ind lr, $3  }
0x3a: {  	_ = 	snop  }
0x3b: {  	_ = 	snop  }
0x3c: {  	p2 =	seq.s32 s10, $0x1;
	s10 =	sld [smem:$0x3FA2]  }
0x3d: {  	_ =	shalt  }
0x3e: {  	_ =	shalt  }
0x3f: {  	_ =	shalt  }
0x40: {  	_ =	shalt  }
0x41: {  	_ =	shalt  }
0x42: {  	_ =	shalt  }
0x43: {  	_ =	shalt  }
0x44: {  	_ =	shalt  }
0x45: {  	_ =	shalt  }
0x46: {  	_ =	shalt  }
0x47: {  	_ =	shalt  }
0x48: {  	_ =	shalt  }
0x49: {  	_ =	shalt  }
0x4a: {  	_ =	shalt  }
0x4b: {  	_ =	shalt  }
0x4c: {  	_ =	shalt  }
0x4d: {  	_ =	shalt  }
0x4e: {  	_ =	shalt  }
0x4f: {  	_ =	shalt  }
0x50: {  	_ =	shalt  }
0x51: {  	_ =	shalt  }
0x52: {  	_ =	shalt  }
0x53: {  	_ =	shalt  }
0x54: {  	_ =	shalt  }
0x55: {  	_ =	shalt  }
0x56: {  	_ =	shalt  }
0x57: {  	_ =	shalt  }
0x58: {  	_ =	shalt  }
0x59: {  	_ =	shalt  }
0x5a: {  	_ =	shalt  }
0x5b: {  	_ =	shalt  }
0x5c: {  	_ =	shalt  }
0x5d: {  	_ =	shalt  }
0x5e: {  	_ =	shalt  }
0x5f: {  	_ =	shalt  }
0x60: {  	_ =	shalt  }
0x61: {  	_ =	shalt  }
0x62: {  	_ =	shalt  }
0x63: {  	_ =	shalt  }
0x64: {  	_ =	shalt  }
0x65: {  	_ =	shalt  }
0x66: {  	_ =	shalt  }
0x67: {  	_ =	shalt  }
0x68: {  	_ =	shalt  }
0x69: {  	_ =	shalt  }
0x6a: {  	_ =	shalt  }
0x6b: {  	_ =	shalt  }
0x6c: {  	_ =	shalt  }
0x6d: {  	_ =	shalt  }
0x6e: {  	_ =	shalt  }
0x6f: {  	_ =	shalt  }
0x70: {  	_ =	shalt  }
0x71: {  	_ =	shalt  }
0x72: {  	_ =	shalt  }
0x73: {  	_ =	shalt  }
0x74: {  	_ =	shalt  }
0x75: {  	_ =	shalt  }
0x76: {  	_ =	shalt  }
0x77: {  	_ =	shalt  }
0x78: {  	_ =	shalt  }
0x79: {  	_ =	shalt  }
0x7a: {  	_ =	shalt  }
0x7b: {  	_ =	shalt  }
0x7c: {  	_ =	shalt  }
0x7d: {  	_ =	shalt  }
0x7e: {  	_ =	shalt  }
0x7f: {  	_ =	shalt  }
0x80: {  	_ =	shalt  }
0x81: {  	_ =	shalt  }
0x82: {  	_ =	shalt  }
0x83: {  	_ =	shalt  }
0x84: {  	_ =	shalt  }
0x85: {  	_ =	shalt  }
0x86: {  	_ =	shalt  }
0x87: {  	_ =	shalt  }
.Lfunc_end0:
.L_simem_size_0:
called_computation_lowered:
.L_overlay_start_0:
0x88: {  	s2 =	sld [smem:$0x3FD9]  }
0x89: {  	s3 =	sld [smem:$0x3FFE];
	_ =	sdelay $0x1  }
0x8a: {  	s1 =	srdreg.scid  }
0x8b: {  	s0 =	sand.u32 $0x1, s1  }
0x8c: {  	s16 =	sshll.u32 s0, $0xA;
	s2 =	sadd.s32 s3, s2  }
0x8d: {  	s2 =	sadd.s32 s2, s16  }
0x8e: {  	[smem:$0x3FAE] =	sst s2  }
0x8f: {  	_ = 	snop  }
0x90: {  	(tm) =	ssettm $0x1  }
0x91: {  	s17 =	sld [smem:$0x3FFB];
	_ =	sdelay $0x3  }
0x92: {  	_ =	strace s17  }
0x93: {  	s2 =	sld [smem:$0x3FFC];
	_ =	sdelay $0x3  }
0x94: {  	_ =	strace s2  }
0x95: {  	s2 =	sld [smem:$0x3FFD];
	_ =	sdelay $0x3  }
0x96: {  	_ =	strace s2  }
0x97: {  	_ =	strace $0x8FFFFFFF  }
0x98: {  	s18 =	sld [smem:$0x3FDB];
	_ =	sdelay $0x1  }
0x99: {  	s19 =	simm.s32 $_scs_section_size  }
0x9a: {  	s4 =	simm.s32 $_size__tile_overlayer_lowered;
	s5 =	simm.s32 $_tile_overlayer_lowered  }
0x9b: {  	s22 =	simm.s32 $0x1BFF;
	s21 =	sshll.u32 s5, $0x1;
	s2 =	sadd.s32 s19, s18  }
0x9c: {  	s6 =	simm.s32 $0x0;
	s20 =	sshll.u32 s4, $0x1;
	s4 =	sadd.s32 s21, s2  }
0x9d: {  	[timem:s6], [sflag:s22] =	dma.local [hbm:s4], s20  }
0x9e: {  	_ =	swait.ge [sflag:s22], s20  }
0x9f: {  	s3 =	ssub.s32 $0x0, s20;
	[sflag:s22] =	ssyncset.done $0x0  }
0xa0: {  	[sflag:s22] =	ssyncadd.s32 s3;
	_ =	sdelay $0x1  }
0xa1: {  	s23 =	simm.s32 $0x1B8B  }
0xa2: {  	_ =	swait.ge [sflag:s23], $0x1  }
0xa3: {  	[sflag:s23] =	ssyncset.done $0x0  }
0xa4: {  	s25 =	simm.s32 $0x1B8E;
	s24 =	sld [smem:$0x3FFE];
	[sflag:s23] =	ssyncadd.s32 $0xFFFFFFFF  }
0xa5: {  	s26 =	simm.s32 $execute0_lowered;
	[smem:$0x3FD2] =	sst s25  }
0xa6: {  	s4 =	sshll.u32 s26, $0x1;
	_ =	strace $0x80000046;
	[dreg:$0x1] =	wrdreg $0xFFFFFFFF  }
0xa7: {  	s28 =	simm.s32 $_size_execute0_lowered;
	s2 =	sadd.s32 s2, s4;
	[dreg:$0x0] =	wrdreg $0x0  }
0xa8: {  	s4 =	sshll.u32 s28, $0x1;
	[dreg:$0x2] =	wrdreg s2  }
0xa9: {  	[dreg:$0x3] =	wrdreg s4  }
0xaa: {  	[dreg:$0x4] =	wrdreg $0xC0  }
0xab: {  	_ =	task [dreg:s6], $0x5FFFF  }
0xac: {  	[dreg:$0x1] =	wrdreg $0xFFFFFFFF  }
0xad: {  	[dreg:$0x0] =	wrdreg $0x60  }
0xae: {  	[dreg:$0x2] =	wrdreg s24  }
0xaf: {  	[dreg:$0x3] =	wrdreg $0x81000  }
0xb0: {  	[dreg:$0x4] =	wrdreg $0x9  }
0xb1: {  	_ =	task.clear_ibuf [dreg:s6], $0x5FFFF;
	_ =	strace $0x90000046  }
0xb2: {  	s29 =	simm.s32 $0x9;
	_ =	strace $0x80000048  }
0xb3: {  	_ =	swait.ge [sflag:s29], $0x1  }
0xb4: {  	[sflag:s29] =	ssyncadd.s32 $0xFFFFFFFF  }
0xb5: {  	_ =	strace $0x90000048  }
0xb6: {  	_ =	sfence  }
0xb7: {  	s30 =	sld [smem:$0x0];
	_ =	sdelay $0x2  }
0xb8: {  	s31 =	sshll.u32 s1, $0xD;
	s1 =	sshrl.u32 s1, $0x2  }
0xb9: {  	s3 =	sand.u32 $0x4000, s31;
	s1 =	sadd.s32 s1, s30  }
0xba: {  	s0 =	sor.u32 s3, s0;
	s1 =	sshll.u32 s1, $0x11  }
0xbb: {  	s0 =	sor.u32 s1, s0  }
0xbc: {  	s0 =	sadd.s32 $0x8F2B, s0  }
0xbd: {  	[sflag:s0] =	ssyncadd.remote.s32 $0x1  }
0xbe: {  	_ =	sfence.sel $0xFFFF  }
0xbf: {  	[dreg:$0x0] =	wrdreg $0xFFFFFFFF;
	(pc) =	sbr.abs _section_cstart, $3  }
0xc0: {  	[dreg:$0x1] =	wrdreg $0xFFFFFFFF  }
0xc1: {  	_ =	task.clear_ibuf [dreg:s6], $0x2FFFF;
	_ =	strace $0x9FFFFFFF  }
0xc2: {  	(tm) =	ssettm $0x7FFFFFFF  }
0xc3: {  	_ =	shalt  }
tec
execute0_lowered:
.L_overlay_start_1:
0x0: {  	(tag) =	ssettag $0x1  }
0x1: {  	s15 =	rddreg [dreg:$0x0]  }
0x2: {  	s2 =	rddreg [dreg:$0x1];
	s3 =	simm.s32 $0x0  }
0x3: {  	s4 =	srdreg.scid;
	s1 =	stileid.u32;
	s18 =	simm.s32 $0x6100  }
0x4: {  	s19 =	simm.s32 $0x3;
	s20 =	simm.s32 $0x4;
	s21 =	simm.s32 $0x80  }
0x5: {  	s22 =	simm.s32 $0x100;
	s23 =	simm.s32 $0x2100;
	s24 =	simm.s32 $0x4100  }
0x6: {  	s25 =	simm.s32 $0x1;
	s26 =	simm.s32 $0x2;
	[smem:$0x7FF] =	sst s3  }
0x7: {  	s4 =	sand.u32 $0x1, s4;
	s10 =	smul.u32 $0xA000, s1;
	s5 =	sadd.s32 $0x51A00, s15  }
0x8: {  	s6 =	sadd.s32 $0x3E000, s15;
	s7 =	sadd.s32 $0x9DAE00, s15;
	s11 =	smul.u32 $0x28000, s1  }
0x9: {  	s8 =	sadd.s32 $0x65400, s15;
	s9 =	smul.u32 $0xA0000, s4;
	s12 =	ssub.s32 $0x2, s4  }
0xa: {  	_ =	strace $0x80000047;
	s13 =	sshrl.u32 s12, $0x1;
	s11 =	sshrl.u32 s11, $0x2  }
.Ltmp0:
0xb: {  	s9 =	sadd.s32 s10, s9;
	s17 =	ssub.s32 s12, s13;
	(pc) =	sbr.rel .LBB2_1-.Ltmp0, $4  }
0xc: {  	s14 =	sadd.s32 s11, s2;
	s10 =	sadd.s32 s10, s2;
	s9 =	sshrl.u32 s9, $0x3  }
0xd: {  	s11 =	sadd.s32 $0x2000, s14;
	s12 =	sadd.s32 $0x4000, s14;
	s13 =	sadd.s32 $0x6000, s14  }
0xe: {  	s14 =	sadd.s32 $0x8000, s14;
	s17 =	smax.u32 s17, $0x1;
	s16 =	sadd.s32 s9, s15  }
0xf: {  	v0 =	vimm.f32 $0.0e+00;
	s9 =	sshll.u32 s1, $0x1;
	s15 =	sadd.s32 $0x6F040, s15;
	s16 =	sadd.s32 $0x78E00, s16  }
.LBB2_9:
0x10: {  	s3 =	sadd.s32 $0x1, s3  }
0x11: {  	s0 =	sshll.u32 s1, $0x6;
	[bflag:$0x0] =	sbarrier.arrive $0xFFFF;
	p0 =	sne.s32 s3, s17  }
.Ltmp1:
0x12: {  	s28 =	sshrl.u32 s10, $0x3;
	s0 =	sor.u32 $0x1C03, s0;
	(pc) =	sbr.rel @!p0 .LBB2_10-.Ltmp1, $4  }
0x13: {  	[hbm:s16], [sflag:s0] =	dma.local [spmem:s28], $0x1400  }
0x14: {  	_ =	swait.ge [sflag:s19], $0x1400  }
0x15: {  	[sflag:s19] =	ssyncset.done $0x0  }
0x16: {  	[sflag:s19] =	ssyncadd.s32 $0xFFFFEC00  }
.LBB2_1:
0x17: {  	s29 =	simm.s32 $0x100;
	s28 =	simm.s32 $0x0  }
.LBB2_2:
0x18: {  	p0 =	sne.s32 s29, $0x7F00;
	[tilespmem:s28+$0x6130] =	vst v0;
	s30 =	smov.u32 s29;
	s29 =	sadd.s32 $0x100, s29  }
.Ltmp2:
0x19: {  	[tilespmem:s28+$0x6120] =	vst v0;
	(pc) =	sbr.rel @p0 .LBB2_2-.Ltmp2, $3  }
0x1a: {  	[tilespmem:s28+$0x6100] =	vst v0  }
0x1b: {  	[tilespmem:s28+$0x6110] =	vst v0;
	_ =	sdelay $0x1  }
0x1c: {  	s28 =	sshra.s32 s30, $0x2  }
0x1d: {  	[tilespmem:s28+$0x6130] =	vst v0  }
0x1e: {  	[tilespmem:s28+$0x6120] =	vst v0  }
0x1f: {  	[tilespmem:s28+$0x6100] =	vst v0  }
0x20: {  	[tilespmem:s28+$0x6110] =	vst v0  }
0x21: {  	[spmem:s10] =	stream.linear.scatter [tilespmem:s18], [sflag:$0x3], $0x2000, $0x38;
	[tilespmem:$0x12100] =	vst v63  }
0x22: {  	_ =	swait.ge [sflag:s19], $0x2000  }
0x23: {  	[sflag:s19] =	ssyncset.done $0x0  }
0x24: {  	[sflag:s19] =	ssyncadd.s32 $0xFFFFE000  }
0x25: {  	[spmem:s11] =	stream.linear.scatter [tilespmem:s18], [sflag:$0x3], $0x2000, $0x38;
	[tilespmem:$0x12100] =	vst v63  }
0x26: {  	_ =	swait.ge [sflag:s19], $0x2000  }
0x27: {  	[sflag:s19] =	ssyncset.done $0x0  }
0x28: {  	[sflag:s19] =	ssyncadd.s32 $0xFFFFE000  }
0x29: {  	[spmem:s12] =	stream.linear.scatter [tilespmem:s18], [sflag:$0x3], $0x2000, $0x38;
	[tilespmem:$0x12100] =	vst v63  }
0x2a: {  	_ =	swait.ge [sflag:s19], $0x2000  }
0x2b: {  	[sflag:s19] =	ssyncset.done $0x0  }
0x2c: {  	[sflag:s19] =	ssyncadd.s32 $0xFFFFE000  }
0x2d: {  	[spmem:s13] =	stream.linear.scatter [tilespmem:s18], [sflag:$0x3], $0x2000, $0x38;
	[tilespmem:$0x12100] =	vst v63  }
0x2e: {  	_ =	swait.ge [sflag:s19], $0x2000  }
0x2f: {  	[sflag:s19] =	ssyncset.done $0x0  }
0x30: {  	[sflag:s19] =	ssyncadd.s32 $0xFFFFE000  }
0x31: {  	[spmem:s14] =	stream.linear.scatter [tilespmem:s18], [sflag:$0x3], $0x2000, $0x38;
	[tilespmem:$0x12100] =	vst v63  }
.Ltmp3:
0x32: {  	_ =	swait.ge [sflag:s19], $0x2000;
	(pc) =	sbr.rel .LBB2_4-.Ltmp3, $4  }
0x33: {  	[sflag:s19] =	ssyncset.done $0x0  }
0x34: {  	[sflag:s19] =	ssyncadd.s32 $0xFFFFE000  }
0x35: {  	[bflag:$0x0] =	sbarrier.arrive $0xFFFF  }
0x36: {  	s28 =	simm.s32 $0x0  }
.LBB2_8:
0x37: {  	s28 =	sadd.s32 $0x1, s28  }
0x38: {  	p0 =	sne.s32 s28, $0x4F  }
.Ltmp4:
0x39: {  	_ = 	snop;
	(pc) =	sbr.rel @!p0 .LBB2_9-.Ltmp4, $1  }
0x3a: {  	_ =	sdelay $0x3  }
.LBB2_4:
0x3b: {  	s29 =	sshll.u32 s28, $0x5  }
0x3c: {  	s29 =	sor.u32 s9, s29  }
0x3d: {  	p0 =	sgt.u32 s29, $0x9C3  }
.Ltmp5:
0x3e: {  	_ = 	snop;
	(pc) =	sbr.rel @p0 .LBB2_8-.Ltmp5, $1  }
0x3f: {  	_ =	sdelay $0x3  }
0x40: {  	s29 =	sor.u32 s4, s29  }
0x41: {  	s30 =	sshll.u32 s29, $0x4  }
0x42: {  	s0 =	simm.s32 $0x0;
	s31 =	sadd.s32 s8, s30  }
0x43: {  	[tilespmem:s0], [sflag:$0x4] =	stream.linear.gather [hbm4b:s31+s0], $0x80, $0x38;
	[tilespmem:$0x12100] =	vst v63  }
0x44: {  	_ =	swait.ge [sflag:s20], $0x80  }
0x45: {  	[sflag:s20] =	ssyncset.done $0x0  }
0x46: {  	s30 =	sadd.s32 s30, s15;
	[sflag:s20] =	ssyncadd.s32 $0xFFFFFF80  }
0x47: {  	[tilespmem:s21], [sflag:$0x4] =	stream.linear.gather [hbm4b:s30+s0], $0x80, $0x38;
	[tilespmem:$0x12100] =	vst v63  }
0x48: {  	_ =	swait.ge [sflag:s20], $0x80  }
0x49: {  	[sflag:s20] =	ssyncset.done $0x0  }
0x4a: {  	[sflag:s20] =	ssyncadd.s32 $0xFFFFFF80  }
0x4b: {  	[tilespmem:s22], [sflag:$0x1] =	stream.indirect.gather [hbm4b:s5+s21], $0x40, s0, s21, $0xb8;
	[tilespmem:$0x12100] =	vst v63  }
0x4c: {  	s29 =	sshll.u32 s29, $0xA  }
0x4d: {  	[tilespmem:s23], [sflag:$0x2] =	stream.indirect.gather [hbm4b:s6+s21], $0x40, s21, s21, $0xb8;
	[tilespmem:$0x12100] =	vst v63  }
0x4e: {  	s29 =	sadd.s32 s7, s29  }
0x4f: {  	[tilespmem:s24], [sflag:$0x4] =	stream.linear.gather [hbm4b:s29+s0], $0x2000, $0x38;
	[tilespmem:$0x12100] =	vst v63  }
0x50: {  	_ =	swait.ge [sflag:s20], $0x2000  }
0x51: {  	[sflag:s20] =	ssyncset.done $0x0  }
0x52: {  	[sflag:s20] =	ssyncadd.s32 $0xFFFFE000  }
0x53: {  	_ =	swait.ge [sflag:s25], $0x2000  }
0x54: {  	[sflag:s25] =	ssyncset.done $0x0  }
0x55: {  	[sflag:s25] =	ssyncadd.s32 $0xFFFFE000  }
0x56: {  	_ =	swait.ge [sflag:s26], $0x2000  }
0x57: {  	[sflag:s26] =	ssyncset.done $0x0  }
0x58: {  	s29 =	simm.s32 $0x0;
	[sflag:s26] =	ssyncadd.s32 $0xFFFFE000  }
0x59: {  	v1 =	vld [tilespmem:s29+$0x100]  }
0x5a: {  	v3 =	vld [tilespmem:s29+$0x2100]  }
0x5b: {  	v2 =	vld [tilespmem:s29+$0x110]  }
0x5c: {  	v5 =	vld [tilespmem:s29+$0x2110]  }
0x5d: {  	v4 =	vld [tilespmem:s29+$0x120]  }
0x5e: {  	v7 =	vld [tilespmem:s29+$0x2120]  }
0x5f: {  	v6 =	vld [tilespmem:s29+$0x130]  }
0x60: {  	v8 =	vld [tilespmem:s29+$0x2130]  }
0x61: {  	s30 =	simm.s32 $0x100;
	v9 =	vld [tilespmem:s29+$0x4100]  }
.LBB2_6:
0x62: {  	p0 =	sne.s32 s30, $0x7F00;
	v10 =	vld [tilespmem:s29+$0x4110]  }
0x63: {  	v11 =	vld [tilespmem:s29+$0x4120]  }
0x64: {  	s0 =	sshra.s32 s30, $0x2;
	v12 =	vadd.f32 v3, v1;
	v13 =	vld [tilespmem:s29+$0x4130]  }
0x65: {  	v5 =	vadd.f32 v5, v2;
	v1 =	vld [tilespmem:s0+$0x100]  }
0x66: {  	v4 =	vadd.f32 v7, v4;
	v3 =	vld [tilespmem:s0+$0x2100];
	v9 =	vadd.f32 v9, v12  }
0x67: {  	v6 =	vadd.f32 v8, v6;
	v2 =	vld [tilespmem:s0+$0x110];
	v7 =	vadd.f32 v10, v5  }
0x68: {  	v5 =	vld [tilespmem:s0+$0x2110];
	v8 =	vmax.f32 v9, $0.0e+00;
	v9 =	vadd.f32 v11, v4  }
.Ltmp6:
0x69: {  	v4 =	vld [tilespmem:s0+$0x120];
	[tilespmem:s29+$0x4100] =	vst v8;
	v8 =	vmax.f32 v7, $0.0e+00;
	v10 =	vadd.f32 v13, v6;
	(pc) =	sbr.rel @p0 .LBB2_6-.Ltmp6, $4  }
0x6a: {  	v7 =	vld [tilespmem:s0+$0x2120];
	[tilespmem:s29+$0x4110] =	vst v8;
	v8 =	vmax.f32 v9, $0.0e+00  }
0x6b: {  	v6 =	vld [tilespmem:s0+$0x130];
	[tilespmem:s29+$0x4120] =	vst v8;
	v9 =	vmax.f32 v10, $0.0e+00  }
0x6c: {  	v8 =	vld [tilespmem:s0+$0x2130];
	[tilespmem:s29+$0x4130] =	vst v9;
	s29 =	smov.u32 s0  }
0x6d: {  	s30 =	sadd.s32 $0x100, s30;
	v9 =	vld [tilespmem:s29+$0x4100]  }
0x6e: {  	v10 =	vld [tilespmem:s29+$0x4110]  }
0x6f: {  	v11 =	vld [tilespmem:s29+$0x4120]  }
0x70: {  	v1 =	vadd.f32 v3, v1;
	v3 =	vld [tilespmem:s29+$0x4130]  }
0x71: {  	v2 =	vadd.f32 v5, v2  }
0x72: {  	v4 =	vadd.f32 v7, v4;
	v1 =	vadd.f32 v9, v1  }
0x73: {  	v63 =	vadd.f32 v8, v6;
	v2 =	vadd.f32 v10, v2  }
0x74: {  	v4 =	vadd.f32 v11, v4;
	v1 =	vmax.f32 v1, $0.0e+00  }
0x75: {  	[tilespmem:s29+$0x4100] =	vst v1;
	v1 =	vmax.f32 v2, $0.0e+00;
	v2 =	vadd.f32 v3, v63  }
0x76: {  	[tilespmem:s29+$0x4110] =	vst v1;
	v1 =	vmax.f32 v4, $0.0e+00  }
0x77: {  	[tilespmem:s29+$0x4120] =	vst v1;
	v1 =	vmax.f32 v2, $0.0e+00  }
.Ltmp7:
0x78: {  	[tilespmem:s29+$0x4130] =	vst v1;
	(pc) =	sbr.rel .LBB2_8-.Ltmp7, $4  }
0x79: {  	[spmem:s2] =	stream.indirect.scatter.add.f32 [tilespmem:s24], [sflag:$0x3], $0x40, s21, s21, $0xb8;
	[tilespmem:$0x12100] =	vst v63  }
0x7a: {  	_ =	swait.ge [sflag:s19], $0x2000  }
0x7b: {  	[sflag:s19] =	ssyncset.done $0x0  }
0x7c: {  	[sflag:s19] =	ssyncadd.s32 $0xFFFFE000  }
.LBB2_10:
0x7d: {  	_ =	sfence.sel $0x180000  }
0x7e: {  	[bflag:$0x0] =	sbarrier.arrive $0xFFFF  }
0x7f: {  	_ =	strace $0x90000047  }
0x80: {  	[bflag:$0x2] =	sbarrier.arrive $0xFFFF  }
0x81: {  	p0 =	sne.s32 s1, $0x0;
	s0 =	rddreg [dreg:$0x2]  }
0x82: {  	s0 =	sadd.s32 @!p0 $0x100000, s0  }
0x83: {  	[sflag:s0] =	ssyncadd.tile.s32 @!p0 $0x1;
	_ =	shalt  }
.Lfunc_end2:
_tile_overlayer_lowered:
.L_overlay_start_2:
0x84: {  	(tag) =	ssettag $0x2  }
0x85: {  	s0 =	rddreg [dreg:$0x0];
	s2 =	stileid.u32  }
0x86: {  	s1 =	rddreg [dreg:$0x1];
	p0 =	sne.s32 s2, $0x0  }
0x87: {  	s3 =	rddreg [dreg:$0x2];
	[bflag:$0x3] =	sbarrier.arrive $0xFFFF;
	s2 =	simm.s32 @!p0 $0x1C03  }
0x88: {  	[timem:s3], [sflag:s2] =	dma.local @!p0 [hbm:s0], s1  }
0x89: {  	s0 =	simm.s32 @!p0 $0x3  }
0x8a: {  	_ =	swait.ge @!p0 [sflag:s0], s1  }
0x8b: {  	s1 =	ssub.s32 @!p0 $0x0, s1;
	[sflag:s0] =	ssyncset.done @!p0 $0x0  }
0x8c: {  	[sflag:s0] =	ssyncadd.s32 @!p0 s1  }
0x8d: {  	[bflag:$0x3] =	sbarrier.arrive $0xFFFF  }
0x8e: {  	_ =	shalt  }

// kernel: kernel.28.cloned.1.call-start
scs
__scs_entry_jumppad:
0x0: {  	(pc) =	sbr.rel $0x88, $3  }
0x1: {  	(tag) =	ssettag $0x0;
	lr =	simm.s32 $0x1  }
0x2: {  	[smem:$0x3F87] =	sst lr;
	_ =	strace $0xD0000000  }
0x3: {  	_ = 	snop  }
0x4: {  	_ = 	snop  }
0x5: {  	_ = 	snop  }
0x6: {  	_ = 	snop  }
0x7: {  	_ = 	snop  }
__scs_overlays_trampoline_lowered:
0x8: {  	[smem:$0x3F96] =	sst s0  }
0x9: {  	[smem:$0x3F97] =	sst s1  }
0xa: {  	[smem:$0x3F98] =	sst s2  }
0xb: {  	[smem:$0x3F99] =	sst s3  }
0xc: {  	[smem:$0x3F9A] =	sst s4  }
0xd: {  	[smem:$0x3F9B] =	sst s5  }
0xe: {  	[smem:$0x3F9C] =	sst s6  }
0xf: {  	[smem:$0x3F9D] =	sst s7  }
0x10: {  	[smem:$0x3F9E] =	sst s8  }
0x11: {  	[smem:$0x3F9F] =	sst s9;
	s0 =	simm.s32 @!p0 $0x0  }
0x12: {  	s1 =	sld [smem:$0x3F85];
	s0 =	simm.s32 @p0 $0x1  }
0x13: {  	[smem:$0x3FA0] =	sst s0;
	s0 =	simm.s32 @!p1 $0x0  }
0x14: {  	s2 =	sld [smem:$0x3F84];
	s0 =	simm.s32 @p1 $0x1  }
0x15: {  	[smem:$0x3FA1] =	sst s0;
	s0 =	simm.s32 @!p2 $0x0  }
0x16: {  	s3 =	sld [smem:$0x3FDB];
	s0 =	simm.s32 @p2 $0x1  }
0x17: {  	s4 =	simm.s32 $0x1BF5;
	[smem:$0x3FA3] =	sst s0  }
0x18: {  	s0 =	sld [smem:$0x3F86];
	_ =	swait.ge [sflag:s4], $0x0  }
0x19: {  	s7 =	sld [smem:$0x3F87]  }
0x1a: {  	s8 =	sadd.s32 $0xFFFFE003, lr  }
0x1b: {  	s9 =	sadd.s32 $0xFFFFFEF7, lr;
	s5 =	simm.s32 $0xFFFFFFFF;
	p2 =	slt.u32 s8, $0xFFFFF086  }
0x1c: {  	p1 =	slt.u32 s9, $0xF7A;
	s5 =	simm.s32 @!p2 $0x0  }
0x1d: {  	s5 =	simm.s32 @p1 $0x1;
	p0 =	seq.s32 s7, s2  }
0x1e: {  	s7 =	smul.u32 @!p0 $0xF7A, s2;
	p2 =	seq.s32 @!p0 s5, $0x0  }
0x1f: {  	s9 =	smul.u32 $0xF7A, s1;
	s8 =	simm.s32 @!p0 $0x1BF5;
	p2 =	por !p2, p0  }
0x20: {  	[sflag:s8] =	ssyncset.s32 @!p0 $0xFFFFF086;
	s6 =	sadd.s32 @!p0 s3, s7;
	s7 =	simm.s32 @!p0 $0x108  }
0x21: {  	s3 =	sadd.s32 s3, s9;
	s6 =	sadd.s32 @!p0 $0x88, s6;
	s7 =	simm.s32 @p2 $0x1082  }
0x22: {  	[simem:s7], [sflag:s8] =	dma.local @!p0 [hbm:s6], $0xF7A  }
0x23: {  	s9 =	sor.u32 $0xD0000000, s2;
	s6 =	simm.s32 $0x108;
	_ =	swait.ge @!p0 [sflag:s8], $0x0  }
0x24: {  	s3 =	sadd.s32 $0x88, s3;
	s6 =	simm.s32 @!p1 $0x1082;
	[sflag:s4] =	ssyncset.s32 $0xFFFFF086  }
0x25: {  	[simem:s6], [sflag:s4] =	dma.local [hbm:s3], $0xF7A  }
0x26: {  	[smem:$0x3F87] =	sst s1;
	(tag) =	ssettag s2;
	_ =	strace s9  }
0x27: {  	s1 =	sld [smem:$0x3F97]  }
0x28: {  	s2 =	sld [smem:$0x3F98]  }
0x29: {  	s4 =	sld [smem:$0x3F9A]  }
0x2a: {  	p0 =	seq.s32 s5, $0x0;
	s5 =	sld [smem:$0x3F9B]  }
0x2b: {  	s6 =	sld [smem:$0x3F9C]  }
0x2c: {  	s7 =	sld [smem:$0x3F9D]  }
0x2d: {  	s3 =	simm.s32 $0x108;
	s8 =	sld [smem:$0x3F9E]  }
0x2e: {  	s3 =	simm.s32 @!p0 $0x1082;
	s9 =	sld [smem:$0x3F9F]  }
0x2f: {  	lr =	sadd.s32 s0, s3;
	s0 =	sld [smem:$0x3F96]  }
0x30: {  	s3 =	sld [smem:$0x3F99]  }
0x31: {  	[smem:$0x3FA2] =	sst s10  }
0x32: {  	s10 =	sld [smem:$0x3FA0];
	_ =	sdelay $0x3  }
0x33: {  	p0 =	seq.s32 s10, $0x1;
	s10 =	sld [smem:$0x3FA2];
	_ =	sdelay $0x3  }
0x34: {  	[smem:$0x3FA2] =	sst s10  }
0x35: {  	s10 =	sld [smem:$0x3FA1];
	_ =	sdelay $0x3  }
0x36: {  	p1 =	seq.s32 s10, $0x1;
	s10 =	sld [smem:$0x3FA2];
	_ =	sdelay $0x3  }
0x37: {  	[smem:$0x3FA2] =	sst s10  }
0x38: {  	s10 =	sld [smem:$0x3FA3]  }
0x39: {  	_ = 	snop;
	(pc) =	sbr.ind lr, $3  }
0x3a: {  	_ = 	snop  }
0x3b: {  	_ = 	snop  }
0x3c: {  	p2 =	seq.s32 s10, $0x1;
	s10 =	sld [smem:$0x3FA2]  }
0x3d: {  	_ =	shalt  }
0x3e: {  	_ =	shalt  }
0x3f: {  	_ =	shalt  }
0x40: {  	_ =	shalt  }
0x41: {  	_ =	shalt  }
0x42: {  	_ =	shalt  }
0x43: {  	_ =	shalt  }
0x44: {  	_ =	shalt  }
0x45: {  	_ =	shalt  }
0x46: {  	_ =	shalt  }
0x47: {  	_ =	shalt  }
0x48: {  	_ =	shalt  }
0x49: {  	_ =	shalt  }
0x4a: {  	_ =	shalt  }
0x4b: {  	_ =	shalt  }
0x4c: {  	_ =	shalt  }
0x4d: {  	_ =	shalt  }
0x4e: {  	_ =	shalt  }
0x4f: {  	_ =	shalt  }
0x50: {  	_ =	shalt  }
0x51: {  	_ =	shalt  }
0x52: {  	_ =	shalt  }
0x53: {  	_ =	shalt  }
0x54: {  	_ =	shalt  }
0x55: {  	_ =	shalt  }
0x56: {  	_ =	shalt  }
0x57: {  	_ =	shalt  }
0x58: {  	_ =	shalt  }
0x59: {  	_ =	shalt  }
0x5a: {  	_ =	shalt  }
0x5b: {  	_ =	shalt  }
0x5c: {  	_ =	shalt  }
0x5d: {  	_ =	shalt  }
0x5e: {  	_ =	shalt  }
0x5f: {  	_ =	shalt  }
0x60: {  	_ =	shalt  }
0x61: {  	_ =	shalt  }
0x62: {  	_ =	shalt  }
0x63: {  	_ =	shalt  }
0x64: {  	_ =	shalt  }
0x65: {  	_ =	shalt  }
0x66: {  	_ =	shalt  }
0x67: {  	_ =	shalt  }
0x68: {  	_ =	shalt  }
0x69: {  	_ =	shalt  }
0x6a: {  	_ =	shalt  }
0x6b: {  	_ =	shalt  }
0x6c: {  	_ =	shalt  }
0x6d: {  	_ =	shalt  }
0x6e: {  	_ =	shalt  }
0x6f: {  	_ =	shalt  }
0x70: {  	_ =	shalt  }
0x71: {  	_ =	shalt  }
0x72: {  	_ =	shalt  }
0x73: {  	_ =	shalt  }
0x74: {  	_ =	shalt  }
0x75: {  	_ =	shalt  }
0x76: {  	_ =	shalt  }
0x77: {  	_ =	shalt  }
0x78: {  	_ =	shalt  }
0x79: {  	_ =	shalt  }
0x7a: {  	_ =	shalt  }
0x7b: {  	_ =	shalt  }
0x7c: {  	_ =	shalt  }
0x7d: {  	_ =	shalt  }
0x7e: {  	_ =	shalt  }
0x7f: {  	_ =	shalt  }
0x80: {  	_ =	shalt  }
0x81: {  	_ =	shalt  }
0x82: {  	_ =	shalt  }
0x83: {  	_ =	shalt  }
0x84: {  	_ =	shalt  }
0x85: {  	_ =	shalt  }
0x86: {  	_ =	shalt  }
0x87: {  	_ =	shalt  }
.Lfunc_end0:
.L_simem_size_0:
called_computation.1_lowered:
.L_overlay_start_0:
0x88: {  	s2 =	sld [smem:$0x3FD9]  }
0x89: {  	s3 =	sld [smem:$0x3FFE];
	_ =	sdelay $0x1  }
0x8a: {  	s1 =	srdreg.scid  }
0x8b: {  	s0 =	sand.u32 $0x1, s1  }
0x8c: {  	s16 =	sshll.u32 s0, $0xA;
	s2 =	sadd.s32 s3, s2  }
0x8d: {  	s2 =	sadd.s32 s2, s16  }
0x8e: {  	[smem:$0x3FAE] =	sst s2  }
0x8f: {  	_ = 	snop  }
0x90: {  	(tm) =	ssettm $0x1  }
0x91: {  	s17 =	sld [smem:$0x3FFB];
	_ =	sdelay $0x3  }
0x92: {  	_ =	strace s17  }
0x93: {  	s2 =	sld [smem:$0x3FFC];
	_ =	sdelay $0x3  }
0x94: {  	_ =	strace s2  }
0x95: {  	s2 =	sld [smem:$0x3FFD];
	_ =	sdelay $0x3  }
0x96: {  	_ =	strace s2  }
0x97: {  	_ =	strace $0x8FFFFFFF  }
0x98: {  	s18 =	sld [smem:$0x3FDB];
	_ =	sdelay $0x1  }
0x99: {  	s19 =	simm.s32 $_scs_section_size  }
0x9a: {  	s4 =	simm.s32 $_size__tile_overlayer_lowered;
	s5 =	simm.s32 $_tile_overlayer_lowered  }
0x9b: {  	s22 =	simm.s32 $0x1BFF;
	s21 =	sshll.u32 s5, $0x1;
	s2 =	sadd.s32 s19, s18  }
0x9c: {  	s6 =	simm.s32 $0x0;
	s20 =	sshll.u32 s4, $0x1;
	s4 =	sadd.s32 s21, s2  }
0x9d: {  	[timem:s6], [sflag:s22] =	dma.local [hbm:s4], s20  }
0x9e: {  	_ =	swait.ge [sflag:s22], s20  }
0x9f: {  	s3 =	ssub.s32 $0x0, s20;
	[sflag:s22] =	ssyncset.done $0x0  }
0xa0: {  	[sflag:s22] =	ssyncadd.s32 s3;
	_ =	sdelay $0x1  }
0xa1: {  	s23 =	simm.s32 $0x1B8B  }
0xa2: {  	_ =	swait.ge [sflag:s23], $0x1  }
0xa3: {  	[sflag:s23] =	ssyncset.done $0x0  }
0xa4: {  	s25 =	simm.s32 $0x1B8E;
	s24 =	sld [smem:$0x3FFE];
	[sflag:s23] =	ssyncadd.s32 $0xFFFFFFFF  }
0xa5: {  	s26 =	simm.s32 $execute0_lowered;
	[smem:$0x3FD2] =	sst s25  }
0xa6: {  	s4 =	sshll.u32 s26, $0x1;
	_ =	strace $0x80000049;
	[dreg:$0x1] =	wrdreg $0xFFFFFFFF  }
0xa7: {  	s28 =	simm.s32 $_size_execute0_lowered;
	s2 =	sadd.s32 s2, s4;
	[dreg:$0x0] =	wrdreg $0x0  }
0xa8: {  	s4 =	sshll.u32 s28, $0x1;
	[dreg:$0x2] =	wrdreg s2  }
0xa9: {  	[dreg:$0x3] =	wrdreg s4  }
0xaa: {  	[dreg:$0x4] =	wrdreg $0xC0  }
0xab: {  	_ =	task [dreg:s6], $0x5FFFF  }
0xac: {  	[dreg:$0x1] =	wrdreg $0xFFFFFFFF  }
0xad: {  	[dreg:$0x0] =	wrdreg $0x60  }
0xae: {  	[dreg:$0x2] =	wrdreg s24  }
0xaf: {  	[dreg:$0x3] =	wrdreg $0x81000  }
0xb0: {  	[dreg:$0x4] =	wrdreg $0x9  }
0xb1: {  	_ =	task.clear_ibuf [dreg:s6], $0x5FFFF;
	_ =	strace $0x90000049  }
0xb2: {  	s29 =	simm.s32 $0x9;
	_ =	strace $0x8000004B  }
0xb3: {  	_ =	swait.ge [sflag:s29], $0x1  }
0xb4: {  	[sflag:s29] =	ssyncadd.s32 $0xFFFFFFFF  }
0xb5: {  	_ =	strace $0x9000004B  }
0xb6: {  	_ =	sfence  }
0xb7: {  	s30 =	sld [smem:$0x0];
	_ =	sdelay $0x2  }
0xb8: {  	s31 =	sshll.u32 s1, $0xD;
	s1 =	sshrl.u32 s1, $0x2  }
0xb9: {  	s3 =	sand.u32 $0x4000, s31;
	s1 =	sadd.s32 s1, s30  }
0xba: {  	s0 =	sor.u32 s3, s0;
	s1 =	sshll.u32 s1, $0x11  }
0xbb: {  	s0 =	sor.u32 s1, s0  }
0xbc: {  	s0 =	sadd.s32 $0x8F2B, s0  }
0xbd: {  	[sflag:s0] =	ssyncadd.remote.s32 $0x1  }
0xbe: {  	_ =	sfence.sel $0xFFFF  }
0xbf: {  	[dreg:$0x0] =	wrdreg $0xFFFFFFFF;
	(pc) =	sbr.abs _section_cstart, $3  }
0xc0: {  	[dreg:$0x1] =	wrdreg $0xFFFFFFFF  }
0xc1: {  	_ =	task.clear_ibuf [dreg:s6], $0x2FFFF;
	_ =	strace $0x9FFFFFFF  }
0xc2: {  	(tm) =	ssettm $0x7FFFFFFF  }
0xc3: {  	_ =	shalt  }
tec
execute0_lowered:
.L_overlay_start_1:
0x0: {  	(tag) =	ssettag $0x1  }
0x1: {  	s15 =	rddreg [dreg:$0x0]  }
0x2: {  	s2 =	rddreg [dreg:$0x1];
	s3 =	simm.s32 $0x0  }
0x3: {  	s4 =	srdreg.scid;
	s1 =	stileid.u32;
	s18 =	simm.s32 $0x6100  }
0x4: {  	s19 =	simm.s32 $0x3;
	s20 =	simm.s32 $0x4;
	s21 =	simm.s32 $0x80  }
0x5: {  	s22 =	simm.s32 $0x100;
	s23 =	simm.s32 $0x2100;
	s24 =	simm.s32 $0x4100  }
0x6: {  	s25 =	simm.s32 $0x1;
	s26 =	simm.s32 $0x2;
	[smem:$0x7FF] =	sst s3  }
0x7: {  	s4 =	sand.u32 $0x1, s4;
	s10 =	smul.u32 $0xA000, s1;
	s5 =	sadd.s32 $0x2A800, s15  }
0x8: {  	s6 =	sadd.s32 $0x16E00, s15;
	s7 =	sadd.s32 $0xA3E00, s15;
	s11 =	smul.u32 $0x28000, s1  }
0x9: {  	s8 =	sadd.s32 $0x65400, s15;
	s9 =	smul.u32 $0xA0000, s4;
	s12 =	ssub.s32 $0x2, s4  }
0xa: {  	_ =	strace $0x8000004A;
	s13 =	sshrl.u32 s12, $0x1;
	s11 =	sshrl.u32 s11, $0x2  }
.Ltmp0:
0xb: {  	s9 =	sadd.s32 s10, s9;
	s17 =	ssub.s32 s12, s13;
	(pc) =	sbr.rel .LBB2_1-.Ltmp0, $4  }
0xc: {  	s14 =	sadd.s32 s11, s2;
	s10 =	sadd.s32 s10, s2;
	s9 =	sshrl.u32 s9, $0x3  }
0xd: {  	s11 =	sadd.s32 $0x2000, s14;
	s12 =	sadd.s32 $0x4000, s14;
	s13 =	sadd.s32 $0x6000, s14  }
0xe: {  	s14 =	sadd.s32 $0x8000, s14;
	s17 =	smax.u32 s17, $0x1;
	s16 =	sadd.s32 s9, s15  }
0xf: {  	v0 =	vimm.f32 $0.0e+00;
	s9 =	sshll.u32 s1, $0x1;
	s15 =	sadd.s32 $0x6F040, s15;
	s16 =	sadd.s32 $0x315200, s16  }
.LBB2_9:
0x10: {  	s3 =	sadd.s32 $0x1, s3  }
0x11: {  	s0 =	sshll.u32 s1, $0x6;
	[bflag:$0x0] =	sbarrier.arrive $0xFFFF;
	p0 =	sne.s32 s3, s17  }
.Ltmp1:
0x12: {  	s28 =	sshrl.u32 s10, $0x3;
	s0 =	sor.u32 $0x1C03, s0;
	(pc) =	sbr.rel @!p0 .LBB2_10-.Ltmp1, $4  }
0x13: {  	[hbm:s16], [sflag:s0] =	dma.local [spmem:s28], $0x1400  }
0x14: {  	_ =	swait.ge [sflag:s19], $0x1400  }
0x15: {  	[sflag:s19] =	ssyncset.done $0x0  }
0x16: {  	[sflag:s19] =	ssyncadd.s32 $0xFFFFEC00  }
.LBB2_1:
0x17: {  	s29 =	simm.s32 $0x100;
	s28 =	simm.s32 $0x0  }
.LBB2_2:
0x18: {  	p0 =	sne.s32 s29, $0x7F00;
	[tilespmem:s28+$0x6130] =	vst v0;
	s30 =	smov.u32 s29;
	s29 =	sadd.s32 $0x100, s29  }
.Ltmp2:
0x19: {  	[tilespmem:s28+$0x6120] =	vst v0;
	(pc) =	sbr.rel @p0 .LBB2_2-.Ltmp2, $3  }
0x1a: {  	[tilespmem:s28+$0x6100] =	vst v0  }
0x1b: {  	[tilespmem:s28+$0x6110] =	vst v0;
	_ =	sdelay $0x1  }
0x1c: {  	s28 =	sshra.s32 s30, $0x2  }
0x1d: {  	[tilespmem:s28+$0x6130] =	vst v0  }
0x1e: {  	[tilespmem:s28+$0x6120] =	vst v0  }
0x1f: {  	[tilespmem:s28+$0x6100] =	vst v0  }
0x20: {  	[tilespmem:s28+$0x6110] =	vst v0  }
0x21: {  	[spmem:s10] =	stream.linear.scatter [tilespmem:s18], [sflag:$0x3], $0x2000, $0x38;
	[tilespmem:$0x12100] =	vst v63  }
0x22: {  	_ =	swait.ge [sflag:s19], $0x2000  }
0x23: {  	[sflag:s19] =	ssyncset.done $0x0  }
0x24: {  	[sflag:s19] =	ssyncadd.s32 $0xFFFFE000  }
0x25: {  	[spmem:s11] =	stream.linear.scatter [tilespmem:s18], [sflag:$0x3], $0x2000, $0x38;
	[tilespmem:$0x12100] =	vst v63  }
0x26: {  	_ =	swait.ge [sflag:s19], $0x2000  }
0x27: {  	[sflag:s19] =	ssyncset.done $0x0  }
0x28: {  	[sflag:s19] =	ssyncadd.s32 $0xFFFFE000  }
0x29: {  	[spmem:s12] =	stream.linear.scatter [tilespmem:s18], [sflag:$0x3], $0x2000, $0x38;
	[tilespmem:$0x12100] =	vst v63  }
0x2a: {  	_ =	swait.ge [sflag:s19], $0x2000  }
0x2b: {  	[sflag:s19] =	ssyncset.done $0x0  }
0x2c: {  	[sflag:s19] =	ssyncadd.s32 $0xFFFFE000  }
0x2d: {  	[spmem:s13] =	stream.linear.scatter [tilespmem:s18], [sflag:$0x3], $0x2000, $0x38;
	[tilespmem:$0x12100] =	vst v63  }
0x2e: {  	_ =	swait.ge [sflag:s19], $0x2000  }
0x2f: {  	[sflag:s19] =	ssyncset.done $0x0  }
0x30: {  	[sflag:s19] =	ssyncadd.s32 $0xFFFFE000  }
0x31: {  	[spmem:s14] =	stream.linear.scatter [tilespmem:s18], [sflag:$0x3], $0x2000, $0x38;
	[tilespmem:$0x12100] =	vst v63  }
.Ltmp3:
0x32: {  	_ =	swait.ge [sflag:s19], $0x2000;
	(pc) =	sbr.rel .LBB2_4-.Ltmp3, $4  }
0x33: {  	[sflag:s19] =	ssyncset.done $0x0  }
0x34: {  	[sflag:s19] =	ssyncadd.s32 $0xFFFFE000  }
0x35: {  	[bflag:$0x0] =	sbarrier.arrive $0xFFFF  }
0x36: {  	s28 =	simm.s32 $0x0  }
.LBB2_8:
0x37: {  	s28 =	sadd.s32 $0x1, s28  }
0x38: {  	p0 =	sne.s32 s28, $0x4F  }
.Ltmp4:
0x39: {  	_ = 	snop;
	(pc) =	sbr.rel @!p0 .LBB2_9-.Ltmp4, $1  }
0x3a: {  	_ =	sdelay $0x3  }
.LBB2_4:
0x3b: {  	s29 =	sshll.u32 s28, $0x5  }
0x3c: {  	s29 =	sor.u32 s9, s29  }
0x3d: {  	p0 =	sgt.u32 s29, $0x9C3  }
.Ltmp5:
0x3e: {  	_ = 	snop;
	(pc) =	sbr.rel @p0 .LBB2_8-.Ltmp5, $1  }
0x3f: {  	_ =	sdelay $0x3  }
0x40: {  	s29 =	sor.u32 s4, s29  }
0x41: {  	s30 =	sshll.u32 s29, $0x4  }
0x42: {  	s0 =	simm.s32 $0x0;
	s31 =	sadd.s32 s8, s30  }
0x43: {  	[tilespmem:s0], [sflag:$0x4] =	stream.linear.gather [hbm4b:s31+s0], $0x80, $0x38;
	[tilespmem:$0x12100] =	vst v63  }
0x44: {  	_ =	swait.ge [sflag:s20], $0x80  }
0x45: {  	[sflag:s20] =	ssyncset.done $0x0  }
0x46: {  	s30 =	sadd.s32 s30, s15;
	[sflag:s20] =	ssyncadd.s32 $0xFFFFFF80  }
0x47: {  	[tilespmem:s21], [sflag:$0x4] =	stream.linear.gather [hbm4b:s30+s0], $0x80, $0x38;
	[tilespmem:$0x12100] =	vst v63  }
0x48: {  	_ =	swait.ge [sflag:s20], $0x80  }
0x49: {  	[sflag:s20] =	ssyncset.done $0x0  }
0x4a: {  	[sflag:s20] =	ssyncadd.s32 $0xFFFFFF80  }
0x4b: {  	[tilespmem:s22], [sflag:$0x1] =	stream.indirect.gather [hbm4b:s5+s21], $0x40, s0, s21, $0xb8;
	[tilespmem:$0x12100] =	vst v63  }
0x4c: {  	s29 =	sshll.u32 s29, $0xA  }
0x4d: {  	[tilespmem:s23], [sflag:$0x2] =	stream.indirect.gather [hbm4b:s6+s21], $0x40, s21, s21, $0xb8;
	[tilespmem:$0x12100] =	vst v63  }
0x4e: {  	s29 =	sadd.s32 s7, s29  }
0x4f: {  	[tilespmem:s24], [sflag:$0x4] =	stream.linear.gather [hbm4b:s29+s0], $0x2000, $0x38;
	[tilespmem:$0x12100] =	vst v63  }
0x50: {  	_ =	swait.ge [sflag:s20], $0x2000  }
0x51: {  	[sflag:s20] =	ssyncset.done $0x0  }
0x52: {  	[sflag:s20] =	ssyncadd.s32 $0xFFFFE000  }
0x53: {  	_ =	swait.ge [sflag:s25], $0x2000  }
0x54: {  	[sflag:s25] =	ssyncset.done $0x0  }
0x55: {  	[sflag:s25] =	ssyncadd.s32 $0xFFFFE000  }
0x56: {  	_ =	swait.ge [sflag:s26], $0x2000  }
0x57: {  	[sflag:s26] =	ssyncset.done $0x0  }
0x58: {  	s29 =	simm.s32 $0x0;
	[sflag:s26] =	ssyncadd.s32 $0xFFFFE000  }
0x59: {  	v1 =	vld [tilespmem:s29+$0x100]  }
0x5a: {  	v3 =	vld [tilespmem:s29+$0x2100]  }
0x5b: {  	v2 =	vld [tilespmem:s29+$0x110]  }
0x5c: {  	v5 =	vld [tilespmem:s29+$0x2110]  }
0x5d: {  	v4 =	vld [tilespmem:s29+$0x120]  }
0x5e: {  	v7 =	vld [tilespmem:s29+$0x2120]  }
0x5f: {  	v6 =	vld [tilespmem:s29+$0x130]  }
0x60: {  	v8 =	vld [tilespmem:s29+$0x2130]  }
0x61: {  	s30 =	simm.s32 $0x100;
	v9 =	vld [tilespmem:s29+$0x4100]  }
.LBB2_6:
0x62: {  	p0 =	sne.s32 s30, $0x7F00;
	v10 =	vld [tilespmem:s29+$0x4110]  }
0x63: {  	v11 =	vld [tilespmem:s29+$0x4120]  }
0x64: {  	s0 =	sshra.s32 s30, $0x2;
	v12 =	vadd.f32 v3, v1;
	v13 =	vld [tilespmem:s29+$0x4130]  }
0x65: {  	v5 =	vadd.f32 v5, v2;
	v1 =	vld [tilespmem:s0+$0x100]  }
0x66: {  	v4 =	vadd.f32 v7, v4;
	v3 =	vld [tilespmem:s0+$0x2100];
	v9 =	vadd.f32 v9, v12  }
0x67: {  	v6 =	vadd.f32 v8, v6;
	v2 =	vld [tilespmem:s0+$0x110];
	v7 =	vadd.f32 v10, v5  }
0x68: {  	v5 =	vld [tilespmem:s0+$0x2110];
	v8 =	vmax.f32 v9, $0.0e+00;
	v9 =	vadd.f32 v11, v4  }
.Ltmp6:
0x69: {  	v4 =	vld [tilespmem:s0+$0x120];
	[tilespmem:s29+$0x4100] =	vst v8;
	v8 =	vmax.f32 v7, $0.0e+00;
	v10 =	vadd.f32 v13, v6;
	(pc) =	sbr.rel @p0 .LBB2_6-.Ltmp6, $4  }
0x6a: {  	v7 =	vld [tilespmem:s0+$0x2120];
	[tilespmem:s29+$0x4110] =	vst v8;
	v8 =	vmax.f32 v9, $0.0e+00  }
0x6b: {  	v6 =	vld [tilespmem:s0+$0x130];
	[tilespmem:s29+$0x4120] =	vst v8;
	v9 =	vmax.f32 v10, $0.0e+00  }
0x6c: {  	v8 =	vld [tilespmem:s0+$0x2130];
	[tilespmem:s29+$0x4130] =	vst v9;
	s29 =	smov.u32 s0  }
0x6d: {  	s30 =	sadd.s32 $0x100, s30;
	v9 =	vld [tilespmem:s29+$0x4100]  }
0x6e: {  	v10 =	vld [tilespmem:s29+$0x4110]  }
0x6f: {  	v11 =	vld [tilespmem:s29+$0x4120]  }
0x70: {  	v1 =	vadd.f32 v3, v1;
	v3 =	vld [tilespmem:s29+$0x4130]  }
0x71: {  	v2 =	vadd.f32 v5, v2  }
0x72: {  	v4 =	vadd.f32 v7, v4;
	v1 =	vadd.f32 v9, v1  }
0x73: {  	v63 =	vadd.f32 v8, v6;
	v2 =	vadd.f32 v10, v2  }
0x74: {  	v4 =	vadd.f32 v11, v4;
	v1 =	vmax.f32 v1, $0.0e+00  }
0x75: {  	[tilespmem:s29+$0x4100] =	vst v1;
	v1 =	vmax.f32 v2, $0.0e+00;
	v2 =	vadd.f32 v3, v63  }
0x76: {  	[tilespmem:s29+$0x4110] =	vst v1;
	v1 =	vmax.f32 v4, $0.0e+00  }
0x77: {  	[tilespmem:s29+$0x4120] =	vst v1;
	v1 =	vmax.f32 v2, $0.0e+00  }
.Ltmp7:
0x78: {  	[tilespmem:s29+$0x4130] =	vst v1;
	(pc) =	sbr.rel .LBB2_8-.Ltmp7, $4  }
0x79: {  	[spmem:s2] =	stream.indirect.scatter.add.f32 [tilespmem:s24], [sflag:$0x3], $0x40, s21, s21, $0xb8;
	[tilespmem:$0x12100] =	vst v63  }
0x7a: {  	_ =	swait.ge [sflag:s19], $0x2000  }
0x7b: {  	[sflag:s19] =	ssyncset.done $0x0  }
0x7c: {  	[sflag:s19] =	ssyncadd.s32 $0xFFFFE000  }
.LBB2_10:
0x7d: {  	_ =	sfence.sel $0x180000  }
0x7e: {  	[bflag:$0x0] =	sbarrier.arrive $0xFFFF  }
0x7f: {  	_ =	strace $0x9000004A  }
0x80: {  	[bflag:$0x2] =	sbarrier.arrive $0xFFFF  }
0x81: {  	p0 =	sne.s32 s1, $0x0;
	s0 =	rddreg [dreg:$0x2]  }
0x82: {  	s0 =	sadd.s32 @!p0 $0x100000, s0  }
0x83: {  	[sflag:s0] =	ssyncadd.tile.s32 @!p0 $0x1;
	_ =	shalt  }
.Lfunc_end2:
_tile_overlayer_lowered:
.L_overlay_start_2:
0x84: {  	(tag) =	ssettag $0x2  }
0x85: {  	s0 =	rddreg [dreg:$0x0];
	s2 =	stileid.u32  }
0x86: {  	s1 =	rddreg [dreg:$0x1];
	p0 =	sne.s32 s2, $0x0  }
0x87: {  	s3 =	rddreg [dreg:$0x2];
	[bflag:$0x3] =	sbarrier.arrive $0xFFFF;
	s2 =	simm.s32 @!p0 $0x1C03  }
0x88: {  	[timem:s3], [sflag:s2] =	dma.local @!p0 [hbm:s0], s1  }
0x89: {  	s0 =	simm.s32 @!p0 $0x3  }
0x8a: {  	_ =	swait.ge @!p0 [sflag:s0], s1  }
0x8b: {  	s1 =	ssub.s32 @!p0 $0x0, s1;
	[sflag:s0] =	ssyncset.done @!p0 $0x0  }
0x8c: {  	[sflag:s0] =	ssyncadd.s32 @!p0 s1  }
0x8d: {  	[bflag:$0x3] =	sbarrier.arrive $0xFFFF  }
0x8e: {  	_ =	shalt  }

// kernel: kernel.31.cloned.1.call-start
scs
__scs_entry_jumppad:
0x0: {  	(pc) =	sbr.rel $0x88, $3  }
0x1: {  	(tag) =	ssettag $0x0;
	lr =	simm.s32 $0x1  }
0x2: {  	[smem:$0x3F87] =	sst lr;
	_ =	strace $0xD0000000  }
0x3: {  	_ = 	snop  }
0x4: {  	_ = 	snop  }
0x5: {  	_ = 	snop  }
0x6: {  	_ = 	snop  }
0x7: {  	_ = 	snop  }
__scs_overlays_trampoline_lowered:
0x8: {  	[smem:$0x3F96] =	sst s0  }
0x9: {  	[smem:$0x3F97] =	sst s1  }
0xa: {  	[smem:$0x3F98] =	sst s2  }
0xb: {  	[smem:$0x3F99] =	sst s3  }
0xc: {  	[smem:$0x3F9A] =	sst s4  }
0xd: {  	[smem:$0x3F9B] =	sst s5  }
0xe: {  	[smem:$0x3F9C] =	sst s6  }
0xf: {  	[smem:$0x3F9D] =	sst s7  }
0x10: {  	[smem:$0x3F9E] =	sst s8  }
0x11: {  	[smem:$0x3F9F] =	sst s9;
	s0 =	simm.s32 @!p0 $0x0  }
0x12: {  	s1 =	sld [smem:$0x3F85];
	s0 =	simm.s32 @p0 $0x1  }
0x13: {  	[smem:$0x3FA0] =	sst s0;
	s0 =	simm.s32 @!p1 $0x0  }
0x14: {  	s2 =	sld [smem:$0x3F84];
	s0 =	simm.s32 @p1 $0x1  }
0x15: {  	[smem:$0x3FA1] =	sst s0;
	s0 =	simm.s32 @!p2 $0x0  }
0x16: {  	s3 =	sld [smem:$0x3FDB];
	s0 =	simm.s32 @p2 $0x1  }
0x17: {  	s4 =	simm.s32 $0x1BF5;
	[smem:$0x3FA3] =	sst s0  }
0x18: {  	s0 =	sld [smem:$0x3F86];
	_ =	swait.ge [sflag:s4], $0x0  }
0x19: {  	s7 =	sld [smem:$0x3F87]  }
0x1a: {  	s8 =	sadd.s32 $0xFFFFE003, lr  }
0x1b: {  	s9 =	sadd.s32 $0xFFFFFEF7, lr;
	s5 =	simm.s32 $0xFFFFFFFF;
	p2 =	slt.u32 s8, $0xFFFFF086  }
0x1c: {  	p1 =	slt.u32 s9, $0xF7A;
	s5 =	simm.s32 @!p2 $0x0  }
0x1d: {  	s5 =	simm.s32 @p1 $0x1;
	p0 =	seq.s32 s7, s2  }
0x1e: {  	s7 =	smul.u32 @!p0 $0xF7A, s2;
	p2 =	seq.s32 @!p0 s5, $0x0  }
0x1f: {  	s9 =	smul.u32 $0xF7A, s1;
	s8 =	simm.s32 @!p0 $0x1BF5;
	p2 =	por !p2, p0  }
0x20: {  	[sflag:s8] =	ssyncset.s32 @!p0 $0xFFFFF086;
	s6 =	sadd.s32 @!p0 s3, s7;
	s7 =	simm.s32 @!p0 $0x108  }
0x21: {  	s3 =	sadd.s32 s3, s9;
	s6 =	sadd.s32 @!p0 $0x88, s6;
	s7 =	simm.s32 @p2 $0x1082  }
0x22: {  	[simem:s7], [sflag:s8] =	dma.local @!p0 [hbm:s6], $0xF7A  }
0x23: {  	s9 =	sor.u32 $0xD0000000, s2;
	s6 =	simm.s32 $0x108;
	_ =	swait.ge @!p0 [sflag:s8], $0x0  }
0x24: {  	s3 =	sadd.s32 $0x88, s3;
	s6 =	simm.s32 @!p1 $0x1082;
	[sflag:s4] =	ssyncset.s32 $0xFFFFF086  }
0x25: {  	[simem:s6], [sflag:s4] =	dma.local [hbm:s3], $0xF7A  }
0x26: {  	[smem:$0x3F87] =	sst s1;
	(tag) =	ssettag s2;
	_ =	strace s9  }
0x27: {  	s1 =	sld [smem:$0x3F97]  }
0x28: {  	s2 =	sld [smem:$0x3F98]  }
0x29: {  	s4 =	sld [smem:$0x3F9A]  }
0x2a: {  	p0 =	seq.s32 s5, $0x0;
	s5 =	sld [smem:$0x3F9B]  }
0x2b: {  	s6 =	sld [smem:$0x3F9C]  }
0x2c: {  	s7 =	sld [smem:$0x3F9D]  }
0x2d: {  	s3 =	simm.s32 $0x108;
	s8 =	sld [smem:$0x3F9E]  }
0x2e: {  	s3 =	simm.s32 @!p0 $0x1082;
	s9 =	sld [smem:$0x3F9F]  }
0x2f: {  	lr =	sadd.s32 s0, s3;
	s0 =	sld [smem:$0x3F96]  }
0x30: {  	s3 =	sld [smem:$0x3F99]  }
0x31: {  	[smem:$0x3FA2] =	sst s10  }
0x32: {  	s10 =	sld [smem:$0x3FA0];
	_ =	sdelay $0x3  }
0x33: {  	p0 =	seq.s32 s10, $0x1;
	s10 =	sld [smem:$0x3FA2];
	_ =	sdelay $0x3  }
0x34: {  	[smem:$0x3FA2] =	sst s10  }
0x35: {  	s10 =	sld [smem:$0x3FA1];
	_ =	sdelay $0x3  }
0x36: {  	p1 =	seq.s32 s10, $0x1;
	s10 =	sld [smem:$0x3FA2];
	_ =	sdelay $0x3  }
0x37: {  	[smem:$0x3FA2] =	sst s10  }
0x38: {  	s10 =	sld [smem:$0x3FA3]  }
0x39: {  	_ = 	snop;
	(pc) =	sbr.ind lr, $3  }
0x3a: {  	_ = 	snop  }
0x3b: {  	_ = 	snop  }
0x3c: {  	p2 =	seq.s32 s10, $0x1;
	s10 =	sld [smem:$0x3FA2]  }
0x3d: {  	_ =	shalt  }
0x3e: {  	_ =	shalt  }
0x3f: {  	_ =	shalt  }
0x40: {  	_ =	shalt  }
0x41: {  	_ =	shalt  }
0x42: {  	_ =	shalt  }
0x43: {  	_ =	shalt  }
0x44: {  	_ =	shalt  }
0x45: {  	_ =	shalt  }
0x46: {  	_ =	shalt  }
0x47: {  	_ =	shalt  }
0x48: {  	_ =	shalt  }
0x49: {  	_ =	shalt  }
0x4a: {  	_ =	shalt  }
0x4b: {  	_ =	shalt  }
0x4c: {  	_ =	shalt  }
0x4d: {  	_ =	shalt  }
0x4e: {  	_ =	shalt  }
0x4f: {  	_ =	shalt  }
0x50: {  	_ =	shalt  }
0x51: {  	_ =	shalt  }
0x52: {  	_ =	shalt  }
0x53: {  	_ =	shalt  }
0x54: {  	_ =	shalt  }
0x55: {  	_ =	shalt  }
0x56: {  	_ =	shalt  }
0x57: {  	_ =	shalt  }
0x58: {  	_ =	shalt  }
0x59: {  	_ =	shalt  }
0x5a: {  	_ =	shalt  }
0x5b: {  	_ =	shalt  }
0x5c: {  	_ =	shalt  }
0x5d: {  	_ =	shalt  }
0x5e: {  	_ =	shalt  }
0x5f: {  	_ =	shalt  }
0x60: {  	_ =	shalt  }
0x61: {  	_ =	shalt  }
0x62: {  	_ =	shalt  }
0x63: {  	_ =	shalt  }
0x64: {  	_ =	shalt  }
0x65: {  	_ =	shalt  }
0x66: {  	_ =	shalt  }
0x67: {  	_ =	shalt  }
0x68: {  	_ =	shalt  }
0x69: {  	_ =	shalt  }
0x6a: {  	_ =	shalt  }
0x6b: {  	_ =	shalt  }
0x6c: {  	_ =	shalt  }
0x6d: {  	_ =	shalt  }
0x6e: {  	_ =	shalt  }
0x6f: {  	_ =	shalt  }
0x70: {  	_ =	shalt  }
0x71: {  	_ =	shalt  }
0x72: {  	_ =	shalt  }
0x73: {  	_ =	shalt  }
0x74: {  	_ =	shalt  }
0x75: {  	_ =	shalt  }
0x76: {  	_ =	shalt  }
0x77: {  	_ =	shalt  }
0x78: {  	_ =	shalt  }
0x79: {  	_ =	shalt  }
0x7a: {  	_ =	shalt  }
0x7b: {  	_ =	shalt  }
0x7c: {  	_ =	shalt  }
0x7d: {  	_ =	shalt  }
0x7e: {  	_ =	shalt  }
0x7f: {  	_ =	shalt  }
0x80: {  	_ =	shalt  }
0x81: {  	_ =	shalt  }
0x82: {  	_ =	shalt  }
0x83: {  	_ =	shalt  }
0x84: {  	_ =	shalt  }
0x85: {  	_ =	shalt  }
0x86: {  	_ =	shalt  }
0x87: {  	_ =	shalt  }
.Lfunc_end0:
.L_simem_size_0:
called_computation.2_lowered:
.L_overlay_start_0:
0x88: {  	s2 =	sld [smem:$0x3FD9]  }
0x89: {  	s3 =	sld [smem:$0x3FFE];
	_ =	sdelay $0x1  }
0x8a: {  	s1 =	srdreg.scid  }
0x8b: {  	s0 =	sand.u32 $0x1, s1  }
0x8c: {  	s16 =	sshll.u32 s0, $0xA;
	s2 =	sadd.s32 s3, s2  }
0x8d: {  	s2 =	sadd.s32 s2, s16  }
0x8e: {  	[smem:$0x3FAE] =	sst s2  }
0x8f: {  	_ = 	snop  }
0x90: {  	(tm) =	ssettm $0x1  }
0x91: {  	s17 =	sld [smem:$0x3FFB];
	_ =	sdelay $0x3  }
0x92: {  	_ =	strace s17  }
0x93: {  	s2 =	sld [smem:$0x3FFC];
	_ =	sdelay $0x3  }
0x94: {  	_ =	strace s2  }
0x95: {  	s2 =	sld [smem:$0x3FFD];
	_ =	sdelay $0x3  }
0x96: {  	_ =	strace s2  }
0x97: {  	_ =	strace $0x8FFFFFFF  }
0x98: {  	s18 =	sld [smem:$0x3FDB];
	_ =	sdelay $0x1  }
0x99: {  	s19 =	simm.s32 $_scs_section_size  }
0x9a: {  	s4 =	simm.s32 $_size__tile_overlayer_lowered;
	s5 =	simm.s32 $_tile_overlayer_lowered  }
0x9b: {  	s22 =	simm.s32 $0x1BFF;
	s21 =	sshll.u32 s5, $0x1;
	s2 =	sadd.s32 s19, s18  }
0x9c: {  	s6 =	simm.s32 $0x0;
	s20 =	sshll.u32 s4, $0x1;
	s4 =	sadd.s32 s21, s2  }
0x9d: {  	[timem:s6], [sflag:s22] =	dma.local [hbm:s4], s20  }
0x9e: {  	_ =	swait.ge [sflag:s22], s20  }
0x9f: {  	s3 =	ssub.s32 $0x0, s20;
	[sflag:s22] =	ssyncset.done $0x0  }
0xa0: {  	[sflag:s22] =	ssyncadd.s32 s3;
	_ =	sdelay $0x1  }
0xa1: {  	s23 =	simm.s32 $0x1B8B  }
0xa2: {  	_ =	swait.ge [sflag:s23], $0x1  }
0xa3: {  	[sflag:s23] =	ssyncset.done $0x0  }
0xa4: {  	s25 =	simm.s32 $0x1B8E;
	s24 =	sld [smem:$0x3FFE];
	[sflag:s23] =	ssyncadd.s32 $0xFFFFFFFF  }
0xa5: {  	s26 =	simm.s32 $execute0_lowered;
	[smem:$0x3FD2] =	sst s25  }
0xa6: {  	s4 =	sshll.u32 s26, $0x1;
	_ =	strace $0x8000004C;
	[dreg:$0x1] =	wrdreg $0xFFFFFFFF  }
0xa7: {  	s28 =	simm.s32 $_size_execute0_lowered;
	s2 =	sadd.s32 s2, s4;
	[dreg:$0x0] =	wrdreg $0x0  }
0xa8: {  	s4 =	sshll.u32 s28, $0x1;
	[dreg:$0x2] =	wrdreg s2  }
0xa9: {  	[dreg:$0x3] =	wrdreg s4  }
0xaa: {  	[dreg:$0x4] =	wrdreg $0xC0  }
0xab: {  	_ =	task [dreg:s6], $0x5FFFF  }
0xac: {  	[dreg:$0x1] =	wrdreg $0xFFFFFFFF  }
0xad: {  	[dreg:$0x0] =	wrdreg $0x60  }
0xae: {  	[dreg:$0x2] =	wrdreg s24  }
0xaf: {  	[dreg:$0x3] =	wrdreg $0x81000  }
0xb0: {  	[dreg:$0x4] =	wrdreg $0x9  }
0xb1: {  	_ =	task.clear_ibuf [dreg:s6], $0x5FFFF;
	_ =	strace $0x9000004C  }
0xb2: {  	s29 =	simm.s32 $0x9;
	_ =	strace $0x8000004E  }
0xb3: {  	_ =	swait.ge [sflag:s29], $0x1  }
0xb4: {  	[sflag:s29] =	ssyncadd.s32 $0xFFFFFFFF  }
0xb5: {  	_ =	strace $0x9000004E  }
0xb6: {  	_ =	sfence  }
0xb7: {  	s30 =	sld [smem:$0x0];
	_ =	sdelay $0x2  }
0xb8: {  	s31 =	sshll.u32 s1, $0xD;
	s1 =	sshrl.u32 s1, $0x2  }
0xb9: {  	s3 =	sand.u32 $0x4000, s31;
	s1 =	sadd.s32 s1, s30  }
0xba: {  	s0 =	sor.u32 s3, s0;
	s1 =	sshll.u32 s1, $0x11  }
0xbb: {  	s0 =	sor.u32 s1, s0  }
0xbc: {  	s0 =	sadd.s32 $0x8F2B, s0  }
0xbd: {  	[sflag:s0] =	ssyncadd.remote.s32 $0x1  }
0xbe: {  	_ =	sfence.sel $0xFFFF  }
0xbf: {  	[dreg:$0x0] =	wrdreg $0xFFFFFFFF;
	(pc) =	sbr.abs _section_cstart, $3  }
0xc0: {  	[dreg:$0x1] =	wrdreg $0xFFFFFFFF  }
0xc1: {  	_ =	task.clear_ibuf [dreg:s6], $0x2FFFF;
	_ =	strace $0x9FFFFFFF  }
0xc2: {  	(tm) =	ssettm $0x7FFFFFFF  }
0xc3: {  	_ =	shalt  }
tec
execute0_lowered:
.L_overlay_start_1:
0x0: {  	(tag) =	ssettag $0x1  }
0x1: {  	s15 =	rddreg [dreg:$0x0]  }
0x2: {  	s2 =	rddreg [dreg:$0x1];
	s3 =	simm.s32 $0x0  }
0x3: {  	s4 =	srdreg.scid;
	s1 =	stileid.u32;
	s18 =	simm.s32 $0x6100  }
0x4: {  	s19 =	simm.s32 $0x3;
	s20 =	simm.s32 $0x4;
	s21 =	simm.s32 $0x80  }
0x5: {  	s22 =	simm.s32 $0x100;
	s23 =	simm.s32 $0x2100;
	s24 =	simm.s32 $0x4100  }
0x6: {  	s25 =	simm.s32 $0x1;
	s26 =	simm.s32 $0x2;
	[smem:$0x7FF] =	sst s3  }
0x7: {  	s4 =	sand.u32 $0x1, s4;
	s10 =	smul.u32 $0xA000, s1;
	s5 =	sadd.s32 $0x2A800, s15  }
0x8: {  	s6 =	sadd.s32 $0x16E00, s15;
	s7 =	sadd.s32 $0xEBCE00, s15;
	s11 =	smul.u32 $0x28000, s1  }
0x9: {  	s8 =	sadd.s32 $0x65400, s15;
	s9 =	smul.u32 $0xA0000, s4;
	s12 =	ssub.s32 $0x2, s4  }
0xa: {  	_ =	strace $0x8000004D;
	s13 =	sshrl.u32 s12, $0x1;
	s11 =	sshrl.u32 s11, $0x2  }
.Ltmp0:
0xb: {  	s9 =	sadd.s32 s10, s9;
	s17 =	ssub.s32 s12, s13;
	(pc) =	sbr.rel .LBB2_1-.Ltmp0, $4  }
0xc: {  	s14 =	sadd.s32 s11, s2;
	s10 =	sadd.s32 s10, s2;
	s9 =	sshrl.u32 s9, $0x3  }
0xd: {  	s11 =	sadd.s32 $0x2000, s14;
	s12 =	sadd.s32 $0x4000, s14;
	s13 =	sadd.s32 $0x6000, s14  }
0xe: {  	s14 =	sadd.s32 $0x8000, s14;
	s17 =	smax.u32 s17, $0x1;
	s16 =	sadd.s32 s9, s15  }
0xf: {  	v0 =	vimm.f32 $0.0e+00;
	s9 =	sshll.u32 s1, $0x1;
	s15 =	sadd.s32 $0x6F040, s15;
	s16 =	sadd.s32 $0x315200, s16  }
.LBB2_9:
0x10: {  	s3 =	sadd.s32 $0x1, s3  }
0x11: {  	s0 =	sshll.u32 s1, $0x6;
	[bflag:$0x0] =	sbarrier.arrive $0xFFFF;
	p0 =	sne.s32 s3, s17  }
.Ltmp1:
0x12: {  	s28 =	sshrl.u32 s10, $0x3;
	s0 =	sor.u32 $0x1C03, s0;
	(pc) =	sbr.rel @!p0 .LBB2_10-.Ltmp1, $4  }
0x13: {  	[hbm:s16], [sflag:s0] =	dma.local [spmem:s28], $0x1400  }
0x14: {  	_ =	swait.ge [sflag:s19], $0x1400  }
0x15: {  	[sflag:s19] =	ssyncset.done $0x0  }
0x16: {  	[sflag:s19] =	ssyncadd.s32 $0xFFFFEC00  }
.LBB2_1:
0x17: {  	s29 =	simm.s32 $0x100;
	s28 =	simm.s32 $0x0  }
.LBB2_2:
0x18: {  	p0 =	sne.s32 s29, $0x7F00;
	[tilespmem:s28+$0x6130] =	vst v0;
	s30 =	smov.u32 s29;
	s29 =	sadd.s32 $0x100, s29  }
.Ltmp2:
0x19: {  	[tilespmem:s28+$0x6120] =	vst v0;
	(pc) =	sbr.rel @p0 .LBB2_2-.Ltmp2, $3  }
0x1a: {  	[tilespmem:s28+$0x6100] =	vst v0  }
0x1b: {  	[tilespmem:s28+$0x6110] =	vst v0;
	_ =	sdelay $0x1  }
0x1c: {  	s28 =	sshra.s32 s30, $0x2  }
0x1d: {  	[tilespmem:s28+$0x6130] =	vst v0  }
0x1e: {  	[tilespmem:s28+$0x6120] =	vst v0  }
0x1f: {  	[tilespmem:s28+$0x6100] =	vst v0  }
0x20: {  	[tilespmem:s28+$0x6110] =	vst v0  }
0x21: {  	[spmem:s10] =	stream.linear.scatter [tilespmem:s18], [sflag:$0x3], $0x2000, $0x38;
	[tilespmem:$0x12100] =	vst v63  }
0x22: {  	_ =	swait.ge [sflag:s19], $0x2000  }
0x23: {  	[sflag:s19] =	ssyncset.done $0x0  }
0x24: {  	[sflag:s19] =	ssyncadd.s32 $0xFFFFE000  }
0x25: {  	[spmem:s11] =	stream.linear.scatter [tilespmem:s18], [sflag:$0x3], $0x2000, $0x38;
	[tilespmem:$0x12100] =	vst v63  }
0x26: {  	_ =	swait.ge [sflag:s19], $0x2000  }
0x27: {  	[sflag:s19] =	ssyncset.done $0x0  }
0x28: {  	[sflag:s19] =	ssyncadd.s32 $0xFFFFE000  }
0x29: {  	[spmem:s12] =	stream.linear.scatter [tilespmem:s18], [sflag:$0x3], $0x2000, $0x38;
	[tilespmem:$0x12100] =	vst v63  }
0x2a: {  	_ =	swait.ge [sflag:s19], $0x2000  }
0x2b: {  	[sflag:s19] =	ssyncset.done $0x0  }
0x2c: {  	[sflag:s19] =	ssyncadd.s32 $0xFFFFE000  }
0x2d: {  	[spmem:s13] =	stream.linear.scatter [tilespmem:s18], [sflag:$0x3], $0x2000, $0x38;
	[tilespmem:$0x12100] =	vst v63  }
0x2e: {  	_ =	swait.ge [sflag:s19], $0x2000  }
0x2f: {  	[sflag:s19] =	ssyncset.done $0x0  }
0x30: {  	[sflag:s19] =	ssyncadd.s32 $0xFFFFE000  }
0x31: {  	[spmem:s14] =	stream.linear.scatter [tilespmem:s18], [sflag:$0x3], $0x2000, $0x38;
	[tilespmem:$0x12100] =	vst v63  }
.Ltmp3:
0x32: {  	_ =	swait.ge [sflag:s19], $0x2000;
	(pc) =	sbr.rel .LBB2_4-.Ltmp3, $4  }
0x33: {  	[sflag:s19] =	ssyncset.done $0x0  }
0x34: {  	[sflag:s19] =	ssyncadd.s32 $0xFFFFE000  }
0x35: {  	[bflag:$0x0] =	sbarrier.arrive $0xFFFF  }
0x36: {  	s28 =	simm.s32 $0x0  }
.LBB2_8:
0x37: {  	s28 =	sadd.s32 $0x1, s28  }
0x38: {  	p0 =	sne.s32 s28, $0x4F  }
.Ltmp4:
0x39: {  	_ = 	snop;
	(pc) =	sbr.rel @!p0 .LBB2_9-.Ltmp4, $1  }
0x3a: {  	_ =	sdelay $0x3  }
.LBB2_4:
0x3b: {  	s29 =	sshll.u32 s28, $0x5  }
0x3c: {  	s29 =	sor.u32 s9, s29  }
0x3d: {  	p0 =	sgt.u32 s29, $0x9C3  }
.Ltmp5:
0x3e: {  	_ = 	snop;
	(pc) =	sbr.rel @p0 .LBB2_8-.Ltmp5, $1  }
0x3f: {  	_ =	sdelay $0x3  }
0x40: {  	s29 =	sor.u32 s4, s29  }
0x41: {  	s30 =	sshll.u32 s29, $0x4  }
0x42: {  	s0 =	simm.s32 $0x0;
	s31 =	sadd.s32 s8, s30  }
0x43: {  	[tilespmem:s0], [sflag:$0x4] =	stream.linear.gather [hbm4b:s31+s0], $0x80, $0x38;
	[tilespmem:$0x12100] =	vst v63  }
0x44: {  	_ =	swait.ge [sflag:s20], $0x80  }
0x45: {  	[sflag:s20] =	ssyncset.done $0x0  }
0x46: {  	s30 =	sadd.s32 s30, s15;
	[sflag:s20] =	ssyncadd.s32 $0xFFFFFF80  }
0x47: {  	[tilespmem:s21], [sflag:$0x4] =	stream.linear.gather [hbm4b:s30+s0], $0x80, $0x38;
	[tilespmem:$0x12100] =	vst v63  }
0x48: {  	_ =	swait.ge [sflag:s20], $0x80  }
0x49: {  	[sflag:s20] =	ssyncset.done $0x0  }
0x4a: {  	[sflag:s20] =	ssyncadd.s32 $0xFFFFFF80  }
0x4b: {  	[tilespmem:s22], [sflag:$0x1] =	stream.indirect.gather [hbm4b:s5+s21], $0x40, s0, s21, $0xb8;
	[tilespmem:$0x12100] =	vst v63  }
0x4c: {  	s29 =	sshll.u32 s29, $0xA  }
0x4d: {  	[tilespmem:s23], [sflag:$0x2] =	stream.indirect.gather [hbm4b:s6+s21], $0x40, s21, s21, $0xb8;
	[tilespmem:$0x12100] =	vst v63  }
0x4e: {  	s29 =	sadd.s32 s7, s29  }
0x4f: {  	[tilespmem:s24], [sflag:$0x4] =	stream.linear.gather [hbm4b:s29+s0], $0x2000, $0x38;
	[tilespmem:$0x12100] =	vst v63  }
0x50: {  	_ =	swait.ge [sflag:s20], $0x2000  }
0x51: {  	[sflag:s20] =	ssyncset.done $0x0  }
0x52: {  	[sflag:s20] =	ssyncadd.s32 $0xFFFFE000  }
0x53: {  	_ =	swait.ge [sflag:s25], $0x2000  }
0x54: {  	[sflag:s25] =	ssyncset.done $0x0  }
0x55: {  	[sflag:s25] =	ssyncadd.s32 $0xFFFFE000  }
0x56: {  	_ =	swait.ge [sflag:s26], $0x2000  }
0x57: {  	[sflag:s26] =	ssyncset.done $0x0  }
0x58: {  	s29 =	simm.s32 $0x0;
	[sflag:s26] =	ssyncadd.s32 $0xFFFFE000  }
0x59: {  	v1 =	vld [tilespmem:s29+$0x100]  }
0x5a: {  	v3 =	vld [tilespmem:s29+$0x2100]  }
0x5b: {  	v2 =	vld [tilespmem:s29+$0x110]  }
0x5c: {  	v5 =	vld [tilespmem:s29+$0x2110]  }
0x5d: {  	v4 =	vld [tilespmem:s29+$0x120]  }
0x5e: {  	v7 =	vld [tilespmem:s29+$0x2120]  }
0x5f: {  	v6 =	vld [tilespmem:s29+$0x130]  }
0x60: {  	v8 =	vld [tilespmem:s29+$0x2130]  }
0x61: {  	s30 =	simm.s32 $0x100;
	v9 =	vld [tilespmem:s29+$0x4100]  }
.LBB2_6:
0x62: {  	p0 =	sne.s32 s30, $0x7F00;
	v10 =	vld [tilespmem:s29+$0x4110]  }
0x63: {  	v11 =	vld [tilespmem:s29+$0x4120]  }
0x64: {  	s0 =	sshra.s32 s30, $0x2;
	v12 =	vadd.f32 v3, v1;
	v13 =	vld [tilespmem:s29+$0x4130]  }
0x65: {  	v5 =	vadd.f32 v5, v2;
	v1 =	vld [tilespmem:s0+$0x100]  }
0x66: {  	v4 =	vadd.f32 v7, v4;
	v3 =	vld [tilespmem:s0+$0x2100];
	v9 =	vadd.f32 v9, v12  }
0x67: {  	v6 =	vadd.f32 v8, v6;
	v2 =	vld [tilespmem:s0+$0x110];
	v7 =	vadd.f32 v10, v5  }
0x68: {  	v5 =	vld [tilespmem:s0+$0x2110];
	v8 =	vmax.f32 v9, $0.0e+00;
	v9 =	vadd.f32 v11, v4  }
.Ltmp6:
0x69: {  	v4 =	vld [tilespmem:s0+$0x120];
	[tilespmem:s29+$0x4100] =	vst v8;
	v8 =	vmax.f32 v7, $0.0e+00;
	v10 =	vadd.f32 v13, v6;
	(pc) =	sbr.rel @p0 .LBB2_6-.Ltmp6, $4  }
0x6a: {  	v7 =	vld [tilespmem:s0+$0x2120];
	[tilespmem:s29+$0x4110] =	vst v8;
	v8 =	vmax.f32 v9, $0.0e+00  }
0x6b: {  	v6 =	vld [tilespmem:s0+$0x130];
	[tilespmem:s29+$0x4120] =	vst v8;
	v9 =	vmax.f32 v10, $0.0e+00  }
0x6c: {  	v8 =	vld [tilespmem:s0+$0x2130];
	[tilespmem:s29+$0x4130] =	vst v9;
	s29 =	smov.u32 s0  }
0x6d: {  	s30 =	sadd.s32 $0x100, s30;
	v9 =	vld [tilespmem:s29+$0x4100]  }
0x6e: {  	v10 =	vld [tilespmem:s29+$0x4110]  }
0x6f: {  	v11 =	vld [tilespmem:s29+$0x4120]  }
0x70: {  	v1 =	vadd.f32 v3, v1;
	v3 =	vld [tilespmem:s29+$0x4130]  }
0x71: {  	v2 =	vadd.f32 v5, v2  }
0x72: {  	v4 =	vadd.f32 v7, v4;
	v1 =	vadd.f32 v9, v1  }
0x73: {  	v63 =	vadd.f32 v8, v6;
	v2 =	vadd.f32 v10, v2  }
0x74: {  	v4 =	vadd.f32 v11, v4;
	v1 =	vmax.f32 v1, $0.0e+00  }
0x75: {  	[tilespmem:s29+$0x4100] =	vst v1;
	v1 =	vmax.f32 v2, $0.0e+00;
	v2 =	vadd.f32 v3, v63  }
0x76: {  	[tilespmem:s29+$0x4110] =	vst v1;
	v1 =	vmax.f32 v4, $0.0e+00  }
0x77: {  	[tilespmem:s29+$0x4120] =	vst v1;
	v1 =	vmax.f32 v2, $0.0e+00  }
.Ltmp7:
0x78: {  	[tilespmem:s29+$0x4130] =	vst v1;
	(pc) =	sbr.rel .LBB2_8-.Ltmp7, $4  }
0x79: {  	[spmem:s2] =	stream.indirect.scatter.add.f32 [tilespmem:s24], [sflag:$0x3], $0x40, s21, s21, $0xb8;
	[tilespmem:$0x12100] =	vst v63  }
0x7a: {  	_ =	swait.ge [sflag:s19], $0x2000  }
0x7b: {  	[sflag:s19] =	ssyncset.done $0x0  }
0x7c: {  	[sflag:s19] =	ssyncadd.s32 $0xFFFFE000  }
.LBB2_10:
0x7d: {  	_ =	sfence.sel $0x180000  }
0x7e: {  	[bflag:$0x0] =	sbarrier.arrive $0xFFFF  }
0x7f: {  	_ =	strace $0x9000004D  }
0x80: {  	[bflag:$0x2] =	sbarrier.arrive $0xFFFF  }
0x81: {  	p0 =	sne.s32 s1, $0x0;
	s0 =	rddreg [dreg:$0x2]  }
0x82: {  	s0 =	sadd.s32 @!p0 $0x100000, s0  }
0x83: {  	[sflag:s0] =	ssyncadd.tile.s32 @!p0 $0x1;
	_ =	shalt  }
.Lfunc_end2:
_tile_overlayer_lowered:
.L_overlay_start_2:
0x84: {  	(tag) =	ssettag $0x2  }
0x85: {  	s0 =	rddreg [dreg:$0x0];
	s2 =	stileid.u32  }
0x86: {  	s1 =	rddreg [dreg:$0x1];
	p0 =	sne.s32 s2, $0x0  }
0x87: {  	s3 =	rddreg [dreg:$0x2];
	[bflag:$0x3] =	sbarrier.arrive $0xFFFF;
	s2 =	simm.s32 @!p0 $0x1C03  }
0x88: {  	[timem:s3], [sflag:s2] =	dma.local @!p0 [hbm:s0], s1  }
0x89: {  	s0 =	simm.s32 @!p0 $0x3  }
0x8a: {  	_ =	swait.ge @!p0 [sflag:s0], s1  }
0x8b: {  	s1 =	ssub.s32 @!p0 $0x0, s1;
	[sflag:s0] =	ssyncset.done @!p0 $0x0  }
0x8c: {  	[sflag:s0] =	ssyncadd.s32 @!p0 s1  }
0x8d: {  	[bflag:$0x3] =	sbarrier.arrive $0xFFFF  }
0x8e: {  	_ =	shalt  }

// kernel: kernel.34.cloned.1.call-start
scs
__scs_entry_jumppad:
0x0: {  	(pc) =	sbr.rel $0x88, $3  }
0x1: {  	(tag) =	ssettag $0x0;
	lr =	simm.s32 $0x1  }
0x2: {  	[smem:$0x3F87] =	sst lr;
	_ =	strace $0xD0000000  }
0x3: {  	_ = 	snop  }
0x4: {  	_ = 	snop  }
0x5: {  	_ = 	snop  }
0x6: {  	_ = 	snop  }
0x7: {  	_ = 	snop  }
__scs_overlays_trampoline_lowered:
0x8: {  	[smem:$0x3F96] =	sst s0  }
0x9: {  	[smem:$0x3F97] =	sst s1  }
0xa: {  	[smem:$0x3F98] =	sst s2  }
0xb: {  	[smem:$0x3F99] =	sst s3  }
0xc: {  	[smem:$0x3F9A] =	sst s4  }
0xd: {  	[smem:$0x3F9B] =	sst s5  }
0xe: {  	[smem:$0x3F9C] =	sst s6  }
0xf: {  	[smem:$0x3F9D] =	sst s7  }
0x10: {  	[smem:$0x3F9E] =	sst s8  }
0x11: {  	[smem:$0x3F9F] =	sst s9;
	s0 =	simm.s32 @!p0 $0x0  }
0x12: {  	s1 =	sld [smem:$0x3F85];
	s0 =	simm.s32 @p0 $0x1  }
0x13: {  	[smem:$0x3FA0] =	sst s0;
	s0 =	simm.s32 @!p1 $0x0  }
0x14: {  	s2 =	sld [smem:$0x3F84];
	s0 =	simm.s32 @p1 $0x1  }
0x15: {  	[smem:$0x3FA1] =	sst s0;
	s0 =	simm.s32 @!p2 $0x0  }
0x16: {  	s3 =	sld [smem:$0x3FDB];
	s0 =	simm.s32 @p2 $0x1  }
0x17: {  	s4 =	simm.s32 $0x1BF5;
	[smem:$0x3FA3] =	sst s0  }
0x18: {  	s0 =	sld [smem:$0x3F86];
	_ =	swait.ge [sflag:s4], $0x0  }
0x19: {  	s7 =	sld [smem:$0x3F87]  }
0x1a: {  	s8 =	sadd.s32 $0xFFFFE003, lr  }
0x1b: {  	s9 =	sadd.s32 $0xFFFFFEF7, lr;
	s5 =	simm.s32 $0xFFFFFFFF;
	p2 =	slt.u32 s8, $0xFFFFF086  }
0x1c: {  	p1 =	slt.u32 s9, $0xF7A;
	s5 =	simm.s32 @!p2 $0x0  }
0x1d: {  	s5 =	simm.s32 @p1 $0x1;
	p0 =	seq.s32 s7, s2  }
0x1e: {  	s7 =	smul.u32 @!p0 $0xF7A, s2;
	p2 =	seq.s32 @!p0 s5, $0x0  }
0x1f: {  	s9 =	smul.u32 $0xF7A, s1;
	s8 =	simm.s32 @!p0 $0x1BF5;
	p2 =	por !p2, p0  }
0x20: {  	[sflag:s8] =	ssyncset.s32 @!p0 $0xFFFFF086;
	s6 =	sadd.s32 @!p0 s3, s7;
	s7 =	simm.s32 @!p0 $0x108  }
0x21: {  	s3 =	sadd.s32 s3, s9;
	s6 =	sadd.s32 @!p0 $0x88, s6;
	s7 =	simm.s32 @p2 $0x1082  }
0x22: {  	[simem:s7], [sflag:s8] =	dma.local @!p0 [hbm:s6], $0xF7A  }
0x23: {  	s9 =	sor.u32 $0xD0000000, s2;
	s6 =	simm.s32 $0x108;
	_ =	swait.ge @!p0 [sflag:s8], $0x0  }
0x24: {  	s3 =	sadd.s32 $0x88, s3;
	s6 =	simm.s32 @!p1 $0x1082;
	[sflag:s4] =	ssyncset.s32 $0xFFFFF086  }
0x25: {  	[simem:s6], [sflag:s4] =	dma.local [hbm:s3], $0xF7A  }
0x26: {  	[smem:$0x3F87] =	sst s1;
	(tag) =	ssettag s2;
	_ =	strace s9  }
0x27: {  	s1 =	sld [smem:$0x3F97]  }
0x28: {  	s2 =	sld [smem:$0x3F98]  }
0x29: {  	s4 =	sld [smem:$0x3F9A]  }
0x2a: {  	p0 =	seq.s32 s5, $0x0;
	s5 =	sld [smem:$0x3F9B]  }
0x2b: {  	s6 =	sld [smem:$0x3F9C]  }
0x2c: {  	s7 =	sld [smem:$0x3F9D]  }
0x2d: {  	s3 =	simm.s32 $0x108;
	s8 =	sld [smem:$0x3F9E]  }
0x2e: {  	s3 =	simm.s32 @!p0 $0x1082;
	s9 =	sld [smem:$0x3F9F]  }
0x2f: {  	lr =	sadd.s32 s0, s3;
	s0 =	sld [smem:$0x3F96]  }
0x30: {  	s3 =	sld [smem:$0x3F99]  }
0x31: {  	[smem:$0x3FA2] =	sst s10  }
0x32: {  	s10 =	sld [smem:$0x3FA0];
	_ =	sdelay $0x3  }
0x33: {  	p0 =	seq.s32 s10, $0x1;
	s10 =	sld [smem:$0x3FA2];
	_ =	sdelay $0x3  }
0x34: {  	[smem:$0x3FA2] =	sst s10  }
0x35: {  	s10 =	sld [smem:$0x3FA1];
	_ =	sdelay $0x3  }
0x36: {  	p1 =	seq.s32 s10, $0x1;
	s10 =	sld [smem:$0x3FA2];
	_ =	sdelay $0x3  }
0x37: {  	[smem:$0x3FA2] =	sst s10  }
0x38: {  	s10 =	sld [smem:$0x3FA3]  }
0x39: {  	_ = 	snop;
	(pc) =	sbr.ind lr, $3  }
0x3a: {  	_ = 	snop  }
0x3b: {  	_ = 	snop  }
0x3c: {  	p2 =	seq.s32 s10, $0x1;
	s10 =	sld [smem:$0x3FA2]  }
0x3d: {  	_ =	shalt  }
0x3e: {  	_ =	shalt  }
0x3f: {  	_ =	shalt  }
0x40: {  	_ =	shalt  }
0x41: {  	_ =	shalt  }
0x42: {  	_ =	shalt  }
0x43: {  	_ =	shalt  }
0x44: {  	_ =	shalt  }
0x45: {  	_ =	shalt  }
0x46: {  	_ =	shalt  }
0x47: {  	_ =	shalt  }
0x48: {  	_ =	shalt  }
0x49: {  	_ =	shalt  }
0x4a: {  	_ =	shalt  }
0x4b: {  	_ =	shalt  }
0x4c: {  	_ =	shalt  }
0x4d: {  	_ =	shalt  }
0x4e: {  	_ =	shalt  }
0x4f: {  	_ =	shalt  }
0x50: {  	_ =	shalt  }
0x51: {  	_ =	shalt  }
0x52: {  	_ =	shalt  }
0x53: {  	_ =	shalt  }
0x54: {  	_ =	shalt  }
0x55: {  	_ =	shalt  }
0x56: {  	_ =	shalt  }
0x57: {  	_ =	shalt  }
0x58: {  	_ =	shalt  }
0x59: {  	_ =	shalt  }
0x5a: {  	_ =	shalt  }
0x5b: {  	_ =	shalt  }
0x5c: {  	_ =	shalt  }
0x5d: {  	_ =	shalt  }
0x5e: {  	_ =	shalt  }
0x5f: {  	_ =	shalt  }
0x60: {  	_ =	shalt  }
0x61: {  	_ =	shalt  }
0x62: {  	_ =	shalt  }
0x63: {  	_ =	shalt  }
0x64: {  	_ =	shalt  }
0x65: {  	_ =	shalt  }
0x66: {  	_ =	shalt  }
0x67: {  	_ =	shalt  }
0x68: {  	_ =	shalt  }
0x69: {  	_ =	shalt  }
0x6a: {  	_ =	shalt  }
0x6b: {  	_ =	shalt  }
0x6c: {  	_ =	shalt  }
0x6d: {  	_ =	shalt  }
0x6e: {  	_ =	shalt  }
0x6f: {  	_ =	shalt  }
0x70: {  	_ =	shalt  }
0x71: {  	_ =	shalt  }
0x72: {  	_ =	shalt  }
0x73: {  	_ =	shalt  }
0x74: {  	_ =	shalt  }
0x75: {  	_ =	shalt  }
0x76: {  	_ =	shalt  }
0x77: {  	_ =	shalt  }
0x78: {  	_ =	shalt  }
0x79: {  	_ =	shalt  }
0x7a: {  	_ =	shalt  }
0x7b: {  	_ =	shalt  }
0x7c: {  	_ =	shalt  }
0x7d: {  	_ =	shalt  }
0x7e: {  	_ =	shalt  }
0x7f: {  	_ =	shalt  }
0x80: {  	_ =	shalt  }
0x81: {  	_ =	shalt  }
0x82: {  	_ =	shalt  }
0x83: {  	_ =	shalt  }
0x84: {  	_ =	shalt  }
0x85: {  	_ =	shalt  }
0x86: {  	_ =	shalt  }
0x87: {  	_ =	shalt  }
.Lfunc_end0:
.L_simem_size_0:
called_computation.3_lowered:
.L_overlay_start_0:
0x88: {  	s2 =	sld [smem:$0x3FD9]  }
0x89: {  	s3 =	sld [smem:$0x3FFE];
	_ =	sdelay $0x1  }
0x8a: {  	s1 =	srdreg.scid  }
0x8b: {  	s0 =	sand.u32 $0x1, s1  }
0x8c: {  	s16 =	sshll.u32 s0, $0xA;
	s2 =	sadd.s32 s3, s2  }
0x8d: {  	s2 =	sadd.s32 s2, s16  }
0x8e: {  	[smem:$0x3FAE] =	sst s2  }
0x8f: {  	_ = 	snop  }
0x90: {  	(tm) =	ssettm $0x1  }
0x91: {  	s17 =	sld [smem:$0x3FFB];
	_ =	sdelay $0x3  }
0x92: {  	_ =	strace s17  }
0x93: {  	s2 =	sld [smem:$0x3FFC];
	_ =	sdelay $0x3  }
0x94: {  	_ =	strace s2  }
0x95: {  	s2 =	sld [smem:$0x3FFD];
	_ =	sdelay $0x3  }
0x96: {  	_ =	strace s2  }
0x97: {  	_ =	strace $0x8FFFFFFF  }
0x98: {  	s18 =	sld [smem:$0x3FDB];
	_ =	sdelay $0x1  }
0x99: {  	s19 =	simm.s32 $_scs_section_size  }
0x9a: {  	s4 =	simm.s32 $_size__tile_overlayer_lowered;
	s5 =	simm.s32 $_tile_overlayer_lowered  }
0x9b: {  	s22 =	simm.s32 $0x1BFF;
	s21 =	sshll.u32 s5, $0x1;
	s2 =	sadd.s32 s19, s18  }
0x9c: {  	s6 =	simm.s32 $0x0;
	s20 =	sshll.u32 s4, $0x1;
	s4 =	sadd.s32 s21, s2  }
0x9d: {  	[timem:s6], [sflag:s22] =	dma.local [hbm:s4], s20  }
0x9e: {  	_ =	swait.ge [sflag:s22], s20  }
0x9f: {  	s3 =	ssub.s32 $0x0, s20;
	[sflag:s22] =	ssyncset.done $0x0  }
0xa0: {  	[sflag:s22] =	ssyncadd.s32 s3;
	_ =	sdelay $0x1  }
0xa1: {  	s23 =	simm.s32 $0x1B8B  }
0xa2: {  	_ =	swait.ge [sflag:s23], $0x1  }
0xa3: {  	[sflag:s23] =	ssyncset.done $0x0  }
0xa4: {  	s25 =	simm.s32 $0x1B8E;
	s24 =	sld [smem:$0x3FFE];
	[sflag:s23] =	ssyncadd.s32 $0xFFFFFFFF  }
0xa5: {  	s26 =	simm.s32 $execute0_lowered;
	[smem:$0x3FD2] =	sst s25  }
0xa6: {  	s4 =	sshll.u32 s26, $0x1;
	_ =	strace $0x8000004F;
	[dreg:$0x1] =	wrdreg $0xFFFFFFFF  }
0xa7: {  	s28 =	simm.s32 $_size_execute0_lowered;
	s2 =	sadd.s32 s2, s4;
	[dreg:$0x0] =	wrdreg $0x0  }
0xa8: {  	s4 =	sshll.u32 s28, $0x1;
	[dreg:$0x2] =	wrdreg s2  }
0xa9: {  	[dreg:$0x3] =	wrdreg s4  }
0xaa: {  	[dreg:$0x4] =	wrdreg $0xC0  }
0xab: {  	_ =	task [dreg:s6], $0x5FFFF  }
0xac: {  	[dreg:$0x1] =	wrdreg $0xFFFFFFFF  }
0xad: {  	[dreg:$0x0] =	wrdreg $0x60  }
0xae: {  	[dreg:$0x2] =	wrdreg s24  }
0xaf: {  	[dreg:$0x3] =	wrdreg $0x81000  }
0xb0: {  	[dreg:$0x4] =	wrdreg $0x9  }
0xb1: {  	_ =	task.clear_ibuf [dreg:s6], $0x5FFFF;
	_ =	strace $0x9000004F  }
0xb2: {  	s29 =	simm.s32 $0x9;
	_ =	strace $0x80000051  }
0xb3: {  	_ =	swait.ge [sflag:s29], $0x1  }
0xb4: {  	[sflag:s29] =	ssyncadd.s32 $0xFFFFFFFF  }
0xb5: {  	_ =	strace $0x90000051  }
0xb6: {  	_ =	sfence  }
0xb7: {  	s30 =	sld [smem:$0x0];
	_ =	sdelay $0x2  }
0xb8: {  	s31 =	sshll.u32 s1, $0xD;
	s1 =	sshrl.u32 s1, $0x2  }
0xb9: {  	s3 =	sand.u32 $0x4000, s31;
	s1 =	sadd.s32 s1, s30  }
0xba: {  	s0 =	sor.u32 s3, s0;
	s1 =	sshll.u32 s1, $0x11  }
0xbb: {  	s0 =	sor.u32 s1, s0  }
0xbc: {  	s0 =	sadd.s32 $0x8F2B, s0  }
0xbd: {  	[sflag:s0] =	ssyncadd.remote.s32 $0x1  }
0xbe: {  	_ =	sfence.sel $0xFFFF  }
0xbf: {  	[dreg:$0x0] =	wrdreg $0xFFFFFFFF;
	(pc) =	sbr.abs _section_cstart, $3  }
0xc0: {  	[dreg:$0x1] =	wrdreg $0xFFFFFFFF  }
0xc1: {  	_ =	task.clear_ibuf [dreg:s6], $0x2FFFF;
	_ =	strace $0x9FFFFFFF  }
0xc2: {  	(tm) =	ssettm $0x7FFFFFFF  }
0xc3: {  	_ =	shalt  }
tec
execute0_lowered:
.L_overlay_start_1:
0x0: {  	(tag) =	ssettag $0x1  }
0x1: {  	s15 =	rddreg [dreg:$0x0]  }
0x2: {  	s2 =	rddreg [dreg:$0x1];
	s3 =	simm.s32 $0x0  }
0x3: {  	s4 =	srdreg.scid;
	s1 =	stileid.u32;
	s18 =	simm.s32 $0x6100  }
0x4: {  	s19 =	simm.s32 $0x3;
	s20 =	simm.s32 $0x4;
	s21 =	simm.s32 $0x80  }
0x5: {  	s22 =	simm.s32 $0x100;
	s23 =	simm.s32 $0x2100;
	s24 =	simm.s32 $0x4100  }
0x6: {  	s25 =	simm.s32 $0x1;
	s26 =	simm.s32 $0x2;
	[smem:$0x7FF] =	sst s3  }
0x7: {  	s4 =	sand.u32 $0x1, s4;
	s10 =	smul.u32 $0xA000, s1;
	s5 =	sadd.s32 $0x2A800, s15  }
0x8: {  	s6 =	sadd.s32 $0x16E00, s15;
	s7 =	sadd.s32 $0xA3600, s15;
	s11 =	smul.u32 $0x28000, s1  }
0x9: {  	s8 =	sadd.s32 $0x65400, s15;
	s9 =	smul.u32 $0xA0000, s4;
	s12 =	ssub.s32 $0x2, s4  }
0xa: {  	_ =	strace $0x80000050;
	s13 =	sshrl.u32 s12, $0x1;
	s11 =	sshrl.u32 s11, $0x2  }
.Ltmp0:
0xb: {  	s9 =	sadd.s32 s10, s9;
	s17 =	ssub.s32 s12, s13;
	(pc) =	sbr.rel .LBB2_1-.Ltmp0, $4  }
0xc: {  	s14 =	sadd.s32 s11, s2;
	s10 =	sadd.s32 s10, s2;
	s9 =	sshrl.u32 s9, $0x3  }
0xd: {  	s11 =	sadd.s32 $0x2000, s14;
	s12 =	sadd.s32 $0x4000, s14;
	s13 =	sadd.s32 $0x6000, s14  }
0xe: {  	s14 =	sadd.s32 $0x8000, s14;
	s17 =	smax.u32 s17, $0x1;
	s16 =	sadd.s32 s9, s15  }
0xf: {  	v0 =	vimm.f32 $0.0e+00;
	s9 =	sshll.u32 s1, $0x1;
	s15 =	sadd.s32 $0x6F040, s15;
	s16 =	sadd.s32 $0x315200, s16  }
.LBB2_9:
0x10: {  	s3 =	sadd.s32 $0x1, s3  }
0x11: {  	s0 =	sshll.u32 s1, $0x6;
	[bflag:$0x0] =	sbarrier.arrive $0xFFFF;
	p0 =	sne.s32 s3, s17  }
.Ltmp1:
0x12: {  	s28 =	sshrl.u32 s10, $0x3;
	s0 =	sor.u32 $0x1C03, s0;
	(pc) =	sbr.rel @!p0 .LBB2_10-.Ltmp1, $4  }
0x13: {  	[hbm:s16], [sflag:s0] =	dma.local [spmem:s28], $0x1400  }
0x14: {  	_ =	swait.ge [sflag:s19], $0x1400  }
0x15: {  	[sflag:s19] =	ssyncset.done $0x0  }
0x16: {  	[sflag:s19] =	ssyncadd.s32 $0xFFFFEC00  }
.LBB2_1:
0x17: {  	s29 =	simm.s32 $0x100;
	s28 =	simm.s32 $0x0  }
.LBB2_2:
0x18: {  	p0 =	sne.s32 s29, $0x7F00;
	[tilespmem:s28+$0x6130] =	vst v0;
	s30 =	smov.u32 s29;
	s29 =	sadd.s32 $0x100, s29  }
.Ltmp2:
0x19: {  	[tilespmem:s28+$0x6120] =	vst v0;
	(pc) =	sbr.rel @p0 .LBB2_2-.Ltmp2, $3  }
0x1a: {  	[tilespmem:s28+$0x6100] =	vst v0  }
0x1b: {  	[tilespmem:s28+$0x6110] =	vst v0;
	_ =	sdelay $0x1  }
0x1c: {  	s28 =	sshra.s32 s30, $0x2  }
0x1d: {  	[tilespmem:s28+$0x6130] =	vst v0  }
0x1e: {  	[tilespmem:s28+$0x6120] =	vst v0  }
0x1f: {  	[tilespmem:s28+$0x6100] =	vst v0  }
0x20: {  	[tilespmem:s28+$0x6110] =	vst v0  }
0x21: {  	[spmem:s10] =	stream.linear.scatter [tilespmem:s18], [sflag:$0x3], $0x2000, $0x38;
	[tilespmem:$0x12100] =	vst v63  }
0x22: {  	_ =	swait.ge [sflag:s19], $0x2000  }
0x23: {  	[sflag:s19] =	ssyncset.done $0x0  }
0x24: {  	[sflag:s19] =	ssyncadd.s32 $0xFFFFE000  }
0x25: {  	[spmem:s11] =	stream.linear.scatter [tilespmem:s18], [sflag:$0x3], $0x2000, $0x38;
	[tilespmem:$0x12100] =	vst v63  }
0x26: {  	_ =	swait.ge [sflag:s19], $0x2000  }
0x27: {  	[sflag:s19] =	ssyncset.done $0x0  }
0x28: {  	[sflag:s19] =	ssyncadd.s32 $0xFFFFE000  }
0x29: {  	[spmem:s12] =	stream.linear.scatter [tilespmem:s18], [sflag:$0x3], $0x2000, $0x38;
	[tilespmem:$0x12100] =	vst v63  }
0x2a: {  	_ =	swait.ge [sflag:s19], $0x2000  }
0x2b: {  	[sflag:s19] =	ssyncset.done $0x0  }
0x2c: {  	[sflag:s19] =	ssyncadd.s32 $0xFFFFE000  }
0x2d: {  	[spmem:s13] =	stream.linear.scatter [tilespmem:s18], [sflag:$0x3], $0x2000, $0x38;
	[tilespmem:$0x12100] =	vst v63  }
0x2e: {  	_ =	swait.ge [sflag:s19], $0x2000  }
0x2f: {  	[sflag:s19] =	ssyncset.done $0x0  }
0x30: {  	[sflag:s19] =	ssyncadd.s32 $0xFFFFE000  }
0x31: {  	[spmem:s14] =	stream.linear.scatter [tilespmem:s18], [sflag:$0x3], $0x2000, $0x38;
	[tilespmem:$0x12100] =	vst v63  }
.Ltmp3:
0x32: {  	_ =	swait.ge [sflag:s19], $0x2000;
	(pc) =	sbr.rel .LBB2_4-.Ltmp3, $4  }
0x33: {  	[sflag:s19] =	ssyncset.done $0x0  }
0x34: {  	[sflag:s19] =	ssyncadd.s32 $0xFFFFE000  }
0x35: {  	[bflag:$0x0] =	sbarrier.arrive $0xFFFF  }
0x36: {  	s28 =	simm.s32 $0x0  }
.LBB2_8:
0x37: {  	s28 =	sadd.s32 $0x1, s28  }
0x38: {  	p0 =	sne.s32 s28, $0x4F  }
.Ltmp4:
0x39: {  	_ = 	snop;
	(pc) =	sbr.rel @!p0 .LBB2_9-.Ltmp4, $1  }
0x3a: {  	_ =	sdelay $0x3  }
.LBB2_4:
0x3b: {  	s29 =	sshll.u32 s28, $0x5  }
0x3c: {  	s29 =	sor.u32 s9, s29  }
0x3d: {  	p0 =	sgt.u32 s29, $0x9C3  }
.Ltmp5:
0x3e: {  	_ = 	snop;
	(pc) =	sbr.rel @p0 .LBB2_8-.Ltmp5, $1  }
0x3f: {  	_ =	sdelay $0x3  }
0x40: {  	s29 =	sor.u32 s4, s29  }
0x41: {  	s30 =	sshll.u32 s29, $0x4  }
0x42: {  	s0 =	simm.s32 $0x0;
	s31 =	sadd.s32 s8, s30  }
0x43: {  	[tilespmem:s0], [sflag:$0x4] =	stream.linear.gather [hbm4b:s31+s0], $0x80, $0x38;
	[tilespmem:$0x12100] =	vst v63  }
0x44: {  	_ =	swait.ge [sflag:s20], $0x80  }
0x45: {  	[sflag:s20] =	ssyncset.done $0x0  }
0x46: {  	s30 =	sadd.s32 s30, s15;
	[sflag:s20] =	ssyncadd.s32 $0xFFFFFF80  }
0x47: {  	[tilespmem:s21], [sflag:$0x4] =	stream.linear.gather [hbm4b:s30+s0], $0x80, $0x38;
	[tilespmem:$0x12100] =	vst v63  }
0x48: {  	_ =	swait.ge [sflag:s20], $0x80  }
0x49: {  	[sflag:s20] =	ssyncset.done $0x0  }
0x4a: {  	[sflag:s20] =	ssyncadd.s32 $0xFFFFFF80  }
0x4b: {  	[tilespmem:s22], [sflag:$0x1] =	stream.indirect.gather [hbm4b:s5+s21], $0x40, s0, s21, $0xb8;
	[tilespmem:$0x12100] =	vst v63  }
0x4c: {  	s29 =	sshll.u32 s29, $0xA  }
0x4d: {  	[tilespmem:s23], [sflag:$0x2] =	stream.indirect.gather [hbm4b:s6+s21], $0x40, s21, s21, $0xb8;
	[tilespmem:$0x12100] =	vst v63  }
0x4e: {  	s29 =	sadd.s32 s7, s29  }
0x4f: {  	[tilespmem:s24], [sflag:$0x4] =	stream.linear.gather [hbm4b:s29+s0], $0x2000, $0x38;
	[tilespmem:$0x12100] =	vst v63  }
0x50: {  	_ =	swait.ge [sflag:s20], $0x2000  }
0x51: {  	[sflag:s20] =	ssyncset.done $0x0  }
0x52: {  	[sflag:s20] =	ssyncadd.s32 $0xFFFFE000  }
0x53: {  	_ =	swait.ge [sflag:s25], $0x2000  }
0x54: {  	[sflag:s25] =	ssyncset.done $0x0  }
0x55: {  	[sflag:s25] =	ssyncadd.s32 $0xFFFFE000  }
0x56: {  	_ =	swait.ge [sflag:s26], $0x2000  }
0x57: {  	[sflag:s26] =	ssyncset.done $0x0  }
0x58: {  	s29 =	simm.s32 $0x0;
	[sflag:s26] =	ssyncadd.s32 $0xFFFFE000  }
0x59: {  	v1 =	vld [tilespmem:s29+$0x100]  }
0x5a: {  	v3 =	vld [tilespmem:s29+$0x2100]  }
0x5b: {  	v2 =	vld [tilespmem:s29+$0x110]  }
0x5c: {  	v5 =	vld [tilespmem:s29+$0x2110]  }
0x5d: {  	v4 =	vld [tilespmem:s29+$0x120]  }
0x5e: {  	v7 =	vld [tilespmem:s29+$0x2120]  }
0x5f: {  	v6 =	vld [tilespmem:s29+$0x130]  }
0x60: {  	v8 =	vld [tilespmem:s29+$0x2130]  }
0x61: {  	s30 =	simm.s32 $0x100;
	v9 =	vld [tilespmem:s29+$0x4100]  }
.LBB2_6:
0x62: {  	p0 =	sne.s32 s30, $0x7F00;
	v10 =	vld [tilespmem:s29+$0x4110]  }
0x63: {  	v11 =	vld [tilespmem:s29+$0x4120]  }
0x64: {  	s0 =	sshra.s32 s30, $0x2;
	v12 =	vadd.f32 v3, v1;
	v13 =	vld [tilespmem:s29+$0x4130]  }
0x65: {  	v5 =	vadd.f32 v5, v2;
	v1 =	vld [tilespmem:s0+$0x100]  }
0x66: {  	v4 =	vadd.f32 v7, v4;
	v3 =	vld [tilespmem:s0+$0x2100];
	v9 =	vadd.f32 v9, v12  }
0x67: {  	v6 =	vadd.f32 v8, v6;
	v2 =	vld [tilespmem:s0+$0x110];
	v7 =	vadd.f32 v10, v5  }
0x68: {  	v5 =	vld [tilespmem:s0+$0x2110];
	v8 =	vmax.f32 v9, $0.0e+00;
	v9 =	vadd.f32 v11, v4  }
.Ltmp6:
0x69: {  	v4 =	vld [tilespmem:s0+$0x120];
	[tilespmem:s29+$0x4100] =	vst v8;
	v8 =	vmax.f32 v7, $0.0e+00;
	v10 =	vadd.f32 v13, v6;
	(pc) =	sbr.rel @p0 .LBB2_6-.Ltmp6, $4  }
0x6a: {  	v7 =	vld [tilespmem:s0+$0x2120];
	[tilespmem:s29+$0x4110] =	vst v8;
	v8 =	vmax.f32 v9, $0.0e+00  }
0x6b: {  	v6 =	vld [tilespmem:s0+$0x130];
	[tilespmem:s29+$0x4120] =	vst v8;
	v9 =	vmax.f32 v10, $0.0e+00  }
0x6c: {  	v8 =	vld [tilespmem:s0+$0x2130];
	[tilespmem:s29+$0x4130] =	vst v9;
	s29 =	smov.u32 s0  }
0x6d: {  	s30 =	sadd.s32 $0x100, s30;
	v9 =	vld [tilespmem:s29+$0x4100]  }
0x6e: {  	v10 =	vld [tilespmem:s29+$0x4110]  }
0x6f: {  	v11 =	vld [tilespmem:s29+$0x4120]  }
0x70: {  	v1 =	vadd.f32 v3, v1;
	v3 =	vld [tilespmem:s29+$0x4130]  }
0x71: {  	v2 =	vadd.f32 v5, v2  }
0x72: {  	v4 =	vadd.f32 v7, v4;
	v1 =	vadd.f32 v9, v1  }
0x73: {  	v63 =	vadd.f32 v8, v6;
	v2 =	vadd.f32 v10, v2  }
0x74: {  	v4 =	vadd.f32 v11, v4;
	v1 =	vmax.f32 v1, $0.0e+00  }
0x75: {  	[tilespmem:s29+$0x4100] =	vst v1;
	v1 =	vmax.f32 v2, $0.0e+00;
	v2 =	vadd.f32 v3, v63  }
0x76: {  	[tilespmem:s29+$0x4110] =	vst v1;
	v1 =	vmax.f32 v4, $0.0e+00  }
0x77: {  	[tilespmem:s29+$0x4120] =	vst v1;
	v1 =	vmax.f32 v2, $0.0e+00  }
.Ltmp7:
0x78: {  	[tilespmem:s29+$0x4130] =	vst v1;
	(pc) =	sbr.rel .LBB2_8-.Ltmp7, $4  }
0x79: {  	[spmem:s2] =	stream.indirect.scatter.add.f32 [tilespmem:s24], [sflag:$0x3], $0x40, s21, s21, $0xb8;
	[tilespmem:$0x12100] =	vst v63  }
0x7a: {  	_ =	swait.ge [sflag:s19], $0x2000  }
0x7b: {  	[sflag:s19] =	ssyncset.done $0x0  }
0x7c: {  	[sflag:s19] =	ssyncadd.s32 $0xFFFFE000  }
.LBB2_10:
0x7d: {  	_ =	sfence.sel $0x180000  }
0x7e: {  	[bflag:$0x0] =	sbarrier.arrive $0xFFFF  }
0x7f: {  	_ =	strace $0x90000050  }
0x80: {  	[bflag:$0x2] =	sbarrier.arrive $0xFFFF  }
0x81: {  	p0 =	sne.s32 s1, $0x0;
	s0 =	rddreg [dreg:$0x2]  }
0x82: {  	s0 =	sadd.s32 @!p0 $0x100000, s0  }
0x83: {  	[sflag:s0] =	ssyncadd.tile.s32 @!p0 $0x1;
	_ =	shalt  }
.Lfunc_end2:
_tile_overlayer_lowered:
.L_overlay_start_2:
0x84: {  	(tag) =	ssettag $0x2  }
0x85: {  	s0 =	rddreg [dreg:$0x0];
	s2 =	stileid.u32  }
0x86: {  	s1 =	rddreg [dreg:$0x1];
	p0 =	sne.s32 s2, $0x0  }
0x87: {  	s3 =	rddreg [dreg:$0x2];
	[bflag:$0x3] =	sbarrier.arrive $0xFFFF;
	s2 =	simm.s32 @!p0 $0x1C03  }
0x88: {  	[timem:s3], [sflag:s2] =	dma.local @!p0 [hbm:s0], s1  }
0x89: {  	s0 =	simm.s32 @!p0 $0x3  }
0x8a: {  	_ =	swait.ge @!p0 [sflag:s0], s1  }
0x8b: {  	s1 =	ssub.s32 @!p0 $0x0, s1;
	[sflag:s0] =	ssyncset.done @!p0 $0x0  }
0x8c: {  	[sflag:s0] =	ssyncadd.s32 @!p0 s1  }
0x8d: {  	[bflag:$0x3] =	sbarrier.arrive $0xFFFF  }
0x8e: {  	_ =	shalt  }

// kernel: kernel.37.cloned.1.call-start
scs
__scs_entry_jumppad:
0x0: {  	(pc) =	sbr.rel $0x88, $3  }
0x1: {  	(tag) =	ssettag $0x0;
	lr =	simm.s32 $0x1  }
0x2: {  	[smem:$0x3F87] =	sst lr;
	_ =	strace $0xD0000000  }
0x3: {  	_ = 	snop  }
0x4: {  	_ = 	snop  }
0x5: {  	_ = 	snop  }
0x6: {  	_ = 	snop  }
0x7: {  	_ = 	snop  }
__scs_overlays_trampoline_lowered:
0x8: {  	[smem:$0x3F96] =	sst s0  }
0x9: {  	[smem:$0x3F97] =	sst s1  }
0xa: {  	[smem:$0x3F98] =	sst s2  }
0xb: {  	[smem:$0x3F99] =	sst s3  }
0xc: {  	[smem:$0x3F9A] =	sst s4  }
0xd: {  	[smem:$0x3F9B] =	sst s5  }
0xe: {  	[smem:$0x3F9C] =	sst s6  }
0xf: {  	[smem:$0x3F9D] =	sst s7  }
0x10: {  	[smem:$0x3F9E] =	sst s8  }
0x11: {  	[smem:$0x3F9F] =	sst s9;
	s0 =	simm.s32 @!p0 $0x0  }
0x12: {  	s1 =	sld [smem:$0x3F85];
	s0 =	simm.s32 @p0 $0x1  }
0x13: {  	[smem:$0x3FA0] =	sst s0;
	s0 =	simm.s32 @!p1 $0x0  }
0x14: {  	s2 =	sld [smem:$0x3F84];
	s0 =	simm.s32 @p1 $0x1  }
0x15: {  	[smem:$0x3FA1] =	sst s0;
	s0 =	simm.s32 @!p2 $0x0  }
0x16: {  	s3 =	sld [smem:$0x3FDB];
	s0 =	simm.s32 @p2 $0x1  }
0x17: {  	s4 =	simm.s32 $0x1BF5;
	[smem:$0x3FA3] =	sst s0  }
0x18: {  	s0 =	sld [smem:$0x3F86];
	_ =	swait.ge [sflag:s4], $0x0  }
0x19: {  	s7 =	sld [smem:$0x3F87]  }
0x1a: {  	s8 =	sadd.s32 $0xFFFFE003, lr  }
0x1b: {  	s9 =	sadd.s32 $0xFFFFFEF7, lr;
	s5 =	simm.s32 $0xFFFFFFFF;
	p2 =	slt.u32 s8, $0xFFFFF086  }
0x1c: {  	p1 =	slt.u32 s9, $0xF7A;
	s5 =	simm.s32 @!p2 $0x0  }
0x1d: {  	s5 =	simm.s32 @p1 $0x1;
	p0 =	seq.s32 s7, s2  }
0x1e: {  	s7 =	smul.u32 @!p0 $0xF7A, s2;
	p2 =	seq.s32 @!p0 s5, $0x0  }
0x1f: {  	s9 =	smul.u32 $0xF7A, s1;
	s8 =	simm.s32 @!p0 $0x1BF5;
	p2 =	por !p2, p0  }
0x20: {  	[sflag:s8] =	ssyncset.s32 @!p0 $0xFFFFF086;
	s6 =	sadd.s32 @!p0 s3, s7;
	s7 =	simm.s32 @!p0 $0x108  }
0x21: {  	s3 =	sadd.s32 s3, s9;
	s6 =	sadd.s32 @!p0 $0x88, s6;
	s7 =	simm.s32 @p2 $0x1082  }
0x22: {  	[simem:s7], [sflag:s8] =	dma.local @!p0 [hbm:s6], $0xF7A  }
0x23: {  	s9 =	sor.u32 $0xD0000000, s2;
	s6 =	simm.s32 $0x108;
	_ =	swait.ge @!p0 [sflag:s8], $0x0  }
0x24: {  	s3 =	sadd.s32 $0x88, s3;
	s6 =	simm.s32 @!p1 $0x1082;
	[sflag:s4] =	ssyncset.s32 $0xFFFFF086  }
0x25: {  	[simem:s6], [sflag:s4] =	dma.local [hbm:s3], $0xF7A  }
0x26: {  	[smem:$0x3F87] =	sst s1;
	(tag) =	ssettag s2;
	_ =	strace s9  }
0x27: {  	s1 =	sld [smem:$0x3F97]  }
0x28: {  	s2 =	sld [smem:$0x3F98]  }
0x29: {  	s4 =	sld [smem:$0x3F9A]  }
0x2a: {  	p0 =	seq.s32 s5, $0x0;
	s5 =	sld [smem:$0x3F9B]  }
0x2b: {  	s6 =	sld [smem:$0x3F9C]  }
0x2c: {  	s7 =	sld [smem:$0x3F9D]  }
0x2d: {  	s3 =	simm.s32 $0x108;
	s8 =	sld [smem:$0x3F9E]  }
0x2e: {  	s3 =	simm.s32 @!p0 $0x1082;
	s9 =	sld [smem:$0x3F9F]  }
0x2f: {  	lr =	sadd.s32 s0, s3;
	s0 =	sld [smem:$0x3F96]  }
0x30: {  	s3 =	sld [smem:$0x3F99]  }
0x31: {  	[smem:$0x3FA2] =	sst s10  }
0x32: {  	s10 =	sld [smem:$0x3FA0];
	_ =	sdelay $0x3  }
0x33: {  	p0 =	seq.s32 s10, $0x1;
	s10 =	sld [smem:$0x3FA2];
	_ =	sdelay $0x3  }
0x34: {  	[smem:$0x3FA2] =	sst s10  }
0x35: {  	s10 =	sld [smem:$0x3FA1];
	_ =	sdelay $0x3  }
0x36: {  	p1 =	seq.s32 s10, $0x1;
	s10 =	sld [smem:$0x3FA2];
	_ =	sdelay $0x3  }
0x37: {  	[smem:$0x3FA2] =	sst s10  }
0x38: {  	s10 =	sld [smem:$0x3FA3]  }
0x39: {  	_ = 	snop;
	(pc) =	sbr.ind lr, $3  }
0x3a: {  	_ = 	snop  }
0x3b: {  	_ = 	snop  }
0x3c: {  	p2 =	seq.s32 s10, $0x1;
	s10 =	sld [smem:$0x3FA2]  }
0x3d: {  	_ =	shalt  }
0x3e: {  	_ =	shalt  }
0x3f: {  	_ =	shalt  }
0x40: {  	_ =	shalt  }
0x41: {  	_ =	shalt  }
0x42: {  	_ =	shalt  }
0x43: {  	_ =	shalt  }
0x44: {  	_ =	shalt  }
0x45: {  	_ =	shalt  }
0x46: {  	_ =	shalt  }
0x47: {  	_ =	shalt  }
0x48: {  	_ =	shalt  }
0x49: {  	_ =	shalt  }
0x4a: {  	_ =	shalt  }
0x4b: {  	_ =	shalt  }
0x4c: {  	_ =	shalt  }
0x4d: {  	_ =	shalt  }
0x4e: {  	_ =	shalt  }
0x4f: {  	_ =	shalt  }
0x50: {  	_ =	shalt  }
0x51: {  	_ =	shalt  }
0x52: {  	_ =	shalt  }
0x53: {  	_ =	shalt  }
0x54: {  	_ =	shalt  }
0x55: {  	_ =	shalt  }
0x56: {  	_ =	shalt  }
0x57: {  	_ =	shalt  }
0x58: {  	_ =	shalt  }
0x59: {  	_ =	shalt  }
0x5a: {  	_ =	shalt  }
0x5b: {  	_ =	shalt  }
0x5c: {  	_ =	shalt  }
0x5d: {  	_ =	shalt  }
0x5e: {  	_ =	shalt  }
0x5f: {  	_ =	shalt  }
0x60: {  	_ =	shalt  }
0x61: {  	_ =	shalt  }
0x62: {  	_ =	shalt  }
0x63: {  	_ =	shalt  }
0x64: {  	_ =	shalt  }
0x65: {  	_ =	shalt  }
0x66: {  	_ =	shalt  }
0x67: {  	_ =	shalt  }
0x68: {  	_ =	shalt  }
0x69: {  	_ =	shalt  }
0x6a: {  	_ =	shalt  }
0x6b: {  	_ =	shalt  }
0x6c: {  	_ =	shalt  }
0x6d: {  	_ =	shalt  }
0x6e: {  	_ =	shalt  }
0x6f: {  	_ =	shalt  }
0x70: {  	_ =	shalt  }
0x71: {  	_ =	shalt  }
0x72: {  	_ =	shalt  }
0x73: {  	_ =	shalt  }
0x74: {  	_ =	shalt  }
0x75: {  	_ =	shalt  }
0x76: {  	_ =	shalt  }
0x77: {  	_ =	shalt  }
0x78: {  	_ =	shalt  }
0x79: {  	_ =	shalt  }
0x7a: {  	_ =	shalt  }
0x7b: {  	_ =	shalt  }
0x7c: {  	_ =	shalt  }
0x7d: {  	_ =	shalt  }
0x7e: {  	_ =	shalt  }
0x7f: {  	_ =	shalt  }
0x80: {  	_ =	shalt  }
0x81: {  	_ =	shalt  }
0x82: {  	_ =	shalt  }
0x83: {  	_ =	shalt  }
0x84: {  	_ =	shalt  }
0x85: {  	_ =	shalt  }
0x86: {  	_ =	shalt  }
0x87: {  	_ =	shalt  }
.Lfunc_end0:
.L_simem_size_0:
called_computation.4_lowered:
.L_overlay_start_0:
0x88: {  	s2 =	sld [smem:$0x3FD9]  }
0x89: {  	s3 =	sld [smem:$0x3FFE];
	_ =	sdelay $0x1  }
0x8a: {  	s1 =	srdreg.scid  }
0x8b: {  	s0 =	sand.u32 $0x1, s1  }
0x8c: {  	s16 =	sshll.u32 s0, $0xA;
	s2 =	sadd.s32 s3, s2  }
0x8d: {  	s2 =	sadd.s32 s2, s16  }
0x8e: {  	[smem:$0x3FAE] =	sst s2  }
0x8f: {  	_ = 	snop  }
0x90: {  	(tm) =	ssettm $0x1  }
0x91: {  	s17 =	sld [smem:$0x3FFB];
	_ =	sdelay $0x3  }
0x92: {  	_ =	strace s17  }
0x93: {  	s2 =	sld [smem:$0x3FFC];
	_ =	sdelay $0x3  }
0x94: {  	_ =	strace s2  }
0x95: {  	s2 =	sld [smem:$0x3FFD];
	_ =	sdelay $0x3  }
0x96: {  	_ =	strace s2  }
0x97: {  	_ =	strace $0x8FFFFFFF  }
0x98: {  	s18 =	sld [smem:$0x3FDB];
	_ =	sdelay $0x1  }
0x99: {  	s19 =	simm.s32 $_scs_section_size  }
0x9a: {  	s4 =	simm.s32 $_size__tile_overlayer_lowered;
	s5 =	simm.s32 $_tile_overlayer_lowered  }
0x9b: {  	s22 =	simm.s32 $0x1BFF;
	s21 =	sshll.u32 s5, $0x1;
	s2 =	sadd.s32 s19, s18  }
0x9c: {  	s6 =	simm.s32 $0x0;
	s20 =	sshll.u32 s4, $0x1;
	s4 =	sadd.s32 s21, s2  }
0x9d: {  	[timem:s6], [sflag:s22] =	dma.local [hbm:s4], s20  }
0x9e: {  	_ =	swait.ge [sflag:s22], s20  }
0x9f: {  	s3 =	ssub.s32 $0x0, s20;
	[sflag:s22] =	ssyncset.done $0x0  }
0xa0: {  	[sflag:s22] =	ssyncadd.s32 s3;
	_ =	sdelay $0x1  }
0xa1: {  	s23 =	simm.s32 $0x1B8B  }
0xa2: {  	_ =	swait.ge [sflag:s23], $0x1  }
0xa3: {  	[sflag:s23] =	ssyncset.done $0x0  }
0xa4: {  	s25 =	simm.s32 $0x1B8E;
	s24 =	sld [smem:$0x3FFE];
	[sflag:s23] =	ssyncadd.s32 $0xFFFFFFFF  }
0xa5: {  	s26 =	simm.s32 $execute0_lowered;
	[smem:$0x3FD2] =	sst s25  }
0xa6: {  	s4 =	sshll.u32 s26, $0x1;
	_ =	strace $0x80000052;
	[dreg:$0x1] =	wrdreg $0xFFFFFFFF  }
0xa7: {  	s28 =	simm.s32 $_size_execute0_lowered;
	s2 =	sadd.s32 s2, s4;
	[dreg:$0x0] =	wrdreg $0x0  }
0xa8: {  	s4 =	sshll.u32 s28, $0x1;
	[dreg:$0x2] =	wrdreg s2  }
0xa9: {  	[dreg:$0x3] =	wrdreg s4  }
0xaa: {  	[dreg:$0x4] =	wrdreg $0xC0  }
0xab: {  	_ =	task [dreg:s6], $0x5FFFF  }
0xac: {  	[dreg:$0x1] =	wrdreg $0xFFFFFFFF  }
0xad: {  	[dreg:$0x0] =	wrdreg $0x60  }
0xae: {  	[dreg:$0x2] =	wrdreg s24  }
0xaf: {  	[dreg:$0x3] =	wrdreg $0x81000  }
0xb0: {  	[dreg:$0x4] =	wrdreg $0x9  }
0xb1: {  	_ =	task.clear_ibuf [dreg:s6], $0x5FFFF;
	_ =	strace $0x90000052  }
0xb2: {  	s29 =	simm.s32 $0x9;
	_ =	strace $0x80000054  }
0xb3: {  	_ =	swait.ge [sflag:s29], $0x1  }
0xb4: {  	[sflag:s29] =	ssyncadd.s32 $0xFFFFFFFF  }
0xb5: {  	_ =	strace $0x90000054  }
0xb6: {  	_ =	sfence  }
0xb7: {  	s30 =	sld [smem:$0x0];
	_ =	sdelay $0x2  }
0xb8: {  	s31 =	sshll.u32 s1, $0xD;
	s1 =	sshrl.u32 s1, $0x2  }
0xb9: {  	s3 =	sand.u32 $0x4000, s31;
	s1 =	sadd.s32 s1, s30  }
0xba: {  	s0 =	sor.u32 s3, s0;
	s1 =	sshll.u32 s1, $0x11  }
0xbb: {  	s0 =	sor.u32 s1, s0  }
0xbc: {  	s0 =	sadd.s32 $0x8F2B, s0  }
0xbd: {  	[sflag:s0] =	ssyncadd.remote.s32 $0x1  }
0xbe: {  	_ =	sfence.sel $0xFFFF  }
0xbf: {  	[dreg:$0x0] =	wrdreg $0xFFFFFFFF;
	(pc) =	sbr.abs _section_cstart, $3  }
0xc0: {  	[dreg:$0x1] =	wrdreg $0xFFFFFFFF  }
0xc1: {  	_ =	task.clear_ibuf [dreg:s6], $0x2FFFF;
	_ =	strace $0x9FFFFFFF  }
0xc2: {  	(tm) =	ssettm $0x7FFFFFFF  }
0xc3: {  	_ =	shalt  }
tec
execute0_lowered:
.L_overlay_start_1:
0x0: {  	(tag) =	ssettag $0x1  }
0x1: {  	s15 =	rddreg [dreg:$0x0]  }
0x2: {  	s2 =	rddreg [dreg:$0x1];
	s3 =	simm.s32 $0x0  }
0x3: {  	s4 =	srdreg.scid;
	s1 =	stileid.u32;
	s18 =	simm.s32 $0x6100  }
0x4: {  	s19 =	simm.s32 $0x3;
	s20 =	simm.s32 $0x4;
	s21 =	simm.s32 $0x80  }
0x5: {  	s22 =	simm.s32 $0x100;
	s23 =	simm.s32 $0x2100;
	s24 =	simm.s32 $0x4100  }
0x6: {  	s25 =	simm.s32 $0x1;
	s26 =	simm.s32 $0x2;
	[smem:$0x7FF] =	sst s3  }
0x7: {  	s4 =	sand.u32 $0x1, s4;
	s10 =	smul.u32 $0xA000, s1;
	s5 =	sadd.s32 $0x2A800, s15  }
0x8: {  	s6 =	sadd.s32 $0x16E00, s15;
	s7 =	sadd.s32 $0xEBCE00, s15;
	s11 =	smul.u32 $0x28000, s1  }
0x9: {  	s8 =	sadd.s32 $0x65400, s15;
	s9 =	smul.u32 $0xA0000, s4;
	s12 =	ssub.s32 $0x2, s4  }
0xa: {  	_ =	strace $0x80000053;
	s13 =	sshrl.u32 s12, $0x1;
	s11 =	sshrl.u32 s11, $0x2  }
.Ltmp0:
0xb: {  	s9 =	sadd.s32 s10, s9;
	s17 =	ssub.s32 s12, s13;
	(pc) =	sbr.rel .LBB2_1-.Ltmp0, $4  }
0xc: {  	s14 =	sadd.s32 s11, s2;
	s10 =	sadd.s32 s10, s2;
	s9 =	sshrl.u32 s9, $0x3  }
0xd: {  	s11 =	sadd.s32 $0x2000, s14;
	s12 =	sadd.s32 $0x4000, s14;
	s13 =	sadd.s32 $0x6000, s14  }
0xe: {  	s14 =	sadd.s32 $0x8000, s14;
	s17 =	smax.u32 s17, $0x1;
	s16 =	sadd.s32 s9, s15  }
0xf: {  	v0 =	vimm.f32 $0.0e+00;
	s9 =	sshll.u32 s1, $0x1;
	s15 =	sadd.s32 $0x6F040, s15;
	s16 =	sadd.s32 $0x315200, s16  }
.LBB2_9:
0x10: {  	s3 =	sadd.s32 $0x1, s3  }
0x11: {  	s0 =	sshll.u32 s1, $0x6;
	[bflag:$0x0] =	sbarrier.arrive $0xFFFF;
	p0 =	sne.s32 s3, s17  }
.Ltmp1:
0x12: {  	s28 =	sshrl.u32 s10, $0x3;
	s0 =	sor.u32 $0x1C03, s0;
	(pc) =	sbr.rel @!p0 .LBB2_10-.Ltmp1, $4  }
0x13: {  	[hbm:s16], [sflag:s0] =	dma.local [spmem:s28], $0x1400  }
0x14: {  	_ =	swait.ge [sflag:s19], $0x1400  }
0x15: {  	[sflag:s19] =	ssyncset.done $0x0  }
0x16: {  	[sflag:s19] =	ssyncadd.s32 $0xFFFFEC00  }
.LBB2_1:
0x17: {  	s29 =	simm.s32 $0x100;
	s28 =	simm.s32 $0x0  }
.LBB2_2:
0x18: {  	p0 =	sne.s32 s29, $0x7F00;
	[tilespmem:s28+$0x6130] =	vst v0;
	s30 =	smov.u32 s29;
	s29 =	sadd.s32 $0x100, s29  }
.Ltmp2:
0x19: {  	[tilespmem:s28+$0x6120] =	vst v0;
	(pc) =	sbr.rel @p0 .LBB2_2-.Ltmp2, $3  }
0x1a: {  	[tilespmem:s28+$0x6100] =	vst v0  }
0x1b: {  	[tilespmem:s28+$0x6110] =	vst v0;
	_ =	sdelay $0x1  }
0x1c: {  	s28 =	sshra.s32 s30, $0x2  }
0x1d: {  	[tilespmem:s28+$0x6130] =	vst v0  }
0x1e: {  	[tilespmem:s28+$0x6120] =	vst v0  }
0x1f: {  	[tilespmem:s28+$0x6100] =	vst v0  }
0x20: {  	[tilespmem:s28+$0x6110] =	vst v0  }
0x21: {  	[spmem:s10] =	stream.linear.scatter [tilespmem:s18], [sflag:$0x3], $0x2000, $0x38;
	[tilespmem:$0x12100] =	vst v63  }
0x22: {  	_ =	swait.ge [sflag:s19], $0x2000  }
0x23: {  	[sflag:s19] =	ssyncset.done $0x0  }
0x24: {  	[sflag:s19] =	ssyncadd.s32 $0xFFFFE000  }
0x25: {  	[spmem:s11] =	stream.linear.scatter [tilespmem:s18], [sflag:$0x3], $0x2000, $0x38;
	[tilespmem:$0x12100] =	vst v63  }
0x26: {  	_ =	swait.ge [sflag:s19], $0x2000  }
0x27: {  	[sflag:s19] =	ssyncset.done $0x0  }
0x28: {  	[sflag:s19] =	ssyncadd.s32 $0xFFFFE000  }
0x29: {  	[spmem:s12] =	stream.linear.scatter [tilespmem:s18], [sflag:$0x3], $0x2000, $0x38;
	[tilespmem:$0x12100] =	vst v63  }
0x2a: {  	_ =	swait.ge [sflag:s19], $0x2000  }
0x2b: {  	[sflag:s19] =	ssyncset.done $0x0  }
0x2c: {  	[sflag:s19] =	ssyncadd.s32 $0xFFFFE000  }
0x2d: {  	[spmem:s13] =	stream.linear.scatter [tilespmem:s18], [sflag:$0x3], $0x2000, $0x38;
	[tilespmem:$0x12100] =	vst v63  }
0x2e: {  	_ =	swait.ge [sflag:s19], $0x2000  }
0x2f: {  	[sflag:s19] =	ssyncset.done $0x0  }
0x30: {  	[sflag:s19] =	ssyncadd.s32 $0xFFFFE000  }
0x31: {  	[spmem:s14] =	stream.linear.scatter [tilespmem:s18], [sflag:$0x3], $0x2000, $0x38;
	[tilespmem:$0x12100] =	vst v63  }
.Ltmp3:
0x32: {  	_ =	swait.ge [sflag:s19], $0x2000;
	(pc) =	sbr.rel .LBB2_4-.Ltmp3, $4  }
0x33: {  	[sflag:s19] =	ssyncset.done $0x0  }
0x34: {  	[sflag:s19] =	ssyncadd.s32 $0xFFFFE000  }
0x35: {  	[bflag:$0x0] =	sbarrier.arrive $0xFFFF  }
0x36: {  	s28 =	simm.s32 $0x0  }
.LBB2_8:
0x37: {  	s28 =	sadd.s32 $0x1, s28  }
0x38: {  	p0 =	sne.s32 s28, $0x4F  }
.Ltmp4:
0x39: {  	_ = 	snop;
	(pc) =	sbr.rel @!p0 .LBB2_9-.Ltmp4, $1  }
0x3a: {  	_ =	sdelay $0x3  }
.LBB2_4:
0x3b: {  	s29 =	sshll.u32 s28, $0x5  }
0x3c: {  	s29 =	sor.u32 s9, s29  }
0x3d: {  	p0 =	sgt.u32 s29, $0x9C3  }
.Ltmp5:
0x3e: {  	_ = 	snop;
	(pc) =	sbr.rel @p0 .LBB2_8-.Ltmp5, $1  }
0x3f: {  	_ =	sdelay $0x3  }
0x40: {  	s29 =	sor.u32 s4, s29  }
0x41: {  	s30 =	sshll.u32 s29, $0x4  }
0x42: {  	s0 =	simm.s32 $0x0;
	s31 =	sadd.s32 s8, s30  }
0x43: {  	[tilespmem:s0], [sflag:$0x4] =	stream.linear.gather [hbm4b:s31+s0], $0x80, $0x38;
	[tilespmem:$0x12100] =	vst v63  }
0x44: {  	_ =	swait.ge [sflag:s20], $0x80  }
0x45: {  	[sflag:s20] =	ssyncset.done $0x0  }
0x46: {  	s30 =	sadd.s32 s30, s15;
	[sflag:s20] =	ssyncadd.s32 $0xFFFFFF80  }
0x47: {  	[tilespmem:s21], [sflag:$0x4] =	stream.linear.gather [hbm4b:s30+s0], $0x80, $0x38;
	[tilespmem:$0x12100] =	vst v63  }
0x48: {  	_ =	swait.ge [sflag:s20], $0x80  }
0x49: {  	[sflag:s20] =	ssyncset.done $0x0  }
0x4a: {  	[sflag:s20] =	ssyncadd.s32 $0xFFFFFF80  }
0x4b: {  	[tilespmem:s22], [sflag:$0x1] =	stream.indirect.gather [hbm4b:s5+s21], $0x40, s0, s21, $0xb8;
	[tilespmem:$0x12100] =	vst v63  }
0x4c: {  	s29 =	sshll.u32 s29, $0xA  }
0x4d: {  	[tilespmem:s23], [sflag:$0x2] =	stream.indirect.gather [hbm4b:s6+s21], $0x40, s21, s21, $0xb8;
	[tilespmem:$0x12100] =	vst v63  }
0x4e: {  	s29 =	sadd.s32 s7, s29  }
0x4f: {  	[tilespmem:s24], [sflag:$0x4] =	stream.linear.gather [hbm4b:s29+s0], $0x2000, $0x38;
	[tilespmem:$0x12100] =	vst v63  }
0x50: {  	_ =	swait.ge [sflag:s20], $0x2000  }
0x51: {  	[sflag:s20] =	ssyncset.done $0x0  }
0x52: {  	[sflag:s20] =	ssyncadd.s32 $0xFFFFE000  }
0x53: {  	_ =	swait.ge [sflag:s25], $0x2000  }
0x54: {  	[sflag:s25] =	ssyncset.done $0x0  }
0x55: {  	[sflag:s25] =	ssyncadd.s32 $0xFFFFE000  }
0x56: {  	_ =	swait.ge [sflag:s26], $0x2000  }
0x57: {  	[sflag:s26] =	ssyncset.done $0x0  }
0x58: {  	s29 =	simm.s32 $0x0;
	[sflag:s26] =	ssyncadd.s32 $0xFFFFE000  }
0x59: {  	v1 =	vld [tilespmem:s29+$0x100]  }
0x5a: {  	v3 =	vld [tilespmem:s29+$0x2100]  }
0x5b: {  	v2 =	vld [tilespmem:s29+$0x110]  }
0x5c: {  	v5 =	vld [tilespmem:s29+$0x2110]  }
0x5d: {  	v4 =	vld [tilespmem:s29+$0x120]  }
0x5e: {  	v7 =	vld [tilespmem:s29+$0x2120]  }
0x5f: {  	v6 =	vld [tilespmem:s29+$0x130]  }
0x60: {  	v8 =	vld [tilespmem:s29+$0x2130]  }
0x61: {  	s30 =	simm.s32 $0x100;
	v9 =	vld [tilespmem:s29+$0x4100]  }
.LBB2_6:
0x62: {  	p0 =	sne.s32 s30, $0x7F00;
	v10 =	vld [tilespmem:s29+$0x4110]  }
0x63: {  	v11 =	vld [tilespmem:s29+$0x4120]  }
0x64: {  	s0 =	sshra.s32 s30, $0x2;
	v12 =	vadd.f32 v3, v1;
	v13 =	vld [tilespmem:s29+$0x4130]  }
0x65: {  	v5 =	vadd.f32 v5, v2;
	v1 =	vld [tilespmem:s0+$0x100]  }
0x66: {  	v4 =	vadd.f32 v7, v4;
	v3 =	vld [tilespmem:s0+$0x2100];
	v9 =	vadd.f32 v9, v12  }
0x67: {  	v6 =	vadd.f32 v8, v6;
	v2 =	vld [tilespmem:s0+$0x110];
	v7 =	vadd.f32 v10, v5  }
0x68: {  	v5 =	vld [tilespmem:s0+$0x2110];
	v8 =	vmax.f32 v9, $0.0e+00;
	v9 =	vadd.f32 v11, v4  }
.Ltmp6:
0x69: {  	v4 =	vld [tilespmem:s0+$0x120];
	[tilespmem:s29+$0x4100] =	vst v8;
	v8 =	vmax.f32 v7, $0.0e+00;
	v10 =	vadd.f32 v13, v6;
	(pc) =	sbr.rel @p0 .LBB2_6-.Ltmp6, $4  }
0x6a: {  	v7 =	vld [tilespmem:s0+$0x2120];
	[tilespmem:s29+$0x4110] =	vst v8;
	v8 =	vmax.f32 v9, $0.0e+00  }
0x6b: {  	v6 =	vld [tilespmem:s0+$0x130];
	[tilespmem:s29+$0x4120] =	vst v8;
	v9 =	vmax.f32 v10, $0.0e+00  }
0x6c: {  	v8 =	vld [tilespmem:s0+$0x2130];
	[tilespmem:s29+$0x4130] =	vst v9;
	s29 =	smov.u32 s0  }
0x6d: {  	s30 =	sadd.s32 $0x100, s30;
	v9 =	vld [tilespmem:s29+$0x4100]  }
0x6e: {  	v10 =	vld [tilespmem:s29+$0x4110]  }
0x6f: {  	v11 =	vld [tilespmem:s29+$0x4120]  }
0x70: {  	v1 =	vadd.f32 v3, v1;
	v3 =	vld [tilespmem:s29+$0x4130]  }
0x71: {  	v2 =	vadd.f32 v5, v2  }
0x72: {  	v4 =	vadd.f32 v7, v4;
	v1 =	vadd.f32 v9, v1  }
0x73: {  	v63 =	vadd.f32 v8, v6;
	v2 =	vadd.f32 v10, v2  }
0x74: {  	v4 =	vadd.f32 v11, v4;
	v1 =	vmax.f32 v1, $0.0e+00  }
0x75: {  	[tilespmem:s29+$0x4100] =	vst v1;
	v1 =	vmax.f32 v2, $0.0e+00;
	v2 =	vadd.f32 v3, v63  }
0x76: {  	[tilespmem:s29+$0x4110] =	vst v1;
	v1 =	vmax.f32 v4, $0.0e+00  }
0x77: {  	[tilespmem:s29+$0x4120] =	vst v1;
	v1 =	vmax.f32 v2, $0.0e+00  }
.Ltmp7:
0x78: {  	[tilespmem:s29+$0x4130] =	vst v1;
	(pc) =	sbr.rel .LBB2_8-.Ltmp7, $4  }
0x79: {  	[spmem:s2] =	stream.indirect.scatter.add.f32 [tilespmem:s24], [sflag:$0x3], $0x40, s21, s21, $0xb8;
	[tilespmem:$0x12100] =	vst v63  }
0x7a: {  	_ =	swait.ge [sflag:s19], $0x2000  }
0x7b: {  	[sflag:s19] =	ssyncset.done $0x0  }
0x7c: {  	[sflag:s19] =	ssyncadd.s32 $0xFFFFE000  }
.LBB2_10:
0x7d: {  	_ =	sfence.sel $0x180000  }
0x7e: {  	[bflag:$0x0] =	sbarrier.arrive $0xFFFF  }
0x7f: {  	_ =	strace $0x90000053  }
0x80: {  	[bflag:$0x2] =	sbarrier.arrive $0xFFFF  }
0x81: {  	p0 =	sne.s32 s1, $0x0;
	s0 =	rddreg [dreg:$0x2]  }
0x82: {  	s0 =	sadd.s32 @!p0 $0x100000, s0  }
0x83: {  	[sflag:s0] =	ssyncadd.tile.s32 @!p0 $0x1;
	_ =	shalt  }
.Lfunc_end2:
_tile_overlayer_lowered:
.L_overlay_start_2:
0x84: {  	(tag) =	ssettag $0x2  }
0x85: {  	s0 =	rddreg [dreg:$0x0];
	s2 =	stileid.u32  }
0x86: {  	s1 =	rddreg [dreg:$0x1];
	p0 =	sne.s32 s2, $0x0  }
0x87: {  	s3 =	rddreg [dreg:$0x2];
	[bflag:$0x3] =	sbarrier.arrive $0xFFFF;
	s2 =	simm.s32 @!p0 $0x1C03  }
0x88: {  	[timem:s3], [sflag:s2] =	dma.local @!p0 [hbm:s0], s1  }
0x89: {  	s0 =	simm.s32 @!p0 $0x3  }
0x8a: {  	_ =	swait.ge @!p0 [sflag:s0], s1  }
0x8b: {  	s1 =	ssub.s32 @!p0 $0x0, s1;
	[sflag:s0] =	ssyncset.done @!p0 $0x0  }
0x8c: {  	[sflag:s0] =	ssyncadd.s32 @!p0 s1  }
0x8d: {  	[bflag:$0x3] =	sbarrier.arrive $0xFFFF  }
0x8e: {  	_ =	shalt  }

// kernel: kernel.40.cloned.1.call-start
scs
__scs_entry_jumppad:
0x0: {  	(pc) =	sbr.rel $0x88, $3  }
0x1: {  	(tag) =	ssettag $0x0;
	lr =	simm.s32 $0x1  }
0x2: {  	[smem:$0x3F87] =	sst lr;
	_ =	strace $0xD0000000  }
0x3: {  	_ = 	snop  }
0x4: {  	_ = 	snop  }
0x5: {  	_ = 	snop  }
0x6: {  	_ = 	snop  }
0x7: {  	_ = 	snop  }
__scs_overlays_trampoline_lowered:
0x8: {  	[smem:$0x3F96] =	sst s0  }
0x9: {  	[smem:$0x3F97] =	sst s1  }
0xa: {  	[smem:$0x3F98] =	sst s2  }
0xb: {  	[smem:$0x3F99] =	sst s3  }
0xc: {  	[smem:$0x3F9A] =	sst s4  }
0xd: {  	[smem:$0x3F9B] =	sst s5  }
0xe: {  	[smem:$0x3F9C] =	sst s6  }
0xf: {  	[smem:$0x3F9D] =	sst s7  }
0x10: {  	[smem:$0x3F9E] =	sst s8  }
0x11: {  	[smem:$0x3F9F] =	sst s9;
	s0 =	simm.s32 @!p0 $0x0  }
0x12: {  	s1 =	sld [smem:$0x3F85];
	s0 =	simm.s32 @p0 $0x1  }
0x13: {  	[smem:$0x3FA0] =	sst s0;
	s0 =	simm.s32 @!p1 $0x0  }
0x14: {  	s2 =	sld [smem:$0x3F84];
	s0 =	simm.s32 @p1 $0x1  }
0x15: {  	[smem:$0x3FA1] =	sst s0;
	s0 =	simm.s32 @!p2 $0x0  }
0x16: {  	s3 =	sld [smem:$0x3FDB];
	s0 =	simm.s32 @p2 $0x1  }
0x17: {  	s4 =	simm.s32 $0x1BF5;
	[smem:$0x3FA3] =	sst s0  }
0x18: {  	s0 =	sld [smem:$0x3F86];
	_ =	swait.ge [sflag:s4], $0x0  }
0x19: {  	s7 =	sld [smem:$0x3F87]  }
0x1a: {  	s8 =	sadd.s32 $0xFFFFE003, lr  }
0x1b: {  	s9 =	sadd.s32 $0xFFFFFEF7, lr;
	s5 =	simm.s32 $0xFFFFFFFF;
	p2 =	slt.u32 s8, $0xFFFFF086  }
0x1c: {  	p1 =	slt.u32 s9, $0xF7A;
	s5 =	simm.s32 @!p2 $0x0  }
0x1d: {  	s5 =	simm.s32 @p1 $0x1;
	p0 =	seq.s32 s7, s2  }
0x1e: {  	s7 =	smul.u32 @!p0 $0xF7A, s2;
	p2 =	seq.s32 @!p0 s5, $0x0  }
0x1f: {  	s9 =	smul.u32 $0xF7A, s1;
	s8 =	simm.s32 @!p0 $0x1BF5;
	p2 =	por !p2, p0  }
0x20: {  	[sflag:s8] =	ssyncset.s32 @!p0 $0xFFFFF086;
	s6 =	sadd.s32 @!p0 s3, s7;
	s7 =	simm.s32 @!p0 $0x108  }
0x21: {  	s3 =	sadd.s32 s3, s9;
	s6 =	sadd.s32 @!p0 $0x88, s6;
	s7 =	simm.s32 @p2 $0x1082  }
0x22: {  	[simem:s7], [sflag:s8] =	dma.local @!p0 [hbm:s6], $0xF7A  }
0x23: {  	s9 =	sor.u32 $0xD0000000, s2;
	s6 =	simm.s32 $0x108;
	_ =	swait.ge @!p0 [sflag:s8], $0x0  }
0x24: {  	s3 =	sadd.s32 $0x88, s3;
	s6 =	simm.s32 @!p1 $0x1082;
	[sflag:s4] =	ssyncset.s32 $0xFFFFF086  }
0x25: {  	[simem:s6], [sflag:s4] =	dma.local [hbm:s3], $0xF7A  }
0x26: {  	[smem:$0x3F87] =	sst s1;
	(tag) =	ssettag s2;
	_ =	strace s9  }
0x27: {  	s1 =	sld [smem:$0x3F97]  }
0x28: {  	s2 =	sld [smem:$0x3F98]  }
0x29: {  	s4 =	sld [smem:$0x3F9A]  }
0x2a: {  	p0 =	seq.s32 s5, $0x0;
	s5 =	sld [smem:$0x3F9B]  }
0x2b: {  	s6 =	sld [smem:$0x3F9C]  }
0x2c: {  	s7 =	sld [smem:$0x3F9D]  }
0x2d: {  	s3 =	simm.s32 $0x108;
	s8 =	sld [smem:$0x3F9E]  }
0x2e: {  	s3 =	simm.s32 @!p0 $0x1082;
	s9 =	sld [smem:$0x3F9F]  }
0x2f: {  	lr =	sadd.s32 s0, s3;
	s0 =	sld [smem:$0x3F96]  }
0x30: {  	s3 =	sld [smem:$0x3F99]  }
0x31: {  	[smem:$0x3FA2] =	sst s10  }
0x32: {  	s10 =	sld [smem:$0x3FA0];
	_ =	sdelay $0x3  }
0x33: {  	p0 =	seq.s32 s10, $0x1;
	s10 =	sld [smem:$0x3FA2];
	_ =	sdelay $0x3  }
0x34: {  	[smem:$0x3FA2] =	sst s10  }
0x35: {  	s10 =	sld [smem:$0x3FA1];
	_ =	sdelay $0x3  }
0x36: {  	p1 =	seq.s32 s10, $0x1;
	s10 =	sld [smem:$0x3FA2];
	_ =	sdelay $0x3  }
0x37: {  	[smem:$0x3FA2] =	sst s10  }
0x38: {  	s10 =	sld [smem:$0x3FA3]  }
0x39: {  	_ = 	snop;
	(pc) =	sbr.ind lr, $3  }
0x3a: {  	_ = 	snop  }
0x3b: {  	_ = 	snop  }
0x3c: {  	p2 =	seq.s32 s10, $0x1;
	s10 =	sld [smem:$0x3FA2]  }
0x3d: {  	_ =	shalt  }
0x3e: {  	_ =	shalt  }
0x3f: {  	_ =	shalt  }
0x40: {  	_ =	shalt  }
0x41: {  	_ =	shalt  }
0x42: {  	_ =	shalt  }
0x43: {  	_ =	shalt  }
0x44: {  	_ =	shalt  }
0x45: {  	_ =	shalt  }
0x46: {  	_ =	shalt  }
0x47: {  	_ =	shalt  }
0x48: {  	_ =	shalt  }
0x49: {  	_ =	shalt  }
0x4a: {  	_ =	shalt  }
0x4b: {  	_ =	shalt  }
0x4c: {  	_ =	shalt  }
0x4d: {  	_ =	shalt  }
0x4e: {  	_ =	shalt  }
0x4f: {  	_ =	shalt  }
0x50: {  	_ =	shalt  }
0x51: {  	_ =	shalt  }
0x52: {  	_ =	shalt  }
0x53: {  	_ =	shalt  }
0x54: {  	_ =	shalt  }
0x55: {  	_ =	shalt  }
0x56: {  	_ =	shalt  }
0x57: {  	_ =	shalt  }
0x58: {  	_ =	shalt  }
0x59: {  	_ =	shalt  }
0x5a: {  	_ =	shalt  }
0x5b: {  	_ =	shalt  }
0x5c: {  	_ =	shalt  }
0x5d: {  	_ =	shalt  }
0x5e: {  	_ =	shalt  }
0x5f: {  	_ =	shalt  }
0x60: {  	_ =	shalt  }
0x61: {  	_ =	shalt  }
0x62: {  	_ =	shalt  }
0x63: {  	_ =	shalt  }
0x64: {  	_ =	shalt  }
0x65: {  	_ =	shalt  }
0x66: {  	_ =	shalt  }
0x67: {  	_ =	shalt  }
0x68: {  	_ =	shalt  }
0x69: {  	_ =	shalt  }
0x6a: {  	_ =	shalt  }
0x6b: {  	_ =	shalt  }
0x6c: {  	_ =	shalt  }
0x6d: {  	_ =	shalt  }
0x6e: {  	_ =	shalt  }
0x6f: {  	_ =	shalt  }
0x70: {  	_ =	shalt  }
0x71: {  	_ =	shalt  }
0x72: {  	_ =	shalt  }
0x73: {  	_ =	shalt  }
0x74: {  	_ =	shalt  }
0x75: {  	_ =	shalt  }
0x76: {  	_ =	shalt  }
0x77: {  	_ =	shalt  }
0x78: {  	_ =	shalt  }
0x79: {  	_ =	shalt  }
0x7a: {  	_ =	shalt  }
0x7b: {  	_ =	shalt  }
0x7c: {  	_ =	shalt  }
0x7d: {  	_ =	shalt  }
0x7e: {  	_ =	shalt  }
0x7f: {  	_ =	shalt  }
0x80: {  	_ =	shalt  }
0x81: {  	_ =	shalt  }
0x82: {  	_ =	shalt  }
0x83: {  	_ =	shalt  }
0x84: {  	_ =	shalt  }
0x85: {  	_ =	shalt  }
0x86: {  	_ =	shalt  }
0x87: {  	_ =	shalt  }
.Lfunc_end0:
.L_simem_size_0:
called_computation.5_lowered:
.L_overlay_start_0:
0x88: {  	s2 =	sld [smem:$0x3FD9]  }
0x89: {  	s3 =	sld [smem:$0x3FFE];
	_ =	sdelay $0x1  }
0x8a: {  	s1 =	srdreg.scid  }
0x8b: {  	s0 =	sand.u32 $0x1, s1  }
0x8c: {  	s16 =	sshll.u32 s0, $0xA;
	s2 =	sadd.s32 s3, s2  }
0x8d: {  	s2 =	sadd.s32 s2, s16  }
0x8e: {  	[smem:$0x3FAE] =	sst s2  }
0x8f: {  	_ = 	snop  }
0x90: {  	(tm) =	ssettm $0x1  }
0x91: {  	s17 =	sld [smem:$0x3FFB];
	_ =	sdelay $0x3  }
0x92: {  	_ =	strace s17  }
0x93: {  	s2 =	sld [smem:$0x3FFC];
	_ =	sdelay $0x3  }
0x94: {  	_ =	strace s2  }
0x95: {  	s2 =	sld [smem:$0x3FFD];
	_ =	sdelay $0x3  }
0x96: {  	_ =	strace s2  }
0x97: {  	_ =	strace $0x8FFFFFFF  }
0x98: {  	s18 =	sld [smem:$0x3FDB];
	_ =	sdelay $0x1  }
0x99: {  	s19 =	simm.s32 $_scs_section_size  }
0x9a: {  	s4 =	simm.s32 $_size__tile_overlayer_lowered;
	s5 =	simm.s32 $_tile_overlayer_lowered  }
0x9b: {  	s22 =	simm.s32 $0x1BFF;
	s21 =	sshll.u32 s5, $0x1;
	s2 =	sadd.s32 s19, s18  }
0x9c: {  	s6 =	simm.s32 $0x0;
	s20 =	sshll.u32 s4, $0x1;
	s4 =	sadd.s32 s21, s2  }
0x9d: {  	[timem:s6], [sflag:s22] =	dma.local [hbm:s4], s20  }
0x9e: {  	_ =	swait.ge [sflag:s22], s20  }
0x9f: {  	s3 =	ssub.s32 $0x0, s20;
	[sflag:s22] =	ssyncset.done $0x0  }
0xa0: {  	[sflag:s22] =	ssyncadd.s32 s3;
	_ =	sdelay $0x1  }
0xa1: {  	s23 =	simm.s32 $0x1B8B  }
0xa2: {  	_ =	swait.ge [sflag:s23], $0x1  }
0xa3: {  	[sflag:s23] =	ssyncset.done $0x0  }
0xa4: {  	s25 =	simm.s32 $0x1B8E;
	s24 =	sld [smem:$0x3FFE];
	[sflag:s23] =	ssyncadd.s32 $0xFFFFFFFF  }
0xa5: {  	s26 =	simm.s32 $execute0_lowered;
	[smem:$0x3FD2] =	sst s25  }
0xa6: {  	s4 =	sshll.u32 s26, $0x1;
	_ =	strace $0x80000055;
	[dreg:$0x1] =	wrdreg $0xFFFFFFFF  }
0xa7: {  	s28 =	simm.s32 $_size_execute0_lowered;
	s2 =	sadd.s32 s2, s4;
	[dreg:$0x0] =	wrdreg $0x0  }
0xa8: {  	s4 =	sshll.u32 s28, $0x1;
	[dreg:$0x2] =	wrdreg s2  }
0xa9: {  	[dreg:$0x3] =	wrdreg s4  }
0xaa: {  	[dreg:$0x4] =	wrdreg $0xC0  }
0xab: {  	_ =	task [dreg:s6], $0x5FFFF  }
0xac: {  	[dreg:$0x1] =	wrdreg $0xFFFFFFFF  }
0xad: {  	[dreg:$0x0] =	wrdreg $0x60  }
0xae: {  	[dreg:$0x2] =	wrdreg s24  }
0xaf: {  	[dreg:$0x3] =	wrdreg $0x81000  }
0xb0: {  	[dreg:$0x4] =	wrdreg $0x9  }
0xb1: {  	_ =	task.clear_ibuf [dreg:s6], $0x5FFFF;
	_ =	strace $0x90000055  }
0xb2: {  	s29 =	simm.s32 $0x9;
	_ =	strace $0x80000057  }
0xb3: {  	_ =	swait.ge [sflag:s29], $0x1  }
0xb4: {  	[sflag:s29] =	ssyncadd.s32 $0xFFFFFFFF  }
0xb5: {  	_ =	strace $0x90000057  }
0xb6: {  	_ =	sfence  }
0xb7: {  	s30 =	sld [smem:$0x0];
	_ =	sdelay $0x2  }
0xb8: {  	s31 =	sshll.u32 s1, $0xD;
	s1 =	sshrl.u32 s1, $0x2  }
0xb9: {  	s3 =	sand.u32 $0x4000, s31;
	s1 =	sadd.s32 s1, s30  }
0xba: {  	s0 =	sor.u32 s3, s0;
	s1 =	sshll.u32 s1, $0x11  }
0xbb: {  	s0 =	sor.u32 s1, s0  }
0xbc: {  	s0 =	sadd.s32 $0x8F2B, s0  }
0xbd: {  	[sflag:s0] =	ssyncadd.remote.s32 $0x1  }
0xbe: {  	_ =	sfence.sel $0xFFFF  }
0xbf: {  	[dreg:$0x0] =	wrdreg $0xFFFFFFFF;
	(pc) =	sbr.abs _section_cstart, $3  }
0xc0: {  	[dreg:$0x1] =	wrdreg $0xFFFFFFFF  }
0xc1: {  	_ =	task.clear_ibuf [dreg:s6], $0x2FFFF;
	_ =	strace $0x9FFFFFFF  }
0xc2: {  	(tm) =	ssettm $0x7FFFFFFF  }
0xc3: {  	_ =	shalt  }
tec
execute0_lowered:
.L_overlay_start_1:
0x0: {  	(tag) =	ssettag $0x1  }
0x1: {  	s15 =	rddreg [dreg:$0x0]  }
0x2: {  	s2 =	rddreg [dreg:$0x1];
	s3 =	simm.s32 $0x0  }
0x3: {  	s4 =	srdreg.scid;
	s1 =	stileid.u32;
	s18 =	simm.s32 $0x6100  }
0x4: {  	s19 =	simm.s32 $0x3;
	s20 =	simm.s32 $0x4;
	s21 =	simm.s32 $0x80  }
0x5: {  	s22 =	simm.s32 $0x100;
	s23 =	simm.s32 $0x2100;
	s24 =	simm.s32 $0x4100  }
0x6: {  	s25 =	simm.s32 $0x1;
	s26 =	simm.s32 $0x2;
	[smem:$0x7FF] =	sst s3  }
0x7: {  	s4 =	sand.u32 $0x1, s4;
	s10 =	smul.u32 $0xA000, s1;
	s5 =	sadd.s32 $0x26600, s15  }
0x8: {  	s6 =	sadd.s32 $0x12C00, s15;
	s7 =	sadd.s32 $0xA3600, s15;
	s11 =	smul.u32 $0x28000, s1  }
0x9: {  	s8 =	sadd.s32 $0x65400, s15;
	s9 =	smul.u32 $0xA0000, s4;
	s12 =	ssub.s32 $0x2, s4  }
0xa: {  	_ =	strace $0x80000056;
	s13 =	sshrl.u32 s12, $0x1;
	s11 =	sshrl.u32 s11, $0x2  }
.Ltmp0:
0xb: {  	s9 =	sadd.s32 s10, s9;
	s17 =	ssub.s32 s12, s13;
	(pc) =	sbr.rel .LBB2_1-.Ltmp0, $4  }
0xc: {  	s14 =	sadd.s32 s11, s2;
	s10 =	sadd.s32 s10, s2;
	s9 =	sshrl.u32 s9, $0x3  }
0xd: {  	s11 =	sadd.s32 $0x2000, s14;
	s12 =	sadd.s32 $0x4000, s14;
	s13 =	sadd.s32 $0x6000, s14  }
0xe: {  	s14 =	sadd.s32 $0x8000, s14;
	s17 =	smax.u32 s17, $0x1;
	s16 =	sadd.s32 s9, s15  }
0xf: {  	v0 =	vimm.f32 $0.0e+00;
	s9 =	sshll.u32 s1, $0x1;
	s15 =	sadd.s32 $0x6F040, s15;
	s16 =	sadd.s32 $0x3A000, s16  }
.LBB2_9:
0x10: {  	s3 =	sadd.s32 $0x1, s3  }
0x11: {  	s0 =	sshll.u32 s1, $0x6;
	[bflag:$0x0] =	sbarrier.arrive $0xFFFF;
	p0 =	sne.s32 s3, s17  }
.Ltmp1:
0x12: {  	s28 =	sshrl.u32 s10, $0x3;
	s0 =	sor.u32 $0x1C03, s0;
	(pc) =	sbr.rel @!p0 .LBB2_10-.Ltmp1, $4  }
0x13: {  	[hbm:s16], [sflag:s0] =	dma.local [spmem:s28], $0x1400  }
0x14: {  	_ =	swait.ge [sflag:s19], $0x1400  }
0x15: {  	[sflag:s19] =	ssyncset.done $0x0  }
0x16: {  	[sflag:s19] =	ssyncadd.s32 $0xFFFFEC00  }
.LBB2_1:
0x17: {  	s29 =	simm.s32 $0x100;
	s28 =	simm.s32 $0x0  }
.LBB2_2:
0x18: {  	p0 =	sne.s32 s29, $0x7F00;
	[tilespmem:s28+$0x6130] =	vst v0;
	s30 =	smov.u32 s29;
	s29 =	sadd.s32 $0x100, s29  }
.Ltmp2:
0x19: {  	[tilespmem:s28+$0x6120] =	vst v0;
	(pc) =	sbr.rel @p0 .LBB2_2-.Ltmp2, $3  }
0x1a: {  	[tilespmem:s28+$0x6100] =	vst v0  }
0x1b: {  	[tilespmem:s28+$0x6110] =	vst v0;
	_ =	sdelay $0x1  }
0x1c: {  	s28 =	sshra.s32 s30, $0x2  }
0x1d: {  	[tilespmem:s28+$0x6130] =	vst v0  }
0x1e: {  	[tilespmem:s28+$0x6120] =	vst v0  }
0x1f: {  	[tilespmem:s28+$0x6100] =	vst v0  }
0x20: {  	[tilespmem:s28+$0x6110] =	vst v0  }
0x21: {  	[spmem:s10] =	stream.linear.scatter [tilespmem:s18], [sflag:$0x3], $0x2000, $0x38;
	[tilespmem:$0x12100] =	vst v63  }
0x22: {  	_ =	swait.ge [sflag:s19], $0x2000  }
0x23: {  	[sflag:s19] =	ssyncset.done $0x0  }
0x24: {  	[sflag:s19] =	ssyncadd.s32 $0xFFFFE000  }
0x25: {  	[spmem:s11] =	stream.linear.scatter [tilespmem:s18], [sflag:$0x3], $0x2000, $0x38;
	[tilespmem:$0x12100] =	vst v63  }
0x26: {  	_ =	swait.ge [sflag:s19], $0x2000  }
0x27: {  	[sflag:s19] =	ssyncset.done $0x0  }
0x28: {  	[sflag:s19] =	ssyncadd.s32 $0xFFFFE000  }
0x29: {  	[spmem:s12] =	stream.linear.scatter [tilespmem:s18], [sflag:$0x3], $0x2000, $0x38;
	[tilespmem:$0x12100] =	vst v63  }
0x2a: {  	_ =	swait.ge [sflag:s19], $0x2000  }
0x2b: {  	[sflag:s19] =	ssyncset.done $0x0  }
0x2c: {  	[sflag:s19] =	ssyncadd.s32 $0xFFFFE000  }
0x2d: {  	[spmem:s13] =	stream.linear.scatter [tilespmem:s18], [sflag:$0x3], $0x2000, $0x38;
	[tilespmem:$0x12100] =	vst v63  }
0x2e: {  	_ =	swait.ge [sflag:s19], $0x2000  }
0x2f: {  	[sflag:s19] =	ssyncset.done $0x0  }
0x30: {  	[sflag:s19] =	ssyncadd.s32 $0xFFFFE000  }
0x31: {  	[spmem:s14] =	stream.linear.scatter [tilespmem:s18], [sflag:$0x3], $0x2000, $0x38;
	[tilespmem:$0x12100] =	vst v63  }
.Ltmp3:
0x32: {  	_ =	swait.ge [sflag:s19], $0x2000;
	(pc) =	sbr.rel .LBB2_4-.Ltmp3, $4  }
0x33: {  	[sflag:s19] =	ssyncset.done $0x0  }
0x34: {  	[sflag:s19] =	ssyncadd.s32 $0xFFFFE000  }
0x35: {  	[bflag:$0x0] =	sbarrier.arrive $0xFFFF  }
0x36: {  	s28 =	simm.s32 $0x0  }
.LBB2_8:
0x37: {  	s28 =	sadd.s32 $0x1, s28  }
0x38: {  	p0 =	sne.s32 s28, $0x4F  }
.Ltmp4:
0x39: {  	_ = 	snop;
	(pc) =	sbr.rel @!p0 .LBB2_9-.Ltmp4, $1  }
0x3a: {  	_ =	sdelay $0x3  }
.LBB2_4:
0x3b: {  	s29 =	sshll.u32 s28, $0x5  }
0x3c: {  	s29 =	sor.u32 s9, s29  }
0x3d: {  	p0 =	sgt.u32 s29, $0x9C3  }
.Ltmp5:
0x3e: {  	_ = 	snop;
	(pc) =	sbr.rel @p0 .LBB2_8-.Ltmp5, $1  }
0x3f: {  	_ =	sdelay $0x3  }
0x40: {  	s29 =	sor.u32 s4, s29  }
0x41: {  	s30 =	sshll.u32 s29, $0x4  }
0x42: {  	s0 =	simm.s32 $0x0;
	s31 =	sadd.s32 s8, s30  }
0x43: {  	[tilespmem:s0], [sflag:$0x4] =	stream.linear.gather [hbm4b:s31+s0], $0x80, $0x38;
	[tilespmem:$0x12100] =	vst v63  }
0x44: {  	_ =	swait.ge [sflag:s20], $0x80  }
0x45: {  	[sflag:s20] =	ssyncset.done $0x0  }
0x46: {  	s30 =	sadd.s32 s30, s15;
	[sflag:s20] =	ssyncadd.s32 $0xFFFFFF80  }
0x47: {  	[tilespmem:s21], [sflag:$0x4] =	stream.linear.gather [hbm4b:s30+s0], $0x80, $0x38;
	[tilespmem:$0x12100] =	vst v63  }
0x48: {  	_ =	swait.ge [sflag:s20], $0x80  }
0x49: {  	[sflag:s20] =	ssyncset.done $0x0  }
0x4a: {  	[sflag:s20] =	ssyncadd.s32 $0xFFFFFF80  }
0x4b: {  	[tilespmem:s22], [sflag:$0x1] =	stream.indirect.gather [hbm4b:s5+s21], $0x40, s0, s21, $0xb8;
	[tilespmem:$0x12100] =	vst v63  }
0x4c: {  	s29 =	sshll.u32 s29, $0xA  }
0x4d: {  	[tilespmem:s23], [sflag:$0x2] =	stream.indirect.gather [hbm4b:s6+s21], $0x40, s21, s21, $0xb8;
	[tilespmem:$0x12100] =	vst v63  }
0x4e: {  	s29 =	sadd.s32 s7, s29  }
0x4f: {  	[tilespmem:s24], [sflag:$0x4] =	stream.linear.gather [hbm4b:s29+s0], $0x2000, $0x38;
	[tilespmem:$0x12100] =	vst v63  }
0x50: {  	_ =	swait.ge [sflag:s20], $0x2000  }
0x51: {  	[sflag:s20] =	ssyncset.done $0x0  }
0x52: {  	[sflag:s20] =	ssyncadd.s32 $0xFFFFE000  }
0x53: {  	_ =	swait.ge [sflag:s25], $0x2000  }
0x54: {  	[sflag:s25] =	ssyncset.done $0x0  }
0x55: {  	[sflag:s25] =	ssyncadd.s32 $0xFFFFE000  }
0x56: {  	_ =	swait.ge [sflag:s26], $0x2000  }
0x57: {  	[sflag:s26] =	ssyncset.done $0x0  }
0x58: {  	s29 =	simm.s32 $0x0;
	[sflag:s26] =	ssyncadd.s32 $0xFFFFE000  }
0x59: {  	v1 =	vld [tilespmem:s29+$0x100]  }
0x5a: {  	v3 =	vld [tilespmem:s29+$0x2100]  }
0x5b: {  	v2 =	vld [tilespmem:s29+$0x110]  }
0x5c: {  	v5 =	vld [tilespmem:s29+$0x2110]  }
0x5d: {  	v4 =	vld [tilespmem:s29+$0x120]  }
0x5e: {  	v7 =	vld [tilespmem:s29+$0x2120]  }
0x5f: {  	v6 =	vld [tilespmem:s29+$0x130]  }
0x60: {  	v8 =	vld [tilespmem:s29+$0x2130]  }
0x61: {  	s30 =	simm.s32 $0x100;
	v9 =	vld [tilespmem:s29+$0x4100]  }
.LBB2_6:
0x62: {  	p0 =	sne.s32 s30, $0x7F00;
	v10 =	vld [tilespmem:s29+$0x4110]  }
0x63: {  	v11 =	vld [tilespmem:s29+$0x4120]  }
0x64: {  	s0 =	sshra.s32 s30, $0x2;
	v12 =	vadd.f32 v3, v1;
	v13 =	vld [tilespmem:s29+$0x4130]  }
0x65: {  	v5 =	vadd.f32 v5, v2;
	v1 =	vld [tilespmem:s0+$0x100]  }
0x66: {  	v4 =	vadd.f32 v7, v4;
	v3 =	vld [tilespmem:s0+$0x2100];
	v9 =	vadd.f32 v9, v12  }
0x67: {  	v6 =	vadd.f32 v8, v6;
	v2 =	vld [tilespmem:s0+$0x110];
	v7 =	vadd.f32 v10, v5  }
0x68: {  	v5 =	vld [tilespmem:s0+$0x2110];
	v8 =	vmax.f32 v9, $0.0e+00;
	v9 =	vadd.f32 v11, v4  }
.Ltmp6:
0x69: {  	v4 =	vld [tilespmem:s0+$0x120];
	[tilespmem:s29+$0x4100] =	vst v8;
	v8 =	vmax.f32 v7, $0.0e+00;
	v10 =	vadd.f32 v13, v6;
	(pc) =	sbr.rel @p0 .LBB2_6-.Ltmp6, $4  }
0x6a: {  	v7 =	vld [tilespmem:s0+$0x2120];
	[tilespmem:s29+$0x4110] =	vst v8;
	v8 =	vmax.f32 v9, $0.0e+00  }
0x6b: {  	v6 =	vld [tilespmem:s0+$0x130];
	[tilespmem:s29+$0x4120] =	vst v8;
	v9 =	vmax.f32 v10, $0.0e+00  }
0x6c: {  	v8 =	vld [tilespmem:s0+$0x2130];
	[tilespmem:s29+$0x4130] =	vst v9;
	s29 =	smov.u32 s0  }
0x6d: {  	s30 =	sadd.s32 $0x100, s30;
	v9 =	vld [tilespmem:s29+$0x4100]  }
0x6e: {  	v10 =	vld [tilespmem:s29+$0x4110]  }
0x6f: {  	v11 =	vld [tilespmem:s29+$0x4120]  }
0x70: {  	v1 =	vadd.f32 v3, v1;
	v3 =	vld [tilespmem:s29+$0x4130]  }
0x71: {  	v2 =	vadd.f32 v5, v2  }
0x72: {  	v4 =	vadd.f32 v7, v4;
	v1 =	vadd.f32 v9, v1  }
0x73: {  	v63 =	vadd.f32 v8, v6;
	v2 =	vadd.f32 v10, v2  }
0x74: {  	v4 =	vadd.f32 v11, v4;
	v1 =	vmax.f32 v1, $0.0e+00  }
0x75: {  	[tilespmem:s29+$0x4100] =	vst v1;
	v1 =	vmax.f32 v2, $0.0e+00;
	v2 =	vadd.f32 v3, v63  }
0x76: {  	[tilespmem:s29+$0x4110] =	vst v1;
	v1 =	vmax.f32 v4, $0.0e+00  }
0x77: {  	[tilespmem:s29+$0x4120] =	vst v1;
	v1 =	vmax.f32 v2, $0.0e+00  }
.Ltmp7:
0x78: {  	[tilespmem:s29+$0x4130] =	vst v1;
	(pc) =	sbr.rel .LBB2_8-.Ltmp7, $4  }
0x79: {  	[spmem:s2] =	stream.indirect.scatter.add.f32 [tilespmem:s24], [sflag:$0x3], $0x40, s21, s21, $0xb8;
	[tilespmem:$0x12100] =	vst v63  }
0x7a: {  	_ =	swait.ge [sflag:s19], $0x2000  }
0x7b: {  	[sflag:s19] =	ssyncset.done $0x0  }
0x7c: {  	[sflag:s19] =	ssyncadd.s32 $0xFFFFE000  }
.LBB2_10:
0x7d: {  	_ =	sfence.sel $0x180000  }
0x7e: {  	[bflag:$0x0] =	sbarrier.arrive $0xFFFF  }
0x7f: {  	_ =	strace $0x90000056  }
0x80: {  	[bflag:$0x2] =	sbarrier.arrive $0xFFFF  }
0x81: {  	p0 =	sne.s32 s1, $0x0;
	s0 =	rddreg [dreg:$0x2]  }
0x82: {  	s0 =	sadd.s32 @!p0 $0x100000, s0  }
0x83: {  	[sflag:s0] =	ssyncadd.tile.s32 @!p0 $0x1;
	_ =	shalt  }
.Lfunc_end2:
_tile_overlayer_lowered:
.L_overlay_start_2:
0x84: {  	(tag) =	ssettag $0x2  }
0x85: {  	s0 =	rddreg [dreg:$0x0];
	s2 =	stileid.u32  }
0x86: {  	s1 =	rddreg [dreg:$0x1];
	p0 =	sne.s32 s2, $0x0  }
0x87: {  	s3 =	rddreg [dreg:$0x2];
	[bflag:$0x3] =	sbarrier.arrive $0xFFFF;
	s2 =	simm.s32 @!p0 $0x1C03  }
0x88: {  	[timem:s3], [sflag:s2] =	dma.local @!p0 [hbm:s0], s1  }
0x89: {  	s0 =	simm.s32 @!p0 $0x3  }
0x8a: {  	_ =	swait.ge @!p0 [sflag:s0], s1  }
0x8b: {  	s1 =	ssub.s32 @!p0 $0x0, s1;
	[sflag:s0] =	ssyncset.done @!p0 $0x0  }
0x8c: {  	[sflag:s0] =	ssyncadd.s32 @!p0 s1  }
0x8d: {  	[bflag:$0x3] =	sbarrier.arrive $0xFFFF  }
0x8e: {  	_ =	shalt  }

</sc_bundles>
